<compile_context>
chip_gen: v7x
topology: tpu7x:2x2x1
jax: 0.10.2.dev20260603
libtpu: 0.0.44.dev20260713+nightly
codegen_flags: <defaults>
</compile_context>

<pallas_src>
import functools

import jax
import jax.numpy as jnp
from jax import lax
from jax.experimental import pallas as pl
from jax.experimental.pallas import tpu as pltpu
from jax.experimental.pallas import tpu_sc as plsc

NC = 2
NS = 16
LANES = 16
CHUNK = 128
DEPTH = 3


def _mm_body(x_ref, w_ref, o_ref):
    o_ref[...] = jnp.dot(x_ref[...], w_ref[...], preferred_element_type=jnp.float32)


def _combine_body(p_ref, b_ref, o_ref):
    o_ref[...] = p_ref[0] + p_ref[1] + b_ref[...]


def _make_sc_agg(n_nodes, n_edges, d):
    nw = NC * NS
    edges_per_tile = n_edges // nw
    full_chunks = edges_per_tile // CHUNK
    rem = edges_per_tile - full_chunks * CHUNK
    rows_per_tile = (n_nodes // NS) & ~7
    rows_tail = n_nodes - NS * rows_per_tile
    mesh = plsc.VectorSubcoreMesh(core_axis_name="c", subcore_axis_name="s")

    @functools.partial(
        pl.kernel,
        out_type=jax.ShapeDtypeStruct((NC, n_nodes, d), jnp.float32),
        mesh=mesh,
        scratch_types=(
            [pltpu.VMEM((CHUNK,), jnp.int32) for _ in range(4 * DEPTH)]
            + [pltpu.VMEM((CHUNK, d), jnp.float32) for _ in range(DEPTH)]
            + [pltpu.VMEM((rem,), jnp.int32), pltpu.VMEM((rem,), jnp.int32)]
            + [pltpu.VMEM_SHARED((n_nodes, d), jnp.float32)]
            + [pltpu.SemaphoreType.DMA for _ in range(6 * DEPTH)]
        ),
    )
    def sc_agg(y_hbm, src_hbm, dst_hbm, out_hbm, *scr):
        srcs = scr[0:4 * DEPTH:2]
        dsts = scr[1:4 * DEPTH:2]
        bufs = scr[4 * DEPTH:5 * DEPTH]
        src_r, dst_r = scr[5 * DEPTH:5 * DEPTH + 2]
        acc_sh = scr[5 * DEPTH + 2]
        sems = scr[5 * DEPTH + 3:]
        sem_is = sems[0:2 * DEPTH]
        sem_id = sems[2 * DEPTH:4 * DEPTH]
        sem_g = sems[4 * DEPTH:5 * DEPTH]
        sem_s = sems[5 * DEPTH:6 * DEPTH]
        c = lax.axis_index("c")
        s = lax.axis_index("s")

        buf_z = bufs[0]

        def zero_row(i, carry):
            for j in range(d // LANES):
                buf_z[i, pl.ds(j * LANES, LANES)] = jnp.zeros((LANES,), jnp.float32)
            return carry
        lax.fori_loop(0, CHUNK, zero_row, 0)

        row_base = s * rows_per_tile
        n_full = rows_per_tile // CHUNK
        for k in range(n_full):
            pltpu.sync_copy(buf_z, acc_sh.at[pl.ds(row_base + k * CHUNK, CHUNK)])
        tail = rows_per_tile - n_full * CHUNK
        if tail:
            pltpu.sync_copy(buf_z.at[pl.ds(0, tail)],
                            acc_sh.at[pl.ds(row_base + n_full * CHUNK, tail)])
        if rows_tail:
            @pl.when(s == NS - 1)
            def _zero_last_rows():
                pltpu.sync_copy(buf_z.at[pl.ds(0, rows_tail)],
                                acc_sh.at[pl.ds(NS * rows_per_tile, rows_tail)])
        plsc.subcore_barrier()

        base0 = (c * NS + s) * edges_per_tile
        nslots = 2 * DEPTH

        ih_s = [None] * nslots
        ih_d = [None] * nslots
        gh = [None] * DEPTH
        sh = [None] * DEPTH

        def load_idx(j):
            m = j % nslots
            eb = base0 + j * CHUNK
            ih_s[m] = pltpu.async_copy(
                src_hbm.at[pl.ds(eb, CHUNK)], srcs[m], sem_is[m])
            ih_d[m] = pltpu.async_copy(
                dst_hbm.at[pl.ds(eb, CHUNK)], dsts[m], sem_id[m])

        def start_gather(j):
            k, m = j % DEPTH, j % nslots
            if j >= DEPTH:
                sh[k].wait()
                if j + DEPTH < full_chunks:
                    load_idx(j + DEPTH)
            ih_s[m].wait()
            gh[k] = pltpu.async_copy(y_hbm.at[srcs[m]], bufs[k], sem_g[k])

        def start_scatter(j):
            k, m = j % DEPTH, j % nslots
            gh[k].wait()
            ih_d[m].wait()
            sh[k] = pltpu.async_copy(
                bufs[k], acc_sh.at[dsts[m]], sem_s[k], add=True)

        for j in range(min(nslots, full_chunks)):
            load_idx(j)
        for j in range(min(DEPTH, full_chunks)):
            start_gather(j)
        for j in range(full_chunks):
            start_scatter(j)
            if j + DEPTH < full_chunks:
                start_gather(j + DEPTH)
        for j in range(max(0, full_chunks - DEPTH), full_chunks):
            sh[j % DEPTH].wait()

        if rem:
            eb = base0 + full_chunks * CHUNK
            pltpu.sync_copy(src_hbm.at[pl.ds(eb, rem)], src_r)
            pltpu.sync_copy(dst_hbm.at[pl.ds(eb, rem)], dst_r)
            pltpu.async_copy(y_hbm.at[src_r], bufs[0].at[pl.ds(0, rem)],
                             sem_g[0]).wait()
            pltpu.sync_copy(bufs[0].at[pl.ds(0, rem)], acc_sh.at[dst_r], add=True)

        plsc.subcore_barrier()
        pltpu.sync_copy(acc_sh.at[pl.ds(row_base, rows_per_tile)],
                        out_hbm.at[c, pl.ds(row_base, rows_per_tile)])
        if rows_tail:
            @pl.when(s == NS - 1)
            def _copy_last_rows():
                pltpu.sync_copy(acc_sh.at[pl.ds(NS * rows_per_tile, rows_tail)],
                                out_hbm.at[c, pl.ds(NS * rows_per_tile, rows_tail)])

    return sc_agg


def kernel(x, edge_index, W, b):
    n_nodes, d_in = x.shape
    d_out = W.shape[1]
    n_edges = edge_index.shape[1]

    src = edge_index[1].astype(jnp.int32)
    dst = edge_index[0].astype(jnp.int32)

    row_blk = 1000
    y = pl.pallas_call(
        _mm_body,
        grid=(n_nodes // row_blk,),
        in_specs=[pl.BlockSpec((row_blk, d_in), lambda i: (i, 0)),
                  pl.BlockSpec((d_in, d_out), lambda i: (0, 0))],
        out_specs=pl.BlockSpec((row_blk, d_out), lambda i: (i, 0)),
        out_shape=jax.ShapeDtypeStruct((n_nodes, d_out), jnp.float32),
    )(x, W)

    partials = _make_sc_agg(n_nodes, n_edges, d_out)(y, src, dst)

    out = pl.pallas_call(
        _combine_body,
        grid=(n_nodes // row_blk,),
        in_specs=[pl.BlockSpec((NC, row_blk, d_out), lambda i: (0, i, 0)),
                  pl.BlockSpec((1, d_out), lambda i: (0, 0))],
        out_specs=pl.BlockSpec((row_blk, d_out), lambda i: (i, 0)),
        out_shape=jax.ShapeDtypeStruct((n_nodes, d_out), jnp.float32),
    )(partials, b.reshape(1, d_out))
    return out

# --- scband reference (transcript-rebuilt; emitter-appended) ---
"""Pipeline reference for scband-gcnlayer-v3-14448269984569 (READ-ONLY COPY).

The authoritative reference and input builder live on the scoring server;
editing this copy changes nothing except your own understanding.
"""

import jax, jax.numpy as jnp
import numpy as np

N_NODES = 10000
N_EDGES = 320000
IN_DIM = 128
OUT_DIM = 128


def setup_inputs(seed: int = 0) -> dict:
    key = jax.random.key(seed)
    k_x, k_ei, k_w = jax.random.split(key, 3)
    x = jax.random.normal(k_x, (N_NODES, IN_DIM), dtype=jnp.float32)
    edge_index = jax.random.randint(k_ei, (2, N_EDGES), 0, N_NODES, dtype=jnp.int64)
    # Xavier uniform init for weights, zeros for bias (matches nn.init)
    limit = float(np.sqrt(6.0 / (IN_DIM + OUT_DIM)))
    W = jax.random.uniform(k_w, (IN_DIM, OUT_DIM), dtype=jnp.float32, minval=-limit, maxval=limit)
    b = jnp.zeros((OUT_DIM,), dtype=jnp.float32)
    return {"x": x, "edge_index": edge_index, "W": W, "b": b}


def reference(x, edge_index, W, b):
    # y = x @ weights
    y = jnp.matmul(x, W)
    # sparse adjacency matmul: adj @ y where adj is given as edge_index (row=dst, col=src)
    # torch_sparse.matmul with unweighted SparseTensor -> sum aggregation over neighbors
    src = edge_index[1]
    dst = edge_index[0]
    gathered = jnp.take(y, src, axis=0)
    out = jax.ops.segment_sum(gathered, dst, num_segments=x.shape[0])
    out = out + b
    return out

if __name__ == "__main__":
    import jax
    _d = setup_inputs()
    print(jax.jit(kernel)(*tuple(_d.values())))

</pallas_src>

<mosaic_0001>
#map = affine_map<(d0, d1) -> (0, 0)>
#map1 = affine_map<(d0, d1) -> (0)>
#map2 = affine_map<(d0, d1) -> (0, 0, 0)>
module attributes {stable_mosaic.version = 14 : i64} {
  func.func @sc_agg(%arg0: i32, %arg1: i32, %arg2: memref<10000x128xf32, #tpu.memory_space<hbm>>, %arg3: memref<320000xi32, #tpu.memory_space<hbm>>, %arg4: memref<320000xi32, #tpu.memory_space<hbm>>, %arg5: memref<2x10000x128xf32, #tpu.memory_space<hbm>>, %arg6: memref<128xi32, #tpu.memory_space<vmem>>, %arg7: memref<128xi32, #tpu.memory_space<vmem>>, %arg8: memref<128xi32, #tpu.memory_space<vmem>>, %arg9: memref<128xi32, #tpu.memory_space<vmem>>, %arg10: memref<128xi32, #tpu.memory_space<vmem>>, %arg11: memref<128xi32, #tpu.memory_space<vmem>>, %arg12: memref<128xi32, #tpu.memory_space<vmem>>, %arg13: memref<128xi32, #tpu.memory_space<vmem>>, %arg14: memref<128xi32, #tpu.memory_space<vmem>>, %arg15: memref<128xi32, #tpu.memory_space<vmem>>, %arg16: memref<128xi32, #tpu.memory_space<vmem>>, %arg17: memref<128xi32, #tpu.memory_space<vmem>>, %arg18: memref<128x128xf32, #tpu.memory_space<vmem>>, %arg19: memref<128x128xf32, #tpu.memory_space<vmem>>, %arg20: memref<128x128xf32, #tpu.memory_space<vmem>>, %arg21: memref<16xi32, #tpu.memory_space<vmem>>, %arg22: memref<16xi32, #tpu.memory_space<vmem>>, %arg23: memref<10000x128xf32, #tpu.memory_space<vmem_shared>>, %arg24: memref<!tpu.dma_semaphore, #tpu.memory_space<semaphore_mem>>, %arg25: memref<!tpu.dma_semaphore, #tpu.memory_space<semaphore_mem>>, %arg26: memref<!tpu.dma_semaphore, #tpu.memory_space<semaphore_mem>>, %arg27: memref<!tpu.dma_semaphore, #tpu.memory_space<semaphore_mem>>, %arg28: memref<!tpu.dma_semaphore, #tpu.memory_space<semaphore_mem>>, %arg29: memref<!tpu.dma_semaphore, #tpu.memory_space<semaphore_mem>>, %arg30: memref<!tpu.dma_semaphore, #tpu.memory_space<semaphore_mem>>, %arg31: memref<!tpu.dma_semaphore, #tpu.memory_space<semaphore_mem>>, %arg32: memref<!tpu.dma_semaphore, #tpu.memory_space<semaphore_mem>>, %arg33: memref<!tpu.dma_semaphore, #tpu.memory_space<semaphore_mem>>, %arg34: memref<!tpu.dma_semaphore, #tpu.memory_space<semaphore_mem>>, %arg35: memref<!tpu.dma_semaphore, #tpu.memory_space<semaphore_mem>>, %arg36: memref<!tpu.dma_semaphore, #tpu.memory_space<semaphore_mem>>, %arg37: memref<!tpu.dma_semaphore, #tpu.memory_space<semaphore_mem>>, %arg38: memref<!tpu.dma_semaphore, #tpu.memory_space<semaphore_mem>>, %arg39: memref<!tpu.dma_semaphore, #tpu.memory_space<semaphore_mem>>, %arg40: memref<!tpu.dma_semaphore, #tpu.memory_space<semaphore_mem>>, %arg41: memref<!tpu.dma_semaphore, #tpu.memory_space<semaphore_mem>>) attributes {dimension_semantics = [#tpu.dimension_semantics<core_parallel>, #tpu.dimension_semantics<subcore_parallel>], iteration_bounds = array<i64: 2, 16>, scalar_prefetch = 0 : i64, scratch_operands = 36 : i64, tpu.core_type = #tpu.core_type<sc_vector_subcore>, window_params = [{transform_indices = #map}, {transform_indices = #map1}, {transform_indices = #map1}, {transform_indices = #map2}]} {
    %scan3A = arith.constant 0 : i32
    %scan3A_0 = arith.constant 0 : i32
    %scan3A_1 = arith.constant 128 : i32
    %scan3A_2 = arith.addi %scan3A_0, %scan3A_1 : i32
    %scan3A_3 = arith.constant 1 : i32
    scf.for %scan3A_1756 = %scan3A_0 to %scan3A_2 step %scan3A_3  : i32 {
      %broadcast_in_dim3A = arith.constant 0.000000e+00 : f32
      %broadcast_in_dim3A_1757 = vector.broadcast %broadcast_in_dim3A : f32 to vector<16xf32>
      %swap3A = arith.index_cast %scan3A_1756 : i32 to index
      %swap3A_1758 = arith.constant 0 : index
      %swap3A_1759 = tpu.vector_load %arg18[%swap3A, %swap3A_1758] {strides = array<i32>} : memref<128x128xf32, #tpu.memory_space<vmem>>, vector<1x16xf32>,
      %swap3A_1760 = vector.shape_cast %swap3A_1759 : vector<1x16xf32> to vector<16xf32>
      %swap3A_1761 = vector.shape_cast %broadcast_in_dim3A_1757 : vector<16xf32> to vector<1x16xf32>
      tpu.vector_store %arg18[%swap3A, %swap3A_1758], %swap3A_1761 {strides = array<i32>} : memref<128x128xf32, #tpu.memory_space<vmem>>, vector<1x16xf32>,
      %broadcast_in_dim3A_1762 = arith.constant 0.000000e+00 : f32
      %broadcast_in_dim3A_1763 = vector.broadcast %broadcast_in_dim3A_1762 : f32 to vector<16xf32>
      %swap3A_1764 = arith.index_cast %scan3A_1756 : i32 to index
      %swap3A_1765 = arith.constant 16 : index
      %swap3A_1766 = tpu.vector_load %arg18[%swap3A_1764, %swap3A_1765] {strides = array<i32>} : memref<128x128xf32, #tpu.memory_space<vmem>>, vector<1x16xf32>,
      %swap3A_1767 = vector.shape_cast %swap3A_1766 : vector<1x16xf32> to vector<16xf32>
      %swap3A_1768 = vector.shape_cast %broadcast_in_dim3A_1763 : vector<16xf32> to vector<1x16xf32>
      tpu.vector_store %arg18[%swap3A_1764, %swap3A_1765], %swap3A_1768 {strides = array<i32>} : memref<128x128xf32, #tpu.memory_space<vmem>>, vector<1x16xf32>,
      %broadcast_in_dim3A_1769 = arith.constant 0.000000e+00 : f32
      %broadcast_in_dim3A_1770 = vector.broadcast %broadcast_in_dim3A_1769 : f32 to vector<16xf32>
      %swap3A_1771 = arith.index_cast %scan3A_1756 : i32 to index
      %swap3A_1772 = arith.constant 32 : index
      %swap3A_1773 = tpu.vector_load %arg18[%swap3A_1771, %swap3A_1772] {strides = array<i32>} : memref<128x128xf32, #tpu.memory_space<vmem>>, vector<1x16xf32>,
      %swap3A_1774 = vector.shape_cast %swap3A_1773 : vector<1x16xf32> to vector<16xf32>
      %swap3A_1775 = vector.shape_cast %broadcast_in_dim3A_1770 : vector<16xf32> to vector<1x16xf32>
      tpu.vector_store %arg18[%swap3A_1771, %swap3A_1772], %swap3A_1775 {strides = array<i32>} : memref<128x128xf32, #tpu.memory_space<vmem>>, vector<1x16xf32>,
      %broadcast_in_dim3A_1776 = arith.constant 0.000000e+00 : f32
      %broadcast_in_dim3A_1777 = vector.broadcast %broadcast_in_dim3A_1776 : f32 to vector<16xf32>
      %swap3A_1778 = arith.index_cast %scan3A_1756 : i32 to index
      %swap3A_1779 = arith.constant 48 : index
      %swap3A_1780 = tpu.vector_load %arg18[%swap3A_1778, %swap3A_1779] {strides = array<i32>} : memref<128x128xf32, #tpu.memory_space<vmem>>, vector<1x16xf32>,
      %swap3A_1781 = vector.shape_cast %swap3A_1780 : vector<1x16xf32> to vector<16xf32>
      %swap3A_1782 = vector.shape_cast %broadcast_in_dim3A_1777 : vector<16xf32> to vector<1x16xf32>
      tpu.vector_store %arg18[%swap3A_1778, %swap3A_1779], %swap3A_1782 {strides = array<i32>} : memref<128x128xf32, #tpu.memory_space<vmem>>, vector<1x16xf32>,
      %broadcast_in_dim3A_1783 = arith.constant 0.000000e+00 : f32
      %broadcast_in_dim3A_1784 = vector.broadcast %broadcast_in_dim3A_1783 : f32 to vector<16xf32>
      %swap3A_1785 = arith.index_cast %scan3A_1756 : i32 to index
      %swap3A_1786 = arith.constant 64 : index
      %swap3A_1787 = tpu.vector_load %arg18[%swap3A_1785, %swap3A_1786] {strides = array<i32>} : memref<128x128xf32, #tpu.memory_space<vmem>>, vector<1x16xf32>,
      %swap3A_1788 = vector.shape_cast %swap3A_1787 : vector<1x16xf32> to vector<16xf32>
      %swap3A_1789 = vector.shape_cast %broadcast_in_dim3A_1784 : vector<16xf32> to vector<1x16xf32>
      tpu.vector_store %arg18[%swap3A_1785, %swap3A_1786], %swap3A_1789 {strides = array<i32>} : memref<128x128xf32, #tpu.memory_space<vmem>>, vector<1x16xf32>,
      %broadcast_in_dim3A_1790 = arith.constant 0.000000e+00 : f32
      %broadcast_in_dim3A_1791 = vector.broadcast %broadcast_in_dim3A_1790 : f32 to vector<16xf32>
      %swap3A_1792 = arith.index_cast %scan3A_1756 : i32 to index
      %swap3A_1793 = arith.constant 80 : index
      %swap3A_1794 = tpu.vector_load %arg18[%swap3A_1792, %swap3A_1793] {strides = array<i32>} : memref<128x128xf32, #tpu.memory_space<vmem>>, vector<1x16xf32>,
      %swap3A_1795 = vector.shape_cast %swap3A_1794 : vector<1x16xf32> to vector<16xf32>
      %swap3A_1796 = vector.shape_cast %broadcast_in_dim3A_1791 : vector<16xf32> to vector<1x16xf32>
      tpu.vector_store %arg18[%swap3A_1792, %swap3A_1793], %swap3A_1796 {strides = array<i32>} : memref<128x128xf32, #tpu.memory_space<vmem>>, vector<1x16xf32>,
      %broadcast_in_dim3A_1797 = arith.constant 0.000000e+00 : f32
      %broadcast_in_dim3A_1798 = vector.broadcast %broadcast_in_dim3A_1797 : f32 to vector<16xf32>
      %swap3A_1799 = arith.index_cast %scan3A_1756 : i32 to index
      %swap3A_1800 = arith.constant 96 : index
      %swap3A_1801 = tpu.vector_load %arg18[%swap3A_1799, %swap3A_1800] {strides = array<i32>} : memref<128x128xf32, #tpu.memory_space<vmem>>, vector<1x16xf32>,
      %swap3A_1802 = vector.shape_cast %swap3A_1801 : vector<1x16xf32> to vector<16xf32>
      %swap3A_1803 = vector.shape_cast %broadcast_in_dim3A_1798 : vector<16xf32> to vector<1x16xf32>
      tpu.vector_store %arg18[%swap3A_1799, %swap3A_1800], %swap3A_1803 {strides = array<i32>} : memref<128x128xf32, #tpu.memory_space<vmem>>, vector<1x16xf32>,
      %broadcast_in_dim3A_1804 = arith.constant 0.000000e+00 : f32
      %broadcast_in_dim3A_1805 = vector.broadcast %broadcast_in_dim3A_1804 : f32 to vector<16xf32>
      %swap3A_1806 = arith.index_cast %scan3A_1756 : i32 to index
      %swap3A_1807 = arith.constant 112 : index
      %swap3A_1808 = tpu.vector_load %arg18[%swap3A_1806, %swap3A_1807] {strides = array<i32>} : memref<128x128xf32, #tpu.memory_space<vmem>>, vector<1x16xf32>,
      %swap3A_1809 = vector.shape_cast %swap3A_1808 : vector<1x16xf32> to vector<16xf32>
      %swap3A_1810 = vector.shape_cast %broadcast_in_dim3A_1805 : vector<16xf32> to vector<1x16xf32>
      tpu.vector_store %arg18[%swap3A_1806, %swap3A_1807], %swap3A_1810 {strides = array<i32>} : memref<128x128xf32, #tpu.memory_space<vmem>>, vector<1x16xf32>,
    }
    %scan3A_4 = arith.constant 128 : i32
    %mul3A = arith.constant 624 : i32
    %mul3A_5 = arith.muli %arg1, %mul3A : i32
    %add3A = arith.constant 0 : i32
    %add3A_6 = arith.addi %mul3A_5, %add3A : i32
    "tpu.region"() ({
      %run_scoped3A = tpu.sem_alloc : memref<!tpu.dma_semaphore, #tpu.memory_space<semaphore_mem>>
      %dma_start3A_1756 = arith.constant 0 : i32
      %dma_start3A_1757 = tpu.memref_slice %arg23[%add3A_6, %dma_start3A_1756] : memref<10000x128xf32, #tpu.memory_space<vmem_shared>> -> memref<128x128xf32, #tpu.memory_space<vmem_shared>>
      %dma_start3A_1758 = arith.constant 0 : i32
      %dma_start3A_1759 = tpu.memref_slice %arg23[%add3A_6, %dma_start3A_1758] : memref<10000x128xf32, #tpu.memory_space<vmem_shared>> -> memref<128x128xf32, #tpu.memory_space<vmem_shared>>
      tpu.enqueue_dma source(%arg18 : memref<128x128xf32, #tpu.memory_space<vmem>>) target(%dma_start3A_1759 : memref<128x128xf32, #tpu.memory_space<vmem_shared>>) target_semaphore(%run_scoped3A : memref<!tpu.dma_semaphore, #tpu.memory_space<semaphore_mem>>)
      %dma_wait3A_1760 = arith.constant 0 : i32
      %dma_wait3A_1761 = tpu.memref_slice %arg23[%add3A_6, %dma_wait3A_1760] : memref<10000x128xf32, #tpu.memory_space<vmem_shared>> -> memref<128x128xf32, #tpu.memory_space<vmem_shared>>
      %dma_wait3A_1762 = arith.constant 0 : i32
      %dma_wait3A_1763 = tpu.memref_slice %arg23[%add3A_6, %dma_wait3A_1762] : memref<10000x128xf32, #tpu.memory_space<vmem_shared>> -> memref<128x128xf32, #tpu.memory_space<vmem_shared>>
      tpu.wait_dma2 semaphore(%run_scoped3A : memref<!tpu.dma_semaphore, #tpu.memory_space<semaphore_mem>>) src(%arg18 : memref<128x128xf32, #tpu.memory_space<vmem>>) dst(%dma_wait3A_1763 : memref<128x128xf32, #tpu.memory_space<vmem_shared>>)
      tpu.yield
    }) : () -> ()
    %add3A_7 = arith.constant 128 : i32
    %add3A_8 = arith.addi %mul3A_5, %add3A_7 : i32
    "tpu.region"() ({
      %run_scoped3A = tpu.sem_alloc : memref<!tpu.dma_semaphore, #tpu.memory_space<semaphore_mem>>
      %dma_start3A_1756 = arith.constant 0 : i32
      %dma_start3A_1757 = tpu.memref_slice %arg23[%add3A_8, %dma_start3A_1756] : memref<10000x128xf32, #tpu.memory_space<vmem_shared>> -> memref<128x128xf32, #tpu.memory_space<vmem_shared>>
      %dma_start3A_1758 = arith.constant 0 : i32
      %dma_start3A_1759 = tpu.memref_slice %arg23[%add3A_8, %dma_start3A_1758] : memref<10000x128xf32, #tpu.memory_space<vmem_shared>> -> memref<128x128xf32, #tpu.memory_space<vmem_shared>>
      tpu.enqueue_dma source(%arg18 : memref<128x128xf32, #tpu.memory_space<vmem>>) target(%dma_start3A_1759 : memref<128x128xf32, #tpu.memory_space<vmem_shared>>) target_semaphore(%run_scoped3A : memref<!tpu.dma_semaphore, #tpu.memory_space<semaphore_mem>>)
      %dma_wait3A_1760 = arith.constant 0 : i32
      %dma_wait3A_1761 = tpu.memref_slice %arg23[%add3A_8, %dma_wait3A_1760] : memref<10000x128xf32, #tpu.memory_space<vmem_shared>> -> memref<128x128xf32, #tpu.memory_space<vmem_shared>>
      %dma_wait3A_1762 = arith.constant 0 : i32
      %dma_wait3A_1763 = tpu.memref_slice %arg23[%add3A_8, %dma_wait3A_1762] : memref<10000x128xf32, #tpu.memory_space<vmem_shared>> -> memref<128x128xf32, #tpu.memory_space<vmem_shared>>
      tpu.wait_dma2 semaphore(%run_scoped3A : memref<!tpu.dma_semaphore, #tpu.memory_space<semaphore_mem>>) src(%arg18 : memref<128x128xf32, #tpu.memory_space<vmem>>) dst(%dma_wait3A_1763 : memref<128x128xf32, #tpu.memory_space<vmem_shared>>)
      tpu.yield
    }) : () -> ()
    %add3A_9 = arith.constant 256 : i32
    %add3A_10 = arith.addi %mul3A_5, %add3A_9 : i32
    "tpu.region"() ({
      %run_scoped3A = tpu.sem_alloc : memref<!tpu.dma_semaphore, #tpu.memory_space<semaphore_mem>>
      %dma_start3A_1756 = arith.constant 0 : i32
      %dma_start3A_1757 = tpu.memref_slice %arg23[%add3A_10, %dma_start3A_1756] : memref<10000x128xf32, #tpu.memory_space<vmem_shared>> -> memref<128x128xf32, #tpu.memory_space<vmem_shared>>
      %dma_start3A_1758 = arith.constant 0 : i32
      %dma_start3A_1759 = tpu.memref_slice %arg23[%add3A_10, %dma_start3A_1758] : memref<10000x128xf32, #tpu.memory_space<vmem_shared>> -> memref<128x128xf32, #tpu.memory_space<vmem_shared>>
      tpu.enqueue_dma source(%arg18 : memref<128x128xf32, #tpu.memory_space<vmem>>) target(%dma_start3A_1759 : memref<128x128xf32, #tpu.memory_space<vmem_shared>>) target_semaphore(%run_scoped3A : memref<!tpu.dma_semaphore, #tpu.memory_space<semaphore_mem>>)
      %dma_wait3A_1760 = arith.constant 0 : i32
      %dma_wait3A_1761 = tpu.memref_slice %arg23[%add3A_10, %dma_wait3A_1760] : memref<10000x128xf32, #tpu.memory_space<vmem_shared>> -> memref<128x128xf32, #tpu.memory_space<vmem_shared>>
      %dma_wait3A_1762 = arith.constant 0 : i32
      %dma_wait3A_1763 = tpu.memref_slice %arg23[%add3A_10, %dma_wait3A_1762] : memref<10000x128xf32, #tpu.memory_space<vmem_shared>> -> memref<128x128xf32, #tpu.memory_space<vmem_shared>>
      tpu.wait_dma2 semaphore(%run_scoped3A : memref<!tpu.dma_semaphore, #tpu.memory_space<semaphore_mem>>) src(%arg18 : memref<128x128xf32, #tpu.memory_space<vmem>>) dst(%dma_wait3A_1763 : memref<128x128xf32, #tpu.memory_space<vmem_shared>>)
      tpu.yield
    }) : () -> ()
    %add3A_11 = arith.constant 384 : i32
    %add3A_12 = arith.addi %mul3A_5, %add3A_11 : i32
    "tpu.region"() ({
      %run_scoped3A = tpu.sem_alloc : memref<!tpu.dma_semaphore, #tpu.memory_space<semaphore_mem>>
      %dma_start3A_1756 = arith.constant 0 : i32
      %dma_start3A_1757 = tpu.memref_slice %arg23[%add3A_12, %dma_start3A_1756] : memref<10000x128xf32, #tpu.memory_space<vmem_shared>> -> memref<128x128xf32, #tpu.memory_space<vmem_shared>>
      %dma_start3A_1758 = arith.constant 0 : i32
      %dma_start3A_1759 = tpu.memref_slice %arg23[%add3A_12, %dma_start3A_1758] : memref<10000x128xf32, #tpu.memory_space<vmem_shared>> -> memref<128x128xf32, #tpu.memory_space<vmem_shared>>
      tpu.enqueue_dma source(%arg18 : memref<128x128xf32, #tpu.memory_space<vmem>>) target(%dma_start3A_1759 : memref<128x128xf32, #tpu.memory_space<vmem_shared>>) target_semaphore(%run_scoped3A : memref<!tpu.dma_semaphore, #tpu.memory_space<semaphore_mem>>)
      %dma_wait3A_1760 = arith.constant 0 : i32
      %dma_wait3A_1761 = tpu.memref_slice %arg23[%add3A_12, %dma_wait3A_1760] : memref<10000x128xf32, #tpu.memory_space<vmem_shared>> -> memref<128x128xf32, #tpu.memory_space<vmem_shared>>
      %dma_wait3A_1762 = arith.constant 0 : i32
      %dma_wait3A_1763 = tpu.memref_slice %arg23[%add3A_12, %dma_wait3A_1762] : memref<10000x128xf32, #tpu.memory_space<vmem_shared>> -> memref<128x128xf32, #tpu.memory_space<vmem_shared>>
      tpu.wait_dma2 semaphore(%run_scoped3A : memref<!tpu.dma_semaphore, #tpu.memory_space<semaphore_mem>>) src(%arg18 : memref<128x128xf32, #tpu.memory_space<vmem>>) dst(%dma_wait3A_1763 : memref<128x128xf32, #tpu.memory_space<vmem_shared>>)
      tpu.yield
    }) : () -> ()
    %add3A_13 = arith.constant 512 : i32
    %add3A_14 = arith.addi %mul3A_5, %add3A_13 : i32
    "tpu.region"() ({
      %run_scoped3A = tpu.sem_alloc : memref<!tpu.dma_semaphore, #tpu.memory_space<semaphore_mem>>
      %dma_start3A_1756 = arith.constant 0 : i32
      %dma_start3A_1757 = arith.constant 0 : i32
      %dma_start3A_1758 = tpu.memref_slice %arg18[%dma_start3A_1756, %dma_start3A_1757] : memref<128x128xf32, #tpu.memory_space<vmem>> -> memref<112x128xf32, #tpu.memory_space<vmem>>
      %dma_start3A_1759 = arith.constant 0 : i32
      %dma_start3A_1760 = tpu.memref_slice %arg23[%add3A_14, %dma_start3A_1759] : memref<10000x128xf32, #tpu.memory_space<vmem_shared>> -> memref<112x128xf32, #tpu.memory_space<vmem_shared>>
      %dma_start3A_1761 = arith.constant 0 : i32
      %dma_start3A_1762 = tpu.memref_slice %arg23[%add3A_14, %dma_start3A_1761] : memref<10000x128xf32, #tpu.memory_space<vmem_shared>> -> memref<112x128xf32, #tpu.memory_space<vmem_shared>>
      %dma_start3A_1763 = arith.constant 0 : i32
      %dma_start3A_1764 = arith.constant 0 : i32
      %dma_start3A_1765 = tpu.memref_slice %arg18[%dma_start3A_1763, %dma_start3A_1764] : memref<128x128xf32, #tpu.memory_space<vmem>> -> memref<112x128xf32, #tpu.memory_space<vmem>>
      tpu.enqueue_dma source(%dma_start3A_1765 : memref<112x128xf32, #tpu.memory_space<vmem>>) target(%dma_start3A_1762 : memref<112x128xf32, #tpu.memory_space<vmem_shared>>) target_semaphore(%run_scoped3A : memref<!tpu.dma_semaphore, #tpu.memory_space<semaphore_mem>>)
      %dma_wait3A_1766 = arith.constant 0 : i32
      %dma_wait3A_1767 = arith.constant 0 : i32
      %dma_wait3A_1768 = tpu.memref_slice %arg18[%dma_wait3A_1766, %dma_wait3A_1767] : memref<128x128xf32, #tpu.memory_space<vmem>> -> memref<112x128xf32, #tpu.memory_space<vmem>>
      %dma_wait3A_1769 = arith.constant 0 : i32
      %dma_wait3A_1770 = tpu.memref_slice %arg23[%add3A_14, %dma_wait3A_1769] : memref<10000x128xf32, #tpu.memory_space<vmem_shared>> -> memref<112x128xf32, #tpu.memory_space<vmem_shared>>
      %dma_wait3A_1771 = arith.constant 0 : i32
      %dma_wait3A_1772 = tpu.memref_slice %arg23[%add3A_14, %dma_wait3A_1771] : memref<10000x128xf32, #tpu.memory_space<vmem_shared>> -> memref<112x128xf32, #tpu.memory_space<vmem_shared>>
      %dma_wait3A_1773 = arith.constant 0 : i32
      %dma_wait3A_1774 = arith.constant 0 : i32
      %dma_wait3A_1775 = tpu.memref_slice %arg18[%dma_wait3A_1773, %dma_wait3A_1774] : memref<128x128xf32, #tpu.memory_space<vmem>> -> memref<112x128xf32, #tpu.memory_space<vmem>>
      tpu.wait_dma2 semaphore(%run_scoped3A : memref<!tpu.dma_semaphore, #tpu.memory_space<semaphore_mem>>) src(%dma_wait3A_1775 : memref<112x128xf32, #tpu.memory_space<vmem>>) dst(%dma_wait3A_1772 : memref<112x128xf32, #tpu.memory_space<vmem_shared>>)
      tpu.yield
    }) : () -> ()
    %eq3A = arith.constant 15 : i32
    %eq3A_15 = arith.cmpi eq, %arg1, %eq3A : i32
    %convert_element_type3A = arith.extui %eq3A_15 : i1 to i32
    %cond3A = arith.constant 0 : i32
    %cond3A_16 = arith.cmpi ne, %convert_element_type3A, %cond3A : i32
    scf.if %cond3A_16 {
      "tpu.region"() ({
        %run_scoped3A = tpu.sem_alloc : memref<!tpu.dma_semaphore, #tpu.memory_space<semaphore_mem>>
        %dma_start3A_1756 = arith.constant 0 : i32
        %dma_start3A_1757 = arith.constant 0 : i32
        %dma_start3A_1758 = tpu.memref_slice %arg18[%dma_start3A_1756, %dma_start3A_1757] : memref<128x128xf32, #tpu.memory_space<vmem>> -> memref<16x128xf32, #tpu.memory_space<vmem>>
        %dma_start3A_1759 = arith.constant 9984 : i32
        %dma_start3A_1760 = arith.constant 0 : i32
        %dma_start3A_1761 = tpu.memref_slice %arg23[%dma_start3A_1759, %dma_start3A_1760] : memref<10000x128xf32, #tpu.memory_space<vmem_shared>> -> memref<16x128xf32, #tpu.memory_space<vmem_shared>>
        %dma_start3A_1762 = arith.constant 9984 : i32
        %dma_start3A_1763 = arith.constant 0 : i32
        %dma_start3A_1764 = tpu.memref_slice %arg23[%dma_start3A_1762, %dma_start3A_1763] : memref<10000x128xf32, #tpu.memory_space<vmem_shared>> -> memref<16x128xf32, #tpu.memory_space<vmem_shared>>
        %dma_start3A_1765 = arith.constant 0 : i32
        %dma_start3A_1766 = arith.constant 0 : i32
        %dma_start3A_1767 = tpu.memref_slice %arg18[%dma_start3A_1765, %dma_start3A_1766] : memref<128x128xf32, #tpu.memory_space<vmem>> -> memref<16x128xf32, #tpu.memory_space<vmem>>
        tpu.enqueue_dma source(%dma_start3A_1767 : memref<16x128xf32, #tpu.memory_space<vmem>>) target(%dma_start3A_1764 : memref<16x128xf32, #tpu.memory_space<vmem_shared>>) target_semaphore(%run_scoped3A : memref<!tpu.dma_semaphore, #tpu.memory_space<semaphore_mem>>)
        %dma_wait3A_1768 = arith.constant 0 : i32
        %dma_wait3A_1769 = arith.constant 0 : i32
        %dma_wait3A_1770 = tpu.memref_slice %arg18[%dma_wait3A_1768, %dma_wait3A_1769] : memref<128x128xf32, #tpu.memory_space<vmem>> -> memref<16x128xf32, #tpu.memory_space<vmem>>
        %dma_wait3A_1771 = arith.constant 9984 : i32
        %dma_wait3A_1772 = arith.constant 0 : i32
        %dma_wait3A_1773 = tpu.memref_slice %arg23[%dma_wait3A_1771, %dma_wait3A_1772] : memref<10000x128xf32, #tpu.memory_space<vmem_shared>> -> memref<16x128xf32, #tpu.memory_space<vmem_shared>>
        %dma_wait3A_1774 = arith.constant 9984 : i32
        %dma_wait3A_1775 = arith.constant 0 : i32
        %dma_wait3A_1776 = tpu.memref_slice %arg23[%dma_wait3A_1774, %dma_wait3A_1775] : memref<10000x128xf32, #tpu.memory_space<vmem_shared>> -> memref<16x128xf32, #tpu.memory_space<vmem_shared>>
        %dma_wait3A_1777 = arith.constant 0 : i32
        %dma_wait3A_1778 = arith.constant 0 : i32
        %dma_wait3A_1779 = tpu.memref_slice %arg18[%dma_wait3A_1777, %dma_wait3A_1778] : memref<128x128xf32, #tpu.memory_space<vmem>> -> memref<16x128xf32, #tpu.memory_space<vmem>>
        tpu.wait_dma2 semaphore(%run_scoped3A : memref<!tpu.dma_semaphore, #tpu.memory_space<semaphore_mem>>) src(%dma_wait3A_1779 : memref<16x128xf32, #tpu.memory_space<vmem>>) dst(%dma_wait3A_1776 : memref<16x128xf32, #tpu.memory_space<vmem_shared>>)
        tpu.yield
      }) : () -> ()
    } else {
    }
    %barrier3A = arith.constant 0 : index
    tpu.barrier barrier_id(%barrier3A)
    %mul3A_17 = arith.constant 16 : i32
    %mul3A_18 = arith.muli %arg0, %mul3A_17 : i32
    %add3A_19 = arith.addi %mul3A_18, %arg1 : i32
    %mul3A_20 = arith.constant 10000 : i32
    %mul3A_21 = arith.muli %add3A_19, %mul3A_20 : i32
    %add3A_22 = arith.constant 0 : i32
    %add3A_23 = arith.addi %mul3A_21, %add3A_22 : i32
    %dma_start3A = tpu.memref_slice %arg3[%add3A_23] : memref<320000xi32, #tpu.memory_space<hbm>> -> memref<128xi32, #tpu.memory_space<hbm>>
    %dma_start3A_24 = tpu.memref_slice %arg3[%add3A_23] : memref<320000xi32, #tpu.memory_space<hbm>> -> memref<128xi32, #tpu.memory_space<hbm>>
    tpu.enqueue_dma source(%dma_start3A_24 : memref<128xi32, #tpu.memory_space<hbm>>) target(%arg6 : memref<128xi32, #tpu.memory_space<vmem>>) target_semaphore(%arg24 : memref<!tpu.dma_semaphore, #tpu.memory_space<semaphore_mem>>)
    %dma_start3A_25 = tpu.memref_slice %arg4[%add3A_23] : memref<320000xi32, #tpu.memory_space<hbm>> -> memref<128xi32, #tpu.memory_space<hbm>>
    %dma_start3A_26 = tpu.memref_slice %arg4[%add3A_23] : memref<320000xi32, #tpu.memory_space<hbm>> -> memref<128xi32, #tpu.memory_space<hbm>>
    tpu.enqueue_dma source(%dma_start3A_26 : memref<128xi32, #tpu.memory_space<hbm>>) target(%arg7 : memref<128xi32, #tpu.memory_space<vmem>>) target_semaphore(%arg30 : memref<!tpu.dma_semaphore, #tpu.memory_space<semaphore_mem>>)
    %add3A_27 = arith.constant 128 : i32
    %add3A_28 = arith.addi %mul3A_21, %add3A_27 : i32
    %dma_start3A_29 = tpu.memref_slice %arg3[%add3A_28] : memref<320000xi32, #tpu.memory_space<hbm>> -> memref<128xi32, #tpu.memory_space<hbm>>
    %dma_start3A_30 = tpu.memref_slice %arg3[%add3A_28] : memref<320000xi32, #tpu.memory_space<hbm>> -> memref<128xi32, #tpu.memory_space<hbm>>
    tpu.enqueue_dma source(%dma_start3A_30 : memref<128xi32, #tpu.memory_space<hbm>>) target(%arg8 : memref<128xi32, #tpu.memory_space<vmem>>) target_semaphore(%arg25 : memref<!tpu.dma_semaphore, #tpu.memory_space<semaphore_mem>>)
    %dma_start3A_31 = tpu.memref_slice %arg4[%add3A_28] : memref<320000xi32, #tpu.memory_space<hbm>> -> memref<128xi32, #tpu.memory_space<hbm>>
    %dma_start3A_32 = tpu.memref_slice %arg4[%add3A_28] : memref<320000xi32, #tpu.memory_space<hbm>> -> memref<128xi32, #tpu.memory_space<hbm>>
    tpu.enqueue_dma source(%dma_start3A_32 : memref<128xi32, #tpu.memory_space<hbm>>) target(%arg9 : memref<128xi32, #tpu.memory_space<vmem>>) target_semaphore(%arg31 : memref<!tpu.dma_semaphore, #tpu.memory_space<semaphore_mem>>)
    %add3A_33 = arith.constant 256 : i32
    %add3A_34 = arith.addi %mul3A_21, %add3A_33 : i32
    %dma_start3A_35 = tpu.memref_slice %arg3[%add3A_34] : memref<320000xi32, #tpu.memory_space<hbm>> -> memref<128xi32, #tpu.memory_space<hbm>>
    %dma_start3A_36 = tpu.memref_slice %arg3[%add3A_34] : memref<320000xi32, #tpu.memory_space<hbm>> -> memref<128xi32, #tpu.memory_space<hbm>>
    tpu.enqueue_dma source(%dma_start3A_36 : memref<128xi32, #tpu.memory_space<hbm>>) target(%arg10 : memref<128xi32, #tpu.memory_space<vmem>>) target_semaphore(%arg26 : memref<!tpu.dma_semaphore, #tpu.memory_space<semaphore_mem>>)
    %dma_start3A_37 = tpu.memref_slice %arg4[%add3A_34] : memref<320000xi32, #tpu.memory_space<hbm>> -> memref<128xi32, #tpu.memory_space<hbm>>
    %dma_start3A_38 = tpu.memref_slice %arg4[%add3A_34] : memref<320000xi32, #tpu.memory_space<hbm>> -> memref<128xi32, #tpu.memory_space<hbm>>
    tpu.enqueue_dma source(%dma_start3A_38 : memref<128xi32, #tpu.memory_space<hbm>>) target(%arg11 : memref<128xi32, #tpu.memory_space<vmem>>) target_semaphore(%arg32 : memref<!tpu.dma_semaphore, #tpu.memory_space<semaphore_mem>>)
    %add3A_39 = arith.constant 384 : i32
    %add3A_40 = arith.addi %mul3A_21, %add3A_39 : i32
    %dma_start3A_41 = tpu.memref_slice %arg3[%add3A_40] : memref<320000xi32, #tpu.memory_space<hbm>> -> memref<128xi32, #tpu.memory_space<hbm>>
    %dma_start3A_42 = tpu.memref_slice %arg3[%add3A_40] : memref<320000xi32, #tpu.memory_space<hbm>> -> memref<128xi32, #tpu.memory_space<hbm>>
    tpu.enqueue_dma source(%dma_start3A_42 : memref<128xi32, #tpu.memory_space<hbm>>) target(%arg12 : memref<128xi32, #tpu.memory_space<vmem>>) target_semaphore(%arg27 : memref<!tpu.dma_semaphore, #tpu.memory_space<semaphore_mem>>)
    %dma_start3A_43 = tpu.memref_slice %arg4[%add3A_40] : memref<320000xi32, #tpu.memory_space<hbm>> -> memref<128xi32, #tpu.memory_space<hbm>>
    %dma_start3A_44 = tpu.memref_slice %arg4[%add3A_40] : memref<320000xi32, #tpu.memory_space<hbm>> -> memref<128xi32, #tpu.memory_space<hbm>>
    tpu.enqueue_dma source(%dma_start3A_44 : memref<128xi32, #tpu.memory_space<hbm>>) target(%arg13 : memref<128xi32, #tpu.memory_space<vmem>>) target_semaphore(%arg33 : memref<!tpu.dma_semaphore, #tpu.memory_space<semaphore_mem>>)
    %add3A_45 = arith.constant 512 : i32
    %add3A_46 = arith.addi %mul3A_21, %add3A_45 : i32
    %dma_start3A_47 = tpu.memref_slice %arg3[%add3A_46] : memref<320000xi32, #tpu.memory_space<hbm>> -> memref<128xi32, #tpu.memory_space<hbm>>
    %dma_start3A_48 = tpu.memref_slice %arg3[%add3A_46] : memref<320000xi32, #tpu.memory_space<hbm>> -> memref<128xi32, #tpu.memory_space<hbm>>
    tpu.enqueue_dma source(%dma_start3A_48 : memref<128xi32, #tpu.memory_space<hbm>>) target(%arg14 : memref<128xi32, #tpu.memory_space<vmem>>) target_semaphore(%arg28 : memref<!tpu.dma_semaphore, #tpu.memory_space<semaphore_mem>>)
    %dma_start3A_49 = tpu.memref_slice %arg4[%add3A_46] : memref<320000xi32, #tpu.memory_space<hbm>> -> memref<128xi32, #tpu.memory_space<hbm>>
    %dma_start3A_50 = tpu.memref_slice %arg4[%add3A_46] : memref<320000xi32, #tpu.memory_space<hbm>> -> memref<128xi32, #tpu.memory_space<hbm>>
    tpu.enqueue_dma source(%dma_start3A_50 : memref<128xi32, #tpu.memory_space<hbm>>) target(%arg15 : memref<128xi32, #tpu.memory_space<vmem>>) target_semaphore(%arg34 : memref<!tpu.dma_semaphore, #tpu.memory_space<semaphore_mem>>)
    %add3A_51 = arith.constant 640 : i32
    %add3A_52 = arith.addi %mul3A_21, %add3A_51 : i32
    %dma_start3A_53 = tpu.memref_slice %arg3[%add3A_52] : memref<320000xi32, #tpu.memory_space<hbm>> -> memref<128xi32, #tpu.memory_space<hbm>>
    %dma_start3A_54 = tpu.memref_slice %arg3[%add3A_52] : memref<320000xi32, #tpu.memory_space<hbm>> -> memref<128xi32, #tpu.memory_space<hbm>>
    tpu.enqueue_dma source(%dma_start3A_54 : memref<128xi32, #tpu.memory_space<hbm>>) target(%arg16 : memref<128xi32, #tpu.memory_space<vmem>>) target_semaphore(%arg29 : memref<!tpu.dma_semaphore, #tpu.memory_space<semaphore_mem>>)
    %dma_start3A_55 = tpu.memref_slice %arg4[%add3A_52] : memref<320000xi32, #tpu.memory_space<hbm>> -> memref<128xi32, #tpu.memory_space<hbm>>
    %dma_start3A_56 = tpu.memref_slice %arg4[%add3A_52] : memref<320000xi32, #tpu.memory_space<hbm>> -> memref<128xi32, #tpu.memory_space<hbm>>
    tpu.enqueue_dma source(%dma_start3A_56 : memref<128xi32, #tpu.memory_space<hbm>>) target(%arg17 : memref<128xi32, #tpu.memory_space<vmem>>) target_semaphore(%arg35 : memref<!tpu.dma_semaphore, #tpu.memory_space<semaphore_mem>>)
    %dma_wait3A = tpu.memref_slice %arg3[%add3A_23] : memref<320000xi32, #tpu.memory_space<hbm>> -> memref<128xi32, #tpu.memory_space<hbm>>
    %dma_wait3A_57 = tpu.memref_slice %arg3[%add3A_23] : memref<320000xi32, #tpu.memory_space<hbm>> -> memref<128xi32, #tpu.memory_space<hbm>>
    tpu.wait_dma2 semaphore(%arg24 : memref<!tpu.dma_semaphore, #tpu.memory_space<semaphore_mem>>) src(%dma_wait3A_57 : memref<128xi32, #tpu.memory_space<hbm>>) dst(%arg6 : memref<128xi32, #tpu.memory_space<vmem>>)
    %dma_start3A_58 = arith.constant 0 : i32
    %dma_start3A_59 = arith.constant 0 : i32
    %dma_start3A_60 = tpu.memref_slice %arg2[%dma_start3A_58, %dma_start3A_59] : memref<10000x128xf32, #tpu.memory_space<hbm>> -> memref<10000x128xf32, #tpu.memory_space<hbm>>
    tpu.enqueue_indirect_dma source(%dma_start3A_60 : memref<10000x128xf32, #tpu.memory_space<hbm>>) target(%arg18 : memref<128x128xf32, #tpu.memory_space<vmem>>) offsets(%arg6 : memref<128xi32, #tpu.memory_space<vmem>>) semaphore(%arg36 : memref<!tpu.dma_semaphore, #tpu.memory_space<semaphore_mem>>)
    %dma_wait3A_61 = tpu.memref_slice %arg3[%add3A_28] : memref<320000xi32, #tpu.memory_space<hbm>> -> memref<128xi32, #tpu.memory_space<hbm>>
    %dma_wait3A_62 = tpu.memref_slice %arg3[%add3A_28] : memref<320000xi32, #tpu.memory_space<hbm>> -> memref<128xi32, #tpu.memory_space<hbm>>
    tpu.wait_dma2 semaphore(%arg25 : memref<!tpu.dma_semaphore, #tpu.memory_space<semaphore_mem>>) src(%dma_wait3A_62 : memref<128xi32, #tpu.memory_space<hbm>>) dst(%arg8 : memref<128xi32, #tpu.memory_space<vmem>>)
    %dma_start3A_63 = arith.constant 0 : i32
    %dma_start3A_64 = arith.constant 0 : i32
    %dma_start3A_65 = tpu.memref_slice %arg2[%dma_start3A_63, %dma_start3A_64] : memref<10000x128xf32, #tpu.memory_space<hbm>> -> memref<10000x128xf32, #tpu.memory_space<hbm>>
    tpu.enqueue_indirect_dma source(%dma_start3A_65 : memref<10000x128xf32, #tpu.memory_space<hbm>>) target(%arg19 : memref<128x128xf32, #tpu.memory_space<vmem>>) offsets(%arg8 : memref<128xi32, #tpu.memory_space<vmem>>) semaphore(%arg37 : memref<!tpu.dma_semaphore, #tpu.memory_space<semaphore_mem>>)
    %dma_wait3A_66 = tpu.memref_slice %arg3[%add3A_34] : memref<320000xi32, #tpu.memory_space<hbm>> -> memref<128xi32, #tpu.memory_space<hbm>>
    %dma_wait3A_67 = tpu.memref_slice %arg3[%add3A_34] : memref<320000xi32, #tpu.memory_space<hbm>> -> memref<128xi32, #tpu.memory_space<hbm>>
    tpu.wait_dma2 semaphore(%arg26 : memref<!tpu.dma_semaphore, #tpu.memory_space<semaphore_mem>>) src(%dma_wait3A_67 : memref<128xi32, #tpu.memory_space<hbm>>) dst(%arg10 : memref<128xi32, #tpu.memory_space<vmem>>)
    %dma_start3A_68 = arith.constant 0 : i32
    %dma_start3A_69 = arith.constant 0 : i32
    %dma_start3A_70 = tpu.memref_slice %arg2[%dma_start3A_68, %dma_start3A_69] : memref<10000x128xf32, #tpu.memory_space<hbm>> -> memref<10000x128xf32, #tpu.memory_space<hbm>>
    tpu.enqueue_indirect_dma source(%dma_start3A_70 : memref<10000x128xf32, #tpu.memory_space<hbm>>) target(%arg20 : memref<128x128xf32, #tpu.memory_space<vmem>>) offsets(%arg10 : memref<128xi32, #tpu.memory_space<vmem>>) semaphore(%arg38 : memref<!tpu.dma_semaphore, #tpu.memory_space<semaphore_mem>>)
    %dma_wait3A_71 = arith.constant 0 : i32
    %dma_wait3A_72 = arith.constant 0 : i32
    %dma_wait3A_73 = tpu.memref_slice %arg2[%dma_wait3A_71, %dma_wait3A_72] : memref<10000x128xf32, #tpu.memory_space<hbm>> -> memref<10000x128xf32, #tpu.memory_space<hbm>>
    tpu.wait_indirect_dma semaphore(%arg36 : memref<!tpu.dma_semaphore, #tpu.memory_space<semaphore_mem>>) src(%dma_wait3A_73 : memref<10000x128xf32, #tpu.memory_space<hbm>>) dst(%arg18 : memref<128x128xf32, #tpu.memory_space<vmem>>)
    %dma_wait3A_74 = tpu.memref_slice %arg4[%add3A_23] : memref<320000xi32, #tpu.memory_space<hbm>> -> memref<128xi32, #tpu.memory_space<hbm>>
    %dma_wait3A_75 = tpu.memref_slice %arg4[%add3A_23] : memref<320000xi32, #tpu.memory_space<hbm>> -> memref<128xi32, #tpu.memory_space<hbm>>
    tpu.wait_dma2 semaphore(%arg30 : memref<!tpu.dma_semaphore, #tpu.memory_space<semaphore_mem>>) src(%dma_wait3A_75 : memref<128xi32, #tpu.memory_space<hbm>>) dst(%arg7 : memref<128xi32, #tpu.memory_space<vmem>>)
    %dma_start3A_76 = arith.constant 0 : i32
    %dma_start3A_77 = arith.constant 0 : i32
    %dma_start3A_78 = tpu.memref_slice %arg23[%dma_start3A_76, %dma_start3A_77] : memref<10000x128xf32, #tpu.memory_space<vmem_shared>> -> memref<10000x128xf32, #tpu.memory_space<vmem_shared>>
    tpu.enqueue_indirect_dma source(%arg18 : memref<128x128xf32, #tpu.memory_space<vmem>>) target(%dma_start3A_78 : memref<10000x128xf32, #tpu.memory_space<vmem_shared>>) offsets(%arg7 : memref<128xi32, #tpu.memory_space<vmem>>) semaphore(%arg39 : memref<!tpu.dma_semaphore, #tpu.memory_space<semaphore_mem>>) {add = true}
    %dma_wait3A_79 = arith.constant 0 : i32
    %dma_wait3A_80 = arith.constant 0 : i32
    %dma_wait3A_81 = tpu.memref_slice %arg23[%dma_wait3A_79, %dma_wait3A_80] : memref<10000x128xf32, #tpu.memory_space<vmem_shared>> -> memref<10000x128xf32, #tpu.memory_space<vmem_shared>>
    tpu.wait_indirect_dma semaphore(%arg39 : memref<!tpu.dma_semaphore, #tpu.memory_space<semaphore_mem>>) src(%arg18 : memref<128x128xf32, #tpu.memory_space<vmem>>) dst(%dma_wait3A_81 : memref<10000x128xf32, #tpu.memory_space<vmem_shared>>)
    %add3A_82 = arith.constant 768 : i32
    %add3A_83 = arith.addi %mul3A_21, %add3A_82 : i32
    %dma_start3A_84 = tpu.memref_slice %arg3[%add3A_83] : memref<320000xi32, #tpu.memory_space<hbm>> -> memref<128xi32, #tpu.memory_space<hbm>>
    %dma_start3A_85 = tpu.memref_slice %arg3[%add3A_83] : memref<320000xi32, #tpu.memory_space<hbm>> -> memref<128xi32, #tpu.memory_space<hbm>>
    tpu.enqueue_dma source(%dma_start3A_85 : memref<128xi32, #tpu.memory_space<hbm>>) target(%arg6 : memref<128xi32, #tpu.memory_space<vmem>>) target_semaphore(%arg24 : memref<!tpu.dma_semaphore, #tpu.memory_space<semaphore_mem>>)
    %dma_start3A_86 = tpu.memref_slice %arg4[%add3A_83] : memref<320000xi32, #tpu.memory_space<hbm>> -> memref<128xi32, #tpu.memory_space<hbm>>
    %dma_start3A_87 = tpu.memref_slice %arg4[%add3A_83] : memref<320000xi32, #tpu.memory_space<hbm>> -> memref<128xi32, #tpu.memory_space<hbm>>
    tpu.enqueue_dma source(%dma_start3A_87 : memref<128xi32, #tpu.memory_space<hbm>>) target(%arg7 : memref<128xi32, #tpu.memory_space<vmem>>) target_semaphore(%arg30 : memref<!tpu.dma_semaphore, #tpu.memory_space<semaphore_mem>>)
    %dma_wait3A_88 = tpu.memref_slice %arg3[%add3A_40] : memref<320000xi32, #tpu.memory_space<hbm>> -> memref<128xi32, #tpu.memory_space<hbm>>
    %dma_wait3A_89 = tpu.memref_slice %arg3[%add3A_40] : memref<320000xi32, #tpu.memory_space<hbm>> -> memref<128xi32, #tpu.memory_space<hbm>>
    tpu.wait_dma2 semaphore(%arg27 : memref<!tpu.dma_semaphore, #tpu.memory_space<semaphore_mem>>) src(%dma_wait3A_89 : memref<128xi32, #tpu.memory_space<hbm>>) dst(%arg12 : memref<128xi32, #tpu.memory_space<vmem>>)
    %dma_start3A_90 = arith.constant 0 : i32
    %dma_start3A_91 = arith.constant 0 : i32
    %dma_start3A_92 = tpu.memref_slice %arg2[%dma_start3A_90, %dma_start3A_91] : memref<10000x128xf32, #tpu.memory_space<hbm>> -> memref<10000x128xf32, #tpu.memory_space<hbm>>
    tpu.enqueue_indirect_dma source(%dma_start3A_92 : memref<10000x128xf32, #tpu.memory_space<hbm>>) target(%arg18 : memref<128x128xf32, #tpu.memory_space<vmem>>) offsets(%arg12 : memref<128xi32, #tpu.memory_space<vmem>>) semaphore(%arg36 : memref<!tpu.dma_semaphore, #tpu.memory_space<semaphore_mem>>)
    %dma_wait3A_93 = arith.constant 0 : i32
    %dma_wait3A_94 = arith.constant 0 : i32
    %dma_wait3A_95 = tpu.memref_slice %arg2[%dma_wait3A_93, %dma_wait3A_94] : memref<10000x128xf32, #tpu.memory_space<hbm>> -> memref<10000x128xf32, #tpu.memory_space<hbm>>
    tpu.wait_indirect_dma semaphore(%arg37 : memref<!tpu.dma_semaphore, #tpu.memory_space<semaphore_mem>>) src(%dma_wait3A_95 : memref<10000x128xf32, #tpu.memory_space<hbm>>) dst(%arg19 : memref<128x128xf32, #tpu.memory_space<vmem>>)
    %dma_wait3A_96 = tpu.memref_slice %arg4[%add3A_28] : memref<320000xi32, #tpu.memory_space<hbm>> -> memref<128xi32, #tpu.memory_space<hbm>>
    %dma_wait3A_97 = tpu.memref_slice %arg4[%add3A_28] : memref<320000xi32, #tpu.memory_space<hbm>> -> memref<128xi32, #tpu.memory_space<hbm>>
    tpu.wait_dma2 semaphore(%arg31 : memref<!tpu.dma_semaphore, #tpu.memory_space<semaphore_mem>>) src(%dma_wait3A_97 : memref<128xi32, #tpu.memory_space<hbm>>) dst(%arg9 : memref<128xi32, #tpu.memory_space<vmem>>)
    %dma_start3A_98 = arith.constant 0 : i32
    %dma_start3A_99 = arith.constant 0 : i32
    %dma_start3A_100 = tpu.memref_slice %arg23[%dma_start3A_98, %dma_start3A_99] : memref<10000x128xf32, #tpu.memory_space<vmem_shared>> -> memref<10000x128xf32, #tpu.memory_space<vmem_shared>>
    tpu.enqueue_indirect_dma source(%arg19 : memref<128x128xf32, #tpu.memory_space<vmem>>) target(%dma_start3A_100 : memref<10000x128xf32, #tpu.memory_space<vmem_shared>>) offsets(%arg9 : memref<128xi32, #tpu.memory_space<vmem>>) semaphore(%arg40 : memref<!tpu.dma_semaphore, #tpu.memory_space<semaphore_mem>>) {add = true}
    %dma_wait3A_101 = arith.constant 0 : i32
    %dma_wait3A_102 = arith.constant 0 : i32
    %dma_wait3A_103 = tpu.memref_slice %arg23[%dma_wait3A_101, %dma_wait3A_102] : memref<10000x128xf32, #tpu.memory_space<vmem_shared>> -> memref<10000x128xf32, #tpu.memory_space<vmem_shared>>
    tpu.wait_indirect_dma semaphore(%arg40 : memref<!tpu.dma_semaphore, #tpu.memory_space<semaphore_mem>>) src(%arg19 : memref<128x128xf32, #tpu.memory_space<vmem>>) dst(%dma_wait3A_103 : memref<10000x128xf32, #tpu.memory_space<vmem_shared>>)
    %add3A_104 = arith.constant 896 : i32
    %add3A_105 = arith.addi %mul3A_21, %add3A_104 : i32
    %dma_start3A_106 = tpu.memref_slice %arg3[%add3A_105] : memref<320000xi32, #tpu.memory_space<hbm>> -> memref<128xi32, #tpu.memory_space<hbm>>
    %dma_start3A_107 = tpu.memref_slice %arg3[%add3A_105] : memref<320000xi32, #tpu.memory_space<hbm>> -> memref<128xi32, #tpu.memory_space<hbm>>
    tpu.enqueue_dma source(%dma_start3A_107 : memref<128xi32, #tpu.memory_space<hbm>>) target(%arg8 : memref<128xi32, #tpu.memory_space<vmem>>) target_semaphore(%arg25 : memref<!tpu.dma_semaphore, #tpu.memory_space<semaphore_mem>>)
    %dma_start3A_108 = tpu.memref_slice %arg4[%add3A_105] : memref<320000xi32, #tpu.memory_space<hbm>> -> memref<128xi32, #tpu.memory_space<hbm>>
    %dma_start3A_109 = tpu.memref_slice %arg4[%add3A_105] : memref<320000xi32, #tpu.memory_space<hbm>> -> memref<128xi32, #tpu.memory_space<hbm>>
    tpu.enqueue_dma source(%dma_start3A_109 : memref<128xi32, #tpu.memory_space<hbm>>) target(%arg9 : memref<128xi32, #tpu.memory_space<vmem>>) target_semaphore(%arg31 : memref<!tpu.dma_semaphore, #tpu.memory_space<semaphore_mem>>)
    %dma_wait3A_110 = tpu.memref_slice %arg3[%add3A_46] : memref<320000xi32, #tpu.memory_space<hbm>> -> memref<128xi32, #tpu.memory_space<hbm>>
    %dma_wait3A_111 = tpu.memref_slice %arg3[%add3A_46] : memref<320000xi32, #tpu.memory_space<hbm>> -> memref<128xi32, #tpu.memory_space<hbm>>
    tpu.wait_dma2 semaphore(%arg28 : memref<!tpu.dma_semaphore, #tpu.memory_space<semaphore_mem>>) src(%dma_wait3A_111 : memref<128xi32, #tpu.memory_space<hbm>>) dst(%arg14 : memref<128xi32, #tpu.memory_space<vmem>>)
    %dma_start3A_112 = arith.constant 0 : i32
    %dma_start3A_113 = arith.constant 0 : i32
    %dma_start3A_114 = tpu.memref_slice %arg2[%dma_start3A_112, %dma_start3A_113] : memref<10000x128xf32, #tpu.memory_space<hbm>> -> memref<10000x128xf32, #tpu.memory_space<hbm>>
    tpu.enqueue_indirect_dma source(%dma_start3A_114 : memref<10000x128xf32, #tpu.memory_space<hbm>>) target(%arg19 : memref<128x128xf32, #tpu.memory_space<vmem>>) offsets(%arg14 : memref<128xi32, #tpu.memory_space<vmem>>) semaphore(%arg37 : memref<!tpu.dma_semaphore, #tpu.memory_space<semaphore_mem>>)
    %dma_wait3A_115 = arith.constant 0 : i32
    %dma_wait3A_116 = arith.constant 0 : i32
    %dma_wait3A_117 = tpu.memref_slice %arg2[%dma_wait3A_115, %dma_wait3A_116] : memref<10000x128xf32, #tpu.memory_space<hbm>> -> memref<10000x128xf32, #tpu.memory_space<hbm>>
    tpu.wait_indirect_dma semaphore(%arg38 : memref<!tpu.dma_semaphore, #tpu.memory_space<semaphore_mem>>) src(%dma_wait3A_117 : memref<10000x128xf32, #tpu.memory_space<hbm>>) dst(%arg20 : memref<128x128xf32, #tpu.memory_space<vmem>>)
    %dma_wait3A_118 = tpu.memref_slice %arg4[%add3A_34] : memref<320000xi32, #tpu.memory_space<hbm>> -> memref<128xi32, #tpu.memory_space<hbm>>
    %dma_wait3A_119 = tpu.memref_slice %arg4[%add3A_34] : memref<320000xi32, #tpu.memory_space<hbm>> -> memref<128xi32, #tpu.memory_space<hbm>>
    tpu.wait_dma2 semaphore(%arg32 : memref<!tpu.dma_semaphore, #tpu.memory_space<semaphore_mem>>) src(%dma_wait3A_119 : memref<128xi32, #tpu.memory_space<hbm>>) dst(%arg11 : memref<128xi32, #tpu.memory_space<vmem>>)
    %dma_start3A_120 = arith.constant 0 : i32
    %dma_start3A_121 = arith.constant 0 : i32
    %dma_start3A_122 = tpu.memref_slice %arg23[%dma_start3A_120, %dma_start3A_121] : memref<10000x128xf32, #tpu.memory_space<vmem_shared>> -> memref<10000x128xf32, #tpu.memory_space<vmem_shared>>
    tpu.enqueue_indirect_dma source(%arg20 : memref<128x128xf32, #tpu.memory_space<vmem>>) target(%dma_start3A_122 : memref<10000x128xf32, #tpu.memory_space<vmem_shared>>) offsets(%arg11 : memref<128xi32, #tpu.memory_space<vmem>>) semaphore(%arg41 : memref<!tpu.dma_semaphore, #tpu.memory_space<semaphore_mem>>) {add = true}
    %dma_wait3A_123 = arith.constant 0 : i32
    %dma_wait3A_124 = arith.constant 0 : i32
    %dma_wait3A_125 = tpu.memref_slice %arg23[%dma_wait3A_123, %dma_wait3A_124] : memref<10000x128xf32, #tpu.memory_space<vmem_shared>> -> memref<10000x128xf32, #tpu.memory_space<vmem_shared>>
    tpu.wait_indirect_dma semaphore(%arg41 : memref<!tpu.dma_semaphore, #tpu.memory_space<semaphore_mem>>) src(%arg20 : memref<128x128xf32, #tpu.memory_space<vmem>>) dst(%dma_wait3A_125 : memref<10000x128xf32, #tpu.memory_space<vmem_shared>>)
    %add3A_126 = arith.constant 1024 : i32
    %add3A_127 = arith.addi %mul3A_21, %add3A_126 : i32
    %dma_start3A_128 = tpu.memref_slice %arg3[%add3A_127] : memref<320000xi32, #tpu.memory_space<hbm>> -> memref<128xi32, #tpu.memory_space<hbm>>
    %dma_start3A_129 = tpu.memref_slice %arg3[%add3A_127] : memref<320000xi32, #tpu.memory_space<hbm>> -> memref<128xi32, #tpu.memory_space<hbm>>
    tpu.enqueue_dma source(%dma_start3A_129 : memref<128xi32, #tpu.memory_space<hbm>>) target(%arg10 : memref<128xi32, #tpu.memory_space<vmem>>) target_semaphore(%arg26 : memref<!tpu.dma_semaphore, #tpu.memory_space<semaphore_mem>>)
    %dma_start3A_130 = tpu.memref_slice %arg4[%add3A_127] : memref<320000xi32, #tpu.memory_space<hbm>> -> memref<128xi32, #tpu.memory_space<hbm>>
    %dma_start3A_131 = tpu.memref_slice %arg4[%add3A_127] : memref<320000xi32, #tpu.memory_space<hbm>> -> memref<128xi32, #tpu.memory_space<hbm>>
    tpu.enqueue_dma source(%dma_start3A_131 : memref<128xi32, #tpu.memory_space<hbm>>) target(%arg11 : memref<128xi32, #tpu.memory_space<vmem>>) target_semaphore(%arg32 : memref<!tpu.dma_semaphore, #tpu.memory_space<semaphore_mem>>)
    %dma_wait3A_132 = tpu.memref_slice %arg3[%add3A_52] : memref<320000xi32, #tpu.memory_space<hbm>> -> memref<128xi32, #tpu.memory_space<hbm>>
    %dma_wait3A_133 = tpu.memref_slice %arg3[%add3A_52] : memref<320000xi32, #tpu.memory_space<hbm>> -> memref<128xi32, #tpu.memory_space<hbm>>
    tpu.wait_dma2 semaphore(%arg29 : memref<!tpu.dma_semaphore, #tpu.memory_space<semaphore_mem>>) src(%dma_wait3A_133 : memref<128xi32, #tpu.memory_space<hbm>>) dst(%arg16 : memref<128xi32, #tpu.memory_space<vmem>>)
    %dma_start3A_134 = arith.constant 0 : i32
    %dma_start3A_135 = arith.constant 0 : i32
    %dma_start3A_136 = tpu.memref_slice %arg2[%dma_start3A_134, %dma_start3A_135] : memref<10000x128xf32, #tpu.memory_space<hbm>> -> memref<10000x128xf32, #tpu.memory_space<hbm>>
    tpu.enqueue_indirect_dma source(%dma_start3A_136 : memref<10000x128xf32, #tpu.memory_space<hbm>>) target(%arg20 : memref<128x128xf32, #tpu.memory_space<vmem>>) offsets(%arg16 : memref<128xi32, #tpu.memory_space<vmem>>) semaphore(%arg38 : memref<!tpu.dma_semaphore, #tpu.memory_space<semaphore_mem>>)
    %dma_wait3A_137 = arith.constant 0 : i32
    %dma_wait3A_138 = arith.constant 0 : i32
    %dma_wait3A_139 = tpu.memref_slice %arg2[%dma_wait3A_137, %dma_wait3A_138] : memref<10000x128xf32, #tpu.memory_space<hbm>> -> memref<10000x128xf32, #tpu.memory_space<hbm>>
    tpu.wait_indirect_dma semaphore(%arg36 : memref<!tpu.dma_semaphore, #tpu.memory_space<semaphore_mem>>) src(%dma_wait3A_139 : memref<10000x128xf32, #tpu.memory_space<hbm>>) dst(%arg18 : memref<128x128xf32, #tpu.memory_space<vmem>>)
    %dma_wait3A_140 = tpu.memref_slice %arg4[%add3A_40] : memref<320000xi32, #tpu.memory_space<hbm>> -> memref<128xi32, #tpu.memory_space<hbm>>
    %dma_wait3A_141 = tpu.memref_slice %arg4[%add3A_40] : memref<320000xi32, #tpu.memory_space<hbm>> -> memref<128xi32, #tpu.memory_space<hbm>>
    tpu.wait_dma2 semaphore(%arg33 : memref<!tpu.dma_semaphore, #tpu.memory_space<semaphore_mem>>) src(%dma_wait3A_141 : memref<128xi32, #tpu.memory_space<hbm>>) dst(%arg13 : memref<128xi32, #tpu.memory_space<vmem>>)
    %dma_start3A_142 = arith.constant 0 : i32
    %dma_start3A_143 = arith.constant 0 : i32
    %dma_start3A_144 = tpu.memref_slice %arg23[%dma_start3A_142, %dma_start3A_143] : memref<10000x128xf32, #tpu.memory_space<vmem_shared>> -> memref<10000x128xf32, #tpu.memory_space<vmem_shared>>
    tpu.enqueue_indirect_dma source(%arg18 : memref<128x128xf32, #tpu.memory_space<vmem>>) target(%dma_start3A_144 : memref<10000x128xf32, #tpu.memory_space<vmem_shared>>) offsets(%arg13 : memref<128xi32, #tpu.memory_space<vmem>>) semaphore(%arg39 : memref<!tpu.dma_semaphore, #tpu.memory_space<semaphore_mem>>) {add = true}
    %dma_wait3A_145 = arith.constant 0 : i32
    %dma_wait3A_146 = arith.constant 0 : i32
    %dma_wait3A_147 = tpu.memref_slice %arg23[%dma_wait3A_145, %dma_wait3A_146] : memref<10000x128xf32, #tpu.memory_space<vmem_shared>> -> memref<10000x128xf32, #tpu.memory_space<vmem_shared>>
    tpu.wait_indirect_dma semaphore(%arg39 : memref<!tpu.dma_semaphore, #tpu.memory_space<semaphore_mem>>) src(%arg18 : memref<128x128xf32, #tpu.memory_space<vmem>>) dst(%dma_wait3A_147 : memref<10000x128xf32, #tpu.memory_space<vmem_shared>>)
    %add3A_148 = arith.constant 1152 : i32
    %add3A_149 = arith.addi %mul3A_21, %add3A_148 : i32
    %dma_start3A_150 = tpu.memref_slice %arg3[%add3A_149] : memref<320000xi32, #tpu.memory_space<hbm>> -> memref<128xi32, #tpu.memory_space<hbm>>
    %dma_start3A_151 = tpu.memref_slice %arg3[%add3A_149] : memref<320000xi32, #tpu.memory_space<hbm>> -> memref<128xi32, #tpu.memory_space<hbm>>
    tpu.enqueue_dma source(%dma_start3A_151 : memref<128xi32, #tpu.memory_space<hbm>>) target(%arg12 : memref<128xi32, #tpu.memory_space<vmem>>) target_semaphore(%arg27 : memref<!tpu.dma_semaphore, #tpu.memory_space<semaphore_mem>>)
    %dma_start3A_152 = tpu.memref_slice %arg4[%add3A_149] : memref<320000xi32, #tpu.memory_space<hbm>> -> memref<128xi32, #tpu.memory_space<hbm>>
    %dma_start3A_153 = tpu.memref_slice %arg4[%add3A_149] : memref<320000xi32, #tpu.memory_space<hbm>> -> memref<128xi32, #tpu.memory_space<hbm>>
    tpu.enqueue_dma source(%dma_start3A_153 : memref<128xi32, #tpu.memory_space<hbm>>) target(%arg13 : memref<128xi32, #tpu.memory_space<vmem>>) target_semaphore(%arg33 : memref<!tpu.dma_semaphore, #tpu.memory_space<semaphore_mem>>)
    %dma_wait3A_154 = tpu.memref_slice %arg3[%add3A_83] : memref<320000xi32, #tpu.memory_space<hbm>> -> memref<128xi32, #tpu.memory_space<hbm>>
    %dma_wait3A_155 = tpu.memref_slice %arg3[%add3A_83] : memref<320000xi32, #tpu.memory_space<hbm>> -> memref<128xi32, #tpu.memory_space<hbm>>
    tpu.wait_dma2 semaphore(%arg24 : memref<!tpu.dma_semaphore, #tpu.memory_space<semaphore_mem>>) src(%dma_wait3A_155 : memref<128xi32, #tpu.memory_space<hbm>>) dst(%arg6 : memref<128xi32, #tpu.memory_space<vmem>>)
    %dma_start3A_156 = arith.constant 0 : i32
    %dma_start3A_157 = arith.constant 0 : i32
    %dma_start3A_158 = tpu.memref_slice %arg2[%dma_start3A_156, %dma_start3A_157] : memref<10000x128xf32, #tpu.memory_space<hbm>> -> memref<10000x128xf32, #tpu.memory_space<hbm>>
    tpu.enqueue_indirect_dma source(%dma_start3A_158 : memref<10000x128xf32, #tpu.memory_space<hbm>>) target(%arg18 : memref<128x128xf32, #tpu.memory_space<vmem>>) offsets(%arg6 : memref<128xi32, #tpu.memory_space<vmem>>) semaphore(%arg36 : memref<!tpu.dma_semaphore, #tpu.memory_space<semaphore_mem>>)
    %dma_wait3A_159 = arith.constant 0 : i32
    %dma_wait3A_160 = arith.constant 0 : i32
    %dma_wait3A_161 = tpu.memref_slice %arg2[%dma_wait3A_159, %dma_wait3A_160] : memref<10000x128xf32, #tpu.memory_space<hbm>> -> memref<10000x128xf32, #tpu.memory_space<hbm>>
    tpu.wait_indirect_dma semaphore(%arg37 : memref<!tpu.dma_semaphore, #tpu.memory_space<semaphore_mem>>) src(%dma_wait3A_161 : memref<10000x128xf32, #tpu.memory_space<hbm>>) dst(%arg19 : memref<128x128xf32, #tpu.memory_space<vmem>>)
    %dma_wait3A_162 = tpu.memref_slice %arg4[%add3A_46] : memref<320000xi32, #tpu.memory_space<hbm>> -> memref<128xi32, #tpu.memory_space<hbm>>
    %dma_wait3A_163 = tpu.memref_slice %arg4[%add3A_46] : memref<320000xi32, #tpu.memory_space<hbm>> -> memref<128xi32, #tpu.memory_space<hbm>>
    tpu.wait_dma2 semaphore(%arg34 : memref<!tpu.dma_semaphore, #tpu.memory_space<semaphore_mem>>) src(%dma_wait3A_163 : memref<128xi32, #tpu.memory_space<hbm>>) dst(%arg15 : memref<128xi32, #tpu.memory_space<vmem>>)
    %dma_start3A_164 = arith.constant 0 : i32
    %dma_start3A_165 = arith.constant 0 : i32
    %dma_start3A_166 = tpu.memref_slice %arg23[%dma_start3A_164, %dma_start3A_165] : memref<10000x128xf32, #tpu.memory_space<vmem_shared>> -> memref<10000x128xf32, #tpu.memory_space<vmem_shared>>
    tpu.enqueue_indirect_dma source(%arg19 : memref<128x128xf32, #tpu.memory_space<vmem>>) target(%dma_start3A_166 : memref<10000x128xf32, #tpu.memory_space<vmem_shared>>) offsets(%arg15 : memref<128xi32, #tpu.memory_space<vmem>>) semaphore(%arg40 : memref<!tpu.dma_semaphore, #tpu.memory_space<semaphore_mem>>) {add = true}
    %dma_wait3A_167 = arith.constant 0 : i32
    %dma_wait3A_168 = arith.constant 0 : i32
    %dma_wait3A_169 = tpu.memref_slice %arg23[%dma_wait3A_167, %dma_wait3A_168] : memref<10000x128xf32, #tpu.memory_space<vmem_shared>> -> memref<10000x128xf32, #tpu.memory_space<vmem_shared>>
    tpu.wait_indirect_dma semaphore(%arg40 : memref<!tpu.dma_semaphore, #tpu.memory_space<semaphore_mem>>) src(%arg19 : memref<128x128xf32, #tpu.memory_space<vmem>>) dst(%dma_wait3A_169 : memref<10000x128xf32, #tpu.memory_space<vmem_shared>>)
    %add3A_170 = arith.constant 1280 : i32
    %add3A_171 = arith.addi %mul3A_21, %add3A_170 : i32
    %dma_start3A_172 = tpu.memref_slice %arg3[%add3A_171] : memref<320000xi32, #tpu.memory_space<hbm>> -> memref<128xi32, #tpu.memory_space<hbm>>
    %dma_start3A_173 = tpu.memref_slice %arg3[%add3A_171] : memref<320000xi32, #tpu.memory_space<hbm>> -> memref<128xi32, #tpu.memory_space<hbm>>
    tpu.enqueue_dma source(%dma_start3A_173 : memref<128xi32, #tpu.memory_space<hbm>>) target(%arg14 : memref<128xi32, #tpu.memory_space<vmem>>) target_semaphore(%arg28 : memref<!tpu.dma_semaphore, #tpu.memory_space<semaphore_mem>>)
    %dma_start3A_174 = tpu.memref_slice %arg4[%add3A_171] : memref<320000xi32, #tpu.memory_space<hbm>> -> memref<128xi32, #tpu.memory_space<hbm>>
    %dma_start3A_175 = tpu.memref_slice %arg4[%add3A_171] : memref<320000xi32, #tpu.memory_space<hbm>> -> memref<128xi32, #tpu.memory_space<hbm>>
    tpu.enqueue_dma source(%dma_start3A_175 : memref<128xi32, #tpu.memory_space<hbm>>) target(%arg15 : memref<128xi32, #tpu.memory_space<vmem>>) target_semaphore(%arg34 : memref<!tpu.dma_semaphore, #tpu.memory_space<semaphore_mem>>)
    %dma_wait3A_176 = tpu.memref_slice %arg3[%add3A_105] : memref<320000xi32, #tpu.memory_space<hbm>> -> memref<128xi32, #tpu.memory_space<hbm>>
    %dma_wait3A_177 = tpu.memref_slice %arg3[%add3A_105] : memref<320000xi32, #tpu.memory_space<hbm>> -> memref<128xi32, #tpu.memory_space<hbm>>
    tpu.wait_dma2 semaphore(%arg25 : memref<!tpu.dma_semaphore, #tpu.memory_space<semaphore_mem>>) src(%dma_wait3A_177 : memref<128xi32, #tpu.memory_space<hbm>>) dst(%arg8 : memref<128xi32, #tpu.memory_space<vmem>>)
    %dma_start3A_178 = arith.constant 0 : i32
    %dma_start3A_179 = arith.constant 0 : i32
    %dma_start3A_180 = tpu.memref_slice %arg2[%dma_start3A_178, %dma_start3A_179] : memref<10000x128xf32, #tpu.memory_space<hbm>> -> memref<10000x128xf32, #tpu.memory_space<hbm>>
    tpu.enqueue_indirect_dma source(%dma_start3A_180 : memref<10000x128xf32, #tpu.memory_space<hbm>>) target(%arg19 : memref<128x128xf32, #tpu.memory_space<vmem>>) offsets(%arg8 : memref<128xi32, #tpu.memory_space<vmem>>) semaphore(%arg37 : memref<!tpu.dma_semaphore, #tpu.memory_space<semaphore_mem>>)
    %dma_wait3A_181 = arith.constant 0 : i32
    %dma_wait3A_182 = arith.constant 0 : i32
    %dma_wait3A_183 = tpu.memref_slice %arg2[%dma_wait3A_181, %dma_wait3A_182] : memref<10000x128xf32, #tpu.memory_space<hbm>> -> memref<10000x128xf32, #tpu.memory_space<hbm>>
    tpu.wait_indirect_dma semaphore(%arg38 : memref<!tpu.dma_semaphore, #tpu.memory_space<semaphore_mem>>) src(%dma_wait3A_183 : memref<10000x128xf32, #tpu.memory_space<hbm>>) dst(%arg20 : memref<128x128xf32, #tpu.memory_space<vmem>>)
    %dma_wait3A_184 = tpu.memref_slice %arg4[%add3A_52] : memref<320000xi32, #tpu.memory_space<hbm>> -> memref<128xi32, #tpu.memory_space<hbm>>
    %dma_wait3A_185 = tpu.memref_slice %arg4[%add3A_52] : memref<320000xi32, #tpu.memory_space<hbm>> -> memref<128xi32, #tpu.memory_space<hbm>>
    tpu.wait_dma2 semaphore(%arg35 : memref<!tpu.dma_semaphore, #tpu.memory_space<semaphore_mem>>) src(%dma_wait3A_185 : memref<128xi32, #tpu.memory_space<hbm>>) dst(%arg17 : memref<128xi32, #tpu.memory_space<vmem>>)
    %dma_start3A_186 = arith.constant 0 : i32
    %dma_start3A_187 = arith.constant 0 : i32
    %dma_start3A_188 = tpu.memref_slice %arg23[%dma_start3A_186, %dma_start3A_187] : memref<10000x128xf32, #tpu.memory_space<vmem_shared>> -> memref<10000x128xf32, #tpu.memory_space<vmem_shared>>
    tpu.enqueue_indirect_dma source(%arg20 : memref<128x128xf32, #tpu.memory_space<vmem>>) target(%dma_start3A_188 : memref<10000x128xf32, #tpu.memory_space<vmem_shared>>) offsets(%arg17 : memref<128xi32, #tpu.memory_space<vmem>>) semaphore(%arg41 : memref<!tpu.dma_semaphore, #tpu.memory_space<semaphore_mem>>) {add = true}
    %dma_wait3A_189 = arith.constant 0 : i32
    %dma_wait3A_190 = arith.constant 0 : i32
    %dma_wait3A_191 = tpu.memref_slice %arg23[%dma_wait3A_189, %dma_wait3A_190] : memref<10000x128xf32, #tpu.memory_space<vmem_shared>> -> memref<10000x128xf32, #tpu.memory_space<vmem_shared>>
    tpu.wait_indirect_dma semaphore(%arg41 : memref<!tpu.dma_semaphore, #tpu.memory_space<semaphore_mem>>) src(%arg20 : memref<128x128xf32, #tpu.memory_space<vmem>>) dst(%dma_wait3A_191 : memref<10000x128xf32, #tpu.memory_space<vmem_shared>>)
    %add3A_192 = arith.constant 1408 : i32
    %add3A_193 = arith.addi %mul3A_21, %add3A_192 : i32
    %dma_start3A_194 = tpu.memref_slice %arg3[%add3A_193] : memref<320000xi32, #tpu.memory_space<hbm>> -> memref<128xi32, #tpu.memory_space<hbm>>
    %dma_start3A_195 = tpu.memref_slice %arg3[%add3A_193] : memref<320000xi32, #tpu.memory_space<hbm>> -> memref<128xi32, #tpu.memory_space<hbm>>
    tpu.enqueue_dma source(%dma_start3A_195 : memref<128xi32, #tpu.memory_space<hbm>>) target(%arg16 : memref<128xi32, #tpu.memory_space<vmem>>) target_semaphore(%arg29 : memref<!tpu.dma_semaphore, #tpu.memory_space<semaphore_mem>>)
    %dma_start3A_196 = tpu.memref_slice %arg4[%add3A_193] : memref<320000xi32, #tpu.memory_space<hbm>> -> memref<128xi32, #tpu.memory_space<hbm>>
    %dma_start3A_197 = tpu.memref_slice %arg4[%add3A_193] : memref<320000xi32, #tpu.memory_space<hbm>> -> memref<128xi32, #tpu.memory_space<hbm>>
    tpu.enqueue_dma source(%dma_start3A_197 : memref<128xi32, #tpu.memory_space<hbm>>) target(%arg17 : memref<128xi32, #tpu.memory_space<vmem>>) target_semaphore(%arg35 : memref<!tpu.dma_semaphore, #tpu.memory_space<semaphore_mem>>)
    %dma_wait3A_198 = tpu.memref_slice %arg3[%add3A_127] : memref<320000xi32, #tpu.memory_space<hbm>> -> memref<128xi32, #tpu.memory_space<hbm>>
    %dma_wait3A_199 = tpu.memref_slice %arg3[%add3A_127] : memref<320000xi32, #tpu.memory_space<hbm>> -> memref<128xi32, #tpu.memory_space<hbm>>
    tpu.wait_dma2 semaphore(%arg26 : memref<!tpu.dma_semaphore, #tpu.memory_space<semaphore_mem>>) src(%dma_wait3A_199 : memref<128xi32, #tpu.memory_space<hbm>>) dst(%arg10 : memref<128xi32, #tpu.memory_space<vmem>>)
    %dma_start3A_200 = arith.constant 0 : i32
    %dma_start3A_201 = arith.constant 0 : i32
    %dma_start3A_202 = tpu.memref_slice %arg2[%dma_start3A_200, %dma_start3A_201] : memref<10000x128xf32, #tpu.memory_space<hbm>> -> memref<10000x128xf32, #tpu.memory_space<hbm>>
    tpu.enqueue_indirect_dma source(%dma_start3A_202 : memref<10000x128xf32, #tpu.memory_space<hbm>>) target(%arg20 : memref<128x128xf32, #tpu.memory_space<vmem>>) offsets(%arg10 : memref<128xi32, #tpu.memory_space<vmem>>) semaphore(%arg38 : memref<!tpu.dma_semaphore, #tpu.memory_space<semaphore_mem>>)
    %dma_wait3A_203 = arith.constant 0 : i32
    %dma_wait3A_204 = arith.constant 0 : i32
    %dma_wait3A_205 = tpu.memref_slice %arg2[%dma_wait3A_203, %dma_wait3A_204] : memref<10000x128xf32, #tpu.memory_space<hbm>> -> memref<10000x128xf32, #tpu.memory_space<hbm>>
    tpu.wait_indirect_dma semaphore(%arg36 : memref<!tpu.dma_semaphore, #tpu.memory_space<semaphore_mem>>) src(%dma_wait3A_205 : memref<10000x128xf32, #tpu.memory_space<hbm>>) dst(%arg18 : memref<128x128xf32, #tpu.memory_space<vmem>>)
    %dma_wait3A_206 = tpu.memref_slice %arg4[%add3A_83] : memref<320000xi32, #tpu.memory_space<hbm>> -> memref<128xi32, #tpu.memory_space<hbm>>
    %dma_wait3A_207 = tpu.memref_slice %arg4[%add3A_83] : memref<320000xi32, #tpu.memory_space<hbm>> -> memref<128xi32, #tpu.memory_space<hbm>>
    tpu.wait_dma2 semaphore(%arg30 : memref<!tpu.dma_semaphore, #tpu.memory_space<semaphore_mem>>) src(%dma_wait3A_207 : memref<128xi32, #tpu.memory_space<hbm>>) dst(%arg7 : memref<128xi32, #tpu.memory_space<vmem>>)
    %dma_start3A_208 = arith.constant 0 : i32
    %dma_start3A_209 = arith.constant 0 : i32
    %dma_start3A_210 = tpu.memref_slice %arg23[%dma_start3A_208, %dma_start3A_209] : memref<10000x128xf32, #tpu.memory_space<vmem_shared>> -> memref<10000x128xf32, #tpu.memory_space<vmem_shared>>
    tpu.enqueue_indirect_dma source(%arg18 : memref<128x128xf32, #tpu.memory_space<vmem>>) target(%dma_start3A_210 : memref<10000x128xf32, #tpu.memory_space<vmem_shared>>) offsets(%arg7 : memref<128xi32, #tpu.memory_space<vmem>>) semaphore(%arg39 : memref<!tpu.dma_semaphore, #tpu.memory_space<semaphore_mem>>) {add = true}
    %dma_wait3A_211 = arith.constant 0 : i32
    %dma_wait3A_212 = arith.constant 0 : i32
    %dma_wait3A_213 = tpu.memref_slice %arg23[%dma_wait3A_211, %dma_wait3A_212] : memref<10000x128xf32, #tpu.memory_space<vmem_shared>> -> memref<10000x128xf32, #tpu.memory_space<vmem_shared>>
    tpu.wait_indirect_dma semaphore(%arg39 : memref<!tpu.dma_semaphore, #tpu.memory_space<semaphore_mem>>) src(%arg18 : memref<128x128xf32, #tpu.memory_space<vmem>>) dst(%dma_wait3A_213 : memref<10000x128xf32, #tpu.memory_space<vmem_shared>>)
    %add3A_214 = arith.constant 1536 : i32
    %add3A_215 = arith.addi %mul3A_21, %add3A_214 : i32
    %dma_start3A_216 = tpu.memref_slice %arg3[%add3A_215] : memref<320000xi32, #tpu.memory_space<hbm>> -> memref<128xi32, #tpu.memory_space<hbm>>
    %dma_start3A_217 = tpu.memref_slice %arg3[%add3A_215] : memref<320000xi32, #tpu.memory_space<hbm>> -> memref<128xi32, #tpu.memory_space<hbm>>
    tpu.enqueue_dma source(%dma_start3A_217 : memref<128xi32, #tpu.memory_space<hbm>>) target(%arg6 : memref<128xi32, #tpu.memory_space<vmem>>) target_semaphore(%arg24 : memref<!tpu.dma_semaphore, #tpu.memory_space<semaphore_mem>>)
    %dma_start3A_218 = tpu.memref_slice %arg4[%add3A_215] : memref<320000xi32, #tpu.memory_space<hbm>> -> memref<128xi32, #tpu.memory_space<hbm>>
    %dma_start3A_219 = tpu.memref_slice %arg4[%add3A_215] : memref<320000xi32, #tpu.memory_space<hbm>> -> memref<128xi32, #tpu.memory_space<hbm>>
    tpu.enqueue_dma source(%dma_start3A_219 : memref<128xi32, #tpu.memory_space<hbm>>) target(%arg7 : memref<128xi32, #tpu.memory_space<vmem>>) target_semaphore(%arg30 : memref<!tpu.dma_semaphore, #tpu.memory_space<semaphore_mem>>)
    %dma_wait3A_220 = tpu.memref_slice %arg3[%add3A_149] : memref<320000xi32, #tpu.memory_space<hbm>> -> memref<128xi32, #tpu.memory_space<hbm>>
    %dma_wait3A_221 = tpu.memref_slice %arg3[%add3A_149] : memref<320000xi32, #tpu.memory_space<hbm>> -> memref<128xi32, #tpu.memory_space<hbm>>
    tpu.wait_dma2 semaphore(%arg27 : memref<!tpu.dma_semaphore, #tpu.memory_space<semaphore_mem>>) src(%dma_wait3A_221 : memref<128xi32, #tpu.memory_space<hbm>>) dst(%arg12 : memref<128xi32, #tpu.memory_space<vmem>>)
    %dma_start3A_222 = arith.constant 0 : i32
    %dma_start3A_223 = arith.constant 0 : i32
    %dma_start3A_224 = tpu.memref_slice %arg2[%dma_start3A_222, %dma_start3A_223] : memref<10000x128xf32, #tpu.memory_space<hbm>> -> memref<10000x128xf32, #tpu.memory_space<hbm>>
    tpu.enqueue_indirect_dma source(%dma_start3A_224 : memref<10000x128xf32, #tpu.memory_space<hbm>>) target(%arg18 : memref<128x128xf32, #tpu.memory_space<vmem>>) offsets(%arg12 : memref<128xi32, #tpu.memory_space<vmem>>) semaphore(%arg36 : memref<!tpu.dma_semaphore, #tpu.memory_space<semaphore_mem>>)
    %dma_wait3A_225 = arith.constant 0 : i32
    %dma_wait3A_226 = arith.constant 0 : i32
    %dma_wait3A_227 = tpu.memref_slice %arg2[%dma_wait3A_225, %dma_wait3A_226] : memref<10000x128xf32, #tpu.memory_space<hbm>> -> memref<10000x128xf32, #tpu.memory_space<hbm>>
    tpu.wait_indirect_dma semaphore(%arg37 : memref<!tpu.dma_semaphore, #tpu.memory_space<semaphore_mem>>) src(%dma_wait3A_227 : memref<10000x128xf32, #tpu.memory_space<hbm>>) dst(%arg19 : memref<128x128xf32, #tpu.memory_space<vmem>>)
    %dma_wait3A_228 = tpu.memref_slice %arg4[%add3A_105] : memref<320000xi32, #tpu.memory_space<hbm>> -> memref<128xi32, #tpu.memory_space<hbm>>
    %dma_wait3A_229 = tpu.memref_slice %arg4[%add3A_105] : memref<320000xi32, #tpu.memory_space<hbm>> -> memref<128xi32, #tpu.memory_space<hbm>>
    tpu.wait_dma2 semaphore(%arg31 : memref<!tpu.dma_semaphore, #tpu.memory_space<semaphore_mem>>) src(%dma_wait3A_229 : memref<128xi32, #tpu.memory_space<hbm>>) dst(%arg9 : memref<128xi32, #tpu.memory_space<vmem>>)
    %dma_start3A_230 = arith.constant 0 : i32
    %dma_start3A_231 = arith.constant 0 : i32
    %dma_start3A_232 = tpu.memref_slice %arg23[%dma_start3A_230, %dma_start3A_231] : memref<10000x128xf32, #tpu.memory_space<vmem_shared>> -> memref<10000x128xf32, #tpu.memory_space<vmem_shared>>
    tpu.enqueue_indirect_dma source(%arg19 : memref<128x128xf32, #tpu.memory_space<vmem>>) target(%dma_start3A_232 : memref<10000x128xf32, #tpu.memory_space<vmem_shared>>) offsets(%arg9 : memref<128xi32, #tpu.memory_space<vmem>>) semaphore(%arg40 : memref<!tpu.dma_semaphore, #tpu.memory_space<semaphore_mem>>) {add = true}
    %dma_wait3A_233 = arith.constant 0 : i32
    %dma_wait3A_234 = arith.constant 0 : i32
    %dma_wait3A_235 = tpu.memref_slice %arg23[%dma_wait3A_233, %dma_wait3A_234] : memref<10000x128xf32, #tpu.memory_space<vmem_shared>> -> memref<10000x128xf32, #tpu.memory_space<vmem_shared>>
    tpu.wait_indirect_dma semaphore(%arg40 : memref<!tpu.dma_semaphore, #tpu.memory_space<semaphore_mem>>) src(%arg19 : memref<128x128xf32, #tpu.memory_space<vmem>>) dst(%dma_wait3A_235 : memref<10000x128xf32, #tpu.memory_space<vmem_shared>>)
    %add3A_236 = arith.constant 1664 : i32
    %add3A_237 = arith.addi %mul3A_21, %add3A_236 : i32
    %dma_start3A_238 = tpu.memref_slice %arg3[%add3A_237] : memref<320000xi32, #tpu.memory_space<hbm>> -> memref<128xi32, #tpu.memory_space<hbm>>
    %dma_start3A_239 = tpu.memref_slice %arg3[%add3A_237] : memref<320000xi32, #tpu.memory_space<hbm>> -> memref<128xi32, #tpu.memory_space<hbm>>
    tpu.enqueue_dma source(%dma_start3A_239 : memref<128xi32, #tpu.memory_space<hbm>>) target(%arg8 : memref<128xi32, #tpu.memory_space<vmem>>) target_semaphore(%arg25 : memref<!tpu.dma_semaphore, #tpu.memory_space<semaphore_mem>>)
    %dma_start3A_240 = tpu.memref_slice %arg4[%add3A_237] : memref<320000xi32, #tpu.memory_space<hbm>> -> memref<128xi32, #tpu.memory_space<hbm>>
    %dma_start3A_241 = tpu.memref_slice %arg4[%add3A_237] : memref<320000xi32, #tpu.memory_space<hbm>> -> memref<128xi32, #tpu.memory_space<hbm>>
    tpu.enqueue_dma source(%dma_start3A_241 : memref<128xi32, #tpu.memory_space<hbm>>) target(%arg9 : memref<128xi32, #tpu.memory_space<vmem>>) target_semaphore(%arg31 : memref<!tpu.dma_semaphore, #tpu.memory_space<semaphore_mem>>)
    %dma_wait3A_242 = tpu.memref_slice %arg3[%add3A_171] : memref<320000xi32, #tpu.memory_space<hbm>> -> memref<128xi32, #tpu.memory_space<hbm>>
    %dma_wait3A_243 = tpu.memref_slice %arg3[%add3A_171] : memref<320000xi32, #tpu.memory_space<hbm>> -> memref<128xi32, #tpu.memory_space<hbm>>
    tpu.wait_dma2 semaphore(%arg28 : memref<!tpu.dma_semaphore, #tpu.memory_space<semaphore_mem>>) src(%dma_wait3A_243 : memref<128xi32, #tpu.memory_space<hbm>>) dst(%arg14 : memref<128xi32, #tpu.memory_space<vmem>>)
    %dma_start3A_244 = arith.constant 0 : i32
    %dma_start3A_245 = arith.constant 0 : i32
    %dma_start3A_246 = tpu.memref_slice %arg2[%dma_start3A_244, %dma_start3A_245] : memref<10000x128xf32, #tpu.memory_space<hbm>> -> memref<10000x128xf32, #tpu.memory_space<hbm>>
    tpu.enqueue_indirect_dma source(%dma_start3A_246 : memref<10000x128xf32, #tpu.memory_space<hbm>>) target(%arg19 : memref<128x128xf32, #tpu.memory_space<vmem>>) offsets(%arg14 : memref<128xi32, #tpu.memory_space<vmem>>) semaphore(%arg37 : memref<!tpu.dma_semaphore, #tpu.memory_space<semaphore_mem>>)
    %dma_wait3A_247 = arith.constant 0 : i32
    %dma_wait3A_248 = arith.constant 0 : i32
    %dma_wait3A_249 = tpu.memref_slice %arg2[%dma_wait3A_247, %dma_wait3A_248] : memref<10000x128xf32, #tpu.memory_space<hbm>> -> memref<10000x128xf32, #tpu.memory_space<hbm>>
    tpu.wait_indirect_dma semaphore(%arg38 : memref<!tpu.dma_semaphore, #tpu.memory_space<semaphore_mem>>) src(%dma_wait3A_249 : memref<10000x128xf32, #tpu.memory_space<hbm>>) dst(%arg20 : memref<128x128xf32, #tpu.memory_space<vmem>>)
    %dma_wait3A_250 = tpu.memref_slice %arg4[%add3A_127] : memref<320000xi32, #tpu.memory_space<hbm>> -> memref<128xi32, #tpu.memory_space<hbm>>
    %dma_wait3A_251 = tpu.memref_slice %arg4[%add3A_127] : memref<320000xi32, #tpu.memory_space<hbm>> -> memref<128xi32, #tpu.memory_space<hbm>>
    tpu.wait_dma2 semaphore(%arg32 : memref<!tpu.dma_semaphore, #tpu.memory_space<semaphore_mem>>) src(%dma_wait3A_251 : memref<128xi32, #tpu.memory_space<hbm>>) dst(%arg11 : memref<128xi32, #tpu.memory_space<vmem>>)
    %dma_start3A_252 = arith.constant 0 : i32
    %dma_start3A_253 = arith.constant 0 : i32
    %dma_start3A_254 = tpu.memref_slice %arg23[%dma_start3A_252, %dma_start3A_253] : memref<10000x128xf32, #tpu.memory_space<vmem_shared>> -> memref<10000x128xf32, #tpu.memory_space<vmem_shared>>
    tpu.enqueue_indirect_dma source(%arg20 : memref<128x128xf32, #tpu.memory_space<vmem>>) target(%dma_start3A_254 : memref<10000x128xf32, #tpu.memory_space<vmem_shared>>) offsets(%arg11 : memref<128xi32, #tpu.memory_space<vmem>>) semaphore(%arg41 : memref<!tpu.dma_semaphore, #tpu.memory_space<semaphore_mem>>) {add = true}
    %dma_wait3A_255 = arith.constant 0 : i32
    %dma_wait3A_256 = arith.constant 0 : i32
    %dma_wait3A_257 = tpu.memref_slice %arg23[%dma_wait3A_255, %dma_wait3A_256] : memref<10000x128xf32, #tpu.memory_space<vmem_shared>> -> memref<10000x128xf32, #tpu.memory_space<vmem_shared>>
    tpu.wait_indirect_dma semaphore(%arg41 : memref<!tpu.dma_semaphore, #tpu.memory_space<semaphore_mem>>) src(%arg20 : memref<128x128xf32, #tpu.memory_space<vmem>>) dst(%dma_wait3A_257 : memref<10000x128xf32, #tpu.memory_space<vmem_shared>>)
    %add3A_258 = arith.constant 1792 : i32
    %add3A_259 = arith.addi %mul3A_21, %add3A_258 : i32
    %dma_start3A_260 = tpu.memref_slice %arg3[%add3A_259] : memref<320000xi32, #tpu.memory_space<hbm>> -> memref<128xi32, #tpu.memory_space<hbm>>
    %dma_start3A_261 = tpu.memref_slice %arg3[%add3A_259] : memref<320000xi32, #tpu.memory_space<hbm>> -> memref<128xi32, #tpu.memory_space<hbm>>
    tpu.enqueue_dma source(%dma_start3A_261 : memref<128xi32, #tpu.memory_space<hbm>>) target(%arg10 : memref<128xi32, #tpu.memory_space<vmem>>) target_semaphore(%arg26 : memref<!tpu.dma_semaphore, #tpu.memory_space<semaphore_mem>>)
    %dma_start3A_262 = tpu.memref_slice %arg4[%add3A_259] : memref<320000xi32, #tpu.memory_space<hbm>> -> memref<128xi32, #tpu.memory_space<hbm>>
    %dma_start3A_263 = tpu.memref_slice %arg4[%add3A_259] : memref<320000xi32, #tpu.memory_space<hbm>> -> memref<128xi32, #tpu.memory_space<hbm>>
    tpu.enqueue_dma source(%dma_start3A_263 : memref<128xi32, #tpu.memory_space<hbm>>) target(%arg11 : memref<128xi32, #tpu.memory_space<vmem>>) target_semaphore(%arg32 : memref<!tpu.dma_semaphore, #tpu.memory_space<semaphore_mem>>)
    %dma_wait3A_264 = tpu.memref_slice %arg3[%add3A_193] : memref<320000xi32, #tpu.memory_space<hbm>> -> memref<128xi32, #tpu.memory_space<hbm>>
    %dma_wait3A_265 = tpu.memref_slice %arg3[%add3A_193] : memref<320000xi32, #tpu.memory_space<hbm>> -> memref<128xi32, #tpu.memory_space<hbm>>
    tpu.wait_dma2 semaphore(%arg29 : memref<!tpu.dma_semaphore, #tpu.memory_space<semaphore_mem>>) src(%dma_wait3A_265 : memref<128xi32, #tpu.memory_space<hbm>>) dst(%arg16 : memref<128xi32, #tpu.memory_space<vmem>>)
    %dma_start3A_266 = arith.constant 0 : i32
    %dma_start3A_267 = arith.constant 0 : i32
    %dma_start3A_268 = tpu.memref_slice %arg2[%dma_start3A_266, %dma_start3A_267] : memref<10000x128xf32, #tpu.memory_space<hbm>> -> memref<10000x128xf32, #tpu.memory_space<hbm>>
    tpu.enqueue_indirect_dma source(%dma_start3A_268 : memref<10000x128xf32, #tpu.memory_space<hbm>>) target(%arg20 : memref<128x128xf32, #tpu.memory_space<vmem>>) offsets(%arg16 : memref<128xi32, #tpu.memory_space<vmem>>) semaphore(%arg38 : memref<!tpu.dma_semaphore, #tpu.memory_space<semaphore_mem>>)
    %dma_wait3A_269 = arith.constant 0 : i32
    %dma_wait3A_270 = arith.constant 0 : i32
    %dma_wait3A_271 = tpu.memref_slice %arg2[%dma_wait3A_269, %dma_wait3A_270] : memref<10000x128xf32, #tpu.memory_space<hbm>> -> memref<10000x128xf32, #tpu.memory_space<hbm>>
    tpu.wait_indirect_dma semaphore(%arg36 : memref<!tpu.dma_semaphore, #tpu.memory_space<semaphore_mem>>) src(%dma_wait3A_271 : memref<10000x128xf32, #tpu.memory_space<hbm>>) dst(%arg18 : memref<128x128xf32, #tpu.memory_space<vmem>>)
    %dma_wait3A_272 = tpu.memref_slice %arg4[%add3A_149] : memref<320000xi32, #tpu.memory_space<hbm>> -> memref<128xi32, #tpu.memory_space<hbm>>
    %dma_wait3A_273 = tpu.memref_slice %arg4[%add3A_149] : memref<320000xi32, #tpu.memory_space<hbm>> -> memref<128xi32, #tpu.memory_space<hbm>>
    tpu.wait_dma2 semaphore(%arg33 : memref<!tpu.dma_semaphore, #tpu.memory_space<semaphore_mem>>) src(%dma_wait3A_273 : memref<128xi32, #tpu.memory_space<hbm>>) dst(%arg13 : memref<128xi32, #tpu.memory_space<vmem>>)
    %dma_start3A_274 = arith.constant 0 : i32
    %dma_start3A_275 = arith.constant 0 : i32
    %dma_start3A_276 = tpu.memref_slice %arg23[%dma_start3A_274, %dma_start3A_275] : memref<10000x128xf32, #tpu.memory_space<vmem_shared>> -> memref<10000x128xf32, #tpu.memory_space<vmem_shared>>
    tpu.enqueue_indirect_dma source(%arg18 : memref<128x128xf32, #tpu.memory_space<vmem>>) target(%dma_start3A_276 : memref<10000x128xf32, #tpu.memory_space<vmem_shared>>) offsets(%arg13 : memref<128xi32, #tpu.memory_space<vmem>>) semaphore(%arg39 : memref<!tpu.dma_semaphore, #tpu.memory_space<semaphore_mem>>) {add = true}
    %dma_wait3A_277 = arith.constant 0 : i32
    %dma_wait3A_278 = arith.constant 0 : i32
    %dma_wait3A_279 = tpu.memref_slice %arg23[%dma_wait3A_277, %dma_wait3A_278] : memref<10000x128xf32, #tpu.memory_space<vmem_shared>> -> memref<10000x128xf32, #tpu.memory_space<vmem_shared>>
    tpu.wait_indirect_dma semaphore(%arg39 : memref<!tpu.dma_semaphore, #tpu.memory_space<semaphore_mem>>) src(%arg18 : memref<128x128xf32, #tpu.memory_space<vmem>>) dst(%dma_wait3A_279 : memref<10000x128xf32, #tpu.memory_space<vmem_shared>>)
    %add3A_280 = arith.constant 1920 : i32
    %add3A_281 = arith.addi %mul3A_21, %add3A_280 : i32
    %dma_start3A_282 = tpu.memref_slice %arg3[%add3A_281] : memref<320000xi32, #tpu.memory_space<hbm>> -> memref<128xi32, #tpu.memory_space<hbm>>
    %dma_start3A_283 = tpu.memref_slice %arg3[%add3A_281] : memref<320000xi32, #tpu.memory_space<hbm>> -> memref<128xi32, #tpu.memory_space<hbm>>
    tpu.enqueue_dma source(%dma_start3A_283 : memref<128xi32, #tpu.memory_space<hbm>>) target(%arg12 : memref<128xi32, #tpu.memory_space<vmem>>) target_semaphore(%arg27 : memref<!tpu.dma_semaphore, #tpu.memory_space<semaphore_mem>>)
    %dma_start3A_284 = tpu.memref_slice %arg4[%add3A_281] : memref<320000xi32, #tpu.memory_space<hbm>> -> memref<128xi32, #tpu.memory_space<hbm>>
    %dma_start3A_285 = tpu.memref_slice %arg4[%add3A_281] : memref<320000xi32, #tpu.memory_space<hbm>> -> memref<128xi32, #tpu.memory_space<hbm>>
    tpu.enqueue_dma source(%dma_start3A_285 : memref<128xi32, #tpu.memory_space<hbm>>) target(%arg13 : memref<128xi32, #tpu.memory_space<vmem>>) target_semaphore(%arg33 : memref<!tpu.dma_semaphore, #tpu.memory_space<semaphore_mem>>)
    %dma_wait3A_286 = tpu.memref_slice %arg3[%add3A_215] : memref<320000xi32, #tpu.memory_space<hbm>> -> memref<128xi32, #tpu.memory_space<hbm>>
    %dma_wait3A_287 = tpu.memref_slice %arg3[%add3A_215] : memref<320000xi32, #tpu.memory_space<hbm>> -> memref<128xi32, #tpu.memory_space<hbm>>
    tpu.wait_dma2 semaphore(%arg24 : memref<!tpu.dma_semaphore, #tpu.memory_space<semaphore_mem>>) src(%dma_wait3A_287 : memref<128xi32, #tpu.memory_space<hbm>>) dst(%arg6 : memref<128xi32, #tpu.memory_space<vmem>>)
    %dma_start3A_288 = arith.constant 0 : i32
    %dma_start3A_289 = arith.constant 0 : i32
    %dma_start3A_290 = tpu.memref_slice %arg2[%dma_start3A_288, %dma_start3A_289] : memref<10000x128xf32, #tpu.memory_space<hbm>> -> memref<10000x128xf32, #tpu.memory_space<hbm>>
    tpu.enqueue_indirect_dma source(%dma_start3A_290 : memref<10000x128xf32, #tpu.memory_space<hbm>>) target(%arg18 : memref<128x128xf32, #tpu.memory_space<vmem>>) offsets(%arg6 : memref<128xi32, #tpu.memory_space<vmem>>) semaphore(%arg36 : memref<!tpu.dma_semaphore, #tpu.memory_space<semaphore_mem>>)
    %dma_wait3A_291 = arith.constant 0 : i32
    %dma_wait3A_292 = arith.constant 0 : i32
    %dma_wait3A_293 = tpu.memref_slice %arg2[%dma_wait3A_291, %dma_wait3A_292] : memref<10000x128xf32, #tpu.memory_space<hbm>> -> memref<10000x128xf32, #tpu.memory_space<hbm>>
    tpu.wait_indirect_dma semaphore(%arg37 : memref<!tpu.dma_semaphore, #tpu.memory_space<semaphore_mem>>) src(%dma_wait3A_293 : memref<10000x128xf32, #tpu.memory_space<hbm>>) dst(%arg19 : memref<128x128xf32, #tpu.memory_space<vmem>>)
    %dma_wait3A_294 = tpu.memref_slice %arg4[%add3A_171] : memref<320000xi32, #tpu.memory_space<hbm>> -> memref<128xi32, #tpu.memory_space<hbm>>
    %dma_wait3A_295 = tpu.memref_slice %arg4[%add3A_171] : memref<320000xi32, #tpu.memory_space<hbm>> -> memref<128xi32, #tpu.memory_space<hbm>>
    tpu.wait_dma2 semaphore(%arg34 : memref<!tpu.dma_semaphore, #tpu.memory_space<semaphore_mem>>) src(%dma_wait3A_295 : memref<128xi32, #tpu.memory_space<hbm>>) dst(%arg15 : memref<128xi32, #tpu.memory_space<vmem>>)
    %dma_start3A_296 = arith.constant 0 : i32
    %dma_start3A_297 = arith.constant 0 : i32
    %dma_start3A_298 = tpu.memref_slice %arg23[%dma_start3A_296, %dma_start3A_297] : memref<10000x128xf32, #tpu.memory_space<vmem_shared>> -> memref<10000x128xf32, #tpu.memory_space<vmem_shared>>
    tpu.enqueue_indirect_dma source(%arg19 : memref<128x128xf32, #tpu.memory_space<vmem>>) target(%dma_start3A_298 : memref<10000x128xf32, #tpu.memory_space<vmem_shared>>) offsets(%arg15 : memref<128xi32, #tpu.memory_space<vmem>>) semaphore(%arg40 : memref<!tpu.dma_semaphore, #tpu.memory_space<semaphore_mem>>) {add = true}
    %dma_wait3A_299 = arith.constant 0 : i32
    %dma_wait3A_300 = arith.constant 0 : i32
    %dma_wait3A_301 = tpu.memref_slice %arg23[%dma_wait3A_299, %dma_wait3A_300] : memref<10000x128xf32, #tpu.memory_space<vmem_shared>> -> memref<10000x128xf32, #tpu.memory_space<vmem_shared>>
    tpu.wait_indirect_dma semaphore(%arg40 : memref<!tpu.dma_semaphore, #tpu.memory_space<semaphore_mem>>) src(%arg19 : memref<128x128xf32, #tpu.memory_space<vmem>>) dst(%dma_wait3A_301 : memref<10000x128xf32, #tpu.memory_space<vmem_shared>>)
    %add3A_302 = arith.constant 2048 : i32
    %add3A_303 = arith.addi %mul3A_21, %add3A_302 : i32
    %dma_start3A_304 = tpu.memref_slice %arg3[%add3A_303] : memref<320000xi32, #tpu.memory_space<hbm>> -> memref<128xi32, #tpu.memory_space<hbm>>
    %dma_start3A_305 = tpu.memref_slice %arg3[%add3A_303] : memref<320000xi32, #tpu.memory_space<hbm>> -> memref<128xi32, #tpu.memory_space<hbm>>
    tpu.enqueue_dma source(%dma_start3A_305 : memref<128xi32, #tpu.memory_space<hbm>>) target(%arg14 : memref<128xi32, #tpu.memory_space<vmem>>) target_semaphore(%arg28 : memref<!tpu.dma_semaphore, #tpu.memory_space<semaphore_mem>>)
    %dma_start3A_306 = tpu.memref_slice %arg4[%add3A_303] : memref<320000xi32, #tpu.memory_space<hbm>> -> memref<128xi32, #tpu.memory_space<hbm>>
    %dma_start3A_307 = tpu.memref_slice %arg4[%add3A_303] : memref<320000xi32, #tpu.memory_space<hbm>> -> memref<128xi32, #tpu.memory_space<hbm>>
    tpu.enqueue_dma source(%dma_start3A_307 : memref<128xi32, #tpu.memory_space<hbm>>) target(%arg15 : memref<128xi32, #tpu.memory_space<vmem>>) target_semaphore(%arg34 : memref<!tpu.dma_semaphore, #tpu.memory_space<semaphore_mem>>)
    %dma_wait3A_308 = tpu.memref_slice %arg3[%add3A_237] : memref<320000xi32, #tpu.memory_space<hbm>> -> memref<128xi32, #tpu.memory_space<hbm>>
    %dma_wait3A_309 = tpu.memref_slice %arg3[%add3A_237] : memref<320000xi32, #tpu.memory_space<hbm>> -> memref<128xi32, #tpu.memory_space<hbm>>
    tpu.wait_dma2 semaphore(%arg25 : memref<!tpu.dma_semaphore, #tpu.memory_space<semaphore_mem>>) src(%dma_wait3A_309 : memref<128xi32, #tpu.memory_space<hbm>>) dst(%arg8 : memref<128xi32, #tpu.memory_space<vmem>>)
    %dma_start3A_310 = arith.constant 0 : i32
    %dma_start3A_311 = arith.constant 0 : i32
    %dma_start3A_312 = tpu.memref_slice %arg2[%dma_start3A_310, %dma_start3A_311] : memref<10000x128xf32, #tpu.memory_space<hbm>> -> memref<10000x128xf32, #tpu.memory_space<hbm>>
    tpu.enqueue_indirect_dma source(%dma_start3A_312 : memref<10000x128xf32, #tpu.memory_space<hbm>>) target(%arg19 : memref<128x128xf32, #tpu.memory_space<vmem>>) offsets(%arg8 : memref<128xi32, #tpu.memory_space<vmem>>) semaphore(%arg37 : memref<!tpu.dma_semaphore, #tpu.memory_space<semaphore_mem>>)
    %dma_wait3A_313 = arith.constant 0 : i32
    %dma_wait3A_314 = arith.constant 0 : i32
    %dma_wait3A_315 = tpu.memref_slice %arg2[%dma_wait3A_313, %dma_wait3A_314] : memref<10000x128xf32, #tpu.memory_space<hbm>> -> memref<10000x128xf32, #tpu.memory_space<hbm>>
    tpu.wait_indirect_dma semaphore(%arg38 : memref<!tpu.dma_semaphore, #tpu.memory_space<semaphore_mem>>) src(%dma_wait3A_315 : memref<10000x128xf32, #tpu.memory_space<hbm>>) dst(%arg20 : memref<128x128xf32, #tpu.memory_space<vmem>>)
    %dma_wait3A_316 = tpu.memref_slice %arg4[%add3A_193] : memref<320000xi32, #tpu.memory_space<hbm>> -> memref<128xi32, #tpu.memory_space<hbm>>
    %dma_wait3A_317 = tpu.memref_slice %arg4[%add3A_193] : memref<320000xi32, #tpu.memory_space<hbm>> -> memref<128xi32, #tpu.memory_space<hbm>>
    tpu.wait_dma2 semaphore(%arg35 : memref<!tpu.dma_semaphore, #tpu.memory_space<semaphore_mem>>) src(%dma_wait3A_317 : memref<128xi32, #tpu.memory_space<hbm>>) dst(%arg17 : memref<128xi32, #tpu.memory_space<vmem>>)
    %dma_start3A_318 = arith.constant 0 : i32
    %dma_start3A_319 = arith.constant 0 : i32
    %dma_start3A_320 = tpu.memref_slice %arg23[%dma_start3A_318, %dma_start3A_319] : memref<10000x128xf32, #tpu.memory_space<vmem_shared>> -> memref<10000x128xf32, #tpu.memory_space<vmem_shared>>
    tpu.enqueue_indirect_dma source(%arg20 : memref<128x128xf32, #tpu.memory_space<vmem>>) target(%dma_start3A_320 : memref<10000x128xf32, #tpu.memory_space<vmem_shared>>) offsets(%arg17 : memref<128xi32, #tpu.memory_space<vmem>>) semaphore(%arg41 : memref<!tpu.dma_semaphore, #tpu.memory_space<semaphore_mem>>) {add = true}
    %dma_wait3A_321 = arith.constant 0 : i32
    %dma_wait3A_322 = arith.constant 0 : i32
    %dma_wait3A_323 = tpu.memref_slice %arg23[%dma_wait3A_321, %dma_wait3A_322] : memref<10000x128xf32, #tpu.memory_space<vmem_shared>> -> memref<10000x128xf32, #tpu.memory_space<vmem_shared>>
    tpu.wait_indirect_dma semaphore(%arg41 : memref<!tpu.dma_semaphore, #tpu.memory_space<semaphore_mem>>) src(%arg20 : memref<128x128xf32, #tpu.memory_space<vmem>>) dst(%dma_wait3A_323 : memref<10000x128xf32, #tpu.memory_space<vmem_shared>>)
    %add3A_324 = arith.constant 2176 : i32
    %add3A_325 = arith.addi %mul3A_21, %add3A_324 : i32
    %dma_start3A_326 = tpu.memref_slice %arg3[%add3A_325] : memref<320000xi32, #tpu.memory_space<hbm>> -> memref<128xi32, #tpu.memory_space<hbm>>
    %dma_start3A_327 = tpu.memref_slice %arg3[%add3A_325] : memref<320000xi32, #tpu.memory_space<hbm>> -> memref<128xi32, #tpu.memory_space<hbm>>
    tpu.enqueue_dma source(%dma_start3A_327 : memref<128xi32, #tpu.memory_space<hbm>>) target(%arg16 : memref<128xi32, #tpu.memory_space<vmem>>) target_semaphore(%arg29 : memref<!tpu.dma_semaphore, #tpu.memory_space<semaphore_mem>>)
    %dma_start3A_328 = tpu.memref_slice %arg4[%add3A_325] : memref<320000xi32, #tpu.memory_space<hbm>> -> memref<128xi32, #tpu.memory_space<hbm>>
    %dma_start3A_329 = tpu.memref_slice %arg4[%add3A_325] : memref<320000xi32, #tpu.memory_space<hbm>> -> memref<128xi32, #tpu.memory_space<hbm>>
    tpu.enqueue_dma source(%dma_start3A_329 : memref<128xi32, #tpu.memory_space<hbm>>) target(%arg17 : memref<128xi32, #tpu.memory_space<vmem>>) target_semaphore(%arg35 : memref<!tpu.dma_semaphore, #tpu.memory_space<semaphore_mem>>)
    %dma_wait3A_330 = tpu.memref_slice %arg3[%add3A_259] : memref<320000xi32, #tpu.memory_space<hbm>> -> memref<128xi32, #tpu.memory_space<hbm>>
    %dma_wait3A_331 = tpu.memref_slice %arg3[%add3A_259] : memref<320000xi32, #tpu.memory_space<hbm>> -> memref<128xi32, #tpu.memory_space<hbm>>
    tpu.wait_dma2 semaphore(%arg26 : memref<!tpu.dma_semaphore, #tpu.memory_space<semaphore_mem>>) src(%dma_wait3A_331 : memref<128xi32, #tpu.memory_space<hbm>>) dst(%arg10 : memref<128xi32, #tpu.memory_space<vmem>>)
    %dma_start3A_332 = arith.constant 0 : i32
    %dma_start3A_333 = arith.constant 0 : i32
    %dma_start3A_334 = tpu.memref_slice %arg2[%dma_start3A_332, %dma_start3A_333] : memref<10000x128xf32, #tpu.memory_space<hbm>> -> memref<10000x128xf32, #tpu.memory_space<hbm>>
    tpu.enqueue_indirect_dma source(%dma_start3A_334 : memref<10000x128xf32, #tpu.memory_space<hbm>>) target(%arg20 : memref<128x128xf32, #tpu.memory_space<vmem>>) offsets(%arg10 : memref<128xi32, #tpu.memory_space<vmem>>) semaphore(%arg38 : memref<!tpu.dma_semaphore, #tpu.memory_space<semaphore_mem>>)
    %dma_wait3A_335 = arith.constant 0 : i32
    %dma_wait3A_336 = arith.constant 0 : i32
    %dma_wait3A_337 = tpu.memref_slice %arg2[%dma_wait3A_335, %dma_wait3A_336] : memref<10000x128xf32, #tpu.memory_space<hbm>> -> memref<10000x128xf32, #tpu.memory_space<hbm>>
    tpu.wait_indirect_dma semaphore(%arg36 : memref<!tpu.dma_semaphore, #tpu.memory_space<semaphore_mem>>) src(%dma_wait3A_337 : memref<10000x128xf32, #tpu.memory_space<hbm>>) dst(%arg18 : memref<128x128xf32, #tpu.memory_space<vmem>>)
    %dma_wait3A_338 = tpu.memref_slice %arg4[%add3A_215] : memref<320000xi32, #tpu.memory_space<hbm>> -> memref<128xi32, #tpu.memory_space<hbm>>
    %dma_wait3A_339 = tpu.memref_slice %arg4[%add3A_215] : memref<320000xi32, #tpu.memory_space<hbm>> -> memref<128xi32, #tpu.memory_space<hbm>>
    tpu.wait_dma2 semaphore(%arg30 : memref<!tpu.dma_semaphore, #tpu.memory_space<semaphore_mem>>) src(%dma_wait3A_339 : memref<128xi32, #tpu.memory_space<hbm>>) dst(%arg7 : memref<128xi32, #tpu.memory_space<vmem>>)
    %dma_start3A_340 = arith.constant 0 : i32
    %dma_start3A_341 = arith.constant 0 : i32
    %dma_start3A_342 = tpu.memref_slice %arg23[%dma_start3A_340, %dma_start3A_341] : memref<10000x128xf32, #tpu.memory_space<vmem_shared>> -> memref<10000x128xf32, #tpu.memory_space<vmem_shared>>
    tpu.enqueue_indirect_dma source(%arg18 : memref<128x128xf32, #tpu.memory_space<vmem>>) target(%dma_start3A_342 : memref<10000x128xf32, #tpu.memory_space<vmem_shared>>) offsets(%arg7 : memref<128xi32, #tpu.memory_space<vmem>>) semaphore(%arg39 : memref<!tpu.dma_semaphore, #tpu.memory_space<semaphore_mem>>) {add = true}
    %dma_wait3A_343 = arith.constant 0 : i32
    %dma_wait3A_344 = arith.constant 0 : i32
    %dma_wait3A_345 = tpu.memref_slice %arg23[%dma_wait3A_343, %dma_wait3A_344] : memref<10000x128xf32, #tpu.memory_space<vmem_shared>> -> memref<10000x128xf32, #tpu.memory_space<vmem_shared>>
    tpu.wait_indirect_dma semaphore(%arg39 : memref<!tpu.dma_semaphore, #tpu.memory_space<semaphore_mem>>) src(%arg18 : memref<128x128xf32, #tpu.memory_space<vmem>>) dst(%dma_wait3A_345 : memref<10000x128xf32, #tpu.memory_space<vmem_shared>>)
    %add3A_346 = arith.constant 2304 : i32
    %add3A_347 = arith.addi %mul3A_21, %add3A_346 : i32
    %dma_start3A_348 = tpu.memref_slice %arg3[%add3A_347] : memref<320000xi32, #tpu.memory_space<hbm>> -> memref<128xi32, #tpu.memory_space<hbm>>
    %dma_start3A_349 = tpu.memref_slice %arg3[%add3A_347] : memref<320000xi32, #tpu.memory_space<hbm>> -> memref<128xi32, #tpu.memory_space<hbm>>
    tpu.enqueue_dma source(%dma_start3A_349 : memref<128xi32, #tpu.memory_space<hbm>>) target(%arg6 : memref<128xi32, #tpu.memory_space<vmem>>) target_semaphore(%arg24 : memref<!tpu.dma_semaphore, #tpu.memory_space<semaphore_mem>>)
    %dma_start3A_350 = tpu.memref_slice %arg4[%add3A_347] : memref<320000xi32, #tpu.memory_space<hbm>> -> memref<128xi32, #tpu.memory_space<hbm>>
    %dma_start3A_351 = tpu.memref_slice %arg4[%add3A_347] : memref<320000xi32, #tpu.memory_space<hbm>> -> memref<128xi32, #tpu.memory_space<hbm>>
    tpu.enqueue_dma source(%dma_start3A_351 : memref<128xi32, #tpu.memory_space<hbm>>) target(%arg7 : memref<128xi32, #tpu.memory_space<vmem>>) target_semaphore(%arg30 : memref<!tpu.dma_semaphore, #tpu.memory_space<semaphore_mem>>)
    %dma_wait3A_352 = tpu.memref_slice %arg3[%add3A_281] : memref<320000xi32, #tpu.memory_space<hbm>> -> memref<128xi32, #tpu.memory_space<hbm>>
    %dma_wait3A_353 = tpu.memref_slice %arg3[%add3A_281] : memref<320000xi32, #tpu.memory_space<hbm>> -> memref<128xi32, #tpu.memory_space<hbm>>
    tpu.wait_dma2 semaphore(%arg27 : memref<!tpu.dma_semaphore, #tpu.memory_space<semaphore_mem>>) src(%dma_wait3A_353 : memref<128xi32, #tpu.memory_space<hbm>>) dst(%arg12 : memref<128xi32, #tpu.memory_space<vmem>>)
    %dma_start3A_354 = arith.constant 0 : i32
    %dma_start3A_355 = arith.constant 0 : i32
    %dma_start3A_356 = tpu.memref_slice %arg2[%dma_start3A_354, %dma_start3A_355] : memref<10000x128xf32, #tpu.memory_space<hbm>> -> memref<10000x128xf32, #tpu.memory_space<hbm>>
    tpu.enqueue_indirect_dma source(%dma_start3A_356 : memref<10000x128xf32, #tpu.memory_space<hbm>>) target(%arg18 : memref<128x128xf32, #tpu.memory_space<vmem>>) offsets(%arg12 : memref<128xi32, #tpu.memory_space<vmem>>) semaphore(%arg36 : memref<!tpu.dma_semaphore, #tpu.memory_space<semaphore_mem>>)
    %dma_wait3A_357 = arith.constant 0 : i32
    %dma_wait3A_358 = arith.constant 0 : i32
    %dma_wait3A_359 = tpu.memref_slice %arg2[%dma_wait3A_357, %dma_wait3A_358] : memref<10000x128xf32, #tpu.memory_space<hbm>> -> memref<10000x128xf32, #tpu.memory_space<hbm>>
    tpu.wait_indirect_dma semaphore(%arg37 : memref<!tpu.dma_semaphore, #tpu.memory_space<semaphore_mem>>) src(%dma_wait3A_359 : memref<10000x128xf32, #tpu.memory_space<hbm>>) dst(%arg19 : memref<128x128xf32, #tpu.memory_space<vmem>>)
    %dma_wait3A_360 = tpu.memref_slice %arg4[%add3A_237] : memref<320000xi32, #tpu.memory_space<hbm>> -> memref<128xi32, #tpu.memory_space<hbm>>
    %dma_wait3A_361 = tpu.memref_slice %arg4[%add3A_237] : memref<320000xi32, #tpu.memory_space<hbm>> -> memref<128xi32, #tpu.memory_space<hbm>>
    tpu.wait_dma2 semaphore(%arg31 : memref<!tpu.dma_semaphore, #tpu.memory_space<semaphore_mem>>) src(%dma_wait3A_361 : memref<128xi32, #tpu.memory_space<hbm>>) dst(%arg9 : memref<128xi32, #tpu.memory_space<vmem>>)
    %dma_start3A_362 = arith.constant 0 : i32
    %dma_start3A_363 = arith.constant 0 : i32
    %dma_start3A_364 = tpu.memref_slice %arg23[%dma_start3A_362, %dma_start3A_363] : memref<10000x128xf32, #tpu.memory_space<vmem_shared>> -> memref<10000x128xf32, #tpu.memory_space<vmem_shared>>
    tpu.enqueue_indirect_dma source(%arg19 : memref<128x128xf32, #tpu.memory_space<vmem>>) target(%dma_start3A_364 : memref<10000x128xf32, #tpu.memory_space<vmem_shared>>) offsets(%arg9 : memref<128xi32, #tpu.memory_space<vmem>>) semaphore(%arg40 : memref<!tpu.dma_semaphore, #tpu.memory_space<semaphore_mem>>) {add = true}
    %dma_wait3A_365 = arith.constant 0 : i32
    %dma_wait3A_366 = arith.constant 0 : i32
    %dma_wait3A_367 = tpu.memref_slice %arg23[%dma_wait3A_365, %dma_wait3A_366] : memref<10000x128xf32, #tpu.memory_space<vmem_shared>> -> memref<10000x128xf32, #tpu.memory_space<vmem_shared>>
    tpu.wait_indirect_dma semaphore(%arg40 : memref<!tpu.dma_semaphore, #tpu.memory_space<semaphore_mem>>) src(%arg19 : memref<128x128xf32, #tpu.memory_space<vmem>>) dst(%dma_wait3A_367 : memref<10000x128xf32, #tpu.memory_space<vmem_shared>>)
    %add3A_368 = arith.constant 2432 : i32
    %add3A_369 = arith.addi %mul3A_21, %add3A_368 : i32
    %dma_start3A_370 = tpu.memref_slice %arg3[%add3A_369] : memref<320000xi32, #tpu.memory_space<hbm>> -> memref<128xi32, #tpu.memory_space<hbm>>
    %dma_start3A_371 = tpu.memref_slice %arg3[%add3A_369] : memref<320000xi32, #tpu.memory_space<hbm>> -> memref<128xi32, #tpu.memory_space<hbm>>
    tpu.enqueue_dma source(%dma_start3A_371 : memref<128xi32, #tpu.memory_space<hbm>>) target(%arg8 : memref<128xi32, #tpu.memory_space<vmem>>) target_semaphore(%arg25 : memref<!tpu.dma_semaphore, #tpu.memory_space<semaphore_mem>>)
    %dma_start3A_372 = tpu.memref_slice %arg4[%add3A_369] : memref<320000xi32, #tpu.memory_space<hbm>> -> memref<128xi32, #tpu.memory_space<hbm>>
    %dma_start3A_373 = tpu.memref_slice %arg4[%add3A_369] : memref<320000xi32, #tpu.memory_space<hbm>> -> memref<128xi32, #tpu.memory_space<hbm>>
    tpu.enqueue_dma source(%dma_start3A_373 : memref<128xi32, #tpu.memory_space<hbm>>) target(%arg9 : memref<128xi32, #tpu.memory_space<vmem>>) target_semaphore(%arg31 : memref<!tpu.dma_semaphore, #tpu.memory_space<semaphore_mem>>)
    %dma_wait3A_374 = tpu.memref_slice %arg3[%add3A_303] : memref<320000xi32, #tpu.memory_space<hbm>> -> memref<128xi32, #tpu.memory_space<hbm>>
    %dma_wait3A_375 = tpu.memref_slice %arg3[%add3A_303] : memref<320000xi32, #tpu.memory_space<hbm>> -> memref<128xi32, #tpu.memory_space<hbm>>
    tpu.wait_dma2 semaphore(%arg28 : memref<!tpu.dma_semaphore, #tpu.memory_space<semaphore_mem>>) src(%dma_wait3A_375 : memref<128xi32, #tpu.memory_space<hbm>>) dst(%arg14 : memref<128xi32, #tpu.memory_space<vmem>>)
    %dma_start3A_376 = arith.constant 0 : i32
    %dma_start3A_377 = arith.constant 0 : i32
    %dma_start3A_378 = tpu.memref_slice %arg2[%dma_start3A_376, %dma_start3A_377] : memref<10000x128xf32, #tpu.memory_space<hbm>> -> memref<10000x128xf32, #tpu.memory_space<hbm>>
    tpu.enqueue_indirect_dma source(%dma_start3A_378 : memref<10000x128xf32, #tpu.memory_space<hbm>>) target(%arg19 : memref<128x128xf32, #tpu.memory_space<vmem>>) offsets(%arg14 : memref<128xi32, #tpu.memory_space<vmem>>) semaphore(%arg37 : memref<!tpu.dma_semaphore, #tpu.memory_space<semaphore_mem>>)
    %dma_wait3A_379 = arith.constant 0 : i32
    %dma_wait3A_380 = arith.constant 0 : i32
    %dma_wait3A_381 = tpu.memref_slice %arg2[%dma_wait3A_379, %dma_wait3A_380] : memref<10000x128xf32, #tpu.memory_space<hbm>> -> memref<10000x128xf32, #tpu.memory_space<hbm>>
    tpu.wait_indirect_dma semaphore(%arg38 : memref<!tpu.dma_semaphore, #tpu.memory_space<semaphore_mem>>) src(%dma_wait3A_381 : memref<10000x128xf32, #tpu.memory_space<hbm>>) dst(%arg20 : memref<128x128xf32, #tpu.memory_space<vmem>>)
    %dma_wait3A_382 = tpu.memref_slice %arg4[%add3A_259] : memref<320000xi32, #tpu.memory_space<hbm>> -> memref<128xi32, #tpu.memory_space<hbm>>
    %dma_wait3A_383 = tpu.memref_slice %arg4[%add3A_259] : memref<320000xi32, #tpu.memory_space<hbm>> -> memref<128xi32, #tpu.memory_space<hbm>>
    tpu.wait_dma2 semaphore(%arg32 : memref<!tpu.dma_semaphore, #tpu.memory_space<semaphore_mem>>) src(%dma_wait3A_383 : memref<128xi32, #tpu.memory_space<hbm>>) dst(%arg11 : memref<128xi32, #tpu.memory_space<vmem>>)
    %dma_start3A_384 = arith.constant 0 : i32
    %dma_start3A_385 = arith.constant 0 : i32
    %dma_start3A_386 = tpu.memref_slice %arg23[%dma_start3A_384, %dma_start3A_385] : memref<10000x128xf32, #tpu.memory_space<vmem_shared>> -> memref<10000x128xf32, #tpu.memory_space<vmem_shared>>
    tpu.enqueue_indirect_dma source(%arg20 : memref<128x128xf32, #tpu.memory_space<vmem>>) target(%dma_start3A_386 : memref<10000x128xf32, #tpu.memory_space<vmem_shared>>) offsets(%arg11 : memref<128xi32, #tpu.memory_space<vmem>>) semaphore(%arg41 : memref<!tpu.dma_semaphore, #tpu.memory_space<semaphore_mem>>) {add = true}
    %dma_wait3A_387 = arith.constant 0 : i32
    %dma_wait3A_388 = arith.constant 0 : i32
    %dma_wait3A_389 = tpu.memref_slice %arg23[%dma_wait3A_387, %dma_wait3A_388] : memref<10000x128xf32, #tpu.memory_space<vmem_shared>> -> memref<10000x128xf32, #tpu.memory_space<vmem_shared>>
    tpu.wait_indirect_dma semaphore(%arg41 : memref<!tpu.dma_semaphore, #tpu.memory_space<semaphore_mem>>) src(%arg20 : memref<128x128xf32, #tpu.memory_space<vmem>>) dst(%dma_wait3A_389 : memref<10000x128xf32, #tpu.memory_space<vmem_shared>>)
    %add3A_390 = arith.constant 2560 : i32
    %add3A_391 = arith.addi %mul3A_21, %add3A_390 : i32
    %dma_start3A_392 = tpu.memref_slice %arg3[%add3A_391] : memref<320000xi32, #tpu.memory_space<hbm>> -> memref<128xi32, #tpu.memory_space<hbm>>
    %dma_start3A_393 = tpu.memref_slice %arg3[%add3A_391] : memref<320000xi32, #tpu.memory_space<hbm>> -> memref<128xi32, #tpu.memory_space<hbm>>
    tpu.enqueue_dma source(%dma_start3A_393 : memref<128xi32, #tpu.memory_space<hbm>>) target(%arg10 : memref<128xi32, #tpu.memory_space<vmem>>) target_semaphore(%arg26 : memref<!tpu.dma_semaphore, #tpu.memory_space<semaphore_mem>>)
    %dma_start3A_394 = tpu.memref_slice %arg4[%add3A_391] : memref<320000xi32, #tpu.memory_space<hbm>> -> memref<128xi32, #tpu.memory_space<hbm>>
    %dma_start3A_395 = tpu.memref_slice %arg4[%add3A_391] : memref<320000xi32, #tpu.memory_space<hbm>> -> memref<128xi32, #tpu.memory_space<hbm>>
    tpu.enqueue_dma source(%dma_start3A_395 : memref<128xi32, #tpu.memory_space<hbm>>) target(%arg11 : memref<128xi32, #tpu.memory_space<vmem>>) target_semaphore(%arg32 : memref<!tpu.dma_semaphore, #tpu.memory_space<semaphore_mem>>)
    %dma_wait3A_396 = tpu.memref_slice %arg3[%add3A_325] : memref<320000xi32, #tpu.memory_space<hbm>> -> memref<128xi32, #tpu.memory_space<hbm>>
    %dma_wait3A_397 = tpu.memref_slice %arg3[%add3A_325] : memref<320000xi32, #tpu.memory_space<hbm>> -> memref<128xi32, #tpu.memory_space<hbm>>
    tpu.wait_dma2 semaphore(%arg29 : memref<!tpu.dma_semaphore, #tpu.memory_space<semaphore_mem>>) src(%dma_wait3A_397 : memref<128xi32, #tpu.memory_space<hbm>>) dst(%arg16 : memref<128xi32, #tpu.memory_space<vmem>>)
    %dma_start3A_398 = arith.constant 0 : i32
    %dma_start3A_399 = arith.constant 0 : i32
    %dma_start3A_400 = tpu.memref_slice %arg2[%dma_start3A_398, %dma_start3A_399] : memref<10000x128xf32, #tpu.memory_space<hbm>> -> memref<10000x128xf32, #tpu.memory_space<hbm>>
    tpu.enqueue_indirect_dma source(%dma_start3A_400 : memref<10000x128xf32, #tpu.memory_space<hbm>>) target(%arg20 : memref<128x128xf32, #tpu.memory_space<vmem>>) offsets(%arg16 : memref<128xi32, #tpu.memory_space<vmem>>) semaphore(%arg38 : memref<!tpu.dma_semaphore, #tpu.memory_space<semaphore_mem>>)
    %dma_wait3A_401 = arith.constant 0 : i32
    %dma_wait3A_402 = arith.constant 0 : i32
    %dma_wait3A_403 = tpu.memref_slice %arg2[%dma_wait3A_401, %dma_wait3A_402] : memref<10000x128xf32, #tpu.memory_space<hbm>> -> memref<10000x128xf32, #tpu.memory_space<hbm>>
    tpu.wait_indirect_dma semaphore(%arg36 : memref<!tpu.dma_semaphore, #tpu.memory_space<semaphore_mem>>) src(%dma_wait3A_403 : memref<10000x128xf32, #tpu.memory_space<hbm>>) dst(%arg18 : memref<128x128xf32, #tpu.memory_space<vmem>>)
    %dma_wait3A_404 = tpu.memref_slice %arg4[%add3A_281] : memref<320000xi32, #tpu.memory_space<hbm>> -> memref<128xi32, #tpu.memory_space<hbm>>
    %dma_wait3A_405 = tpu.memref_slice %arg4[%add3A_281] : memref<320000xi32, #tpu.memory_space<hbm>> -> memref<128xi32, #tpu.memory_space<hbm>>
    tpu.wait_dma2 semaphore(%arg33 : memref<!tpu.dma_semaphore, #tpu.memory_space<semaphore_mem>>) src(%dma_wait3A_405 : memref<128xi32, #tpu.memory_space<hbm>>) dst(%arg13 : memref<128xi32, #tpu.memory_space<vmem>>)
    %dma_start3A_406 = arith.constant 0 : i32
    %dma_start3A_407 = arith.constant 0 : i32
    %dma_start3A_408 = tpu.memref_slice %arg23[%dma_start3A_406, %dma_start3A_407] : memref<10000x128xf32, #tpu.memory_space<vmem_shared>> -> memref<10000x128xf32, #tpu.memory_space<vmem_shared>>
    tpu.enqueue_indirect_dma source(%arg18 : memref<128x128xf32, #tpu.memory_space<vmem>>) target(%dma_start3A_408 : memref<10000x128xf32, #tpu.memory_space<vmem_shared>>) offsets(%arg13 : memref<128xi32, #tpu.memory_space<vmem>>) semaphore(%arg39 : memref<!tpu.dma_semaphore, #tpu.memory_space<semaphore_mem>>) {add = true}
    %dma_wait3A_409 = arith.constant 0 : i32
    %dma_wait3A_410 = arith.constant 0 : i32
    %dma_wait3A_411 = tpu.memref_slice %arg23[%dma_wait3A_409, %dma_wait3A_410] : memref<10000x128xf32, #tpu.memory_space<vmem_shared>> -> memref<10000x128xf32, #tpu.memory_space<vmem_shared>>
    tpu.wait_indirect_dma semaphore(%arg39 : memref<!tpu.dma_semaphore, #tpu.memory_space<semaphore_mem>>) src(%arg18 : memref<128x128xf32, #tpu.memory_space<vmem>>) dst(%dma_wait3A_411 : memref<10000x128xf32, #tpu.memory_space<vmem_shared>>)
    %add3A_412 = arith.constant 2688 : i32
    %add3A_413 = arith.addi %mul3A_21, %add3A_412 : i32
    %dma_start3A_414 = tpu.memref_slice %arg3[%add3A_413] : memref<320000xi32, #tpu.memory_space<hbm>> -> memref<128xi32, #tpu.memory_space<hbm>>
    %dma_start3A_415 = tpu.memref_slice %arg3[%add3A_413] : memref<320000xi32, #tpu.memory_space<hbm>> -> memref<128xi32, #tpu.memory_space<hbm>>
    tpu.enqueue_dma source(%dma_start3A_415 : memref<128xi32, #tpu.memory_space<hbm>>) target(%arg12 : memref<128xi32, #tpu.memory_space<vmem>>) target_semaphore(%arg27 : memref<!tpu.dma_semaphore, #tpu.memory_space<semaphore_mem>>)
    %dma_start3A_416 = tpu.memref_slice %arg4[%add3A_413] : memref<320000xi32, #tpu.memory_space<hbm>> -> memref<128xi32, #tpu.memory_space<hbm>>
    %dma_start3A_417 = tpu.memref_slice %arg4[%add3A_413] : memref<320000xi32, #tpu.memory_space<hbm>> -> memref<128xi32, #tpu.memory_space<hbm>>
    tpu.enqueue_dma source(%dma_start3A_417 : memref<128xi32, #tpu.memory_space<hbm>>) target(%arg13 : memref<128xi32, #tpu.memory_space<vmem>>) target_semaphore(%arg33 : memref<!tpu.dma_semaphore, #tpu.memory_space<semaphore_mem>>)
    %dma_wait3A_418 = tpu.memref_slice %arg3[%add3A_347] : memref<320000xi32, #tpu.memory_space<hbm>> -> memref<128xi32, #tpu.memory_space<hbm>>
    %dma_wait3A_419 = tpu.memref_slice %arg3[%add3A_347] : memref<320000xi32, #tpu.memory_space<hbm>> -> memref<128xi32, #tpu.memory_space<hbm>>
    tpu.wait_dma2 semaphore(%arg24 : memref<!tpu.dma_semaphore, #tpu.memory_space<semaphore_mem>>) src(%dma_wait3A_419 : memref<128xi32, #tpu.memory_space<hbm>>) dst(%arg6 : memref<128xi32, #tpu.memory_space<vmem>>)
    %dma_start3A_420 = arith.constant 0 : i32
    %dma_start3A_421 = arith.constant 0 : i32
    %dma_start3A_422 = tpu.memref_slice %arg2[%dma_start3A_420, %dma_start3A_421] : memref<10000x128xf32, #tpu.memory_space<hbm>> -> memref<10000x128xf32, #tpu.memory_space<hbm>>
    tpu.enqueue_indirect_dma source(%dma_start3A_422 : memref<10000x128xf32, #tpu.memory_space<hbm>>) target(%arg18 : memref<128x128xf32, #tpu.memory_space<vmem>>) offsets(%arg6 : memref<128xi32, #tpu.memory_space<vmem>>) semaphore(%arg36 : memref<!tpu.dma_semaphore, #tpu.memory_space<semaphore_mem>>)
    %dma_wait3A_423 = arith.constant 0 : i32
    %dma_wait3A_424 = arith.constant 0 : i32
    %dma_wait3A_425 = tpu.memref_slice %arg2[%dma_wait3A_423, %dma_wait3A_424] : memref<10000x128xf32, #tpu.memory_space<hbm>> -> memref<10000x128xf32, #tpu.memory_space<hbm>>
    tpu.wait_indirect_dma semaphore(%arg37 : memref<!tpu.dma_semaphore, #tpu.memory_space<semaphore_mem>>) src(%dma_wait3A_425 : memref<10000x128xf32, #tpu.memory_space<hbm>>) dst(%arg19 : memref<128x128xf32, #tpu.memory_space<vmem>>)
    %dma_wait3A_426 = tpu.memref_slice %arg4[%add3A_303] : memref<320000xi32, #tpu.memory_space<hbm>> -> memref<128xi32, #tpu.memory_space<hbm>>
    %dma_wait3A_427 = tpu.memref_slice %arg4[%add3A_303] : memref<320000xi32, #tpu.memory_space<hbm>> -> memref<128xi32, #tpu.memory_space<hbm>>
    tpu.wait_dma2 semaphore(%arg34 : memref<!tpu.dma_semaphore, #tpu.memory_space<semaphore_mem>>) src(%dma_wait3A_427 : memref<128xi32, #tpu.memory_space<hbm>>) dst(%arg15 : memref<128xi32, #tpu.memory_space<vmem>>)
    %dma_start3A_428 = arith.constant 0 : i32
    %dma_start3A_429 = arith.constant 0 : i32
    %dma_start3A_430 = tpu.memref_slice %arg23[%dma_start3A_428, %dma_start3A_429] : memref<10000x128xf32, #tpu.memory_space<vmem_shared>> -> memref<10000x128xf32, #tpu.memory_space<vmem_shared>>
    tpu.enqueue_indirect_dma source(%arg19 : memref<128x128xf32, #tpu.memory_space<vmem>>) target(%dma_start3A_430 : memref<10000x128xf32, #tpu.memory_space<vmem_shared>>) offsets(%arg15 : memref<128xi32, #tpu.memory_space<vmem>>) semaphore(%arg40 : memref<!tpu.dma_semaphore, #tpu.memory_space<semaphore_mem>>) {add = true}
    %dma_wait3A_431 = arith.constant 0 : i32
    %dma_wait3A_432 = arith.constant 0 : i32
    %dma_wait3A_433 = tpu.memref_slice %arg23[%dma_wait3A_431, %dma_wait3A_432] : memref<10000x128xf32, #tpu.memory_space<vmem_shared>> -> memref<10000x128xf32, #tpu.memory_space<vmem_shared>>
    tpu.wait_indirect_dma semaphore(%arg40 : memref<!tpu.dma_semaphore, #tpu.memory_space<semaphore_mem>>) src(%arg19 : memref<128x128xf32, #tpu.memory_space<vmem>>) dst(%dma_wait3A_433 : memref<10000x128xf32, #tpu.memory_space<vmem_shared>>)
    %add3A_434 = arith.constant 2816 : i32
    %add3A_435 = arith.addi %mul3A_21, %add3A_434 : i32
    %dma_start3A_436 = tpu.memref_slice %arg3[%add3A_435] : memref<320000xi32, #tpu.memory_space<hbm>> -> memref<128xi32, #tpu.memory_space<hbm>>
    %dma_start3A_437 = tpu.memref_slice %arg3[%add3A_435] : memref<320000xi32, #tpu.memory_space<hbm>> -> memref<128xi32, #tpu.memory_space<hbm>>
    tpu.enqueue_dma source(%dma_start3A_437 : memref<128xi32, #tpu.memory_space<hbm>>) target(%arg14 : memref<128xi32, #tpu.memory_space<vmem>>) target_semaphore(%arg28 : memref<!tpu.dma_semaphore, #tpu.memory_space<semaphore_mem>>)
    %dma_start3A_438 = tpu.memref_slice %arg4[%add3A_435] : memref<320000xi32, #tpu.memory_space<hbm>> -> memref<128xi32, #tpu.memory_space<hbm>>
    %dma_start3A_439 = tpu.memref_slice %arg4[%add3A_435] : memref<320000xi32, #tpu.memory_space<hbm>> -> memref<128xi32, #tpu.memory_space<hbm>>
    tpu.enqueue_dma source(%dma_start3A_439 : memref<128xi32, #tpu.memory_space<hbm>>) target(%arg15 : memref<128xi32, #tpu.memory_space<vmem>>) target_semaphore(%arg34 : memref<!tpu.dma_semaphore, #tpu.memory_space<semaphore_mem>>)
    %dma_wait3A_440 = tpu.memref_slice %arg3[%add3A_369] : memref<320000xi32, #tpu.memory_space<hbm>> -> memref<128xi32, #tpu.memory_space<hbm>>
    %dma_wait3A_441 = tpu.memref_slice %arg3[%add3A_369] : memref<320000xi32, #tpu.memory_space<hbm>> -> memref<128xi32, #tpu.memory_space<hbm>>
    tpu.wait_dma2 semaphore(%arg25 : memref<!tpu.dma_semaphore, #tpu.memory_space<semaphore_mem>>) src(%dma_wait3A_441 : memref<128xi32, #tpu.memory_space<hbm>>) dst(%arg8 : memref<128xi32, #tpu.memory_space<vmem>>)
    %dma_start3A_442 = arith.constant 0 : i32
    %dma_start3A_443 = arith.constant 0 : i32
    %dma_start3A_444 = tpu.memref_slice %arg2[%dma_start3A_442, %dma_start3A_443] : memref<10000x128xf32, #tpu.memory_space<hbm>> -> memref<10000x128xf32, #tpu.memory_space<hbm>>
    tpu.enqueue_indirect_dma source(%dma_start3A_444 : memref<10000x128xf32, #tpu.memory_space<hbm>>) target(%arg19 : memref<128x128xf32, #tpu.memory_space<vmem>>) offsets(%arg8 : memref<128xi32, #tpu.memory_space<vmem>>) semaphore(%arg37 : memref<!tpu.dma_semaphore, #tpu.memory_space<semaphore_mem>>)
    %dma_wait3A_445 = arith.constant 0 : i32
    %dma_wait3A_446 = arith.constant 0 : i32
    %dma_wait3A_447 = tpu.memref_slice %arg2[%dma_wait3A_445, %dma_wait3A_446] : memref<10000x128xf32, #tpu.memory_space<hbm>> -> memref<10000x128xf32, #tpu.memory_space<hbm>>
    tpu.wait_indirect_dma semaphore(%arg38 : memref<!tpu.dma_semaphore, #tpu.memory_space<semaphore_mem>>) src(%dma_wait3A_447 : memref<10000x128xf32, #tpu.memory_space<hbm>>) dst(%arg20 : memref<128x128xf32, #tpu.memory_space<vmem>>)
    %dma_wait3A_448 = tpu.memref_slice %arg4[%add3A_325] : memref<320000xi32, #tpu.memory_space<hbm>> -> memref<128xi32, #tpu.memory_space<hbm>>
    %dma_wait3A_449 = tpu.memref_slice %arg4[%add3A_325] : memref<320000xi32, #tpu.memory_space<hbm>> -> memref<128xi32, #tpu.memory_space<hbm>>
    tpu.wait_dma2 semaphore(%arg35 : memref<!tpu.dma_semaphore, #tpu.memory_space<semaphore_mem>>) src(%dma_wait3A_449 : memref<128xi32, #tpu.memory_space<hbm>>) dst(%arg17 : memref<128xi32, #tpu.memory_space<vmem>>)
    %dma_start3A_450 = arith.constant 0 : i32
    %dma_start3A_451 = arith.constant 0 : i32
    %dma_start3A_452 = tpu.memref_slice %arg23[%dma_start3A_450, %dma_start3A_451] : memref<10000x128xf32, #tpu.memory_space<vmem_shared>> -> memref<10000x128xf32, #tpu.memory_space<vmem_shared>>
    tpu.enqueue_indirect_dma source(%arg20 : memref<128x128xf32, #tpu.memory_space<vmem>>) target(%dma_start3A_452 : memref<10000x128xf32, #tpu.memory_space<vmem_shared>>) offsets(%arg17 : memref<128xi32, #tpu.memory_space<vmem>>) semaphore(%arg41 : memref<!tpu.dma_semaphore, #tpu.memory_space<semaphore_mem>>) {add = true}
    %dma_wait3A_453 = arith.constant 0 : i32
    %dma_wait3A_454 = arith.constant 0 : i32
    %dma_wait3A_455 = tpu.memref_slice %arg23[%dma_wait3A_453, %dma_wait3A_454] : memref<10000x128xf32, #tpu.memory_space<vmem_shared>> -> memref<10000x128xf32, #tpu.memory_space<vmem_shared>>
    tpu.wait_indirect_dma semaphore(%arg41 : memref<!tpu.dma_semaphore, #tpu.memory_space<semaphore_mem>>) src(%arg20 : memref<128x128xf32, #tpu.memory_space<vmem>>) dst(%dma_wait3A_455 : memref<10000x128xf32, #tpu.memory_space<vmem_shared>>)
    %add3A_456 = arith.constant 2944 : i32
    %add3A_457 = arith.addi %mul3A_21, %add3A_456 : i32
    %dma_start3A_458 = tpu.memref_slice %arg3[%add3A_457] : memref<320000xi32, #tpu.memory_space<hbm>> -> memref<128xi32, #tpu.memory_space<hbm>>
    %dma_start3A_459 = tpu.memref_slice %arg3[%add3A_457] : memref<320000xi32, #tpu.memory_space<hbm>> -> memref<128xi32, #tpu.memory_space<hbm>>
    tpu.enqueue_dma source(%dma_start3A_459 : memref<128xi32, #tpu.memory_space<hbm>>) target(%arg16 : memref<128xi32, #tpu.memory_space<vmem>>) target_semaphore(%arg29 : memref<!tpu.dma_semaphore, #tpu.memory_space<semaphore_mem>>)
    %dma_start3A_460 = tpu.memref_slice %arg4[%add3A_457] : memref<320000xi32, #tpu.memory_space<hbm>> -> memref<128xi32, #tpu.memory_space<hbm>>
    %dma_start3A_461 = tpu.memref_slice %arg4[%add3A_457] : memref<320000xi32, #tpu.memory_space<hbm>> -> memref<128xi32, #tpu.memory_space<hbm>>
    tpu.enqueue_dma source(%dma_start3A_461 : memref<128xi32, #tpu.memory_space<hbm>>) target(%arg17 : memref<128xi32, #tpu.memory_space<vmem>>) target_semaphore(%arg35 : memref<!tpu.dma_semaphore, #tpu.memory_space<semaphore_mem>>)
    %dma_wait3A_462 = tpu.memref_slice %arg3[%add3A_391] : memref<320000xi32, #tpu.memory_space<hbm>> -> memref<128xi32, #tpu.memory_space<hbm>>
    %dma_wait3A_463 = tpu.memref_slice %arg3[%add3A_391] : memref<320000xi32, #tpu.memory_space<hbm>> -> memref<128xi32, #tpu.memory_space<hbm>>
    tpu.wait_dma2 semaphore(%arg26 : memref<!tpu.dma_semaphore, #tpu.memory_space<semaphore_mem>>) src(%dma_wait3A_463 : memref<128xi32, #tpu.memory_space<hbm>>) dst(%arg10 : memref<128xi32, #tpu.memory_space<vmem>>)
    %dma_start3A_464 = arith.constant 0 : i32
    %dma_start3A_465 = arith.constant 0 : i32
    %dma_start3A_466 = tpu.memref_slice %arg2[%dma_start3A_464, %dma_start3A_465] : memref<10000x128xf32, #tpu.memory_space<hbm>> -> memref<10000x128xf32, #tpu.memory_space<hbm>>
    tpu.enqueue_indirect_dma source(%dma_start3A_466 : memref<10000x128xf32, #tpu.memory_space<hbm>>) target(%arg20 : memref<128x128xf32, #tpu.memory_space<vmem>>) offsets(%arg10 : memref<128xi32, #tpu.memory_space<vmem>>) semaphore(%arg38 : memref<!tpu.dma_semaphore, #tpu.memory_space<semaphore_mem>>)
    %dma_wait3A_467 = arith.constant 0 : i32
    %dma_wait3A_468 = arith.constant 0 : i32
    %dma_wait3A_469 = tpu.memref_slice %arg2[%dma_wait3A_467, %dma_wait3A_468] : memref<10000x128xf32, #tpu.memory_space<hbm>> -> memref<10000x128xf32, #tpu.memory_space<hbm>>
    tpu.wait_indirect_dma semaphore(%arg36 : memref<!tpu.dma_semaphore, #tpu.memory_space<semaphore_mem>>) src(%dma_wait3A_469 : memref<10000x128xf32, #tpu.memory_space<hbm>>) dst(%arg18 : memref<128x128xf32, #tpu.memory_space<vmem>>)
    %dma_wait3A_470 = tpu.memref_slice %arg4[%add3A_347] : memref<320000xi32, #tpu.memory_space<hbm>> -> memref<128xi32, #tpu.memory_space<hbm>>
    %dma_wait3A_471 = tpu.memref_slice %arg4[%add3A_347] : memref<320000xi32, #tpu.memory_space<hbm>> -> memref<128xi32, #tpu.memory_space<hbm>>
    tpu.wait_dma2 semaphore(%arg30 : memref<!tpu.dma_semaphore, #tpu.memory_space<semaphore_mem>>) src(%dma_wait3A_471 : memref<128xi32, #tpu.memory_space<hbm>>) dst(%arg7 : memref<128xi32, #tpu.memory_space<vmem>>)
    %dma_start3A_472 = arith.constant 0 : i32
    %dma_start3A_473 = arith.constant 0 : i32
    %dma_start3A_474 = tpu.memref_slice %arg23[%dma_start3A_472, %dma_start3A_473] : memref<10000x128xf32, #tpu.memory_space<vmem_shared>> -> memref<10000x128xf32, #tpu.memory_space<vmem_shared>>
    tpu.enqueue_indirect_dma source(%arg18 : memref<128x128xf32, #tpu.memory_space<vmem>>) target(%dma_start3A_474 : memref<10000x128xf32, #tpu.memory_space<vmem_shared>>) offsets(%arg7 : memref<128xi32, #tpu.memory_space<vmem>>) semaphore(%arg39 : memref<!tpu.dma_semaphore, #tpu.memory_space<semaphore_mem>>) {add = true}
    %dma_wait3A_475 = arith.constant 0 : i32
    %dma_wait3A_476 = arith.constant 0 : i32
    %dma_wait3A_477 = tpu.memref_slice %arg23[%dma_wait3A_475, %dma_wait3A_476] : memref<10000x128xf32, #tpu.memory_space<vmem_shared>> -> memref<10000x128xf32, #tpu.memory_space<vmem_shared>>
    tpu.wait_indirect_dma semaphore(%arg39 : memref<!tpu.dma_semaphore, #tpu.memory_space<semaphore_mem>>) src(%arg18 : memref<128x128xf32, #tpu.memory_space<vmem>>) dst(%dma_wait3A_477 : memref<10000x128xf32, #tpu.memory_space<vmem_shared>>)
    %add3A_478 = arith.constant 3072 : i32
    %add3A_479 = arith.addi %mul3A_21, %add3A_478 : i32
    %dma_start3A_480 = tpu.memref_slice %arg3[%add3A_479] : memref<320000xi32, #tpu.memory_space<hbm>> -> memref<128xi32, #tpu.memory_space<hbm>>
    %dma_start3A_481 = tpu.memref_slice %arg3[%add3A_479] : memref<320000xi32, #tpu.memory_space<hbm>> -> memref<128xi32, #tpu.memory_space<hbm>>
    tpu.enqueue_dma source(%dma_start3A_481 : memref<128xi32, #tpu.memory_space<hbm>>) target(%arg6 : memref<128xi32, #tpu.memory_space<vmem>>) target_semaphore(%arg24 : memref<!tpu.dma_semaphore, #tpu.memory_space<semaphore_mem>>)
    %dma_start3A_482 = tpu.memref_slice %arg4[%add3A_479] : memref<320000xi32, #tpu.memory_space<hbm>> -> memref<128xi32, #tpu.memory_space<hbm>>
    %dma_start3A_483 = tpu.memref_slice %arg4[%add3A_479] : memref<320000xi32, #tpu.memory_space<hbm>> -> memref<128xi32, #tpu.memory_space<hbm>>
    tpu.enqueue_dma source(%dma_start3A_483 : memref<128xi32, #tpu.memory_space<hbm>>) target(%arg7 : memref<128xi32, #tpu.memory_space<vmem>>) target_semaphore(%arg30 : memref<!tpu.dma_semaphore, #tpu.memory_space<semaphore_mem>>)
    %dma_wait3A_484 = tpu.memref_slice %arg3[%add3A_413] : memref<320000xi32, #tpu.memory_space<hbm>> -> memref<128xi32, #tpu.memory_space<hbm>>
    %dma_wait3A_485 = tpu.memref_slice %arg3[%add3A_413] : memref<320000xi32, #tpu.memory_space<hbm>> -> memref<128xi32, #tpu.memory_space<hbm>>
    tpu.wait_dma2 semaphore(%arg27 : memref<!tpu.dma_semaphore, #tpu.memory_space<semaphore_mem>>) src(%dma_wait3A_485 : memref<128xi32, #tpu.memory_space<hbm>>) dst(%arg12 : memref<128xi32, #tpu.memory_space<vmem>>)
    %dma_start3A_486 = arith.constant 0 : i32
    %dma_start3A_487 = arith.constant 0 : i32
    %dma_start3A_488 = tpu.memref_slice %arg2[%dma_start3A_486, %dma_start3A_487] : memref<10000x128xf32, #tpu.memory_space<hbm>> -> memref<10000x128xf32, #tpu.memory_space<hbm>>
    tpu.enqueue_indirect_dma source(%dma_start3A_488 : memref<10000x128xf32, #tpu.memory_space<hbm>>) target(%arg18 : memref<128x128xf32, #tpu.memory_space<vmem>>) offsets(%arg12 : memref<128xi32, #tpu.memory_space<vmem>>) semaphore(%arg36 : memref<!tpu.dma_semaphore, #tpu.memory_space<semaphore_mem>>)
    %dma_wait3A_489 = arith.constant 0 : i32
    %dma_wait3A_490 = arith.constant 0 : i32
    %dma_wait3A_491 = tpu.memref_slice %arg2[%dma_wait3A_489, %dma_wait3A_490] : memref<10000x128xf32, #tpu.memory_space<hbm>> -> memref<10000x128xf32, #tpu.memory_space<hbm>>
    tpu.wait_indirect_dma semaphore(%arg37 : memref<!tpu.dma_semaphore, #tpu.memory_space<semaphore_mem>>) src(%dma_wait3A_491 : memref<10000x128xf32, #tpu.memory_space<hbm>>) dst(%arg19 : memref<128x128xf32, #tpu.memory_space<vmem>>)
    %dma_wait3A_492 = tpu.memref_slice %arg4[%add3A_369] : memref<320000xi32, #tpu.memory_space<hbm>> -> memref<128xi32, #tpu.memory_space<hbm>>
    %dma_wait3A_493 = tpu.memref_slice %arg4[%add3A_369] : memref<320000xi32, #tpu.memory_space<hbm>> -> memref<128xi32, #tpu.memory_space<hbm>>
    tpu.wait_dma2 semaphore(%arg31 : memref<!tpu.dma_semaphore, #tpu.memory_space<semaphore_mem>>) src(%dma_wait3A_493 : memref<128xi32, #tpu.memory_space<hbm>>) dst(%arg9 : memref<128xi32, #tpu.memory_space<vmem>>)
    %dma_start3A_494 = arith.constant 0 : i32
    %dma_start3A_495 = arith.constant 0 : i32
    %dma_start3A_496 = tpu.memref_slice %arg23[%dma_start3A_494, %dma_start3A_495] : memref<10000x128xf32, #tpu.memory_space<vmem_shared>> -> memref<10000x128xf32, #tpu.memory_space<vmem_shared>>
    tpu.enqueue_indirect_dma source(%arg19 : memref<128x128xf32, #tpu.memory_space<vmem>>) target(%dma_start3A_496 : memref<10000x128xf32, #tpu.memory_space<vmem_shared>>) offsets(%arg9 : memref<128xi32, #tpu.memory_space<vmem>>) semaphore(%arg40 : memref<!tpu.dma_semaphore, #tpu.memory_space<semaphore_mem>>) {add = true}
    %dma_wait3A_497 = arith.constant 0 : i32
    %dma_wait3A_498 = arith.constant 0 : i32
    %dma_wait3A_499 = tpu.memref_slice %arg23[%dma_wait3A_497, %dma_wait3A_498] : memref<10000x128xf32, #tpu.memory_space<vmem_shared>> -> memref<10000x128xf32, #tpu.memory_space<vmem_shared>>
    tpu.wait_indirect_dma semaphore(%arg40 : memref<!tpu.dma_semaphore, #tpu.memory_space<semaphore_mem>>) src(%arg19 : memref<128x128xf32, #tpu.memory_space<vmem>>) dst(%dma_wait3A_499 : memref<10000x128xf32, #tpu.memory_space<vmem_shared>>)
    %add3A_500 = arith.constant 3200 : i32
    %add3A_501 = arith.addi %mul3A_21, %add3A_500 : i32
    %dma_start3A_502 = tpu.memref_slice %arg3[%add3A_501] : memref<320000xi32, #tpu.memory_space<hbm>> -> memref<128xi32, #tpu.memory_space<hbm>>
    %dma_start3A_503 = tpu.memref_slice %arg3[%add3A_501] : memref<320000xi32, #tpu.memory_space<hbm>> -> memref<128xi32, #tpu.memory_space<hbm>>
    tpu.enqueue_dma source(%dma_start3A_503 : memref<128xi32, #tpu.memory_space<hbm>>) target(%arg8 : memref<128xi32, #tpu.memory_space<vmem>>) target_semaphore(%arg25 : memref<!tpu.dma_semaphore, #tpu.memory_space<semaphore_mem>>)
    %dma_start3A_504 = tpu.memref_slice %arg4[%add3A_501] : memref<320000xi32, #tpu.memory_space<hbm>> -> memref<128xi32, #tpu.memory_space<hbm>>
    %dma_start3A_505 = tpu.memref_slice %arg4[%add3A_501] : memref<320000xi32, #tpu.memory_space<hbm>> -> memref<128xi32, #tpu.memory_space<hbm>>
    tpu.enqueue_dma source(%dma_start3A_505 : memref<128xi32, #tpu.memory_space<hbm>>) target(%arg9 : memref<128xi32, #tpu.memory_space<vmem>>) target_semaphore(%arg31 : memref<!tpu.dma_semaphore, #tpu.memory_space<semaphore_mem>>)
    %dma_wait3A_506 = tpu.memref_slice %arg3[%add3A_435] : memref<320000xi32, #tpu.memory_space<hbm>> -> memref<128xi32, #tpu.memory_space<hbm>>
    %dma_wait3A_507 = tpu.memref_slice %arg3[%add3A_435] : memref<320000xi32, #tpu.memory_space<hbm>> -> memref<128xi32, #tpu.memory_space<hbm>>
    tpu.wait_dma2 semaphore(%arg28 : memref<!tpu.dma_semaphore, #tpu.memory_space<semaphore_mem>>) src(%dma_wait3A_507 : memref<128xi32, #tpu.memory_space<hbm>>) dst(%arg14 : memref<128xi32, #tpu.memory_space<vmem>>)
    %dma_start3A_508 = arith.constant 0 : i32
    %dma_start3A_509 = arith.constant 0 : i32
    %dma_start3A_510 = tpu.memref_slice %arg2[%dma_start3A_508, %dma_start3A_509] : memref<10000x128xf32, #tpu.memory_space<hbm>> -> memref<10000x128xf32, #tpu.memory_space<hbm>>
    tpu.enqueue_indirect_dma source(%dma_start3A_510 : memref<10000x128xf32, #tpu.memory_space<hbm>>) target(%arg19 : memref<128x128xf32, #tpu.memory_space<vmem>>) offsets(%arg14 : memref<128xi32, #tpu.memory_space<vmem>>) semaphore(%arg37 : memref<!tpu.dma_semaphore, #tpu.memory_space<semaphore_mem>>)
    %dma_wait3A_511 = arith.constant 0 : i32
    %dma_wait3A_512 = arith.constant 0 : i32
    %dma_wait3A_513 = tpu.memref_slice %arg2[%dma_wait3A_511, %dma_wait3A_512] : memref<10000x128xf32, #tpu.memory_space<hbm>> -> memref<10000x128xf32, #tpu.memory_space<hbm>>
    tpu.wait_indirect_dma semaphore(%arg38 : memref<!tpu.dma_semaphore, #tpu.memory_space<semaphore_mem>>) src(%dma_wait3A_513 : memref<10000x128xf32, #tpu.memory_space<hbm>>) dst(%arg20 : memref<128x128xf32, #tpu.memory_space<vmem>>)
    %dma_wait3A_514 = tpu.memref_slice %arg4[%add3A_391] : memref<320000xi32, #tpu.memory_space<hbm>> -> memref<128xi32, #tpu.memory_space<hbm>>
    %dma_wait3A_515 = tpu.memref_slice %arg4[%add3A_391] : memref<320000xi32, #tpu.memory_space<hbm>> -> memref<128xi32, #tpu.memory_space<hbm>>
    tpu.wait_dma2 semaphore(%arg32 : memref<!tpu.dma_semaphore, #tpu.memory_space<semaphore_mem>>) src(%dma_wait3A_515 : memref<128xi32, #tpu.memory_space<hbm>>) dst(%arg11 : memref<128xi32, #tpu.memory_space<vmem>>)
    %dma_start3A_516 = arith.constant 0 : i32
    %dma_start3A_517 = arith.constant 0 : i32
    %dma_start3A_518 = tpu.memref_slice %arg23[%dma_start3A_516, %dma_start3A_517] : memref<10000x128xf32, #tpu.memory_space<vmem_shared>> -> memref<10000x128xf32, #tpu.memory_space<vmem_shared>>
    tpu.enqueue_indirect_dma source(%arg20 : memref<128x128xf32, #tpu.memory_space<vmem>>) target(%dma_start3A_518 : memref<10000x128xf32, #tpu.memory_space<vmem_shared>>) offsets(%arg11 : memref<128xi32, #tpu.memory_space<vmem>>) semaphore(%arg41 : memref<!tpu.dma_semaphore, #tpu.memory_space<semaphore_mem>>) {add = true}
    %dma_wait3A_519 = arith.constant 0 : i32
    %dma_wait3A_520 = arith.constant 0 : i32
    %dma_wait3A_521 = tpu.memref_slice %arg23[%dma_wait3A_519, %dma_wait3A_520] : memref<10000x128xf32, #tpu.memory_space<vmem_shared>> -> memref<10000x128xf32, #tpu.memory_space<vmem_shared>>
    tpu.wait_indirect_dma semaphore(%arg41 : memref<!tpu.dma_semaphore, #tpu.memory_space<semaphore_mem>>) src(%arg20 : memref<128x128xf32, #tpu.memory_space<vmem>>) dst(%dma_wait3A_521 : memref<10000x128xf32, #tpu.memory_space<vmem_shared>>)
    %add3A_522 = arith.constant 3328 : i32
    %add3A_523 = arith.addi %mul3A_21, %add3A_522 : i32
    %dma_start3A_524 = tpu.memref_slice %arg3[%add3A_523] : memref<320000xi32, #tpu.memory_space<hbm>> -> memref<128xi32, #tpu.memory_space<hbm>>
    %dma_start3A_525 = tpu.memref_slice %arg3[%add3A_523] : memref<320000xi32, #tpu.memory_space<hbm>> -> memref<128xi32, #tpu.memory_space<hbm>>
    tpu.enqueue_dma source(%dma_start3A_525 : memref<128xi32, #tpu.memory_space<hbm>>) target(%arg10 : memref<128xi32, #tpu.memory_space<vmem>>) target_semaphore(%arg26 : memref<!tpu.dma_semaphore, #tpu.memory_space<semaphore_mem>>)
    %dma_start3A_526 = tpu.memref_slice %arg4[%add3A_523] : memref<320000xi32, #tpu.memory_space<hbm>> -> memref<128xi32, #tpu.memory_space<hbm>>
    %dma_start3A_527 = tpu.memref_slice %arg4[%add3A_523] : memref<320000xi32, #tpu.memory_space<hbm>> -> memref<128xi32, #tpu.memory_space<hbm>>
    tpu.enqueue_dma source(%dma_start3A_527 : memref<128xi32, #tpu.memory_space<hbm>>) target(%arg11 : memref<128xi32, #tpu.memory_space<vmem>>) target_semaphore(%arg32 : memref<!tpu.dma_semaphore, #tpu.memory_space<semaphore_mem>>)
    %dma_wait3A_528 = tpu.memref_slice %arg3[%add3A_457] : memref<320000xi32, #tpu.memory_space<hbm>> -> memref<128xi32, #tpu.memory_space<hbm>>
    %dma_wait3A_529 = tpu.memref_slice %arg3[%add3A_457] : memref<320000xi32, #tpu.memory_space<hbm>> -> memref<128xi32, #tpu.memory_space<hbm>>
    tpu.wait_dma2 semaphore(%arg29 : memref<!tpu.dma_semaphore, #tpu.memory_space<semaphore_mem>>) src(%dma_wait3A_529 : memref<128xi32, #tpu.memory_space<hbm>>) dst(%arg16 : memref<128xi32, #tpu.memory_space<vmem>>)
    %dma_start3A_530 = arith.constant 0 : i32
    %dma_start3A_531 = arith.constant 0 : i32
    %dma_start3A_532 = tpu.memref_slice %arg2[%dma_start3A_530, %dma_start3A_531] : memref<10000x128xf32, #tpu.memory_space<hbm>> -> memref<10000x128xf32, #tpu.memory_space<hbm>>
    tpu.enqueue_indirect_dma source(%dma_start3A_532 : memref<10000x128xf32, #tpu.memory_space<hbm>>) target(%arg20 : memref<128x128xf32, #tpu.memory_space<vmem>>) offsets(%arg16 : memref<128xi32, #tpu.memory_space<vmem>>) semaphore(%arg38 : memref<!tpu.dma_semaphore, #tpu.memory_space<semaphore_mem>>)
    %dma_wait3A_533 = arith.constant 0 : i32
    %dma_wait3A_534 = arith.constant 0 : i32
    %dma_wait3A_535 = tpu.memref_slice %arg2[%dma_wait3A_533, %dma_wait3A_534] : memref<10000x128xf32, #tpu.memory_space<hbm>> -> memref<10000x128xf32, #tpu.memory_space<hbm>>
    tpu.wait_indirect_dma semaphore(%arg36 : memref<!tpu.dma_semaphore, #tpu.memory_space<semaphore_mem>>) src(%dma_wait3A_535 : memref<10000x128xf32, #tpu.memory_space<hbm>>) dst(%arg18 : memref<128x128xf32, #tpu.memory_space<vmem>>)
    %dma_wait3A_536 = tpu.memref_slice %arg4[%add3A_413] : memref<320000xi32, #tpu.memory_space<hbm>> -> memref<128xi32, #tpu.memory_space<hbm>>
    %dma_wait3A_537 = tpu.memref_slice %arg4[%add3A_413] : memref<320000xi32, #tpu.memory_space<hbm>> -> memref<128xi32, #tpu.memory_space<hbm>>
    tpu.wait_dma2 semaphore(%arg33 : memref<!tpu.dma_semaphore, #tpu.memory_space<semaphore_mem>>) src(%dma_wait3A_537 : memref<128xi32, #tpu.memory_space<hbm>>) dst(%arg13 : memref<128xi32, #tpu.memory_space<vmem>>)
    %dma_start3A_538 = arith.constant 0 : i32
    %dma_start3A_539 = arith.constant 0 : i32
    %dma_start3A_540 = tpu.memref_slice %arg23[%dma_start3A_538, %dma_start3A_539] : memref<10000x128xf32, #tpu.memory_space<vmem_shared>> -> memref<10000x128xf32, #tpu.memory_space<vmem_shared>>
    tpu.enqueue_indirect_dma source(%arg18 : memref<128x128xf32, #tpu.memory_space<vmem>>) target(%dma_start3A_540 : memref<10000x128xf32, #tpu.memory_space<vmem_shared>>) offsets(%arg13 : memref<128xi32, #tpu.memory_space<vmem>>) semaphore(%arg39 : memref<!tpu.dma_semaphore, #tpu.memory_space<semaphore_mem>>) {add = true}
    %dma_wait3A_541 = arith.constant 0 : i32
    %dma_wait3A_542 = arith.constant 0 : i32
    %dma_wait3A_543 = tpu.memref_slice %arg23[%dma_wait3A_541, %dma_wait3A_542] : memref<10000x128xf32, #tpu.memory_space<vmem_shared>> -> memref<10000x128xf32, #tpu.memory_space<vmem_shared>>
    tpu.wait_indirect_dma semaphore(%arg39 : memref<!tpu.dma_semaphore, #tpu.memory_space<semaphore_mem>>) src(%arg18 : memref<128x128xf32, #tpu.memory_space<vmem>>) dst(%dma_wait3A_543 : memref<10000x128xf32, #tpu.memory_space<vmem_shared>>)
    %add3A_544 = arith.constant 3456 : i32
    %add3A_545 = arith.addi %mul3A_21, %add3A_544 : i32
    %dma_start3A_546 = tpu.memref_slice %arg3[%add3A_545] : memref<320000xi32, #tpu.memory_space<hbm>> -> memref<128xi32, #tpu.memory_space<hbm>>
    %dma_start3A_547 = tpu.memref_slice %arg3[%add3A_545] : memref<320000xi32, #tpu.memory_space<hbm>> -> memref<128xi32, #tpu.memory_space<hbm>>
    tpu.enqueue_dma source(%dma_start3A_547 : memref<128xi32, #tpu.memory_space<hbm>>) target(%arg12 : memref<128xi32, #tpu.memory_space<vmem>>) target_semaphore(%arg27 : memref<!tpu.dma_semaphore, #tpu.memory_space<semaphore_mem>>)
    %dma_start3A_548 = tpu.memref_slice %arg4[%add3A_545] : memref<320000xi32, #tpu.memory_space<hbm>> -> memref<128xi32, #tpu.memory_space<hbm>>
    %dma_start3A_549 = tpu.memref_slice %arg4[%add3A_545] : memref<320000xi32, #tpu.memory_space<hbm>> -> memref<128xi32, #tpu.memory_space<hbm>>
    tpu.enqueue_dma source(%dma_start3A_549 : memref<128xi32, #tpu.memory_space<hbm>>) target(%arg13 : memref<128xi32, #tpu.memory_space<vmem>>) target_semaphore(%arg33 : memref<!tpu.dma_semaphore, #tpu.memory_space<semaphore_mem>>)
    %dma_wait3A_550 = tpu.memref_slice %arg3[%add3A_479] : memref<320000xi32, #tpu.memory_space<hbm>> -> memref<128xi32, #tpu.memory_space<hbm>>
    %dma_wait3A_551 = tpu.memref_slice %arg3[%add3A_479] : memref<320000xi32, #tpu.memory_space<hbm>> -> memref<128xi32, #tpu.memory_space<hbm>>
    tpu.wait_dma2 semaphore(%arg24 : memref<!tpu.dma_semaphore, #tpu.memory_space<semaphore_mem>>) src(%dma_wait3A_551 : memref<128xi32, #tpu.memory_space<hbm>>) dst(%arg6 : memref<128xi32, #tpu.memory_space<vmem>>)
    %dma_start3A_552 = arith.constant 0 : i32
    %dma_start3A_553 = arith.constant 0 : i32
    %dma_start3A_554 = tpu.memref_slice %arg2[%dma_start3A_552, %dma_start3A_553] : memref<10000x128xf32, #tpu.memory_space<hbm>> -> memref<10000x128xf32, #tpu.memory_space<hbm>>
    tpu.enqueue_indirect_dma source(%dma_start3A_554 : memref<10000x128xf32, #tpu.memory_space<hbm>>) target(%arg18 : memref<128x128xf32, #tpu.memory_space<vmem>>) offsets(%arg6 : memref<128xi32, #tpu.memory_space<vmem>>) semaphore(%arg36 : memref<!tpu.dma_semaphore, #tpu.memory_space<semaphore_mem>>)
    %dma_wait3A_555 = arith.constant 0 : i32
    %dma_wait3A_556 = arith.constant 0 : i32
    %dma_wait3A_557 = tpu.memref_slice %arg2[%dma_wait3A_555, %dma_wait3A_556] : memref<10000x128xf32, #tpu.memory_space<hbm>> -> memref<10000x128xf32, #tpu.memory_space<hbm>>
    tpu.wait_indirect_dma semaphore(%arg37 : memref<!tpu.dma_semaphore, #tpu.memory_space<semaphore_mem>>) src(%dma_wait3A_557 : memref<10000x128xf32, #tpu.memory_space<hbm>>) dst(%arg19 : memref<128x128xf32, #tpu.memory_space<vmem>>)
    %dma_wait3A_558 = tpu.memref_slice %arg4[%add3A_435] : memref<320000xi32, #tpu.memory_space<hbm>> -> memref<128xi32, #tpu.memory_space<hbm>>
    %dma_wait3A_559 = tpu.memref_slice %arg4[%add3A_435] : memref<320000xi32, #tpu.memory_space<hbm>> -> memref<128xi32, #tpu.memory_space<hbm>>
    tpu.wait_dma2 semaphore(%arg34 : memref<!tpu.dma_semaphore, #tpu.memory_space<semaphore_mem>>) src(%dma_wait3A_559 : memref<128xi32, #tpu.memory_space<hbm>>) dst(%arg15 : memref<128xi32, #tpu.memory_space<vmem>>)
    %dma_start3A_560 = arith.constant 0 : i32
    %dma_start3A_561 = arith.constant 0 : i32
    %dma_start3A_562 = tpu.memref_slice %arg23[%dma_start3A_560, %dma_start3A_561] : memref<10000x128xf32, #tpu.memory_space<vmem_shared>> -> memref<10000x128xf32, #tpu.memory_space<vmem_shared>>
    tpu.enqueue_indirect_dma source(%arg19 : memref<128x128xf32, #tpu.memory_space<vmem>>) target(%dma_start3A_562 : memref<10000x128xf32, #tpu.memory_space<vmem_shared>>) offsets(%arg15 : memref<128xi32, #tpu.memory_space<vmem>>) semaphore(%arg40 : memref<!tpu.dma_semaphore, #tpu.memory_space<semaphore_mem>>) {add = true}
    %dma_wait3A_563 = arith.constant 0 : i32
    %dma_wait3A_564 = arith.constant 0 : i32
    %dma_wait3A_565 = tpu.memref_slice %arg23[%dma_wait3A_563, %dma_wait3A_564] : memref<10000x128xf32, #tpu.memory_space<vmem_shared>> -> memref<10000x128xf32, #tpu.memory_space<vmem_shared>>
    tpu.wait_indirect_dma semaphore(%arg40 : memref<!tpu.dma_semaphore, #tpu.memory_space<semaphore_mem>>) src(%arg19 : memref<128x128xf32, #tpu.memory_space<vmem>>) dst(%dma_wait3A_565 : memref<10000x128xf32, #tpu.memory_space<vmem_shared>>)
    %add3A_566 = arith.constant 3584 : i32
    %add3A_567 = arith.addi %mul3A_21, %add3A_566 : i32
    %dma_start3A_568 = tpu.memref_slice %arg3[%add3A_567] : memref<320000xi32, #tpu.memory_space<hbm>> -> memref<128xi32, #tpu.memory_space<hbm>>
    %dma_start3A_569 = tpu.memref_slice %arg3[%add3A_567] : memref<320000xi32, #tpu.memory_space<hbm>> -> memref<128xi32, #tpu.memory_space<hbm>>
    tpu.enqueue_dma source(%dma_start3A_569 : memref<128xi32, #tpu.memory_space<hbm>>) target(%arg14 : memref<128xi32, #tpu.memory_space<vmem>>) target_semaphore(%arg28 : memref<!tpu.dma_semaphore, #tpu.memory_space<semaphore_mem>>)
    %dma_start3A_570 = tpu.memref_slice %arg4[%add3A_567] : memref<320000xi32, #tpu.memory_space<hbm>> -> memref<128xi32, #tpu.memory_space<hbm>>
    %dma_start3A_571 = tpu.memref_slice %arg4[%add3A_567] : memref<320000xi32, #tpu.memory_space<hbm>> -> memref<128xi32, #tpu.memory_space<hbm>>
    tpu.enqueue_dma source(%dma_start3A_571 : memref<128xi32, #tpu.memory_space<hbm>>) target(%arg15 : memref<128xi32, #tpu.memory_space<vmem>>) target_semaphore(%arg34 : memref<!tpu.dma_semaphore, #tpu.memory_space<semaphore_mem>>)
    %dma_wait3A_572 = tpu.memref_slice %arg3[%add3A_501] : memref<320000xi32, #tpu.memory_space<hbm>> -> memref<128xi32, #tpu.memory_space<hbm>>
    %dma_wait3A_573 = tpu.memref_slice %arg3[%add3A_501] : memref<320000xi32, #tpu.memory_space<hbm>> -> memref<128xi32, #tpu.memory_space<hbm>>
    tpu.wait_dma2 semaphore(%arg25 : memref<!tpu.dma_semaphore, #tpu.memory_space<semaphore_mem>>) src(%dma_wait3A_573 : memref<128xi32, #tpu.memory_space<hbm>>) dst(%arg8 : memref<128xi32, #tpu.memory_space<vmem>>)
    %dma_start3A_574 = arith.constant 0 : i32
    %dma_start3A_575 = arith.constant 0 : i32
    %dma_start3A_576 = tpu.memref_slice %arg2[%dma_start3A_574, %dma_start3A_575] : memref<10000x128xf32, #tpu.memory_space<hbm>> -> memref<10000x128xf32, #tpu.memory_space<hbm>>
    tpu.enqueue_indirect_dma source(%dma_start3A_576 : memref<10000x128xf32, #tpu.memory_space<hbm>>) target(%arg19 : memref<128x128xf32, #tpu.memory_space<vmem>>) offsets(%arg8 : memref<128xi32, #tpu.memory_space<vmem>>) semaphore(%arg37 : memref<!tpu.dma_semaphore, #tpu.memory_space<semaphore_mem>>)
    %dma_wait3A_577 = arith.constant 0 : i32
    %dma_wait3A_578 = arith.constant 0 : i32
    %dma_wait3A_579 = tpu.memref_slice %arg2[%dma_wait3A_577, %dma_wait3A_578] : memref<10000x128xf32, #tpu.memory_space<hbm>> -> memref<10000x128xf32, #tpu.memory_space<hbm>>
    tpu.wait_indirect_dma semaphore(%arg38 : memref<!tpu.dma_semaphore, #tpu.memory_space<semaphore_mem>>) src(%dma_wait3A_579 : memref<10000x128xf32, #tpu.memory_space<hbm>>) dst(%arg20 : memref<128x128xf32, #tpu.memory_space<vmem>>)
    %dma_wait3A_580 = tpu.memref_slice %arg4[%add3A_457] : memref<320000xi32, #tpu.memory_space<hbm>> -> memref<128xi32, #tpu.memory_space<hbm>>
    %dma_wait3A_581 = tpu.memref_slice %arg4[%add3A_457] : memref<320000xi32, #tpu.memory_space<hbm>> -> memref<128xi32, #tpu.memory_space<hbm>>
    tpu.wait_dma2 semaphore(%arg35 : memref<!tpu.dma_semaphore, #tpu.memory_space<semaphore_mem>>) src(%dma_wait3A_581 : memref<128xi32, #tpu.memory_space<hbm>>) dst(%arg17 : memref<128xi32, #tpu.memory_space<vmem>>)
    %dma_start3A_582 = arith.constant 0 : i32
    %dma_start3A_583 = arith.constant 0 : i32
    %dma_start3A_584 = tpu.memref_slice %arg23[%dma_start3A_582, %dma_start3A_583] : memref<10000x128xf32, #tpu.memory_space<vmem_shared>> -> memref<10000x128xf32, #tpu.memory_space<vmem_shared>>
    tpu.enqueue_indirect_dma source(%arg20 : memref<128x128xf32, #tpu.memory_space<vmem>>) target(%dma_start3A_584 : memref<10000x128xf32, #tpu.memory_space<vmem_shared>>) offsets(%arg17 : memref<128xi32, #tpu.memory_space<vmem>>) semaphore(%arg41 : memref<!tpu.dma_semaphore, #tpu.memory_space<semaphore_mem>>) {add = true}
    %dma_wait3A_585 = arith.constant 0 : i32
    %dma_wait3A_586 = arith.constant 0 : i32
    %dma_wait3A_587 = tpu.memref_slice %arg23[%dma_wait3A_585, %dma_wait3A_586] : memref<10000x128xf32, #tpu.memory_space<vmem_shared>> -> memref<10000x128xf32, #tpu.memory_space<vmem_shared>>
    tpu.wait_indirect_dma semaphore(%arg41 : memref<!tpu.dma_semaphore, #tpu.memory_space<semaphore_mem>>) src(%arg20 : memref<128x128xf32, #tpu.memory_space<vmem>>) dst(%dma_wait3A_587 : memref<10000x128xf32, #tpu.memory_space<vmem_shared>>)
    %add3A_588 = arith.constant 3712 : i32
    %add3A_589 = arith.addi %mul3A_21, %add3A_588 : i32
    %dma_start3A_590 = tpu.memref_slice %arg3[%add3A_589] : memref<320000xi32, #tpu.memory_space<hbm>> -> memref<128xi32, #tpu.memory_space<hbm>>
    %dma_start3A_591 = tpu.memref_slice %arg3[%add3A_589] : memref<320000xi32, #tpu.memory_space<hbm>> -> memref<128xi32, #tpu.memory_space<hbm>>
    tpu.enqueue_dma source(%dma_start3A_591 : memref<128xi32, #tpu.memory_space<hbm>>) target(%arg16 : memref<128xi32, #tpu.memory_space<vmem>>) target_semaphore(%arg29 : memref<!tpu.dma_semaphore, #tpu.memory_space<semaphore_mem>>)
    %dma_start3A_592 = tpu.memref_slice %arg4[%add3A_589] : memref<320000xi32, #tpu.memory_space<hbm>> -> memref<128xi32, #tpu.memory_space<hbm>>
    %dma_start3A_593 = tpu.memref_slice %arg4[%add3A_589] : memref<320000xi32, #tpu.memory_space<hbm>> -> memref<128xi32, #tpu.memory_space<hbm>>
    tpu.enqueue_dma source(%dma_start3A_593 : memref<128xi32, #tpu.memory_space<hbm>>) target(%arg17 : memref<128xi32, #tpu.memory_space<vmem>>) target_semaphore(%arg35 : memref<!tpu.dma_semaphore, #tpu.memory_space<semaphore_mem>>)
    %dma_wait3A_594 = tpu.memref_slice %arg3[%add3A_523] : memref<320000xi32, #tpu.memory_space<hbm>> -> memref<128xi32, #tpu.memory_space<hbm>>
    %dma_wait3A_595 = tpu.memref_slice %arg3[%add3A_523] : memref<320000xi32, #tpu.memory_space<hbm>> -> memref<128xi32, #tpu.memory_space<hbm>>
    tpu.wait_dma2 semaphore(%arg26 : memref<!tpu.dma_semaphore, #tpu.memory_space<semaphore_mem>>) src(%dma_wait3A_595 : memref<128xi32, #tpu.memory_space<hbm>>) dst(%arg10 : memref<128xi32, #tpu.memory_space<vmem>>)
    %dma_start3A_596 = arith.constant 0 : i32
    %dma_start3A_597 = arith.constant 0 : i32
    %dma_start3A_598 = tpu.memref_slice %arg2[%dma_start3A_596, %dma_start3A_597] : memref<10000x128xf32, #tpu.memory_space<hbm>> -> memref<10000x128xf32, #tpu.memory_space<hbm>>
    tpu.enqueue_indirect_dma source(%dma_start3A_598 : memref<10000x128xf32, #tpu.memory_space<hbm>>) target(%arg20 : memref<128x128xf32, #tpu.memory_space<vmem>>) offsets(%arg10 : memref<128xi32, #tpu.memory_space<vmem>>) semaphore(%arg38 : memref<!tpu.dma_semaphore, #tpu.memory_space<semaphore_mem>>)
    %dma_wait3A_599 = arith.constant 0 : i32
    %dma_wait3A_600 = arith.constant 0 : i32
    %dma_wait3A_601 = tpu.memref_slice %arg2[%dma_wait3A_599, %dma_wait3A_600] : memref<10000x128xf32, #tpu.memory_space<hbm>> -> memref<10000x128xf32, #tpu.memory_space<hbm>>
    tpu.wait_indirect_dma semaphore(%arg36 : memref<!tpu.dma_semaphore, #tpu.memory_space<semaphore_mem>>) src(%dma_wait3A_601 : memref<10000x128xf32, #tpu.memory_space<hbm>>) dst(%arg18 : memref<128x128xf32, #tpu.memory_space<vmem>>)
    %dma_wait3A_602 = tpu.memref_slice %arg4[%add3A_479] : memref<320000xi32, #tpu.memory_space<hbm>> -> memref<128xi32, #tpu.memory_space<hbm>>
    %dma_wait3A_603 = tpu.memref_slice %arg4[%add3A_479] : memref<320000xi32, #tpu.memory_space<hbm>> -> memref<128xi32, #tpu.memory_space<hbm>>
    tpu.wait_dma2 semaphore(%arg30 : memref<!tpu.dma_semaphore, #tpu.memory_space<semaphore_mem>>) src(%dma_wait3A_603 : memref<128xi32, #tpu.memory_space<hbm>>) dst(%arg7 : memref<128xi32, #tpu.memory_space<vmem>>)
    %dma_start3A_604 = arith.constant 0 : i32
    %dma_start3A_605 = arith.constant 0 : i32
    %dma_start3A_606 = tpu.memref_slice %arg23[%dma_start3A_604, %dma_start3A_605] : memref<10000x128xf32, #tpu.memory_space<vmem_shared>> -> memref<10000x128xf32, #tpu.memory_space<vmem_shared>>
    tpu.enqueue_indirect_dma source(%arg18 : memref<128x128xf32, #tpu.memory_space<vmem>>) target(%dma_start3A_606 : memref<10000x128xf32, #tpu.memory_space<vmem_shared>>) offsets(%arg7 : memref<128xi32, #tpu.memory_space<vmem>>) semaphore(%arg39 : memref<!tpu.dma_semaphore, #tpu.memory_space<semaphore_mem>>) {add = true}
    %dma_wait3A_607 = arith.constant 0 : i32
    %dma_wait3A_608 = arith.constant 0 : i32
    %dma_wait3A_609 = tpu.memref_slice %arg23[%dma_wait3A_607, %dma_wait3A_608] : memref<10000x128xf32, #tpu.memory_space<vmem_shared>> -> memref<10000x128xf32, #tpu.memory_space<vmem_shared>>
    tpu.wait_indirect_dma semaphore(%arg39 : memref<!tpu.dma_semaphore, #tpu.memory_space<semaphore_mem>>) src(%arg18 : memref<128x128xf32, #tpu.memory_space<vmem>>) dst(%dma_wait3A_609 : memref<10000x128xf32, #tpu.memory_space<vmem_shared>>)
    %add3A_610 = arith.constant 3840 : i32
    %add3A_611 = arith.addi %mul3A_21, %add3A_610 : i32
    %dma_start3A_612 = tpu.memref_slice %arg3[%add3A_611] : memref<320000xi32, #tpu.memory_space<hbm>> -> memref<128xi32, #tpu.memory_space<hbm>>
    %dma_start3A_613 = tpu.memref_slice %arg3[%add3A_611] : memref<320000xi32, #tpu.memory_space<hbm>> -> memref<128xi32, #tpu.memory_space<hbm>>
    tpu.enqueue_dma source(%dma_start3A_613 : memref<128xi32, #tpu.memory_space<hbm>>) target(%arg6 : memref<128xi32, #tpu.memory_space<vmem>>) target_semaphore(%arg24 : memref<!tpu.dma_semaphore, #tpu.memory_space<semaphore_mem>>)
    %dma_start3A_614 = tpu.memref_slice %arg4[%add3A_611] : memref<320000xi32, #tpu.memory_space<hbm>> -> memref<128xi32, #tpu.memory_space<hbm>>
    %dma_start3A_615 = tpu.memref_slice %arg4[%add3A_611] : memref<320000xi32, #tpu.memory_space<hbm>> -> memref<128xi32, #tpu.memory_space<hbm>>
    tpu.enqueue_dma source(%dma_start3A_615 : memref<128xi32, #tpu.memory_space<hbm>>) target(%arg7 : memref<128xi32, #tpu.memory_space<vmem>>) target_semaphore(%arg30 : memref<!tpu.dma_semaphore, #tpu.memory_space<semaphore_mem>>)
    %dma_wait3A_616 = tpu.memref_slice %arg3[%add3A_545] : memref<320000xi32, #tpu.memory_space<hbm>> -> memref<128xi32, #tpu.memory_space<hbm>>
    %dma_wait3A_617 = tpu.memref_slice %arg3[%add3A_545] : memref<320000xi32, #tpu.memory_space<hbm>> -> memref<128xi32, #tpu.memory_space<hbm>>
    tpu.wait_dma2 semaphore(%arg27 : memref<!tpu.dma_semaphore, #tpu.memory_space<semaphore_mem>>) src(%dma_wait3A_617 : memref<128xi32, #tpu.memory_space<hbm>>) dst(%arg12 : memref<128xi32, #tpu.memory_space<vmem>>)
    %dma_start3A_618 = arith.constant 0 : i32
    %dma_start3A_619 = arith.constant 0 : i32
    %dma_start3A_620 = tpu.memref_slice %arg2[%dma_start3A_618, %dma_start3A_619] : memref<10000x128xf32, #tpu.memory_space<hbm>> -> memref<10000x128xf32, #tpu.memory_space<hbm>>
    tpu.enqueue_indirect_dma source(%dma_start3A_620 : memref<10000x128xf32, #tpu.memory_space<hbm>>) target(%arg18 : memref<128x128xf32, #tpu.memory_space<vmem>>) offsets(%arg12 : memref<128xi32, #tpu.memory_space<vmem>>) semaphore(%arg36 : memref<!tpu.dma_semaphore, #tpu.memory_space<semaphore_mem>>)
    %dma_wait3A_621 = arith.constant 0 : i32
    %dma_wait3A_622 = arith.constant 0 : i32
    %dma_wait3A_623 = tpu.memref_slice %arg2[%dma_wait3A_621, %dma_wait3A_622] : memref<10000x128xf32, #tpu.memory_space<hbm>> -> memref<10000x128xf32, #tpu.memory_space<hbm>>
    tpu.wait_indirect_dma semaphore(%arg37 : memref<!tpu.dma_semaphore, #tpu.memory_space<semaphore_mem>>) src(%dma_wait3A_623 : memref<10000x128xf32, #tpu.memory_space<hbm>>) dst(%arg19 : memref<128x128xf32, #tpu.memory_space<vmem>>)
    %dma_wait3A_624 = tpu.memref_slice %arg4[%add3A_501] : memref<320000xi32, #tpu.memory_space<hbm>> -> memref<128xi32, #tpu.memory_space<hbm>>
    %dma_wait3A_625 = tpu.memref_slice %arg4[%add3A_501] : memref<320000xi32, #tpu.memory_space<hbm>> -> memref<128xi32, #tpu.memory_space<hbm>>
    tpu.wait_dma2 semaphore(%arg31 : memref<!tpu.dma_semaphore, #tpu.memory_space<semaphore_mem>>) src(%dma_wait3A_625 : memref<128xi32, #tpu.memory_space<hbm>>) dst(%arg9 : memref<128xi32, #tpu.memory_space<vmem>>)
    %dma_start3A_626 = arith.constant 0 : i32
    %dma_start3A_627 = arith.constant 0 : i32
    %dma_start3A_628 = tpu.memref_slice %arg23[%dma_start3A_626, %dma_start3A_627] : memref<10000x128xf32, #tpu.memory_space<vmem_shared>> -> memref<10000x128xf32, #tpu.memory_space<vmem_shared>>
    tpu.enqueue_indirect_dma source(%arg19 : memref<128x128xf32, #tpu.memory_space<vmem>>) target(%dma_start3A_628 : memref<10000x128xf32, #tpu.memory_space<vmem_shared>>) offsets(%arg9 : memref<128xi32, #tpu.memory_space<vmem>>) semaphore(%arg40 : memref<!tpu.dma_semaphore, #tpu.memory_space<semaphore_mem>>) {add = true}
    %dma_wait3A_629 = arith.constant 0 : i32
    %dma_wait3A_630 = arith.constant 0 : i32
    %dma_wait3A_631 = tpu.memref_slice %arg23[%dma_wait3A_629, %dma_wait3A_630] : memref<10000x128xf32, #tpu.memory_space<vmem_shared>> -> memref<10000x128xf32, #tpu.memory_space<vmem_shared>>
    tpu.wait_indirect_dma semaphore(%arg40 : memref<!tpu.dma_semaphore, #tpu.memory_space<semaphore_mem>>) src(%arg19 : memref<128x128xf32, #tpu.memory_space<vmem>>) dst(%dma_wait3A_631 : memref<10000x128xf32, #tpu.memory_space<vmem_shared>>)
    %add3A_632 = arith.constant 3968 : i32
    %add3A_633 = arith.addi %mul3A_21, %add3A_632 : i32
    %dma_start3A_634 = tpu.memref_slice %arg3[%add3A_633] : memref<320000xi32, #tpu.memory_space<hbm>> -> memref<128xi32, #tpu.memory_space<hbm>>
    %dma_start3A_635 = tpu.memref_slice %arg3[%add3A_633] : memref<320000xi32, #tpu.memory_space<hbm>> -> memref<128xi32, #tpu.memory_space<hbm>>
    tpu.enqueue_dma source(%dma_start3A_635 : memref<128xi32, #tpu.memory_space<hbm>>) target(%arg8 : memref<128xi32, #tpu.memory_space<vmem>>) target_semaphore(%arg25 : memref<!tpu.dma_semaphore, #tpu.memory_space<semaphore_mem>>)
    %dma_start3A_636 = tpu.memref_slice %arg4[%add3A_633] : memref<320000xi32, #tpu.memory_space<hbm>> -> memref<128xi32, #tpu.memory_space<hbm>>
    %dma_start3A_637 = tpu.memref_slice %arg4[%add3A_633] : memref<320000xi32, #tpu.memory_space<hbm>> -> memref<128xi32, #tpu.memory_space<hbm>>
    tpu.enqueue_dma source(%dma_start3A_637 : memref<128xi32, #tpu.memory_space<hbm>>) target(%arg9 : memref<128xi32, #tpu.memory_space<vmem>>) target_semaphore(%arg31 : memref<!tpu.dma_semaphore, #tpu.memory_space<semaphore_mem>>)
    %dma_wait3A_638 = tpu.memref_slice %arg3[%add3A_567] : memref<320000xi32, #tpu.memory_space<hbm>> -> memref<128xi32, #tpu.memory_space<hbm>>
    %dma_wait3A_639 = tpu.memref_slice %arg3[%add3A_567] : memref<320000xi32, #tpu.memory_space<hbm>> -> memref<128xi32, #tpu.memory_space<hbm>>
    tpu.wait_dma2 semaphore(%arg28 : memref<!tpu.dma_semaphore, #tpu.memory_space<semaphore_mem>>) src(%dma_wait3A_639 : memref<128xi32, #tpu.memory_space<hbm>>) dst(%arg14 : memref<128xi32, #tpu.memory_space<vmem>>)
    %dma_start3A_640 = arith.constant 0 : i32
    %dma_start3A_641 = arith.constant 0 : i32
    %dma_start3A_642 = tpu.memref_slice %arg2[%dma_start3A_640, %dma_start3A_641] : memref<10000x128xf32, #tpu.memory_space<hbm>> -> memref<10000x128xf32, #tpu.memory_space<hbm>>
    tpu.enqueue_indirect_dma source(%dma_start3A_642 : memref<10000x128xf32, #tpu.memory_space<hbm>>) target(%arg19 : memref<128x128xf32, #tpu.memory_space<vmem>>) offsets(%arg14 : memref<128xi32, #tpu.memory_space<vmem>>) semaphore(%arg37 : memref<!tpu.dma_semaphore, #tpu.memory_space<semaphore_mem>>)
    %dma_wait3A_643 = arith.constant 0 : i32
    %dma_wait3A_644 = arith.constant 0 : i32
    %dma_wait3A_645 = tpu.memref_slice %arg2[%dma_wait3A_643, %dma_wait3A_644] : memref<10000x128xf32, #tpu.memory_space<hbm>> -> memref<10000x128xf32, #tpu.memory_space<hbm>>
    tpu.wait_indirect_dma semaphore(%arg38 : memref<!tpu.dma_semaphore, #tpu.memory_space<semaphore_mem>>) src(%dma_wait3A_645 : memref<10000x128xf32, #tpu.memory_space<hbm>>) dst(%arg20 : memref<128x128xf32, #tpu.memory_space<vmem>>)
    %dma_wait3A_646 = tpu.memref_slice %arg4[%add3A_523] : memref<320000xi32, #tpu.memory_space<hbm>> -> memref<128xi32, #tpu.memory_space<hbm>>
    %dma_wait3A_647 = tpu.memref_slice %arg4[%add3A_523] : memref<320000xi32, #tpu.memory_space<hbm>> -> memref<128xi32, #tpu.memory_space<hbm>>
    tpu.wait_dma2 semaphore(%arg32 : memref<!tpu.dma_semaphore, #tpu.memory_space<semaphore_mem>>) src(%dma_wait3A_647 : memref<128xi32, #tpu.memory_space<hbm>>) dst(%arg11 : memref<128xi32, #tpu.memory_space<vmem>>)
    %dma_start3A_648 = arith.constant 0 : i32
    %dma_start3A_649 = arith.constant 0 : i32
    %dma_start3A_650 = tpu.memref_slice %arg23[%dma_start3A_648, %dma_start3A_649] : memref<10000x128xf32, #tpu.memory_space<vmem_shared>> -> memref<10000x128xf32, #tpu.memory_space<vmem_shared>>
    tpu.enqueue_indirect_dma source(%arg20 : memref<128x128xf32, #tpu.memory_space<vmem>>) target(%dma_start3A_650 : memref<10000x128xf32, #tpu.memory_space<vmem_shared>>) offsets(%arg11 : memref<128xi32, #tpu.memory_space<vmem>>) semaphore(%arg41 : memref<!tpu.dma_semaphore, #tpu.memory_space<semaphore_mem>>) {add = true}
    %dma_wait3A_651 = arith.constant 0 : i32
    %dma_wait3A_652 = arith.constant 0 : i32
    %dma_wait3A_653 = tpu.memref_slice %arg23[%dma_wait3A_651, %dma_wait3A_652] : memref<10000x128xf32, #tpu.memory_space<vmem_shared>> -> memref<10000x128xf32, #tpu.memory_space<vmem_shared>>
    tpu.wait_indirect_dma semaphore(%arg41 : memref<!tpu.dma_semaphore, #tpu.memory_space<semaphore_mem>>) src(%arg20 : memref<128x128xf32, #tpu.memory_space<vmem>>) dst(%dma_wait3A_653 : memref<10000x128xf32, #tpu.memory_space<vmem_shared>>)
    %add3A_654 = arith.constant 4096 : i32
    %add3A_655 = arith.addi %mul3A_21, %add3A_654 : i32
    %dma_start3A_656 = tpu.memref_slice %arg3[%add3A_655] : memref<320000xi32, #tpu.memory_space<hbm>> -> memref<128xi32, #tpu.memory_space<hbm>>
    %dma_start3A_657 = tpu.memref_slice %arg3[%add3A_655] : memref<320000xi32, #tpu.memory_space<hbm>> -> memref<128xi32, #tpu.memory_space<hbm>>
    tpu.enqueue_dma source(%dma_start3A_657 : memref<128xi32, #tpu.memory_space<hbm>>) target(%arg10 : memref<128xi32, #tpu.memory_space<vmem>>) target_semaphore(%arg26 : memref<!tpu.dma_semaphore, #tpu.memory_space<semaphore_mem>>)
    %dma_start3A_658 = tpu.memref_slice %arg4[%add3A_655] : memref<320000xi32, #tpu.memory_space<hbm>> -> memref<128xi32, #tpu.memory_space<hbm>>
    %dma_start3A_659 = tpu.memref_slice %arg4[%add3A_655] : memref<320000xi32, #tpu.memory_space<hbm>> -> memref<128xi32, #tpu.memory_space<hbm>>
    tpu.enqueue_dma source(%dma_start3A_659 : memref<128xi32, #tpu.memory_space<hbm>>) target(%arg11 : memref<128xi32, #tpu.memory_space<vmem>>) target_semaphore(%arg32 : memref<!tpu.dma_semaphore, #tpu.memory_space<semaphore_mem>>)
    %dma_wait3A_660 = tpu.memref_slice %arg3[%add3A_589] : memref<320000xi32, #tpu.memory_space<hbm>> -> memref<128xi32, #tpu.memory_space<hbm>>
    %dma_wait3A_661 = tpu.memref_slice %arg3[%add3A_589] : memref<320000xi32, #tpu.memory_space<hbm>> -> memref<128xi32, #tpu.memory_space<hbm>>
    tpu.wait_dma2 semaphore(%arg29 : memref<!tpu.dma_semaphore, #tpu.memory_space<semaphore_mem>>) src(%dma_wait3A_661 : memref<128xi32, #tpu.memory_space<hbm>>) dst(%arg16 : memref<128xi32, #tpu.memory_space<vmem>>)
    %dma_start3A_662 = arith.constant 0 : i32
    %dma_start3A_663 = arith.constant 0 : i32
    %dma_start3A_664 = tpu.memref_slice %arg2[%dma_start3A_662, %dma_start3A_663] : memref<10000x128xf32, #tpu.memory_space<hbm>> -> memref<10000x128xf32, #tpu.memory_space<hbm>>
    tpu.enqueue_indirect_dma source(%dma_start3A_664 : memref<10000x128xf32, #tpu.memory_space<hbm>>) target(%arg20 : memref<128x128xf32, #tpu.memory_space<vmem>>) offsets(%arg16 : memref<128xi32, #tpu.memory_space<vmem>>) semaphore(%arg38 : memref<!tpu.dma_semaphore, #tpu.memory_space<semaphore_mem>>)
    %dma_wait3A_665 = arith.constant 0 : i32
    %dma_wait3A_666 = arith.constant 0 : i32
    %dma_wait3A_667 = tpu.memref_slice %arg2[%dma_wait3A_665, %dma_wait3A_666] : memref<10000x128xf32, #tpu.memory_space<hbm>> -> memref<10000x128xf32, #tpu.memory_space<hbm>>
    tpu.wait_indirect_dma semaphore(%arg36 : memref<!tpu.dma_semaphore, #tpu.memory_space<semaphore_mem>>) src(%dma_wait3A_667 : memref<10000x128xf32, #tpu.memory_space<hbm>>) dst(%arg18 : memref<128x128xf32, #tpu.memory_space<vmem>>)
    %dma_wait3A_668 = tpu.memref_slice %arg4[%add3A_545] : memref<320000xi32, #tpu.memory_space<hbm>> -> memref<128xi32, #tpu.memory_space<hbm>>
    %dma_wait3A_669 = tpu.memref_slice %arg4[%add3A_545] : memref<320000xi32, #tpu.memory_space<hbm>> -> memref<128xi32, #tpu.memory_space<hbm>>
    tpu.wait_dma2 semaphore(%arg33 : memref<!tpu.dma_semaphore, #tpu.memory_space<semaphore_mem>>) src(%dma_wait3A_669 : memref<128xi32, #tpu.memory_space<hbm>>) dst(%arg13 : memref<128xi32, #tpu.memory_space<vmem>>)
    %dma_start3A_670 = arith.constant 0 : i32
    %dma_start3A_671 = arith.constant 0 : i32
    %dma_start3A_672 = tpu.memref_slice %arg23[%dma_start3A_670, %dma_start3A_671] : memref<10000x128xf32, #tpu.memory_space<vmem_shared>> -> memref<10000x128xf32, #tpu.memory_space<vmem_shared>>
    tpu.enqueue_indirect_dma source(%arg18 : memref<128x128xf32, #tpu.memory_space<vmem>>) target(%dma_start3A_672 : memref<10000x128xf32, #tpu.memory_space<vmem_shared>>) offsets(%arg13 : memref<128xi32, #tpu.memory_space<vmem>>) semaphore(%arg39 : memref<!tpu.dma_semaphore, #tpu.memory_space<semaphore_mem>>) {add = true}
    %dma_wait3A_673 = arith.constant 0 : i32
    %dma_wait3A_674 = arith.constant 0 : i32
    %dma_wait3A_675 = tpu.memref_slice %arg23[%dma_wait3A_673, %dma_wait3A_674] : memref<10000x128xf32, #tpu.memory_space<vmem_shared>> -> memref<10000x128xf32, #tpu.memory_space<vmem_shared>>
    tpu.wait_indirect_dma semaphore(%arg39 : memref<!tpu.dma_semaphore, #tpu.memory_space<semaphore_mem>>) src(%arg18 : memref<128x128xf32, #tpu.memory_space<vmem>>) dst(%dma_wait3A_675 : memref<10000x128xf32, #tpu.memory_space<vmem_shared>>)
    %add3A_676 = arith.constant 4224 : i32
    %add3A_677 = arith.addi %mul3A_21, %add3A_676 : i32
    %dma_start3A_678 = tpu.memref_slice %arg3[%add3A_677] : memref<320000xi32, #tpu.memory_space<hbm>> -> memref<128xi32, #tpu.memory_space<hbm>>
    %dma_start3A_679 = tpu.memref_slice %arg3[%add3A_677] : memref<320000xi32, #tpu.memory_space<hbm>> -> memref<128xi32, #tpu.memory_space<hbm>>
    tpu.enqueue_dma source(%dma_start3A_679 : memref<128xi32, #tpu.memory_space<hbm>>) target(%arg12 : memref<128xi32, #tpu.memory_space<vmem>>) target_semaphore(%arg27 : memref<!tpu.dma_semaphore, #tpu.memory_space<semaphore_mem>>)
    %dma_start3A_680 = tpu.memref_slice %arg4[%add3A_677] : memref<320000xi32, #tpu.memory_space<hbm>> -> memref<128xi32, #tpu.memory_space<hbm>>
    %dma_start3A_681 = tpu.memref_slice %arg4[%add3A_677] : memref<320000xi32, #tpu.memory_space<hbm>> -> memref<128xi32, #tpu.memory_space<hbm>>
    tpu.enqueue_dma source(%dma_start3A_681 : memref<128xi32, #tpu.memory_space<hbm>>) target(%arg13 : memref<128xi32, #tpu.memory_space<vmem>>) target_semaphore(%arg33 : memref<!tpu.dma_semaphore, #tpu.memory_space<semaphore_mem>>)
    %dma_wait3A_682 = tpu.memref_slice %arg3[%add3A_611] : memref<320000xi32, #tpu.memory_space<hbm>> -> memref<128xi32, #tpu.memory_space<hbm>>
    %dma_wait3A_683 = tpu.memref_slice %arg3[%add3A_611] : memref<320000xi32, #tpu.memory_space<hbm>> -> memref<128xi32, #tpu.memory_space<hbm>>
    tpu.wait_dma2 semaphore(%arg24 : memref<!tpu.dma_semaphore, #tpu.memory_space<semaphore_mem>>) src(%dma_wait3A_683 : memref<128xi32, #tpu.memory_space<hbm>>) dst(%arg6 : memref<128xi32, #tpu.memory_space<vmem>>)
    %dma_start3A_684 = arith.constant 0 : i32
    %dma_start3A_685 = arith.constant 0 : i32
    %dma_start3A_686 = tpu.memref_slice %arg2[%dma_start3A_684, %dma_start3A_685] : memref<10000x128xf32, #tpu.memory_space<hbm>> -> memref<10000x128xf32, #tpu.memory_space<hbm>>
    tpu.enqueue_indirect_dma source(%dma_start3A_686 : memref<10000x128xf32, #tpu.memory_space<hbm>>) target(%arg18 : memref<128x128xf32, #tpu.memory_space<vmem>>) offsets(%arg6 : memref<128xi32, #tpu.memory_space<vmem>>) semaphore(%arg36 : memref<!tpu.dma_semaphore, #tpu.memory_space<semaphore_mem>>)
    %dma_wait3A_687 = arith.constant 0 : i32
    %dma_wait3A_688 = arith.constant 0 : i32
    %dma_wait3A_689 = tpu.memref_slice %arg2[%dma_wait3A_687, %dma_wait3A_688] : memref<10000x128xf32, #tpu.memory_space<hbm>> -> memref<10000x128xf32, #tpu.memory_space<hbm>>
    tpu.wait_indirect_dma semaphore(%arg37 : memref<!tpu.dma_semaphore, #tpu.memory_space<semaphore_mem>>) src(%dma_wait3A_689 : memref<10000x128xf32, #tpu.memory_space<hbm>>) dst(%arg19 : memref<128x128xf32, #tpu.memory_space<vmem>>)
    %dma_wait3A_690 = tpu.memref_slice %arg4[%add3A_567] : memref<320000xi32, #tpu.memory_space<hbm>> -> memref<128xi32, #tpu.memory_space<hbm>>
    %dma_wait3A_691 = tpu.memref_slice %arg4[%add3A_567] : memref<320000xi32, #tpu.memory_space<hbm>> -> memref<128xi32, #tpu.memory_space<hbm>>
    tpu.wait_dma2 semaphore(%arg34 : memref<!tpu.dma_semaphore, #tpu.memory_space<semaphore_mem>>) src(%dma_wait3A_691 : memref<128xi32, #tpu.memory_space<hbm>>) dst(%arg15 : memref<128xi32, #tpu.memory_space<vmem>>)
    %dma_start3A_692 = arith.constant 0 : i32
    %dma_start3A_693 = arith.constant 0 : i32
    %dma_start3A_694 = tpu.memref_slice %arg23[%dma_start3A_692, %dma_start3A_693] : memref<10000x128xf32, #tpu.memory_space<vmem_shared>> -> memref<10000x128xf32, #tpu.memory_space<vmem_shared>>
    tpu.enqueue_indirect_dma source(%arg19 : memref<128x128xf32, #tpu.memory_space<vmem>>) target(%dma_start3A_694 : memref<10000x128xf32, #tpu.memory_space<vmem_shared>>) offsets(%arg15 : memref<128xi32, #tpu.memory_space<vmem>>) semaphore(%arg40 : memref<!tpu.dma_semaphore, #tpu.memory_space<semaphore_mem>>) {add = true}
    %dma_wait3A_695 = arith.constant 0 : i32
    %dma_wait3A_696 = arith.constant 0 : i32
    %dma_wait3A_697 = tpu.memref_slice %arg23[%dma_wait3A_695, %dma_wait3A_696] : memref<10000x128xf32, #tpu.memory_space<vmem_shared>> -> memref<10000x128xf32, #tpu.memory_space<vmem_shared>>
    tpu.wait_indirect_dma semaphore(%arg40 : memref<!tpu.dma_semaphore, #tpu.memory_space<semaphore_mem>>) src(%arg19 : memref<128x128xf32, #tpu.memory_space<vmem>>) dst(%dma_wait3A_697 : memref<10000x128xf32, #tpu.memory_space<vmem_shared>>)
    %add3A_698 = arith.constant 4352 : i32
    %add3A_699 = arith.addi %mul3A_21, %add3A_698 : i32
    %dma_start3A_700 = tpu.memref_slice %arg3[%add3A_699] : memref<320000xi32, #tpu.memory_space<hbm>> -> memref<128xi32, #tpu.memory_space<hbm>>
    %dma_start3A_701 = tpu.memref_slice %arg3[%add3A_699] : memref<320000xi32, #tpu.memory_space<hbm>> -> memref<128xi32, #tpu.memory_space<hbm>>
    tpu.enqueue_dma source(%dma_start3A_701 : memref<128xi32, #tpu.memory_space<hbm>>) target(%arg14 : memref<128xi32, #tpu.memory_space<vmem>>) target_semaphore(%arg28 : memref<!tpu.dma_semaphore, #tpu.memory_space<semaphore_mem>>)
    %dma_start3A_702 = tpu.memref_slice %arg4[%add3A_699] : memref<320000xi32, #tpu.memory_space<hbm>> -> memref<128xi32, #tpu.memory_space<hbm>>
    %dma_start3A_703 = tpu.memref_slice %arg4[%add3A_699] : memref<320000xi32, #tpu.memory_space<hbm>> -> memref<128xi32, #tpu.memory_space<hbm>>
    tpu.enqueue_dma source(%dma_start3A_703 : memref<128xi32, #tpu.memory_space<hbm>>) target(%arg15 : memref<128xi32, #tpu.memory_space<vmem>>) target_semaphore(%arg34 : memref<!tpu.dma_semaphore, #tpu.memory_space<semaphore_mem>>)
    %dma_wait3A_704 = tpu.memref_slice %arg3[%add3A_633] : memref<320000xi32, #tpu.memory_space<hbm>> -> memref<128xi32, #tpu.memory_space<hbm>>
    %dma_wait3A_705 = tpu.memref_slice %arg3[%add3A_633] : memref<320000xi32, #tpu.memory_space<hbm>> -> memref<128xi32, #tpu.memory_space<hbm>>
    tpu.wait_dma2 semaphore(%arg25 : memref<!tpu.dma_semaphore, #tpu.memory_space<semaphore_mem>>) src(%dma_wait3A_705 : memref<128xi32, #tpu.memory_space<hbm>>) dst(%arg8 : memref<128xi32, #tpu.memory_space<vmem>>)
    %dma_start3A_706 = arith.constant 0 : i32
    %dma_start3A_707 = arith.constant 0 : i32
    %dma_start3A_708 = tpu.memref_slice %arg2[%dma_start3A_706, %dma_start3A_707] : memref<10000x128xf32, #tpu.memory_space<hbm>> -> memref<10000x128xf32, #tpu.memory_space<hbm>>
    tpu.enqueue_indirect_dma source(%dma_start3A_708 : memref<10000x128xf32, #tpu.memory_space<hbm>>) target(%arg19 : memref<128x128xf32, #tpu.memory_space<vmem>>) offsets(%arg8 : memref<128xi32, #tpu.memory_space<vmem>>) semaphore(%arg37 : memref<!tpu.dma_semaphore, #tpu.memory_space<semaphore_mem>>)
    %dma_wait3A_709 = arith.constant 0 : i32
    %dma_wait3A_710 = arith.constant 0 : i32
    %dma_wait3A_711 = tpu.memref_slice %arg2[%dma_wait3A_709, %dma_wait3A_710] : memref<10000x128xf32, #tpu.memory_space<hbm>> -> memref<10000x128xf32, #tpu.memory_space<hbm>>
    tpu.wait_indirect_dma semaphore(%arg38 : memref<!tpu.dma_semaphore, #tpu.memory_space<semaphore_mem>>) src(%dma_wait3A_711 : memref<10000x128xf32, #tpu.memory_space<hbm>>) dst(%arg20 : memref<128x128xf32, #tpu.memory_space<vmem>>)
    %dma_wait3A_712 = tpu.memref_slice %arg4[%add3A_589] : memref<320000xi32, #tpu.memory_space<hbm>> -> memref<128xi32, #tpu.memory_space<hbm>>
    %dma_wait3A_713 = tpu.memref_slice %arg4[%add3A_589] : memref<320000xi32, #tpu.memory_space<hbm>> -> memref<128xi32, #tpu.memory_space<hbm>>
    tpu.wait_dma2 semaphore(%arg35 : memref<!tpu.dma_semaphore, #tpu.memory_space<semaphore_mem>>) src(%dma_wait3A_713 : memref<128xi32, #tpu.memory_space<hbm>>) dst(%arg17 : memref<128xi32, #tpu.memory_space<vmem>>)
    %dma_start3A_714 = arith.constant 0 : i32
    %dma_start3A_715 = arith.constant 0 : i32
    %dma_start3A_716 = tpu.memref_slice %arg23[%dma_start3A_714, %dma_start3A_715] : memref<10000x128xf32, #tpu.memory_space<vmem_shared>> -> memref<10000x128xf32, #tpu.memory_space<vmem_shared>>
    tpu.enqueue_indirect_dma source(%arg20 : memref<128x128xf32, #tpu.memory_space<vmem>>) target(%dma_start3A_716 : memref<10000x128xf32, #tpu.memory_space<vmem_shared>>) offsets(%arg17 : memref<128xi32, #tpu.memory_space<vmem>>) semaphore(%arg41 : memref<!tpu.dma_semaphore, #tpu.memory_space<semaphore_mem>>) {add = true}
    %dma_wait3A_717 = arith.constant 0 : i32
    %dma_wait3A_718 = arith.constant 0 : i32
    %dma_wait3A_719 = tpu.memref_slice %arg23[%dma_wait3A_717, %dma_wait3A_718] : memref<10000x128xf32, #tpu.memory_space<vmem_shared>> -> memref<10000x128xf32, #tpu.memory_space<vmem_shared>>
    tpu.wait_indirect_dma semaphore(%arg41 : memref<!tpu.dma_semaphore, #tpu.memory_space<semaphore_mem>>) src(%arg20 : memref<128x128xf32, #tpu.memory_space<vmem>>) dst(%dma_wait3A_719 : memref<10000x128xf32, #tpu.memory_space<vmem_shared>>)
    %add3A_720 = arith.constant 4480 : i32
    %add3A_721 = arith.addi %mul3A_21, %add3A_720 : i32
    %dma_start3A_722 = tpu.memref_slice %arg3[%add3A_721] : memref<320000xi32, #tpu.memory_space<hbm>> -> memref<128xi32, #tpu.memory_space<hbm>>
    %dma_start3A_723 = tpu.memref_slice %arg3[%add3A_721] : memref<320000xi32, #tpu.memory_space<hbm>> -> memref<128xi32, #tpu.memory_space<hbm>>
    tpu.enqueue_dma source(%dma_start3A_723 : memref<128xi32, #tpu.memory_space<hbm>>) target(%arg16 : memref<128xi32, #tpu.memory_space<vmem>>) target_semaphore(%arg29 : memref<!tpu.dma_semaphore, #tpu.memory_space<semaphore_mem>>)
    %dma_start3A_724 = tpu.memref_slice %arg4[%add3A_721] : memref<320000xi32, #tpu.memory_space<hbm>> -> memref<128xi32, #tpu.memory_space<hbm>>
    %dma_start3A_725 = tpu.memref_slice %arg4[%add3A_721] : memref<320000xi32, #tpu.memory_space<hbm>> -> memref<128xi32, #tpu.memory_space<hbm>>
    tpu.enqueue_dma source(%dma_start3A_725 : memref<128xi32, #tpu.memory_space<hbm>>) target(%arg17 : memref<128xi32, #tpu.memory_space<vmem>>) target_semaphore(%arg35 : memref<!tpu.dma_semaphore, #tpu.memory_space<semaphore_mem>>)
    %dma_wait3A_726 = tpu.memref_slice %arg3[%add3A_655] : memref<320000xi32, #tpu.memory_space<hbm>> -> memref<128xi32, #tpu.memory_space<hbm>>
    %dma_wait3A_727 = tpu.memref_slice %arg3[%add3A_655] : memref<320000xi32, #tpu.memory_space<hbm>> -> memref<128xi32, #tpu.memory_space<hbm>>
    tpu.wait_dma2 semaphore(%arg26 : memref<!tpu.dma_semaphore, #tpu.memory_space<semaphore_mem>>) src(%dma_wait3A_727 : memref<128xi32, #tpu.memory_space<hbm>>) dst(%arg10 : memref<128xi32, #tpu.memory_space<vmem>>)
    %dma_start3A_728 = arith.constant 0 : i32
    %dma_start3A_729 = arith.constant 0 : i32
    %dma_start3A_730 = tpu.memref_slice %arg2[%dma_start3A_728, %dma_start3A_729] : memref<10000x128xf32, #tpu.memory_space<hbm>> -> memref<10000x128xf32, #tpu.memory_space<hbm>>
    tpu.enqueue_indirect_dma source(%dma_start3A_730 : memref<10000x128xf32, #tpu.memory_space<hbm>>) target(%arg20 : memref<128x128xf32, #tpu.memory_space<vmem>>) offsets(%arg10 : memref<128xi32, #tpu.memory_space<vmem>>) semaphore(%arg38 : memref<!tpu.dma_semaphore, #tpu.memory_space<semaphore_mem>>)
    %dma_wait3A_731 = arith.constant 0 : i32
    %dma_wait3A_732 = arith.constant 0 : i32
    %dma_wait3A_733 = tpu.memref_slice %arg2[%dma_wait3A_731, %dma_wait3A_732] : memref<10000x128xf32, #tpu.memory_space<hbm>> -> memref<10000x128xf32, #tpu.memory_space<hbm>>
    tpu.wait_indirect_dma semaphore(%arg36 : memref<!tpu.dma_semaphore, #tpu.memory_space<semaphore_mem>>) src(%dma_wait3A_733 : memref<10000x128xf32, #tpu.memory_space<hbm>>) dst(%arg18 : memref<128x128xf32, #tpu.memory_space<vmem>>)
    %dma_wait3A_734 = tpu.memref_slice %arg4[%add3A_611] : memref<320000xi32, #tpu.memory_space<hbm>> -> memref<128xi32, #tpu.memory_space<hbm>>
    %dma_wait3A_735 = tpu.memref_slice %arg4[%add3A_611] : memref<320000xi32, #tpu.memory_space<hbm>> -> memref<128xi32, #tpu.memory_space<hbm>>
    tpu.wait_dma2 semaphore(%arg30 : memref<!tpu.dma_semaphore, #tpu.memory_space<semaphore_mem>>) src(%dma_wait3A_735 : memref<128xi32, #tpu.memory_space<hbm>>) dst(%arg7 : memref<128xi32, #tpu.memory_space<vmem>>)
    %dma_start3A_736 = arith.constant 0 : i32
    %dma_start3A_737 = arith.constant 0 : i32
    %dma_start3A_738 = tpu.memref_slice %arg23[%dma_start3A_736, %dma_start3A_737] : memref<10000x128xf32, #tpu.memory_space<vmem_shared>> -> memref<10000x128xf32, #tpu.memory_space<vmem_shared>>
    tpu.enqueue_indirect_dma source(%arg18 : memref<128x128xf32, #tpu.memory_space<vmem>>) target(%dma_start3A_738 : memref<10000x128xf32, #tpu.memory_space<vmem_shared>>) offsets(%arg7 : memref<128xi32, #tpu.memory_space<vmem>>) semaphore(%arg39 : memref<!tpu.dma_semaphore, #tpu.memory_space<semaphore_mem>>) {add = true}
    %dma_wait3A_739 = arith.constant 0 : i32
    %dma_wait3A_740 = arith.constant 0 : i32
    %dma_wait3A_741 = tpu.memref_slice %arg23[%dma_wait3A_739, %dma_wait3A_740] : memref<10000x128xf32, #tpu.memory_space<vmem_shared>> -> memref<10000x128xf32, #tpu.memory_space<vmem_shared>>
    tpu.wait_indirect_dma semaphore(%arg39 : memref<!tpu.dma_semaphore, #tpu.memory_space<semaphore_mem>>) src(%arg18 : memref<128x128xf32, #tpu.memory_space<vmem>>) dst(%dma_wait3A_741 : memref<10000x128xf32, #tpu.memory_space<vmem_shared>>)
    %add3A_742 = arith.constant 4608 : i32
    %add3A_743 = arith.addi %mul3A_21, %add3A_742 : i32
    %dma_start3A_744 = tpu.memref_slice %arg3[%add3A_743] : memref<320000xi32, #tpu.memory_space<hbm>> -> memref<128xi32, #tpu.memory_space<hbm>>
    %dma_start3A_745 = tpu.memref_slice %arg3[%add3A_743] : memref<320000xi32, #tpu.memory_space<hbm>> -> memref<128xi32, #tpu.memory_space<hbm>>
    tpu.enqueue_dma source(%dma_start3A_745 : memref<128xi32, #tpu.memory_space<hbm>>) target(%arg6 : memref<128xi32, #tpu.memory_space<vmem>>) target_semaphore(%arg24 : memref<!tpu.dma_semaphore, #tpu.memory_space<semaphore_mem>>)
    %dma_start3A_746 = tpu.memref_slice %arg4[%add3A_743] : memref<320000xi32, #tpu.memory_space<hbm>> -> memref<128xi32, #tpu.memory_space<hbm>>
    %dma_start3A_747 = tpu.memref_slice %arg4[%add3A_743] : memref<320000xi32, #tpu.memory_space<hbm>> -> memref<128xi32, #tpu.memory_space<hbm>>
    tpu.enqueue_dma source(%dma_start3A_747 : memref<128xi32, #tpu.memory_space<hbm>>) target(%arg7 : memref<128xi32, #tpu.memory_space<vmem>>) target_semaphore(%arg30 : memref<!tpu.dma_semaphore, #tpu.memory_space<semaphore_mem>>)
    %dma_wait3A_748 = tpu.memref_slice %arg3[%add3A_677] : memref<320000xi32, #tpu.memory_space<hbm>> -> memref<128xi32, #tpu.memory_space<hbm>>
    %dma_wait3A_749 = tpu.memref_slice %arg3[%add3A_677] : memref<320000xi32, #tpu.memory_space<hbm>> -> memref<128xi32, #tpu.memory_space<hbm>>
    tpu.wait_dma2 semaphore(%arg27 : memref<!tpu.dma_semaphore, #tpu.memory_space<semaphore_mem>>) src(%dma_wait3A_749 : memref<128xi32, #tpu.memory_space<hbm>>) dst(%arg12 : memref<128xi32, #tpu.memory_space<vmem>>)
    %dma_start3A_750 = arith.constant 0 : i32
    %dma_start3A_751 = arith.constant 0 : i32
    %dma_start3A_752 = tpu.memref_slice %arg2[%dma_start3A_750, %dma_start3A_751] : memref<10000x128xf32, #tpu.memory_space<hbm>> -> memref<10000x128xf32, #tpu.memory_space<hbm>>
    tpu.enqueue_indirect_dma source(%dma_start3A_752 : memref<10000x128xf32, #tpu.memory_space<hbm>>) target(%arg18 : memref<128x128xf32, #tpu.memory_space<vmem>>) offsets(%arg12 : memref<128xi32, #tpu.memory_space<vmem>>) semaphore(%arg36 : memref<!tpu.dma_semaphore, #tpu.memory_space<semaphore_mem>>)
    %dma_wait3A_753 = arith.constant 0 : i32
    %dma_wait3A_754 = arith.constant 0 : i32
    %dma_wait3A_755 = tpu.memref_slice %arg2[%dma_wait3A_753, %dma_wait3A_754] : memref<10000x128xf32, #tpu.memory_space<hbm>> -> memref<10000x128xf32, #tpu.memory_space<hbm>>
    tpu.wait_indirect_dma semaphore(%arg37 : memref<!tpu.dma_semaphore, #tpu.memory_space<semaphore_mem>>) src(%dma_wait3A_755 : memref<10000x128xf32, #tpu.memory_space<hbm>>) dst(%arg19 : memref<128x128xf32, #tpu.memory_space<vmem>>)
    %dma_wait3A_756 = tpu.memref_slice %arg4[%add3A_633] : memref<320000xi32, #tpu.memory_space<hbm>> -> memref<128xi32, #tpu.memory_space<hbm>>
    %dma_wait3A_757 = tpu.memref_slice %arg4[%add3A_633] : memref<320000xi32, #tpu.memory_space<hbm>> -> memref<128xi32, #tpu.memory_space<hbm>>
    tpu.wait_dma2 semaphore(%arg31 : memref<!tpu.dma_semaphore, #tpu.memory_space<semaphore_mem>>) src(%dma_wait3A_757 : memref<128xi32, #tpu.memory_space<hbm>>) dst(%arg9 : memref<128xi32, #tpu.memory_space<vmem>>)
    %dma_start3A_758 = arith.constant 0 : i32
    %dma_start3A_759 = arith.constant 0 : i32
    %dma_start3A_760 = tpu.memref_slice %arg23[%dma_start3A_758, %dma_start3A_759] : memref<10000x128xf32, #tpu.memory_space<vmem_shared>> -> memref<10000x128xf32, #tpu.memory_space<vmem_shared>>
    tpu.enqueue_indirect_dma source(%arg19 : memref<128x128xf32, #tpu.memory_space<vmem>>) target(%dma_start3A_760 : memref<10000x128xf32, #tpu.memory_space<vmem_shared>>) offsets(%arg9 : memref<128xi32, #tpu.memory_space<vmem>>) semaphore(%arg40 : memref<!tpu.dma_semaphore, #tpu.memory_space<semaphore_mem>>) {add = true}
    %dma_wait3A_761 = arith.constant 0 : i32
    %dma_wait3A_762 = arith.constant 0 : i32
    %dma_wait3A_763 = tpu.memref_slice %arg23[%dma_wait3A_761, %dma_wait3A_762] : memref<10000x128xf32, #tpu.memory_space<vmem_shared>> -> memref<10000x128xf32, #tpu.memory_space<vmem_shared>>
    tpu.wait_indirect_dma semaphore(%arg40 : memref<!tpu.dma_semaphore, #tpu.memory_space<semaphore_mem>>) src(%arg19 : memref<128x128xf32, #tpu.memory_space<vmem>>) dst(%dma_wait3A_763 : memref<10000x128xf32, #tpu.memory_space<vmem_shared>>)
    %add3A_764 = arith.constant 4736 : i32
    %add3A_765 = arith.addi %mul3A_21, %add3A_764 : i32
    %dma_start3A_766 = tpu.memref_slice %arg3[%add3A_765] : memref<320000xi32, #tpu.memory_space<hbm>> -> memref<128xi32, #tpu.memory_space<hbm>>
    %dma_start3A_767 = tpu.memref_slice %arg3[%add3A_765] : memref<320000xi32, #tpu.memory_space<hbm>> -> memref<128xi32, #tpu.memory_space<hbm>>
    tpu.enqueue_dma source(%dma_start3A_767 : memref<128xi32, #tpu.memory_space<hbm>>) target(%arg8 : memref<128xi32, #tpu.memory_space<vmem>>) target_semaphore(%arg25 : memref<!tpu.dma_semaphore, #tpu.memory_space<semaphore_mem>>)
    %dma_start3A_768 = tpu.memref_slice %arg4[%add3A_765] : memref<320000xi32, #tpu.memory_space<hbm>> -> memref<128xi32, #tpu.memory_space<hbm>>
    %dma_start3A_769 = tpu.memref_slice %arg4[%add3A_765] : memref<320000xi32, #tpu.memory_space<hbm>> -> memref<128xi32, #tpu.memory_space<hbm>>
    tpu.enqueue_dma source(%dma_start3A_769 : memref<128xi32, #tpu.memory_space<hbm>>) target(%arg9 : memref<128xi32, #tpu.memory_space<vmem>>) target_semaphore(%arg31 : memref<!tpu.dma_semaphore, #tpu.memory_space<semaphore_mem>>)
    %dma_wait3A_770 = tpu.memref_slice %arg3[%add3A_699] : memref<320000xi32, #tpu.memory_space<hbm>> -> memref<128xi32, #tpu.memory_space<hbm>>
    %dma_wait3A_771 = tpu.memref_slice %arg3[%add3A_699] : memref<320000xi32, #tpu.memory_space<hbm>> -> memref<128xi32, #tpu.memory_space<hbm>>
    tpu.wait_dma2 semaphore(%arg28 : memref<!tpu.dma_semaphore, #tpu.memory_space<semaphore_mem>>) src(%dma_wait3A_771 : memref<128xi32, #tpu.memory_space<hbm>>) dst(%arg14 : memref<128xi32, #tpu.memory_space<vmem>>)
    %dma_start3A_772 = arith.constant 0 : i32
    %dma_start3A_773 = arith.constant 0 : i32
    %dma_start3A_774 = tpu.memref_slice %arg2[%dma_start3A_772, %dma_start3A_773] : memref<10000x128xf32, #tpu.memory_space<hbm>> -> memref<10000x128xf32, #tpu.memory_space<hbm>>
    tpu.enqueue_indirect_dma source(%dma_start3A_774 : memref<10000x128xf32, #tpu.memory_space<hbm>>) target(%arg19 : memref<128x128xf32, #tpu.memory_space<vmem>>) offsets(%arg14 : memref<128xi32, #tpu.memory_space<vmem>>) semaphore(%arg37 : memref<!tpu.dma_semaphore, #tpu.memory_space<semaphore_mem>>)
    %dma_wait3A_775 = arith.constant 0 : i32
    %dma_wait3A_776 = arith.constant 0 : i32
    %dma_wait3A_777 = tpu.memref_slice %arg2[%dma_wait3A_775, %dma_wait3A_776] : memref<10000x128xf32, #tpu.memory_space<hbm>> -> memref<10000x128xf32, #tpu.memory_space<hbm>>
    tpu.wait_indirect_dma semaphore(%arg38 : memref<!tpu.dma_semaphore, #tpu.memory_space<semaphore_mem>>) src(%dma_wait3A_777 : memref<10000x128xf32, #tpu.memory_space<hbm>>) dst(%arg20 : memref<128x128xf32, #tpu.memory_space<vmem>>)
    %dma_wait3A_778 = tpu.memref_slice %arg4[%add3A_655] : memref<320000xi32, #tpu.memory_space<hbm>> -> memref<128xi32, #tpu.memory_space<hbm>>
    %dma_wait3A_779 = tpu.memref_slice %arg4[%add3A_655] : memref<320000xi32, #tpu.memory_space<hbm>> -> memref<128xi32, #tpu.memory_space<hbm>>
    tpu.wait_dma2 semaphore(%arg32 : memref<!tpu.dma_semaphore, #tpu.memory_space<semaphore_mem>>) src(%dma_wait3A_779 : memref<128xi32, #tpu.memory_space<hbm>>) dst(%arg11 : memref<128xi32, #tpu.memory_space<vmem>>)
    %dma_start3A_780 = arith.constant 0 : i32
    %dma_start3A_781 = arith.constant 0 : i32
    %dma_start3A_782 = tpu.memref_slice %arg23[%dma_start3A_780, %dma_start3A_781] : memref<10000x128xf32, #tpu.memory_space<vmem_shared>> -> memref<10000x128xf32, #tpu.memory_space<vmem_shared>>
    tpu.enqueue_indirect_dma source(%arg20 : memref<128x128xf32, #tpu.memory_space<vmem>>) target(%dma_start3A_782 : memref<10000x128xf32, #tpu.memory_space<vmem_shared>>) offsets(%arg11 : memref<128xi32, #tpu.memory_space<vmem>>) semaphore(%arg41 : memref<!tpu.dma_semaphore, #tpu.memory_space<semaphore_mem>>) {add = true}
    %dma_wait3A_783 = arith.constant 0 : i32
    %dma_wait3A_784 = arith.constant 0 : i32
    %dma_wait3A_785 = tpu.memref_slice %arg23[%dma_wait3A_783, %dma_wait3A_784] : memref<10000x128xf32, #tpu.memory_space<vmem_shared>> -> memref<10000x128xf32, #tpu.memory_space<vmem_shared>>
    tpu.wait_indirect_dma semaphore(%arg41 : memref<!tpu.dma_semaphore, #tpu.memory_space<semaphore_mem>>) src(%arg20 : memref<128x128xf32, #tpu.memory_space<vmem>>) dst(%dma_wait3A_785 : memref<10000x128xf32, #tpu.memory_space<vmem_shared>>)
    %add3A_786 = arith.constant 4864 : i32
    %add3A_787 = arith.addi %mul3A_21, %add3A_786 : i32
    %dma_start3A_788 = tpu.memref_slice %arg3[%add3A_787] : memref<320000xi32, #tpu.memory_space<hbm>> -> memref<128xi32, #tpu.memory_space<hbm>>
    %dma_start3A_789 = tpu.memref_slice %arg3[%add3A_787] : memref<320000xi32, #tpu.memory_space<hbm>> -> memref<128xi32, #tpu.memory_space<hbm>>
    tpu.enqueue_dma source(%dma_start3A_789 : memref<128xi32, #tpu.memory_space<hbm>>) target(%arg10 : memref<128xi32, #tpu.memory_space<vmem>>) target_semaphore(%arg26 : memref<!tpu.dma_semaphore, #tpu.memory_space<semaphore_mem>>)
    %dma_start3A_790 = tpu.memref_slice %arg4[%add3A_787] : memref<320000xi32, #tpu.memory_space<hbm>> -> memref<128xi32, #tpu.memory_space<hbm>>
    %dma_start3A_791 = tpu.memref_slice %arg4[%add3A_787] : memref<320000xi32, #tpu.memory_space<hbm>> -> memref<128xi32, #tpu.memory_space<hbm>>
    tpu.enqueue_dma source(%dma_start3A_791 : memref<128xi32, #tpu.memory_space<hbm>>) target(%arg11 : memref<128xi32, #tpu.memory_space<vmem>>) target_semaphore(%arg32 : memref<!tpu.dma_semaphore, #tpu.memory_space<semaphore_mem>>)
    %dma_wait3A_792 = tpu.memref_slice %arg3[%add3A_721] : memref<320000xi32, #tpu.memory_space<hbm>> -> memref<128xi32, #tpu.memory_space<hbm>>
    %dma_wait3A_793 = tpu.memref_slice %arg3[%add3A_721] : memref<320000xi32, #tpu.memory_space<hbm>> -> memref<128xi32, #tpu.memory_space<hbm>>
    tpu.wait_dma2 semaphore(%arg29 : memref<!tpu.dma_semaphore, #tpu.memory_space<semaphore_mem>>) src(%dma_wait3A_793 : memref<128xi32, #tpu.memory_space<hbm>>) dst(%arg16 : memref<128xi32, #tpu.memory_space<vmem>>)
    %dma_start3A_794 = arith.constant 0 : i32
    %dma_start3A_795 = arith.constant 0 : i32
    %dma_start3A_796 = tpu.memref_slice %arg2[%dma_start3A_794, %dma_start3A_795] : memref<10000x128xf32, #tpu.memory_space<hbm>> -> memref<10000x128xf32, #tpu.memory_space<hbm>>
    tpu.enqueue_indirect_dma source(%dma_start3A_796 : memref<10000x128xf32, #tpu.memory_space<hbm>>) target(%arg20 : memref<128x128xf32, #tpu.memory_space<vmem>>) offsets(%arg16 : memref<128xi32, #tpu.memory_space<vmem>>) semaphore(%arg38 : memref<!tpu.dma_semaphore, #tpu.memory_space<semaphore_mem>>)
    %dma_wait3A_797 = arith.constant 0 : i32
    %dma_wait3A_798 = arith.constant 0 : i32
    %dma_wait3A_799 = tpu.memref_slice %arg2[%dma_wait3A_797, %dma_wait3A_798] : memref<10000x128xf32, #tpu.memory_space<hbm>> -> memref<10000x128xf32, #tpu.memory_space<hbm>>
    tpu.wait_indirect_dma semaphore(%arg36 : memref<!tpu.dma_semaphore, #tpu.memory_space<semaphore_mem>>) src(%dma_wait3A_799 : memref<10000x128xf32, #tpu.memory_space<hbm>>) dst(%arg18 : memref<128x128xf32, #tpu.memory_space<vmem>>)
    %dma_wait3A_800 = tpu.memref_slice %arg4[%add3A_677] : memref<320000xi32, #tpu.memory_space<hbm>> -> memref<128xi32, #tpu.memory_space<hbm>>
    %dma_wait3A_801 = tpu.memref_slice %arg4[%add3A_677] : memref<320000xi32, #tpu.memory_space<hbm>> -> memref<128xi32, #tpu.memory_space<hbm>>
    tpu.wait_dma2 semaphore(%arg33 : memref<!tpu.dma_semaphore, #tpu.memory_space<semaphore_mem>>) src(%dma_wait3A_801 : memref<128xi32, #tpu.memory_space<hbm>>) dst(%arg13 : memref<128xi32, #tpu.memory_space<vmem>>)
    %dma_start3A_802 = arith.constant 0 : i32
    %dma_start3A_803 = arith.constant 0 : i32
    %dma_start3A_804 = tpu.memref_slice %arg23[%dma_start3A_802, %dma_start3A_803] : memref<10000x128xf32, #tpu.memory_space<vmem_shared>> -> memref<10000x128xf32, #tpu.memory_space<vmem_shared>>
    tpu.enqueue_indirect_dma source(%arg18 : memref<128x128xf32, #tpu.memory_space<vmem>>) target(%dma_start3A_804 : memref<10000x128xf32, #tpu.memory_space<vmem_shared>>) offsets(%arg13 : memref<128xi32, #tpu.memory_space<vmem>>) semaphore(%arg39 : memref<!tpu.dma_semaphore, #tpu.memory_space<semaphore_mem>>) {add = true}
    %dma_wait3A_805 = arith.constant 0 : i32
    %dma_wait3A_806 = arith.constant 0 : i32
    %dma_wait3A_807 = tpu.memref_slice %arg23[%dma_wait3A_805, %dma_wait3A_806] : memref<10000x128xf32, #tpu.memory_space<vmem_shared>> -> memref<10000x128xf32, #tpu.memory_space<vmem_shared>>
    tpu.wait_indirect_dma semaphore(%arg39 : memref<!tpu.dma_semaphore, #tpu.memory_space<semaphore_mem>>) src(%arg18 : memref<128x128xf32, #tpu.memory_space<vmem>>) dst(%dma_wait3A_807 : memref<10000x128xf32, #tpu.memory_space<vmem_shared>>)
    %add3A_808 = arith.constant 4992 : i32
    %add3A_809 = arith.addi %mul3A_21, %add3A_808 : i32
    %dma_start3A_810 = tpu.memref_slice %arg3[%add3A_809] : memref<320000xi32, #tpu.memory_space<hbm>> -> memref<128xi32, #tpu.memory_space<hbm>>
    %dma_start3A_811 = tpu.memref_slice %arg3[%add3A_809] : memref<320000xi32, #tpu.memory_space<hbm>> -> memref<128xi32, #tpu.memory_space<hbm>>
    tpu.enqueue_dma source(%dma_start3A_811 : memref<128xi32, #tpu.memory_space<hbm>>) target(%arg12 : memref<128xi32, #tpu.memory_space<vmem>>) target_semaphore(%arg27 : memref<!tpu.dma_semaphore, #tpu.memory_space<semaphore_mem>>)
    %dma_start3A_812 = tpu.memref_slice %arg4[%add3A_809] : memref<320000xi32, #tpu.memory_space<hbm>> -> memref<128xi32, #tpu.memory_space<hbm>>
    %dma_start3A_813 = tpu.memref_slice %arg4[%add3A_809] : memref<320000xi32, #tpu.memory_space<hbm>> -> memref<128xi32, #tpu.memory_space<hbm>>
    tpu.enqueue_dma source(%dma_start3A_813 : memref<128xi32, #tpu.memory_space<hbm>>) target(%arg13 : memref<128xi32, #tpu.memory_space<vmem>>) target_semaphore(%arg33 : memref<!tpu.dma_semaphore, #tpu.memory_space<semaphore_mem>>)
    %dma_wait3A_814 = tpu.memref_slice %arg3[%add3A_743] : memref<320000xi32, #tpu.memory_space<hbm>> -> memref<128xi32, #tpu.memory_space<hbm>>
    %dma_wait3A_815 = tpu.memref_slice %arg3[%add3A_743] : memref<320000xi32, #tpu.memory_space<hbm>> -> memref<128xi32, #tpu.memory_space<hbm>>
    tpu.wait_dma2 semaphore(%arg24 : memref<!tpu.dma_semaphore, #tpu.memory_space<semaphore_mem>>) src(%dma_wait3A_815 : memref<128xi32, #tpu.memory_space<hbm>>) dst(%arg6 : memref<128xi32, #tpu.memory_space<vmem>>)
    %dma_start3A_816 = arith.constant 0 : i32
    %dma_start3A_817 = arith.constant 0 : i32
    %dma_start3A_818 = tpu.memref_slice %arg2[%dma_start3A_816, %dma_start3A_817] : memref<10000x128xf32, #tpu.memory_space<hbm>> -> memref<10000x128xf32, #tpu.memory_space<hbm>>
    tpu.enqueue_indirect_dma source(%dma_start3A_818 : memref<10000x128xf32, #tpu.memory_space<hbm>>) target(%arg18 : memref<128x128xf32, #tpu.memory_space<vmem>>) offsets(%arg6 : memref<128xi32, #tpu.memory_space<vmem>>) semaphore(%arg36 : memref<!tpu.dma_semaphore, #tpu.memory_space<semaphore_mem>>)
    %dma_wait3A_819 = arith.constant 0 : i32
    %dma_wait3A_820 = arith.constant 0 : i32
    %dma_wait3A_821 = tpu.memref_slice %arg2[%dma_wait3A_819, %dma_wait3A_820] : memref<10000x128xf32, #tpu.memory_space<hbm>> -> memref<10000x128xf32, #tpu.memory_space<hbm>>
    tpu.wait_indirect_dma semaphore(%arg37 : memref<!tpu.dma_semaphore, #tpu.memory_space<semaphore_mem>>) src(%dma_wait3A_821 : memref<10000x128xf32, #tpu.memory_space<hbm>>) dst(%arg19 : memref<128x128xf32, #tpu.memory_space<vmem>>)
    %dma_wait3A_822 = tpu.memref_slice %arg4[%add3A_699] : memref<320000xi32, #tpu.memory_space<hbm>> -> memref<128xi32, #tpu.memory_space<hbm>>
    %dma_wait3A_823 = tpu.memref_slice %arg4[%add3A_699] : memref<320000xi32, #tpu.memory_space<hbm>> -> memref<128xi32, #tpu.memory_space<hbm>>
    tpu.wait_dma2 semaphore(%arg34 : memref<!tpu.dma_semaphore, #tpu.memory_space<semaphore_mem>>) src(%dma_wait3A_823 : memref<128xi32, #tpu.memory_space<hbm>>) dst(%arg15 : memref<128xi32, #tpu.memory_space<vmem>>)
    %dma_start3A_824 = arith.constant 0 : i32
    %dma_start3A_825 = arith.constant 0 : i32
    %dma_start3A_826 = tpu.memref_slice %arg23[%dma_start3A_824, %dma_start3A_825] : memref<10000x128xf32, #tpu.memory_space<vmem_shared>> -> memref<10000x128xf32, #tpu.memory_space<vmem_shared>>
    tpu.enqueue_indirect_dma source(%arg19 : memref<128x128xf32, #tpu.memory_space<vmem>>) target(%dma_start3A_826 : memref<10000x128xf32, #tpu.memory_space<vmem_shared>>) offsets(%arg15 : memref<128xi32, #tpu.memory_space<vmem>>) semaphore(%arg40 : memref<!tpu.dma_semaphore, #tpu.memory_space<semaphore_mem>>) {add = true}
    %dma_wait3A_827 = arith.constant 0 : i32
    %dma_wait3A_828 = arith.constant 0 : i32
    %dma_wait3A_829 = tpu.memref_slice %arg23[%dma_wait3A_827, %dma_wait3A_828] : memref<10000x128xf32, #tpu.memory_space<vmem_shared>> -> memref<10000x128xf32, #tpu.memory_space<vmem_shared>>
    tpu.wait_indirect_dma semaphore(%arg40 : memref<!tpu.dma_semaphore, #tpu.memory_space<semaphore_mem>>) src(%arg19 : memref<128x128xf32, #tpu.memory_space<vmem>>) dst(%dma_wait3A_829 : memref<10000x128xf32, #tpu.memory_space<vmem_shared>>)
    %add3A_830 = arith.constant 5120 : i32
    %add3A_831 = arith.addi %mul3A_21, %add3A_830 : i32
    %dma_start3A_832 = tpu.memref_slice %arg3[%add3A_831] : memref<320000xi32, #tpu.memory_space<hbm>> -> memref<128xi32, #tpu.memory_space<hbm>>
    %dma_start3A_833 = tpu.memref_slice %arg3[%add3A_831] : memref<320000xi32, #tpu.memory_space<hbm>> -> memref<128xi32, #tpu.memory_space<hbm>>
    tpu.enqueue_dma source(%dma_start3A_833 : memref<128xi32, #tpu.memory_space<hbm>>) target(%arg14 : memref<128xi32, #tpu.memory_space<vmem>>) target_semaphore(%arg28 : memref<!tpu.dma_semaphore, #tpu.memory_space<semaphore_mem>>)
    %dma_start3A_834 = tpu.memref_slice %arg4[%add3A_831] : memref<320000xi32, #tpu.memory_space<hbm>> -> memref<128xi32, #tpu.memory_space<hbm>>
    %dma_start3A_835 = tpu.memref_slice %arg4[%add3A_831] : memref<320000xi32, #tpu.memory_space<hbm>> -> memref<128xi32, #tpu.memory_space<hbm>>
    tpu.enqueue_dma source(%dma_start3A_835 : memref<128xi32, #tpu.memory_space<hbm>>) target(%arg15 : memref<128xi32, #tpu.memory_space<vmem>>) target_semaphore(%arg34 : memref<!tpu.dma_semaphore, #tpu.memory_space<semaphore_mem>>)
    %dma_wait3A_836 = tpu.memref_slice %arg3[%add3A_765] : memref<320000xi32, #tpu.memory_space<hbm>> -> memref<128xi32, #tpu.memory_space<hbm>>
    %dma_wait3A_837 = tpu.memref_slice %arg3[%add3A_765] : memref<320000xi32, #tpu.memory_space<hbm>> -> memref<128xi32, #tpu.memory_space<hbm>>
    tpu.wait_dma2 semaphore(%arg25 : memref<!tpu.dma_semaphore, #tpu.memory_space<semaphore_mem>>) src(%dma_wait3A_837 : memref<128xi32, #tpu.memory_space<hbm>>) dst(%arg8 : memref<128xi32, #tpu.memory_space<vmem>>)
    %dma_start3A_838 = arith.constant 0 : i32
    %dma_start3A_839 = arith.constant 0 : i32
    %dma_start3A_840 = tpu.memref_slice %arg2[%dma_start3A_838, %dma_start3A_839] : memref<10000x128xf32, #tpu.memory_space<hbm>> -> memref<10000x128xf32, #tpu.memory_space<hbm>>
    tpu.enqueue_indirect_dma source(%dma_start3A_840 : memref<10000x128xf32, #tpu.memory_space<hbm>>) target(%arg19 : memref<128x128xf32, #tpu.memory_space<vmem>>) offsets(%arg8 : memref<128xi32, #tpu.memory_space<vmem>>) semaphore(%arg37 : memref<!tpu.dma_semaphore, #tpu.memory_space<semaphore_mem>>)
    %dma_wait3A_841 = arith.constant 0 : i32
    %dma_wait3A_842 = arith.constant 0 : i32
    %dma_wait3A_843 = tpu.memref_slice %arg2[%dma_wait3A_841, %dma_wait3A_842] : memref<10000x128xf32, #tpu.memory_space<hbm>> -> memref<10000x128xf32, #tpu.memory_space<hbm>>
    tpu.wait_indirect_dma semaphore(%arg38 : memref<!tpu.dma_semaphore, #tpu.memory_space<semaphore_mem>>) src(%dma_wait3A_843 : memref<10000x128xf32, #tpu.memory_space<hbm>>) dst(%arg20 : memref<128x128xf32, #tpu.memory_space<vmem>>)
    %dma_wait3A_844 = tpu.memref_slice %arg4[%add3A_721] : memref<320000xi32, #tpu.memory_space<hbm>> -> memref<128xi32, #tpu.memory_space<hbm>>
    %dma_wait3A_845 = tpu.memref_slice %arg4[%add3A_721] : memref<320000xi32, #tpu.memory_space<hbm>> -> memref<128xi32, #tpu.memory_space<hbm>>
    tpu.wait_dma2 semaphore(%arg35 : memref<!tpu.dma_semaphore, #tpu.memory_space<semaphore_mem>>) src(%dma_wait3A_845 : memref<128xi32, #tpu.memory_space<hbm>>) dst(%arg17 : memref<128xi32, #tpu.memory_space<vmem>>)
    %dma_start3A_846 = arith.constant 0 : i32
    %dma_start3A_847 = arith.constant 0 : i32
    %dma_start3A_848 = tpu.memref_slice %arg23[%dma_start3A_846, %dma_start3A_847] : memref<10000x128xf32, #tpu.memory_space<vmem_shared>> -> memref<10000x128xf32, #tpu.memory_space<vmem_shared>>
    tpu.enqueue_indirect_dma source(%arg20 : memref<128x128xf32, #tpu.memory_space<vmem>>) target(%dma_start3A_848 : memref<10000x128xf32, #tpu.memory_space<vmem_shared>>) offsets(%arg17 : memref<128xi32, #tpu.memory_space<vmem>>) semaphore(%arg41 : memref<!tpu.dma_semaphore, #tpu.memory_space<semaphore_mem>>) {add = true}
    %dma_wait3A_849 = arith.constant 0 : i32
    %dma_wait3A_850 = arith.constant 0 : i32
    %dma_wait3A_851 = tpu.memref_slice %arg23[%dma_wait3A_849, %dma_wait3A_850] : memref<10000x128xf32, #tpu.memory_space<vmem_shared>> -> memref<10000x128xf32, #tpu.memory_space<vmem_shared>>
    tpu.wait_indirect_dma semaphore(%arg41 : memref<!tpu.dma_semaphore, #tpu.memory_space<semaphore_mem>>) src(%arg20 : memref<128x128xf32, #tpu.memory_space<vmem>>) dst(%dma_wait3A_851 : memref<10000x128xf32, #tpu.memory_space<vmem_shared>>)
    %add3A_852 = arith.constant 5248 : i32
    %add3A_853 = arith.addi %mul3A_21, %add3A_852 : i32
    %dma_start3A_854 = tpu.memref_slice %arg3[%add3A_853] : memref<320000xi32, #tpu.memory_space<hbm>> -> memref<128xi32, #tpu.memory_space<hbm>>
    %dma_start3A_855 = tpu.memref_slice %arg3[%add3A_853] : memref<320000xi32, #tpu.memory_space<hbm>> -> memref<128xi32, #tpu.memory_space<hbm>>
    tpu.enqueue_dma source(%dma_start3A_855 : memref<128xi32, #tpu.memory_space<hbm>>) target(%arg16 : memref<128xi32, #tpu.memory_space<vmem>>) target_semaphore(%arg29 : memref<!tpu.dma_semaphore, #tpu.memory_space<semaphore_mem>>)
    %dma_start3A_856 = tpu.memref_slice %arg4[%add3A_853] : memref<320000xi32, #tpu.memory_space<hbm>> -> memref<128xi32, #tpu.memory_space<hbm>>
    %dma_start3A_857 = tpu.memref_slice %arg4[%add3A_853] : memref<320000xi32, #tpu.memory_space<hbm>> -> memref<128xi32, #tpu.memory_space<hbm>>
    tpu.enqueue_dma source(%dma_start3A_857 : memref<128xi32, #tpu.memory_space<hbm>>) target(%arg17 : memref<128xi32, #tpu.memory_space<vmem>>) target_semaphore(%arg35 : memref<!tpu.dma_semaphore, #tpu.memory_space<semaphore_mem>>)
    %dma_wait3A_858 = tpu.memref_slice %arg3[%add3A_787] : memref<320000xi32, #tpu.memory_space<hbm>> -> memref<128xi32, #tpu.memory_space<hbm>>
    %dma_wait3A_859 = tpu.memref_slice %arg3[%add3A_787] : memref<320000xi32, #tpu.memory_space<hbm>> -> memref<128xi32, #tpu.memory_space<hbm>>
    tpu.wait_dma2 semaphore(%arg26 : memref<!tpu.dma_semaphore, #tpu.memory_space<semaphore_mem>>) src(%dma_wait3A_859 : memref<128xi32, #tpu.memory_space<hbm>>) dst(%arg10 : memref<128xi32, #tpu.memory_space<vmem>>)
    %dma_start3A_860 = arith.constant 0 : i32
    %dma_start3A_861 = arith.constant 0 : i32
    %dma_start3A_862 = tpu.memref_slice %arg2[%dma_start3A_860, %dma_start3A_861] : memref<10000x128xf32, #tpu.memory_space<hbm>> -> memref<10000x128xf32, #tpu.memory_space<hbm>>
    tpu.enqueue_indirect_dma source(%dma_start3A_862 : memref<10000x128xf32, #tpu.memory_space<hbm>>) target(%arg20 : memref<128x128xf32, #tpu.memory_space<vmem>>) offsets(%arg10 : memref<128xi32, #tpu.memory_space<vmem>>) semaphore(%arg38 : memref<!tpu.dma_semaphore, #tpu.memory_space<semaphore_mem>>)
    %dma_wait3A_863 = arith.constant 0 : i32
    %dma_wait3A_864 = arith.constant 0 : i32
    %dma_wait3A_865 = tpu.memref_slice %arg2[%dma_wait3A_863, %dma_wait3A_864] : memref<10000x128xf32, #tpu.memory_space<hbm>> -> memref<10000x128xf32, #tpu.memory_space<hbm>>
    tpu.wait_indirect_dma semaphore(%arg36 : memref<!tpu.dma_semaphore, #tpu.memory_space<semaphore_mem>>) src(%dma_wait3A_865 : memref<10000x128xf32, #tpu.memory_space<hbm>>) dst(%arg18 : memref<128x128xf32, #tpu.memory_space<vmem>>)
    %dma_wait3A_866 = tpu.memref_slice %arg4[%add3A_743] : memref<320000xi32, #tpu.memory_space<hbm>> -> memref<128xi32, #tpu.memory_space<hbm>>
    %dma_wait3A_867 = tpu.memref_slice %arg4[%add3A_743] : memref<320000xi32, #tpu.memory_space<hbm>> -> memref<128xi32, #tpu.memory_space<hbm>>
    tpu.wait_dma2 semaphore(%arg30 : memref<!tpu.dma_semaphore, #tpu.memory_space<semaphore_mem>>) src(%dma_wait3A_867 : memref<128xi32, #tpu.memory_space<hbm>>) dst(%arg7 : memref<128xi32, #tpu.memory_space<vmem>>)
    %dma_start3A_868 = arith.constant 0 : i32
    %dma_start3A_869 = arith.constant 0 : i32
    %dma_start3A_870 = tpu.memref_slice %arg23[%dma_start3A_868, %dma_start3A_869] : memref<10000x128xf32, #tpu.memory_space<vmem_shared>> -> memref<10000x128xf32, #tpu.memory_space<vmem_shared>>
    tpu.enqueue_indirect_dma source(%arg18 : memref<128x128xf32, #tpu.memory_space<vmem>>) target(%dma_start3A_870 : memref<10000x128xf32, #tpu.memory_space<vmem_shared>>) offsets(%arg7 : memref<128xi32, #tpu.memory_space<vmem>>) semaphore(%arg39 : memref<!tpu.dma_semaphore, #tpu.memory_space<semaphore_mem>>) {add = true}
    %dma_wait3A_871 = arith.constant 0 : i32
    %dma_wait3A_872 = arith.constant 0 : i32
    %dma_wait3A_873 = tpu.memref_slice %arg23[%dma_wait3A_871, %dma_wait3A_872] : memref<10000x128xf32, #tpu.memory_space<vmem_shared>> -> memref<10000x128xf32, #tpu.memory_space<vmem_shared>>
    tpu.wait_indirect_dma semaphore(%arg39 : memref<!tpu.dma_semaphore, #tpu.memory_space<semaphore_mem>>) src(%arg18 : memref<128x128xf32, #tpu.memory_space<vmem>>) dst(%dma_wait3A_873 : memref<10000x128xf32, #tpu.memory_space<vmem_shared>>)
    %add3A_874 = arith.constant 5376 : i32
    %add3A_875 = arith.addi %mul3A_21, %add3A_874 : i32
    %dma_start3A_876 = tpu.memref_slice %arg3[%add3A_875] : memref<320000xi32, #tpu.memory_space<hbm>> -> memref<128xi32, #tpu.memory_space<hbm>>
    %dma_start3A_877 = tpu.memref_slice %arg3[%add3A_875] : memref<320000xi32, #tpu.memory_space<hbm>> -> memref<128xi32, #tpu.memory_space<hbm>>
    tpu.enqueue_dma source(%dma_start3A_877 : memref<128xi32, #tpu.memory_space<hbm>>) target(%arg6 : memref<128xi32, #tpu.memory_space<vmem>>) target_semaphore(%arg24 : memref<!tpu.dma_semaphore, #tpu.memory_space<semaphore_mem>>)
    %dma_start3A_878 = tpu.memref_slice %arg4[%add3A_875] : memref<320000xi32, #tpu.memory_space<hbm>> -> memref<128xi32, #tpu.memory_space<hbm>>
    %dma_start3A_879 = tpu.memref_slice %arg4[%add3A_875] : memref<320000xi32, #tpu.memory_space<hbm>> -> memref<128xi32, #tpu.memory_space<hbm>>
    tpu.enqueue_dma source(%dma_start3A_879 : memref<128xi32, #tpu.memory_space<hbm>>) target(%arg7 : memref<128xi32, #tpu.memory_space<vmem>>) target_semaphore(%arg30 : memref<!tpu.dma_semaphore, #tpu.memory_space<semaphore_mem>>)
    %dma_wait3A_880 = tpu.memref_slice %arg3[%add3A_809] : memref<320000xi32, #tpu.memory_space<hbm>> -> memref<128xi32, #tpu.memory_space<hbm>>
    %dma_wait3A_881 = tpu.memref_slice %arg3[%add3A_809] : memref<320000xi32, #tpu.memory_space<hbm>> -> memref<128xi32, #tpu.memory_space<hbm>>
    tpu.wait_dma2 semaphore(%arg27 : memref<!tpu.dma_semaphore, #tpu.memory_space<semaphore_mem>>) src(%dma_wait3A_881 : memref<128xi32, #tpu.memory_space<hbm>>) dst(%arg12 : memref<128xi32, #tpu.memory_space<vmem>>)
    %dma_start3A_882 = arith.constant 0 : i32
    %dma_start3A_883 = arith.constant 0 : i32
    %dma_start3A_884 = tpu.memref_slice %arg2[%dma_start3A_882, %dma_start3A_883] : memref<10000x128xf32, #tpu.memory_space<hbm>> -> memref<10000x128xf32, #tpu.memory_space<hbm>>
    tpu.enqueue_indirect_dma source(%dma_start3A_884 : memref<10000x128xf32, #tpu.memory_space<hbm>>) target(%arg18 : memref<128x128xf32, #tpu.memory_space<vmem>>) offsets(%arg12 : memref<128xi32, #tpu.memory_space<vmem>>) semaphore(%arg36 : memref<!tpu.dma_semaphore, #tpu.memory_space<semaphore_mem>>)
    %dma_wait3A_885 = arith.constant 0 : i32
    %dma_wait3A_886 = arith.constant 0 : i32
    %dma_wait3A_887 = tpu.memref_slice %arg2[%dma_wait3A_885, %dma_wait3A_886] : memref<10000x128xf32, #tpu.memory_space<hbm>> -> memref<10000x128xf32, #tpu.memory_space<hbm>>
    tpu.wait_indirect_dma semaphore(%arg37 : memref<!tpu.dma_semaphore, #tpu.memory_space<semaphore_mem>>) src(%dma_wait3A_887 : memref<10000x128xf32, #tpu.memory_space<hbm>>) dst(%arg19 : memref<128x128xf32, #tpu.memory_space<vmem>>)
    %dma_wait3A_888 = tpu.memref_slice %arg4[%add3A_765] : memref<320000xi32, #tpu.memory_space<hbm>> -> memref<128xi32, #tpu.memory_space<hbm>>
    %dma_wait3A_889 = tpu.memref_slice %arg4[%add3A_765] : memref<320000xi32, #tpu.memory_space<hbm>> -> memref<128xi32, #tpu.memory_space<hbm>>
    tpu.wait_dma2 semaphore(%arg31 : memref<!tpu.dma_semaphore, #tpu.memory_space<semaphore_mem>>) src(%dma_wait3A_889 : memref<128xi32, #tpu.memory_space<hbm>>) dst(%arg9 : memref<128xi32, #tpu.memory_space<vmem>>)
    %dma_start3A_890 = arith.constant 0 : i32
    %dma_start3A_891 = arith.constant 0 : i32
    %dma_start3A_892 = tpu.memref_slice %arg23[%dma_start3A_890, %dma_start3A_891] : memref<10000x128xf32, #tpu.memory_space<vmem_shared>> -> memref<10000x128xf32, #tpu.memory_space<vmem_shared>>
    tpu.enqueue_indirect_dma source(%arg19 : memref<128x128xf32, #tpu.memory_space<vmem>>) target(%dma_start3A_892 : memref<10000x128xf32, #tpu.memory_space<vmem_shared>>) offsets(%arg9 : memref<128xi32, #tpu.memory_space<vmem>>) semaphore(%arg40 : memref<!tpu.dma_semaphore, #tpu.memory_space<semaphore_mem>>) {add = true}
    %dma_wait3A_893 = arith.constant 0 : i32
    %dma_wait3A_894 = arith.constant 0 : i32
    %dma_wait3A_895 = tpu.memref_slice %arg23[%dma_wait3A_893, %dma_wait3A_894] : memref<10000x128xf32, #tpu.memory_space<vmem_shared>> -> memref<10000x128xf32, #tpu.memory_space<vmem_shared>>
    tpu.wait_indirect_dma semaphore(%arg40 : memref<!tpu.dma_semaphore, #tpu.memory_space<semaphore_mem>>) src(%arg19 : memref<128x128xf32, #tpu.memory_space<vmem>>) dst(%dma_wait3A_895 : memref<10000x128xf32, #tpu.memory_space<vmem_shared>>)
    %add3A_896 = arith.constant 5504 : i32
    %add3A_897 = arith.addi %mul3A_21, %add3A_896 : i32
    %dma_start3A_898 = tpu.memref_slice %arg3[%add3A_897] : memref<320000xi32, #tpu.memory_space<hbm>> -> memref<128xi32, #tpu.memory_space<hbm>>
    %dma_start3A_899 = tpu.memref_slice %arg3[%add3A_897] : memref<320000xi32, #tpu.memory_space<hbm>> -> memref<128xi32, #tpu.memory_space<hbm>>
    tpu.enqueue_dma source(%dma_start3A_899 : memref<128xi32, #tpu.memory_space<hbm>>) target(%arg8 : memref<128xi32, #tpu.memory_space<vmem>>) target_semaphore(%arg25 : memref<!tpu.dma_semaphore, #tpu.memory_space<semaphore_mem>>)
    %dma_start3A_900 = tpu.memref_slice %arg4[%add3A_897] : memref<320000xi32, #tpu.memory_space<hbm>> -> memref<128xi32, #tpu.memory_space<hbm>>
    %dma_start3A_901 = tpu.memref_slice %arg4[%add3A_897] : memref<320000xi32, #tpu.memory_space<hbm>> -> memref<128xi32, #tpu.memory_space<hbm>>
    tpu.enqueue_dma source(%dma_start3A_901 : memref<128xi32, #tpu.memory_space<hbm>>) target(%arg9 : memref<128xi32, #tpu.memory_space<vmem>>) target_semaphore(%arg31 : memref<!tpu.dma_semaphore, #tpu.memory_space<semaphore_mem>>)
    %dma_wait3A_902 = tpu.memref_slice %arg3[%add3A_831] : memref<320000xi32, #tpu.memory_space<hbm>> -> memref<128xi32, #tpu.memory_space<hbm>>
    %dma_wait3A_903 = tpu.memref_slice %arg3[%add3A_831] : memref<320000xi32, #tpu.memory_space<hbm>> -> memref<128xi32, #tpu.memory_space<hbm>>
    tpu.wait_dma2 semaphore(%arg28 : memref<!tpu.dma_semaphore, #tpu.memory_space<semaphore_mem>>) src(%dma_wait3A_903 : memref<128xi32, #tpu.memory_space<hbm>>) dst(%arg14 : memref<128xi32, #tpu.memory_space<vmem>>)
    %dma_start3A_904 = arith.constant 0 : i32
    %dma_start3A_905 = arith.constant 0 : i32
    %dma_start3A_906 = tpu.memref_slice %arg2[%dma_start3A_904, %dma_start3A_905] : memref<10000x128xf32, #tpu.memory_space<hbm>> -> memref<10000x128xf32, #tpu.memory_space<hbm>>
    tpu.enqueue_indirect_dma source(%dma_start3A_906 : memref<10000x128xf32, #tpu.memory_space<hbm>>) target(%arg19 : memref<128x128xf32, #tpu.memory_space<vmem>>) offsets(%arg14 : memref<128xi32, #tpu.memory_space<vmem>>) semaphore(%arg37 : memref<!tpu.dma_semaphore, #tpu.memory_space<semaphore_mem>>)
    %dma_wait3A_907 = arith.constant 0 : i32
    %dma_wait3A_908 = arith.constant 0 : i32
    %dma_wait3A_909 = tpu.memref_slice %arg2[%dma_wait3A_907, %dma_wait3A_908] : memref<10000x128xf32, #tpu.memory_space<hbm>> -> memref<10000x128xf32, #tpu.memory_space<hbm>>
    tpu.wait_indirect_dma semaphore(%arg38 : memref<!tpu.dma_semaphore, #tpu.memory_space<semaphore_mem>>) src(%dma_wait3A_909 : memref<10000x128xf32, #tpu.memory_space<hbm>>) dst(%arg20 : memref<128x128xf32, #tpu.memory_space<vmem>>)
    %dma_wait3A_910 = tpu.memref_slice %arg4[%add3A_787] : memref<320000xi32, #tpu.memory_space<hbm>> -> memref<128xi32, #tpu.memory_space<hbm>>
    %dma_wait3A_911 = tpu.memref_slice %arg4[%add3A_787] : memref<320000xi32, #tpu.memory_space<hbm>> -> memref<128xi32, #tpu.memory_space<hbm>>
    tpu.wait_dma2 semaphore(%arg32 : memref<!tpu.dma_semaphore, #tpu.memory_space<semaphore_mem>>) src(%dma_wait3A_911 : memref<128xi32, #tpu.memory_space<hbm>>) dst(%arg11 : memref<128xi32, #tpu.memory_space<vmem>>)
    %dma_start3A_912 = arith.constant 0 : i32
    %dma_start3A_913 = arith.constant 0 : i32
    %dma_start3A_914 = tpu.memref_slice %arg23[%dma_start3A_912, %dma_start3A_913] : memref<10000x128xf32, #tpu.memory_space<vmem_shared>> -> memref<10000x128xf32, #tpu.memory_space<vmem_shared>>
    tpu.enqueue_indirect_dma source(%arg20 : memref<128x128xf32, #tpu.memory_space<vmem>>) target(%dma_start3A_914 : memref<10000x128xf32, #tpu.memory_space<vmem_shared>>) offsets(%arg11 : memref<128xi32, #tpu.memory_space<vmem>>) semaphore(%arg41 : memref<!tpu.dma_semaphore, #tpu.memory_space<semaphore_mem>>) {add = true}
    %dma_wait3A_915 = arith.constant 0 : i32
    %dma_wait3A_916 = arith.constant 0 : i32
    %dma_wait3A_917 = tpu.memref_slice %arg23[%dma_wait3A_915, %dma_wait3A_916] : memref<10000x128xf32, #tpu.memory_space<vmem_shared>> -> memref<10000x128xf32, #tpu.memory_space<vmem_shared>>
    tpu.wait_indirect_dma semaphore(%arg41 : memref<!tpu.dma_semaphore, #tpu.memory_space<semaphore_mem>>) src(%arg20 : memref<128x128xf32, #tpu.memory_space<vmem>>) dst(%dma_wait3A_917 : memref<10000x128xf32, #tpu.memory_space<vmem_shared>>)
    %add3A_918 = arith.constant 5632 : i32
    %add3A_919 = arith.addi %mul3A_21, %add3A_918 : i32
    %dma_start3A_920 = tpu.memref_slice %arg3[%add3A_919] : memref<320000xi32, #tpu.memory_space<hbm>> -> memref<128xi32, #tpu.memory_space<hbm>>
    %dma_start3A_921 = tpu.memref_slice %arg3[%add3A_919] : memref<320000xi32, #tpu.memory_space<hbm>> -> memref<128xi32, #tpu.memory_space<hbm>>
    tpu.enqueue_dma source(%dma_start3A_921 : memref<128xi32, #tpu.memory_space<hbm>>) target(%arg10 : memref<128xi32, #tpu.memory_space<vmem>>) target_semaphore(%arg26 : memref<!tpu.dma_semaphore, #tpu.memory_space<semaphore_mem>>)
    %dma_start3A_922 = tpu.memref_slice %arg4[%add3A_919] : memref<320000xi32, #tpu.memory_space<hbm>> -> memref<128xi32, #tpu.memory_space<hbm>>
    %dma_start3A_923 = tpu.memref_slice %arg4[%add3A_919] : memref<320000xi32, #tpu.memory_space<hbm>> -> memref<128xi32, #tpu.memory_space<hbm>>
    tpu.enqueue_dma source(%dma_start3A_923 : memref<128xi32, #tpu.memory_space<hbm>>) target(%arg11 : memref<128xi32, #tpu.memory_space<vmem>>) target_semaphore(%arg32 : memref<!tpu.dma_semaphore, #tpu.memory_space<semaphore_mem>>)
    %dma_wait3A_924 = tpu.memref_slice %arg3[%add3A_853] : memref<320000xi32, #tpu.memory_space<hbm>> -> memref<128xi32, #tpu.memory_space<hbm>>
    %dma_wait3A_925 = tpu.memref_slice %arg3[%add3A_853] : memref<320000xi32, #tpu.memory_space<hbm>> -> memref<128xi32, #tpu.memory_space<hbm>>
    tpu.wait_dma2 semaphore(%arg29 : memref<!tpu.dma_semaphore, #tpu.memory_space<semaphore_mem>>) src(%dma_wait3A_925 : memref<128xi32, #tpu.memory_space<hbm>>) dst(%arg16 : memref<128xi32, #tpu.memory_space<vmem>>)
    %dma_start3A_926 = arith.constant 0 : i32
    %dma_start3A_927 = arith.constant 0 : i32
    %dma_start3A_928 = tpu.memref_slice %arg2[%dma_start3A_926, %dma_start3A_927] : memref<10000x128xf32, #tpu.memory_space<hbm>> -> memref<10000x128xf32, #tpu.memory_space<hbm>>
    tpu.enqueue_indirect_dma source(%dma_start3A_928 : memref<10000x128xf32, #tpu.memory_space<hbm>>) target(%arg20 : memref<128x128xf32, #tpu.memory_space<vmem>>) offsets(%arg16 : memref<128xi32, #tpu.memory_space<vmem>>) semaphore(%arg38 : memref<!tpu.dma_semaphore, #tpu.memory_space<semaphore_mem>>)
    %dma_wait3A_929 = arith.constant 0 : i32
    %dma_wait3A_930 = arith.constant 0 : i32
    %dma_wait3A_931 = tpu.memref_slice %arg2[%dma_wait3A_929, %dma_wait3A_930] : memref<10000x128xf32, #tpu.memory_space<hbm>> -> memref<10000x128xf32, #tpu.memory_space<hbm>>
    tpu.wait_indirect_dma semaphore(%arg36 : memref<!tpu.dma_semaphore, #tpu.memory_space<semaphore_mem>>) src(%dma_wait3A_931 : memref<10000x128xf32, #tpu.memory_space<hbm>>) dst(%arg18 : memref<128x128xf32, #tpu.memory_space<vmem>>)
    %dma_wait3A_932 = tpu.memref_slice %arg4[%add3A_809] : memref<320000xi32, #tpu.memory_space<hbm>> -> memref<128xi32, #tpu.memory_space<hbm>>
    %dma_wait3A_933 = tpu.memref_slice %arg4[%add3A_809] : memref<320000xi32, #tpu.memory_space<hbm>> -> memref<128xi32, #tpu.memory_space<hbm>>
    tpu.wait_dma2 semaphore(%arg33 : memref<!tpu.dma_semaphore, #tpu.memory_space<semaphore_mem>>) src(%dma_wait3A_933 : memref<128xi32, #tpu.memory_space<hbm>>) dst(%arg13 : memref<128xi32, #tpu.memory_space<vmem>>)
    %dma_start3A_934 = arith.constant 0 : i32
    %dma_start3A_935 = arith.constant 0 : i32
    %dma_start3A_936 = tpu.memref_slice %arg23[%dma_start3A_934, %dma_start3A_935] : memref<10000x128xf32, #tpu.memory_space<vmem_shared>> -> memref<10000x128xf32, #tpu.memory_space<vmem_shared>>
    tpu.enqueue_indirect_dma source(%arg18 : memref<128x128xf32, #tpu.memory_space<vmem>>) target(%dma_start3A_936 : memref<10000x128xf32, #tpu.memory_space<vmem_shared>>) offsets(%arg13 : memref<128xi32, #tpu.memory_space<vmem>>) semaphore(%arg39 : memref<!tpu.dma_semaphore, #tpu.memory_space<semaphore_mem>>) {add = true}
    %dma_wait3A_937 = arith.constant 0 : i32
    %dma_wait3A_938 = arith.constant 0 : i32
    %dma_wait3A_939 = tpu.memref_slice %arg23[%dma_wait3A_937, %dma_wait3A_938] : memref<10000x128xf32, #tpu.memory_space<vmem_shared>> -> memref<10000x128xf32, #tpu.memory_space<vmem_shared>>
    tpu.wait_indirect_dma semaphore(%arg39 : memref<!tpu.dma_semaphore, #tpu.memory_space<semaphore_mem>>) src(%arg18 : memref<128x128xf32, #tpu.memory_space<vmem>>) dst(%dma_wait3A_939 : memref<10000x128xf32, #tpu.memory_space<vmem_shared>>)
    %add3A_940 = arith.constant 5760 : i32
    %add3A_941 = arith.addi %mul3A_21, %add3A_940 : i32
    %dma_start3A_942 = tpu.memref_slice %arg3[%add3A_941] : memref<320000xi32, #tpu.memory_space<hbm>> -> memref<128xi32, #tpu.memory_space<hbm>>
    %dma_start3A_943 = tpu.memref_slice %arg3[%add3A_941] : memref<320000xi32, #tpu.memory_space<hbm>> -> memref<128xi32, #tpu.memory_space<hbm>>
    tpu.enqueue_dma source(%dma_start3A_943 : memref<128xi32, #tpu.memory_space<hbm>>) target(%arg12 : memref<128xi32, #tpu.memory_space<vmem>>) target_semaphore(%arg27 : memref<!tpu.dma_semaphore, #tpu.memory_space<semaphore_mem>>)
    %dma_start3A_944 = tpu.memref_slice %arg4[%add3A_941] : memref<320000xi32, #tpu.memory_space<hbm>> -> memref<128xi32, #tpu.memory_space<hbm>>
    %dma_start3A_945 = tpu.memref_slice %arg4[%add3A_941] : memref<320000xi32, #tpu.memory_space<hbm>> -> memref<128xi32, #tpu.memory_space<hbm>>
    tpu.enqueue_dma source(%dma_start3A_945 : memref<128xi32, #tpu.memory_space<hbm>>) target(%arg13 : memref<128xi32, #tpu.memory_space<vmem>>) target_semaphore(%arg33 : memref<!tpu.dma_semaphore, #tpu.memory_space<semaphore_mem>>)
    %dma_wait3A_946 = tpu.memref_slice %arg3[%add3A_875] : memref<320000xi32, #tpu.memory_space<hbm>> -> memref<128xi32, #tpu.memory_space<hbm>>
    %dma_wait3A_947 = tpu.memref_slice %arg3[%add3A_875] : memref<320000xi32, #tpu.memory_space<hbm>> -> memref<128xi32, #tpu.memory_space<hbm>>
    tpu.wait_dma2 semaphore(%arg24 : memref<!tpu.dma_semaphore, #tpu.memory_space<semaphore_mem>>) src(%dma_wait3A_947 : memref<128xi32, #tpu.memory_space<hbm>>) dst(%arg6 : memref<128xi32, #tpu.memory_space<vmem>>)
    %dma_start3A_948 = arith.constant 0 : i32
    %dma_start3A_949 = arith.constant 0 : i32
    %dma_start3A_950 = tpu.memref_slice %arg2[%dma_start3A_948, %dma_start3A_949] : memref<10000x128xf32, #tpu.memory_space<hbm>> -> memref<10000x128xf32, #tpu.memory_space<hbm>>
    tpu.enqueue_indirect_dma source(%dma_start3A_950 : memref<10000x128xf32, #tpu.memory_space<hbm>>) target(%arg18 : memref<128x128xf32, #tpu.memory_space<vmem>>) offsets(%arg6 : memref<128xi32, #tpu.memory_space<vmem>>) semaphore(%arg36 : memref<!tpu.dma_semaphore, #tpu.memory_space<semaphore_mem>>)
    %dma_wait3A_951 = arith.constant 0 : i32
    %dma_wait3A_952 = arith.constant 0 : i32
    %dma_wait3A_953 = tpu.memref_slice %arg2[%dma_wait3A_951, %dma_wait3A_952] : memref<10000x128xf32, #tpu.memory_space<hbm>> -> memref<10000x128xf32, #tpu.memory_space<hbm>>
    tpu.wait_indirect_dma semaphore(%arg37 : memref<!tpu.dma_semaphore, #tpu.memory_space<semaphore_mem>>) src(%dma_wait3A_953 : memref<10000x128xf32, #tpu.memory_space<hbm>>) dst(%arg19 : memref<128x128xf32, #tpu.memory_space<vmem>>)
    %dma_wait3A_954 = tpu.memref_slice %arg4[%add3A_831] : memref<320000xi32, #tpu.memory_space<hbm>> -> memref<128xi32, #tpu.memory_space<hbm>>
    %dma_wait3A_955 = tpu.memref_slice %arg4[%add3A_831] : memref<320000xi32, #tpu.memory_space<hbm>> -> memref<128xi32, #tpu.memory_space<hbm>>
    tpu.wait_dma2 semaphore(%arg34 : memref<!tpu.dma_semaphore, #tpu.memory_space<semaphore_mem>>) src(%dma_wait3A_955 : memref<128xi32, #tpu.memory_space<hbm>>) dst(%arg15 : memref<128xi32, #tpu.memory_space<vmem>>)
    %dma_start3A_956 = arith.constant 0 : i32
    %dma_start3A_957 = arith.constant 0 : i32
    %dma_start3A_958 = tpu.memref_slice %arg23[%dma_start3A_956, %dma_start3A_957] : memref<10000x128xf32, #tpu.memory_space<vmem_shared>> -> memref<10000x128xf32, #tpu.memory_space<vmem_shared>>
    tpu.enqueue_indirect_dma source(%arg19 : memref<128x128xf32, #tpu.memory_space<vmem>>) target(%dma_start3A_958 : memref<10000x128xf32, #tpu.memory_space<vmem_shared>>) offsets(%arg15 : memref<128xi32, #tpu.memory_space<vmem>>) semaphore(%arg40 : memref<!tpu.dma_semaphore, #tpu.memory_space<semaphore_mem>>) {add = true}
    %dma_wait3A_959 = arith.constant 0 : i32
    %dma_wait3A_960 = arith.constant 0 : i32
    %dma_wait3A_961 = tpu.memref_slice %arg23[%dma_wait3A_959, %dma_wait3A_960] : memref<10000x128xf32, #tpu.memory_space<vmem_shared>> -> memref<10000x128xf32, #tpu.memory_space<vmem_shared>>
    tpu.wait_indirect_dma semaphore(%arg40 : memref<!tpu.dma_semaphore, #tpu.memory_space<semaphore_mem>>) src(%arg19 : memref<128x128xf32, #tpu.memory_space<vmem>>) dst(%dma_wait3A_961 : memref<10000x128xf32, #tpu.memory_space<vmem_shared>>)
    %add3A_962 = arith.constant 5888 : i32
    %add3A_963 = arith.addi %mul3A_21, %add3A_962 : i32
    %dma_start3A_964 = tpu.memref_slice %arg3[%add3A_963] : memref<320000xi32, #tpu.memory_space<hbm>> -> memref<128xi32, #tpu.memory_space<hbm>>
    %dma_start3A_965 = tpu.memref_slice %arg3[%add3A_963] : memref<320000xi32, #tpu.memory_space<hbm>> -> memref<128xi32, #tpu.memory_space<hbm>>
    tpu.enqueue_dma source(%dma_start3A_965 : memref<128xi32, #tpu.memory_space<hbm>>) target(%arg14 : memref<128xi32, #tpu.memory_space<vmem>>) target_semaphore(%arg28 : memref<!tpu.dma_semaphore, #tpu.memory_space<semaphore_mem>>)
    %dma_start3A_966 = tpu.memref_slice %arg4[%add3A_963] : memref<320000xi32, #tpu.memory_space<hbm>> -> memref<128xi32, #tpu.memory_space<hbm>>
    %dma_start3A_967 = tpu.memref_slice %arg4[%add3A_963] : memref<320000xi32, #tpu.memory_space<hbm>> -> memref<128xi32, #tpu.memory_space<hbm>>
    tpu.enqueue_dma source(%dma_start3A_967 : memref<128xi32, #tpu.memory_space<hbm>>) target(%arg15 : memref<128xi32, #tpu.memory_space<vmem>>) target_semaphore(%arg34 : memref<!tpu.dma_semaphore, #tpu.memory_space<semaphore_mem>>)
    %dma_wait3A_968 = tpu.memref_slice %arg3[%add3A_897] : memref<320000xi32, #tpu.memory_space<hbm>> -> memref<128xi32, #tpu.memory_space<hbm>>
    %dma_wait3A_969 = tpu.memref_slice %arg3[%add3A_897] : memref<320000xi32, #tpu.memory_space<hbm>> -> memref<128xi32, #tpu.memory_space<hbm>>
    tpu.wait_dma2 semaphore(%arg25 : memref<!tpu.dma_semaphore, #tpu.memory_space<semaphore_mem>>) src(%dma_wait3A_969 : memref<128xi32, #tpu.memory_space<hbm>>) dst(%arg8 : memref<128xi32, #tpu.memory_space<vmem>>)
    %dma_start3A_970 = arith.constant 0 : i32
    %dma_start3A_971 = arith.constant 0 : i32
    %dma_start3A_972 = tpu.memref_slice %arg2[%dma_start3A_970, %dma_start3A_971] : memref<10000x128xf32, #tpu.memory_space<hbm>> -> memref<10000x128xf32, #tpu.memory_space<hbm>>
    tpu.enqueue_indirect_dma source(%dma_start3A_972 : memref<10000x128xf32, #tpu.memory_space<hbm>>) target(%arg19 : memref<128x128xf32, #tpu.memory_space<vmem>>) offsets(%arg8 : memref<128xi32, #tpu.memory_space<vmem>>) semaphore(%arg37 : memref<!tpu.dma_semaphore, #tpu.memory_space<semaphore_mem>>)
    %dma_wait3A_973 = arith.constant 0 : i32
    %dma_wait3A_974 = arith.constant 0 : i32
    %dma_wait3A_975 = tpu.memref_slice %arg2[%dma_wait3A_973, %dma_wait3A_974] : memref<10000x128xf32, #tpu.memory_space<hbm>> -> memref<10000x128xf32, #tpu.memory_space<hbm>>
    tpu.wait_indirect_dma semaphore(%arg38 : memref<!tpu.dma_semaphore, #tpu.memory_space<semaphore_mem>>) src(%dma_wait3A_975 : memref<10000x128xf32, #tpu.memory_space<hbm>>) dst(%arg20 : memref<128x128xf32, #tpu.memory_space<vmem>>)
    %dma_wait3A_976 = tpu.memref_slice %arg4[%add3A_853] : memref<320000xi32, #tpu.memory_space<hbm>> -> memref<128xi32, #tpu.memory_space<hbm>>
    %dma_wait3A_977 = tpu.memref_slice %arg4[%add3A_853] : memref<320000xi32, #tpu.memory_space<hbm>> -> memref<128xi32, #tpu.memory_space<hbm>>
    tpu.wait_dma2 semaphore(%arg35 : memref<!tpu.dma_semaphore, #tpu.memory_space<semaphore_mem>>) src(%dma_wait3A_977 : memref<128xi32, #tpu.memory_space<hbm>>) dst(%arg17 : memref<128xi32, #tpu.memory_space<vmem>>)
    %dma_start3A_978 = arith.constant 0 : i32
    %dma_start3A_979 = arith.constant 0 : i32
    %dma_start3A_980 = tpu.memref_slice %arg23[%dma_start3A_978, %dma_start3A_979] : memref<10000x128xf32, #tpu.memory_space<vmem_shared>> -> memref<10000x128xf32, #tpu.memory_space<vmem_shared>>
    tpu.enqueue_indirect_dma source(%arg20 : memref<128x128xf32, #tpu.memory_space<vmem>>) target(%dma_start3A_980 : memref<10000x128xf32, #tpu.memory_space<vmem_shared>>) offsets(%arg17 : memref<128xi32, #tpu.memory_space<vmem>>) semaphore(%arg41 : memref<!tpu.dma_semaphore, #tpu.memory_space<semaphore_mem>>) {add = true}
    %dma_wait3A_981 = arith.constant 0 : i32
    %dma_wait3A_982 = arith.constant 0 : i32
    %dma_wait3A_983 = tpu.memref_slice %arg23[%dma_wait3A_981, %dma_wait3A_982] : memref<10000x128xf32, #tpu.memory_space<vmem_shared>> -> memref<10000x128xf32, #tpu.memory_space<vmem_shared>>
    tpu.wait_indirect_dma semaphore(%arg41 : memref<!tpu.dma_semaphore, #tpu.memory_space<semaphore_mem>>) src(%arg20 : memref<128x128xf32, #tpu.memory_space<vmem>>) dst(%dma_wait3A_983 : memref<10000x128xf32, #tpu.memory_space<vmem_shared>>)
    %add3A_984 = arith.constant 6016 : i32
    %add3A_985 = arith.addi %mul3A_21, %add3A_984 : i32
    %dma_start3A_986 = tpu.memref_slice %arg3[%add3A_985] : memref<320000xi32, #tpu.memory_space<hbm>> -> memref<128xi32, #tpu.memory_space<hbm>>
    %dma_start3A_987 = tpu.memref_slice %arg3[%add3A_985] : memref<320000xi32, #tpu.memory_space<hbm>> -> memref<128xi32, #tpu.memory_space<hbm>>
    tpu.enqueue_dma source(%dma_start3A_987 : memref<128xi32, #tpu.memory_space<hbm>>) target(%arg16 : memref<128xi32, #tpu.memory_space<vmem>>) target_semaphore(%arg29 : memref<!tpu.dma_semaphore, #tpu.memory_space<semaphore_mem>>)
    %dma_start3A_988 = tpu.memref_slice %arg4[%add3A_985] : memref<320000xi32, #tpu.memory_space<hbm>> -> memref<128xi32, #tpu.memory_space<hbm>>
    %dma_start3A_989 = tpu.memref_slice %arg4[%add3A_985] : memref<320000xi32, #tpu.memory_space<hbm>> -> memref<128xi32, #tpu.memory_space<hbm>>
    tpu.enqueue_dma source(%dma_start3A_989 : memref<128xi32, #tpu.memory_space<hbm>>) target(%arg17 : memref<128xi32, #tpu.memory_space<vmem>>) target_semaphore(%arg35 : memref<!tpu.dma_semaphore, #tpu.memory_space<semaphore_mem>>)
    %dma_wait3A_990 = tpu.memref_slice %arg3[%add3A_919] : memref<320000xi32, #tpu.memory_space<hbm>> -> memref<128xi32, #tpu.memory_space<hbm>>
    %dma_wait3A_991 = tpu.memref_slice %arg3[%add3A_919] : memref<320000xi32, #tpu.memory_space<hbm>> -> memref<128xi32, #tpu.memory_space<hbm>>
    tpu.wait_dma2 semaphore(%arg26 : memref<!tpu.dma_semaphore, #tpu.memory_space<semaphore_mem>>) src(%dma_wait3A_991 : memref<128xi32, #tpu.memory_space<hbm>>) dst(%arg10 : memref<128xi32, #tpu.memory_space<vmem>>)
    %dma_start3A_992 = arith.constant 0 : i32
    %dma_start3A_993 = arith.constant 0 : i32
    %dma_start3A_994 = tpu.memref_slice %arg2[%dma_start3A_992, %dma_start3A_993] : memref<10000x128xf32, #tpu.memory_space<hbm>> -> memref<10000x128xf32, #tpu.memory_space<hbm>>
    tpu.enqueue_indirect_dma source(%dma_start3A_994 : memref<10000x128xf32, #tpu.memory_space<hbm>>) target(%arg20 : memref<128x128xf32, #tpu.memory_space<vmem>>) offsets(%arg10 : memref<128xi32, #tpu.memory_space<vmem>>) semaphore(%arg38 : memref<!tpu.dma_semaphore, #tpu.memory_space<semaphore_mem>>)
    %dma_wait3A_995 = arith.constant 0 : i32
    %dma_wait3A_996 = arith.constant 0 : i32
    %dma_wait3A_997 = tpu.memref_slice %arg2[%dma_wait3A_995, %dma_wait3A_996] : memref<10000x128xf32, #tpu.memory_space<hbm>> -> memref<10000x128xf32, #tpu.memory_space<hbm>>
    tpu.wait_indirect_dma semaphore(%arg36 : memref<!tpu.dma_semaphore, #tpu.memory_space<semaphore_mem>>) src(%dma_wait3A_997 : memref<10000x128xf32, #tpu.memory_space<hbm>>) dst(%arg18 : memref<128x128xf32, #tpu.memory_space<vmem>>)
    %dma_wait3A_998 = tpu.memref_slice %arg4[%add3A_875] : memref<320000xi32, #tpu.memory_space<hbm>> -> memref<128xi32, #tpu.memory_space<hbm>>
    %dma_wait3A_999 = tpu.memref_slice %arg4[%add3A_875] : memref<320000xi32, #tpu.memory_space<hbm>> -> memref<128xi32, #tpu.memory_space<hbm>>
    tpu.wait_dma2 semaphore(%arg30 : memref<!tpu.dma_semaphore, #tpu.memory_space<semaphore_mem>>) src(%dma_wait3A_999 : memref<128xi32, #tpu.memory_space<hbm>>) dst(%arg7 : memref<128xi32, #tpu.memory_space<vmem>>)
    %dma_start3A_1000 = arith.constant 0 : i32
    %dma_start3A_1001 = arith.constant 0 : i32
    %dma_start3A_1002 = tpu.memref_slice %arg23[%dma_start3A_1000, %dma_start3A_1001] : memref<10000x128xf32, #tpu.memory_space<vmem_shared>> -> memref<10000x128xf32, #tpu.memory_space<vmem_shared>>
    tpu.enqueue_indirect_dma source(%arg18 : memref<128x128xf32, #tpu.memory_space<vmem>>) target(%dma_start3A_1002 : memref<10000x128xf32, #tpu.memory_space<vmem_shared>>) offsets(%arg7 : memref<128xi32, #tpu.memory_space<vmem>>) semaphore(%arg39 : memref<!tpu.dma_semaphore, #tpu.memory_space<semaphore_mem>>) {add = true}
    %dma_wait3A_1003 = arith.constant 0 : i32
    %dma_wait3A_1004 = arith.constant 0 : i32
    %dma_wait3A_1005 = tpu.memref_slice %arg23[%dma_wait3A_1003, %dma_wait3A_1004] : memref<10000x128xf32, #tpu.memory_space<vmem_shared>> -> memref<10000x128xf32, #tpu.memory_space<vmem_shared>>
    tpu.wait_indirect_dma semaphore(%arg39 : memref<!tpu.dma_semaphore, #tpu.memory_space<semaphore_mem>>) src(%arg18 : memref<128x128xf32, #tpu.memory_space<vmem>>) dst(%dma_wait3A_1005 : memref<10000x128xf32, #tpu.memory_space<vmem_shared>>)
    %add3A_1006 = arith.constant 6144 : i32
    %add3A_1007 = arith.addi %mul3A_21, %add3A_1006 : i32
    %dma_start3A_1008 = tpu.memref_slice %arg3[%add3A_1007] : memref<320000xi32, #tpu.memory_space<hbm>> -> memref<128xi32, #tpu.memory_space<hbm>>
    %dma_start3A_1009 = tpu.memref_slice %arg3[%add3A_1007] : memref<320000xi32, #tpu.memory_space<hbm>> -> memref<128xi32, #tpu.memory_space<hbm>>
    tpu.enqueue_dma source(%dma_start3A_1009 : memref<128xi32, #tpu.memory_space<hbm>>) target(%arg6 : memref<128xi32, #tpu.memory_space<vmem>>) target_semaphore(%arg24 : memref<!tpu.dma_semaphore, #tpu.memory_space<semaphore_mem>>)
    %dma_start3A_1010 = tpu.memref_slice %arg4[%add3A_1007] : memref<320000xi32, #tpu.memory_space<hbm>> -> memref<128xi32, #tpu.memory_space<hbm>>
    %dma_start3A_1011 = tpu.memref_slice %arg4[%add3A_1007] : memref<320000xi32, #tpu.memory_space<hbm>> -> memref<128xi32, #tpu.memory_space<hbm>>
    tpu.enqueue_dma source(%dma_start3A_1011 : memref<128xi32, #tpu.memory_space<hbm>>) target(%arg7 : memref<128xi32, #tpu.memory_space<vmem>>) target_semaphore(%arg30 : memref<!tpu.dma_semaphore, #tpu.memory_space<semaphore_mem>>)
    %dma_wait3A_1012 = tpu.memref_slice %arg3[%add3A_941] : memref<320000xi32, #tpu.memory_space<hbm>> -> memref<128xi32, #tpu.memory_space<hbm>>
    %dma_wait3A_1013 = tpu.memref_slice %arg3[%add3A_941] : memref<320000xi32, #tpu.memory_space<hbm>> -> memref<128xi32, #tpu.memory_space<hbm>>
    tpu.wait_dma2 semaphore(%arg27 : memref<!tpu.dma_semaphore, #tpu.memory_space<semaphore_mem>>) src(%dma_wait3A_1013 : memref<128xi32, #tpu.memory_space<hbm>>) dst(%arg12 : memref<128xi32, #tpu.memory_space<vmem>>)
    %dma_start3A_1014 = arith.constant 0 : i32
    %dma_start3A_1015 = arith.constant 0 : i32
    %dma_start3A_1016 = tpu.memref_slice %arg2[%dma_start3A_1014, %dma_start3A_1015] : memref<10000x128xf32, #tpu.memory_space<hbm>> -> memref<10000x128xf32, #tpu.memory_space<hbm>>
    tpu.enqueue_indirect_dma source(%dma_start3A_1016 : memref<10000x128xf32, #tpu.memory_space<hbm>>) target(%arg18 : memref<128x128xf32, #tpu.memory_space<vmem>>) offsets(%arg12 : memref<128xi32, #tpu.memory_space<vmem>>) semaphore(%arg36 : memref<!tpu.dma_semaphore, #tpu.memory_space<semaphore_mem>>)
    %dma_wait3A_1017 = arith.constant 0 : i32
    %dma_wait3A_1018 = arith.constant 0 : i32
    %dma_wait3A_1019 = tpu.memref_slice %arg2[%dma_wait3A_1017, %dma_wait3A_1018] : memref<10000x128xf32, #tpu.memory_space<hbm>> -> memref<10000x128xf32, #tpu.memory_space<hbm>>
    tpu.wait_indirect_dma semaphore(%arg37 : memref<!tpu.dma_semaphore, #tpu.memory_space<semaphore_mem>>) src(%dma_wait3A_1019 : memref<10000x128xf32, #tpu.memory_space<hbm>>) dst(%arg19 : memref<128x128xf32, #tpu.memory_space<vmem>>)
    %dma_wait3A_1020 = tpu.memref_slice %arg4[%add3A_897] : memref<320000xi32, #tpu.memory_space<hbm>> -> memref<128xi32, #tpu.memory_space<hbm>>
    %dma_wait3A_1021 = tpu.memref_slice %arg4[%add3A_897] : memref<320000xi32, #tpu.memory_space<hbm>> -> memref<128xi32, #tpu.memory_space<hbm>>
    tpu.wait_dma2 semaphore(%arg31 : memref<!tpu.dma_semaphore, #tpu.memory_space<semaphore_mem>>) src(%dma_wait3A_1021 : memref<128xi32, #tpu.memory_space<hbm>>) dst(%arg9 : memref<128xi32, #tpu.memory_space<vmem>>)
    %dma_start3A_1022 = arith.constant 0 : i32
    %dma_start3A_1023 = arith.constant 0 : i32
    %dma_start3A_1024 = tpu.memref_slice %arg23[%dma_start3A_1022, %dma_start3A_1023] : memref<10000x128xf32, #tpu.memory_space<vmem_shared>> -> memref<10000x128xf32, #tpu.memory_space<vmem_shared>>
    tpu.enqueue_indirect_dma source(%arg19 : memref<128x128xf32, #tpu.memory_space<vmem>>) target(%dma_start3A_1024 : memref<10000x128xf32, #tpu.memory_space<vmem_shared>>) offsets(%arg9 : memref<128xi32, #tpu.memory_space<vmem>>) semaphore(%arg40 : memref<!tpu.dma_semaphore, #tpu.memory_space<semaphore_mem>>) {add = true}
    %dma_wait3A_1025 = arith.constant 0 : i32
    %dma_wait3A_1026 = arith.constant 0 : i32
    %dma_wait3A_1027 = tpu.memref_slice %arg23[%dma_wait3A_1025, %dma_wait3A_1026] : memref<10000x128xf32, #tpu.memory_space<vmem_shared>> -> memref<10000x128xf32, #tpu.memory_space<vmem_shared>>
    tpu.wait_indirect_dma semaphore(%arg40 : memref<!tpu.dma_semaphore, #tpu.memory_space<semaphore_mem>>) src(%arg19 : memref<128x128xf32, #tpu.memory_space<vmem>>) dst(%dma_wait3A_1027 : memref<10000x128xf32, #tpu.memory_space<vmem_shared>>)
    %add3A_1028 = arith.constant 6272 : i32
    %add3A_1029 = arith.addi %mul3A_21, %add3A_1028 : i32
    %dma_start3A_1030 = tpu.memref_slice %arg3[%add3A_1029] : memref<320000xi32, #tpu.memory_space<hbm>> -> memref<128xi32, #tpu.memory_space<hbm>>
    %dma_start3A_1031 = tpu.memref_slice %arg3[%add3A_1029] : memref<320000xi32, #tpu.memory_space<hbm>> -> memref<128xi32, #tpu.memory_space<hbm>>
    tpu.enqueue_dma source(%dma_start3A_1031 : memref<128xi32, #tpu.memory_space<hbm>>) target(%arg8 : memref<128xi32, #tpu.memory_space<vmem>>) target_semaphore(%arg25 : memref<!tpu.dma_semaphore, #tpu.memory_space<semaphore_mem>>)
    %dma_start3A_1032 = tpu.memref_slice %arg4[%add3A_1029] : memref<320000xi32, #tpu.memory_space<hbm>> -> memref<128xi32, #tpu.memory_space<hbm>>
    %dma_start3A_1033 = tpu.memref_slice %arg4[%add3A_1029] : memref<320000xi32, #tpu.memory_space<hbm>> -> memref<128xi32, #tpu.memory_space<hbm>>
    tpu.enqueue_dma source(%dma_start3A_1033 : memref<128xi32, #tpu.memory_space<hbm>>) target(%arg9 : memref<128xi32, #tpu.memory_space<vmem>>) target_semaphore(%arg31 : memref<!tpu.dma_semaphore, #tpu.memory_space<semaphore_mem>>)
    %dma_wait3A_1034 = tpu.memref_slice %arg3[%add3A_963] : memref<320000xi32, #tpu.memory_space<hbm>> -> memref<128xi32, #tpu.memory_space<hbm>>
    %dma_wait3A_1035 = tpu.memref_slice %arg3[%add3A_963] : memref<320000xi32, #tpu.memory_space<hbm>> -> memref<128xi32, #tpu.memory_space<hbm>>
    tpu.wait_dma2 semaphore(%arg28 : memref<!tpu.dma_semaphore, #tpu.memory_space<semaphore_mem>>) src(%dma_wait3A_1035 : memref<128xi32, #tpu.memory_space<hbm>>) dst(%arg14 : memref<128xi32, #tpu.memory_space<vmem>>)
    %dma_start3A_1036 = arith.constant 0 : i32
    %dma_start3A_1037 = arith.constant 0 : i32
    %dma_start3A_1038 = tpu.memref_slice %arg2[%dma_start3A_1036, %dma_start3A_1037] : memref<10000x128xf32, #tpu.memory_space<hbm>> -> memref<10000x128xf32, #tpu.memory_space<hbm>>
    tpu.enqueue_indirect_dma source(%dma_start3A_1038 : memref<10000x128xf32, #tpu.memory_space<hbm>>) target(%arg19 : memref<128x128xf32, #tpu.memory_space<vmem>>) offsets(%arg14 : memref<128xi32, #tpu.memory_space<vmem>>) semaphore(%arg37 : memref<!tpu.dma_semaphore, #tpu.memory_space<semaphore_mem>>)
    %dma_wait3A_1039 = arith.constant 0 : i32
    %dma_wait3A_1040 = arith.constant 0 : i32
    %dma_wait3A_1041 = tpu.memref_slice %arg2[%dma_wait3A_1039, %dma_wait3A_1040] : memref<10000x128xf32, #tpu.memory_space<hbm>> -> memref<10000x128xf32, #tpu.memory_space<hbm>>
    tpu.wait_indirect_dma semaphore(%arg38 : memref<!tpu.dma_semaphore, #tpu.memory_space<semaphore_mem>>) src(%dma_wait3A_1041 : memref<10000x128xf32, #tpu.memory_space<hbm>>) dst(%arg20 : memref<128x128xf32, #tpu.memory_space<vmem>>)
    %dma_wait3A_1042 = tpu.memref_slice %arg4[%add3A_919] : memref<320000xi32, #tpu.memory_space<hbm>> -> memref<128xi32, #tpu.memory_space<hbm>>
    %dma_wait3A_1043 = tpu.memref_slice %arg4[%add3A_919] : memref<320000xi32, #tpu.memory_space<hbm>> -> memref<128xi32, #tpu.memory_space<hbm>>
    tpu.wait_dma2 semaphore(%arg32 : memref<!tpu.dma_semaphore, #tpu.memory_space<semaphore_mem>>) src(%dma_wait3A_1043 : memref<128xi32, #tpu.memory_space<hbm>>) dst(%arg11 : memref<128xi32, #tpu.memory_space<vmem>>)
    %dma_start3A_1044 = arith.constant 0 : i32
    %dma_start3A_1045 = arith.constant 0 : i32
    %dma_start3A_1046 = tpu.memref_slice %arg23[%dma_start3A_1044, %dma_start3A_1045] : memref<10000x128xf32, #tpu.memory_space<vmem_shared>> -> memref<10000x128xf32, #tpu.memory_space<vmem_shared>>
    tpu.enqueue_indirect_dma source(%arg20 : memref<128x128xf32, #tpu.memory_space<vmem>>) target(%dma_start3A_1046 : memref<10000x128xf32, #tpu.memory_space<vmem_shared>>) offsets(%arg11 : memref<128xi32, #tpu.memory_space<vmem>>) semaphore(%arg41 : memref<!tpu.dma_semaphore, #tpu.memory_space<semaphore_mem>>) {add = true}
    %dma_wait3A_1047 = arith.constant 0 : i32
    %dma_wait3A_1048 = arith.constant 0 : i32
    %dma_wait3A_1049 = tpu.memref_slice %arg23[%dma_wait3A_1047, %dma_wait3A_1048] : memref<10000x128xf32, #tpu.memory_space<vmem_shared>> -> memref<10000x128xf32, #tpu.memory_space<vmem_shared>>
    tpu.wait_indirect_dma semaphore(%arg41 : memref<!tpu.dma_semaphore, #tpu.memory_space<semaphore_mem>>) src(%arg20 : memref<128x128xf32, #tpu.memory_space<vmem>>) dst(%dma_wait3A_1049 : memref<10000x128xf32, #tpu.memory_space<vmem_shared>>)
    %add3A_1050 = arith.constant 6400 : i32
    %add3A_1051 = arith.addi %mul3A_21, %add3A_1050 : i32
    %dma_start3A_1052 = tpu.memref_slice %arg3[%add3A_1051] : memref<320000xi32, #tpu.memory_space<hbm>> -> memref<128xi32, #tpu.memory_space<hbm>>
    %dma_start3A_1053 = tpu.memref_slice %arg3[%add3A_1051] : memref<320000xi32, #tpu.memory_space<hbm>> -> memref<128xi32, #tpu.memory_space<hbm>>
    tpu.enqueue_dma source(%dma_start3A_1053 : memref<128xi32, #tpu.memory_space<hbm>>) target(%arg10 : memref<128xi32, #tpu.memory_space<vmem>>) target_semaphore(%arg26 : memref<!tpu.dma_semaphore, #tpu.memory_space<semaphore_mem>>)
    %dma_start3A_1054 = tpu.memref_slice %arg4[%add3A_1051] : memref<320000xi32, #tpu.memory_space<hbm>> -> memref<128xi32, #tpu.memory_space<hbm>>
    %dma_start3A_1055 = tpu.memref_slice %arg4[%add3A_1051] : memref<320000xi32, #tpu.memory_space<hbm>> -> memref<128xi32, #tpu.memory_space<hbm>>
    tpu.enqueue_dma source(%dma_start3A_1055 : memref<128xi32, #tpu.memory_space<hbm>>) target(%arg11 : memref<128xi32, #tpu.memory_space<vmem>>) target_semaphore(%arg32 : memref<!tpu.dma_semaphore, #tpu.memory_space<semaphore_mem>>)
    %dma_wait3A_1056 = tpu.memref_slice %arg3[%add3A_985] : memref<320000xi32, #tpu.memory_space<hbm>> -> memref<128xi32, #tpu.memory_space<hbm>>
    %dma_wait3A_1057 = tpu.memref_slice %arg3[%add3A_985] : memref<320000xi32, #tpu.memory_space<hbm>> -> memref<128xi32, #tpu.memory_space<hbm>>
    tpu.wait_dma2 semaphore(%arg29 : memref<!tpu.dma_semaphore, #tpu.memory_space<semaphore_mem>>) src(%dma_wait3A_1057 : memref<128xi32, #tpu.memory_space<hbm>>) dst(%arg16 : memref<128xi32, #tpu.memory_space<vmem>>)
    %dma_start3A_1058 = arith.constant 0 : i32
    %dma_start3A_1059 = arith.constant 0 : i32
    %dma_start3A_1060 = tpu.memref_slice %arg2[%dma_start3A_1058, %dma_start3A_1059] : memref<10000x128xf32, #tpu.memory_space<hbm>> -> memref<10000x128xf32, #tpu.memory_space<hbm>>
    tpu.enqueue_indirect_dma source(%dma_start3A_1060 : memref<10000x128xf32, #tpu.memory_space<hbm>>) target(%arg20 : memref<128x128xf32, #tpu.memory_space<vmem>>) offsets(%arg16 : memref<128xi32, #tpu.memory_space<vmem>>) semaphore(%arg38 : memref<!tpu.dma_semaphore, #tpu.memory_space<semaphore_mem>>)
    %dma_wait3A_1061 = arith.constant 0 : i32
    %dma_wait3A_1062 = arith.constant 0 : i32
    %dma_wait3A_1063 = tpu.memref_slice %arg2[%dma_wait3A_1061, %dma_wait3A_1062] : memref<10000x128xf32, #tpu.memory_space<hbm>> -> memref<10000x128xf32, #tpu.memory_space<hbm>>
    tpu.wait_indirect_dma semaphore(%arg36 : memref<!tpu.dma_semaphore, #tpu.memory_space<semaphore_mem>>) src(%dma_wait3A_1063 : memref<10000x128xf32, #tpu.memory_space<hbm>>) dst(%arg18 : memref<128x128xf32, #tpu.memory_space<vmem>>)
    %dma_wait3A_1064 = tpu.memref_slice %arg4[%add3A_941] : memref<320000xi32, #tpu.memory_space<hbm>> -> memref<128xi32, #tpu.memory_space<hbm>>
    %dma_wait3A_1065 = tpu.memref_slice %arg4[%add3A_941] : memref<320000xi32, #tpu.memory_space<hbm>> -> memref<128xi32, #tpu.memory_space<hbm>>
    tpu.wait_dma2 semaphore(%arg33 : memref<!tpu.dma_semaphore, #tpu.memory_space<semaphore_mem>>) src(%dma_wait3A_1065 : memref<128xi32, #tpu.memory_space<hbm>>) dst(%arg13 : memref<128xi32, #tpu.memory_space<vmem>>)
    %dma_start3A_1066 = arith.constant 0 : i32
    %dma_start3A_1067 = arith.constant 0 : i32
    %dma_start3A_1068 = tpu.memref_slice %arg23[%dma_start3A_1066, %dma_start3A_1067] : memref<10000x128xf32, #tpu.memory_space<vmem_shared>> -> memref<10000x128xf32, #tpu.memory_space<vmem_shared>>
    tpu.enqueue_indirect_dma source(%arg18 : memref<128x128xf32, #tpu.memory_space<vmem>>) target(%dma_start3A_1068 : memref<10000x128xf32, #tpu.memory_space<vmem_shared>>) offsets(%arg13 : memref<128xi32, #tpu.memory_space<vmem>>) semaphore(%arg39 : memref<!tpu.dma_semaphore, #tpu.memory_space<semaphore_mem>>) {add = true}
    %dma_wait3A_1069 = arith.constant 0 : i32
    %dma_wait3A_1070 = arith.constant 0 : i32
    %dma_wait3A_1071 = tpu.memref_slice %arg23[%dma_wait3A_1069, %dma_wait3A_1070] : memref<10000x128xf32, #tpu.memory_space<vmem_shared>> -> memref<10000x128xf32, #tpu.memory_space<vmem_shared>>
    tpu.wait_indirect_dma semaphore(%arg39 : memref<!tpu.dma_semaphore, #tpu.memory_space<semaphore_mem>>) src(%arg18 : memref<128x128xf32, #tpu.memory_space<vmem>>) dst(%dma_wait3A_1071 : memref<10000x128xf32, #tpu.memory_space<vmem_shared>>)
    %add3A_1072 = arith.constant 6528 : i32
    %add3A_1073 = arith.addi %mul3A_21, %add3A_1072 : i32
    %dma_start3A_1074 = tpu.memref_slice %arg3[%add3A_1073] : memref<320000xi32, #tpu.memory_space<hbm>> -> memref<128xi32, #tpu.memory_space<hbm>>
    %dma_start3A_1075 = tpu.memref_slice %arg3[%add3A_1073] : memref<320000xi32, #tpu.memory_space<hbm>> -> memref<128xi32, #tpu.memory_space<hbm>>
    tpu.enqueue_dma source(%dma_start3A_1075 : memref<128xi32, #tpu.memory_space<hbm>>) target(%arg12 : memref<128xi32, #tpu.memory_space<vmem>>) target_semaphore(%arg27 : memref<!tpu.dma_semaphore, #tpu.memory_space<semaphore_mem>>)
    %dma_start3A_1076 = tpu.memref_slice %arg4[%add3A_1073] : memref<320000xi32, #tpu.memory_space<hbm>> -> memref<128xi32, #tpu.memory_space<hbm>>
    %dma_start3A_1077 = tpu.memref_slice %arg4[%add3A_1073] : memref<320000xi32, #tpu.memory_space<hbm>> -> memref<128xi32, #tpu.memory_space<hbm>>
    tpu.enqueue_dma source(%dma_start3A_1077 : memref<128xi32, #tpu.memory_space<hbm>>) target(%arg13 : memref<128xi32, #tpu.memory_space<vmem>>) target_semaphore(%arg33 : memref<!tpu.dma_semaphore, #tpu.memory_space<semaphore_mem>>)
    %dma_wait3A_1078 = tpu.memref_slice %arg3[%add3A_1007] : memref<320000xi32, #tpu.memory_space<hbm>> -> memref<128xi32, #tpu.memory_space<hbm>>
    %dma_wait3A_1079 = tpu.memref_slice %arg3[%add3A_1007] : memref<320000xi32, #tpu.memory_space<hbm>> -> memref<128xi32, #tpu.memory_space<hbm>>
    tpu.wait_dma2 semaphore(%arg24 : memref<!tpu.dma_semaphore, #tpu.memory_space<semaphore_mem>>) src(%dma_wait3A_1079 : memref<128xi32, #tpu.memory_space<hbm>>) dst(%arg6 : memref<128xi32, #tpu.memory_space<vmem>>)
    %dma_start3A_1080 = arith.constant 0 : i32
    %dma_start3A_1081 = arith.constant 0 : i32
    %dma_start3A_1082 = tpu.memref_slice %arg2[%dma_start3A_1080, %dma_start3A_1081] : memref<10000x128xf32, #tpu.memory_space<hbm>> -> memref<10000x128xf32, #tpu.memory_space<hbm>>
    tpu.enqueue_indirect_dma source(%dma_start3A_1082 : memref<10000x128xf32, #tpu.memory_space<hbm>>) target(%arg18 : memref<128x128xf32, #tpu.memory_space<vmem>>) offsets(%arg6 : memref<128xi32, #tpu.memory_space<vmem>>) semaphore(%arg36 : memref<!tpu.dma_semaphore, #tpu.memory_space<semaphore_mem>>)
    %dma_wait3A_1083 = arith.constant 0 : i32
    %dma_wait3A_1084 = arith.constant 0 : i32
    %dma_wait3A_1085 = tpu.memref_slice %arg2[%dma_wait3A_1083, %dma_wait3A_1084] : memref<10000x128xf32, #tpu.memory_space<hbm>> -> memref<10000x128xf32, #tpu.memory_space<hbm>>
    tpu.wait_indirect_dma semaphore(%arg37 : memref<!tpu.dma_semaphore, #tpu.memory_space<semaphore_mem>>) src(%dma_wait3A_1085 : memref<10000x128xf32, #tpu.memory_space<hbm>>) dst(%arg19 : memref<128x128xf32, #tpu.memory_space<vmem>>)
    %dma_wait3A_1086 = tpu.memref_slice %arg4[%add3A_963] : memref<320000xi32, #tpu.memory_space<hbm>> -> memref<128xi32, #tpu.memory_space<hbm>>
    %dma_wait3A_1087 = tpu.memref_slice %arg4[%add3A_963] : memref<320000xi32, #tpu.memory_space<hbm>> -> memref<128xi32, #tpu.memory_space<hbm>>
    tpu.wait_dma2 semaphore(%arg34 : memref<!tpu.dma_semaphore, #tpu.memory_space<semaphore_mem>>) src(%dma_wait3A_1087 : memref<128xi32, #tpu.memory_space<hbm>>) dst(%arg15 : memref<128xi32, #tpu.memory_space<vmem>>)
    %dma_start3A_1088 = arith.constant 0 : i32
    %dma_start3A_1089 = arith.constant 0 : i32
    %dma_start3A_1090 = tpu.memref_slice %arg23[%dma_start3A_1088, %dma_start3A_1089] : memref<10000x128xf32, #tpu.memory_space<vmem_shared>> -> memref<10000x128xf32, #tpu.memory_space<vmem_shared>>
    tpu.enqueue_indirect_dma source(%arg19 : memref<128x128xf32, #tpu.memory_space<vmem>>) target(%dma_start3A_1090 : memref<10000x128xf32, #tpu.memory_space<vmem_shared>>) offsets(%arg15 : memref<128xi32, #tpu.memory_space<vmem>>) semaphore(%arg40 : memref<!tpu.dma_semaphore, #tpu.memory_space<semaphore_mem>>) {add = true}
    %dma_wait3A_1091 = arith.constant 0 : i32
    %dma_wait3A_1092 = arith.constant 0 : i32
    %dma_wait3A_1093 = tpu.memref_slice %arg23[%dma_wait3A_1091, %dma_wait3A_1092] : memref<10000x128xf32, #tpu.memory_space<vmem_shared>> -> memref<10000x128xf32, #tpu.memory_space<vmem_shared>>
    tpu.wait_indirect_dma semaphore(%arg40 : memref<!tpu.dma_semaphore, #tpu.memory_space<semaphore_mem>>) src(%arg19 : memref<128x128xf32, #tpu.memory_space<vmem>>) dst(%dma_wait3A_1093 : memref<10000x128xf32, #tpu.memory_space<vmem_shared>>)
    %add3A_1094 = arith.constant 6656 : i32
    %add3A_1095 = arith.addi %mul3A_21, %add3A_1094 : i32
    %dma_start3A_1096 = tpu.memref_slice %arg3[%add3A_1095] : memref<320000xi32, #tpu.memory_space<hbm>> -> memref<128xi32, #tpu.memory_space<hbm>>
    %dma_start3A_1097 = tpu.memref_slice %arg3[%add3A_1095] : memref<320000xi32, #tpu.memory_space<hbm>> -> memref<128xi32, #tpu.memory_space<hbm>>
    tpu.enqueue_dma source(%dma_start3A_1097 : memref<128xi32, #tpu.memory_space<hbm>>) target(%arg14 : memref<128xi32, #tpu.memory_space<vmem>>) target_semaphore(%arg28 : memref<!tpu.dma_semaphore, #tpu.memory_space<semaphore_mem>>)
    %dma_start3A_1098 = tpu.memref_slice %arg4[%add3A_1095] : memref<320000xi32, #tpu.memory_space<hbm>> -> memref<128xi32, #tpu.memory_space<hbm>>
    %dma_start3A_1099 = tpu.memref_slice %arg4[%add3A_1095] : memref<320000xi32, #tpu.memory_space<hbm>> -> memref<128xi32, #tpu.memory_space<hbm>>
    tpu.enqueue_dma source(%dma_start3A_1099 : memref<128xi32, #tpu.memory_space<hbm>>) target(%arg15 : memref<128xi32, #tpu.memory_space<vmem>>) target_semaphore(%arg34 : memref<!tpu.dma_semaphore, #tpu.memory_space<semaphore_mem>>)
    %dma_wait3A_1100 = tpu.memref_slice %arg3[%add3A_1029] : memref<320000xi32, #tpu.memory_space<hbm>> -> memref<128xi32, #tpu.memory_space<hbm>>
    %dma_wait3A_1101 = tpu.memref_slice %arg3[%add3A_1029] : memref<320000xi32, #tpu.memory_space<hbm>> -> memref<128xi32, #tpu.memory_space<hbm>>
    tpu.wait_dma2 semaphore(%arg25 : memref<!tpu.dma_semaphore, #tpu.memory_space<semaphore_mem>>) src(%dma_wait3A_1101 : memref<128xi32, #tpu.memory_space<hbm>>) dst(%arg8 : memref<128xi32, #tpu.memory_space<vmem>>)
    %dma_start3A_1102 = arith.constant 0 : i32
    %dma_start3A_1103 = arith.constant 0 : i32
    %dma_start3A_1104 = tpu.memref_slice %arg2[%dma_start3A_1102, %dma_start3A_1103] : memref<10000x128xf32, #tpu.memory_space<hbm>> -> memref<10000x128xf32, #tpu.memory_space<hbm>>
    tpu.enqueue_indirect_dma source(%dma_start3A_1104 : memref<10000x128xf32, #tpu.memory_space<hbm>>) target(%arg19 : memref<128x128xf32, #tpu.memory_space<vmem>>) offsets(%arg8 : memref<128xi32, #tpu.memory_space<vmem>>) semaphore(%arg37 : memref<!tpu.dma_semaphore, #tpu.memory_space<semaphore_mem>>)
    %dma_wait3A_1105 = arith.constant 0 : i32
    %dma_wait3A_1106 = arith.constant 0 : i32
    %dma_wait3A_1107 = tpu.memref_slice %arg2[%dma_wait3A_1105, %dma_wait3A_1106] : memref<10000x128xf32, #tpu.memory_space<hbm>> -> memref<10000x128xf32, #tpu.memory_space<hbm>>
    tpu.wait_indirect_dma semaphore(%arg38 : memref<!tpu.dma_semaphore, #tpu.memory_space<semaphore_mem>>) src(%dma_wait3A_1107 : memref<10000x128xf32, #tpu.memory_space<hbm>>) dst(%arg20 : memref<128x128xf32, #tpu.memory_space<vmem>>)
    %dma_wait3A_1108 = tpu.memref_slice %arg4[%add3A_985] : memref<320000xi32, #tpu.memory_space<hbm>> -> memref<128xi32, #tpu.memory_space<hbm>>
    %dma_wait3A_1109 = tpu.memref_slice %arg4[%add3A_985] : memref<320000xi32, #tpu.memory_space<hbm>> -> memref<128xi32, #tpu.memory_space<hbm>>
    tpu.wait_dma2 semaphore(%arg35 : memref<!tpu.dma_semaphore, #tpu.memory_space<semaphore_mem>>) src(%dma_wait3A_1109 : memref<128xi32, #tpu.memory_space<hbm>>) dst(%arg17 : memref<128xi32, #tpu.memory_space<vmem>>)
    %dma_start3A_1110 = arith.constant 0 : i32
    %dma_start3A_1111 = arith.constant 0 : i32
    %dma_start3A_1112 = tpu.memref_slice %arg23[%dma_start3A_1110, %dma_start3A_1111] : memref<10000x128xf32, #tpu.memory_space<vmem_shared>> -> memref<10000x128xf32, #tpu.memory_space<vmem_shared>>
    tpu.enqueue_indirect_dma source(%arg20 : memref<128x128xf32, #tpu.memory_space<vmem>>) target(%dma_start3A_1112 : memref<10000x128xf32, #tpu.memory_space<vmem_shared>>) offsets(%arg17 : memref<128xi32, #tpu.memory_space<vmem>>) semaphore(%arg41 : memref<!tpu.dma_semaphore, #tpu.memory_space<semaphore_mem>>) {add = true}
    %dma_wait3A_1113 = arith.constant 0 : i32
    %dma_wait3A_1114 = arith.constant 0 : i32
    %dma_wait3A_1115 = tpu.memref_slice %arg23[%dma_wait3A_1113, %dma_wait3A_1114] : memref<10000x128xf32, #tpu.memory_space<vmem_shared>> -> memref<10000x128xf32, #tpu.memory_space<vmem_shared>>
    tpu.wait_indirect_dma semaphore(%arg41 : memref<!tpu.dma_semaphore, #tpu.memory_space<semaphore_mem>>) src(%arg20 : memref<128x128xf32, #tpu.memory_space<vmem>>) dst(%dma_wait3A_1115 : memref<10000x128xf32, #tpu.memory_space<vmem_shared>>)
    %add3A_1116 = arith.constant 6784 : i32
    %add3A_1117 = arith.addi %mul3A_21, %add3A_1116 : i32
    %dma_start3A_1118 = tpu.memref_slice %arg3[%add3A_1117] : memref<320000xi32, #tpu.memory_space<hbm>> -> memref<128xi32, #tpu.memory_space<hbm>>
    %dma_start3A_1119 = tpu.memref_slice %arg3[%add3A_1117] : memref<320000xi32, #tpu.memory_space<hbm>> -> memref<128xi32, #tpu.memory_space<hbm>>
    tpu.enqueue_dma source(%dma_start3A_1119 : memref<128xi32, #tpu.memory_space<hbm>>) target(%arg16 : memref<128xi32, #tpu.memory_space<vmem>>) target_semaphore(%arg29 : memref<!tpu.dma_semaphore, #tpu.memory_space<semaphore_mem>>)
    %dma_start3A_1120 = tpu.memref_slice %arg4[%add3A_1117] : memref<320000xi32, #tpu.memory_space<hbm>> -> memref<128xi32, #tpu.memory_space<hbm>>
    %dma_start3A_1121 = tpu.memref_slice %arg4[%add3A_1117] : memref<320000xi32, #tpu.memory_space<hbm>> -> memref<128xi32, #tpu.memory_space<hbm>>
    tpu.enqueue_dma source(%dma_start3A_1121 : memref<128xi32, #tpu.memory_space<hbm>>) target(%arg17 : memref<128xi32, #tpu.memory_space<vmem>>) target_semaphore(%arg35 : memref<!tpu.dma_semaphore, #tpu.memory_space<semaphore_mem>>)
    %dma_wait3A_1122 = tpu.memref_slice %arg3[%add3A_1051] : memref<320000xi32, #tpu.memory_space<hbm>> -> memref<128xi32, #tpu.memory_space<hbm>>
    %dma_wait3A_1123 = tpu.memref_slice %arg3[%add3A_1051] : memref<320000xi32, #tpu.memory_space<hbm>> -> memref<128xi32, #tpu.memory_space<hbm>>
    tpu.wait_dma2 semaphore(%arg26 : memref<!tpu.dma_semaphore, #tpu.memory_space<semaphore_mem>>) src(%dma_wait3A_1123 : memref<128xi32, #tpu.memory_space<hbm>>) dst(%arg10 : memref<128xi32, #tpu.memory_space<vmem>>)
    %dma_start3A_1124 = arith.constant 0 : i32
    %dma_start3A_1125 = arith.constant 0 : i32
    %dma_start3A_1126 = tpu.memref_slice %arg2[%dma_start3A_1124, %dma_start3A_1125] : memref<10000x128xf32, #tpu.memory_space<hbm>> -> memref<10000x128xf32, #tpu.memory_space<hbm>>
    tpu.enqueue_indirect_dma source(%dma_start3A_1126 : memref<10000x128xf32, #tpu.memory_space<hbm>>) target(%arg20 : memref<128x128xf32, #tpu.memory_space<vmem>>) offsets(%arg10 : memref<128xi32, #tpu.memory_space<vmem>>) semaphore(%arg38 : memref<!tpu.dma_semaphore, #tpu.memory_space<semaphore_mem>>)
    %dma_wait3A_1127 = arith.constant 0 : i32
    %dma_wait3A_1128 = arith.constant 0 : i32
    %dma_wait3A_1129 = tpu.memref_slice %arg2[%dma_wait3A_1127, %dma_wait3A_1128] : memref<10000x128xf32, #tpu.memory_space<hbm>> -> memref<10000x128xf32, #tpu.memory_space<hbm>>
    tpu.wait_indirect_dma semaphore(%arg36 : memref<!tpu.dma_semaphore, #tpu.memory_space<semaphore_mem>>) src(%dma_wait3A_1129 : memref<10000x128xf32, #tpu.memory_space<hbm>>) dst(%arg18 : memref<128x128xf32, #tpu.memory_space<vmem>>)
    %dma_wait3A_1130 = tpu.memref_slice %arg4[%add3A_1007] : memref<320000xi32, #tpu.memory_space<hbm>> -> memref<128xi32, #tpu.memory_space<hbm>>
    %dma_wait3A_1131 = tpu.memref_slice %arg4[%add3A_1007] : memref<320000xi32, #tpu.memory_space<hbm>> -> memref<128xi32, #tpu.memory_space<hbm>>
    tpu.wait_dma2 semaphore(%arg30 : memref<!tpu.dma_semaphore, #tpu.memory_space<semaphore_mem>>) src(%dma_wait3A_1131 : memref<128xi32, #tpu.memory_space<hbm>>) dst(%arg7 : memref<128xi32, #tpu.memory_space<vmem>>)
    %dma_start3A_1132 = arith.constant 0 : i32
    %dma_start3A_1133 = arith.constant 0 : i32
    %dma_start3A_1134 = tpu.memref_slice %arg23[%dma_start3A_1132, %dma_start3A_1133] : memref<10000x128xf32, #tpu.memory_space<vmem_shared>> -> memref<10000x128xf32, #tpu.memory_space<vmem_shared>>
    tpu.enqueue_indirect_dma source(%arg18 : memref<128x128xf32, #tpu.memory_space<vmem>>) target(%dma_start3A_1134 : memref<10000x128xf32, #tpu.memory_space<vmem_shared>>) offsets(%arg7 : memref<128xi32, #tpu.memory_space<vmem>>) semaphore(%arg39 : memref<!tpu.dma_semaphore, #tpu.memory_space<semaphore_mem>>) {add = true}
    %dma_wait3A_1135 = arith.constant 0 : i32
    %dma_wait3A_1136 = arith.constant 0 : i32
    %dma_wait3A_1137 = tpu.memref_slice %arg23[%dma_wait3A_1135, %dma_wait3A_1136] : memref<10000x128xf32, #tpu.memory_space<vmem_shared>> -> memref<10000x128xf32, #tpu.memory_space<vmem_shared>>
    tpu.wait_indirect_dma semaphore(%arg39 : memref<!tpu.dma_semaphore, #tpu.memory_space<semaphore_mem>>) src(%arg18 : memref<128x128xf32, #tpu.memory_space<vmem>>) dst(%dma_wait3A_1137 : memref<10000x128xf32, #tpu.memory_space<vmem_shared>>)
    %add3A_1138 = arith.constant 6912 : i32
    %add3A_1139 = arith.addi %mul3A_21, %add3A_1138 : i32
    %dma_start3A_1140 = tpu.memref_slice %arg3[%add3A_1139] : memref<320000xi32, #tpu.memory_space<hbm>> -> memref<128xi32, #tpu.memory_space<hbm>>
    %dma_start3A_1141 = tpu.memref_slice %arg3[%add3A_1139] : memref<320000xi32, #tpu.memory_space<hbm>> -> memref<128xi32, #tpu.memory_space<hbm>>
    tpu.enqueue_dma source(%dma_start3A_1141 : memref<128xi32, #tpu.memory_space<hbm>>) target(%arg6 : memref<128xi32, #tpu.memory_space<vmem>>) target_semaphore(%arg24 : memref<!tpu.dma_semaphore, #tpu.memory_space<semaphore_mem>>)
    %dma_start3A_1142 = tpu.memref_slice %arg4[%add3A_1139] : memref<320000xi32, #tpu.memory_space<hbm>> -> memref<128xi32, #tpu.memory_space<hbm>>
    %dma_start3A_1143 = tpu.memref_slice %arg4[%add3A_1139] : memref<320000xi32, #tpu.memory_space<hbm>> -> memref<128xi32, #tpu.memory_space<hbm>>
    tpu.enqueue_dma source(%dma_start3A_1143 : memref<128xi32, #tpu.memory_space<hbm>>) target(%arg7 : memref<128xi32, #tpu.memory_space<vmem>>) target_semaphore(%arg30 : memref<!tpu.dma_semaphore, #tpu.memory_space<semaphore_mem>>)
    %dma_wait3A_1144 = tpu.memref_slice %arg3[%add3A_1073] : memref<320000xi32, #tpu.memory_space<hbm>> -> memref<128xi32, #tpu.memory_space<hbm>>
    %dma_wait3A_1145 = tpu.memref_slice %arg3[%add3A_1073] : memref<320000xi32, #tpu.memory_space<hbm>> -> memref<128xi32, #tpu.memory_space<hbm>>
    tpu.wait_dma2 semaphore(%arg27 : memref<!tpu.dma_semaphore, #tpu.memory_space<semaphore_mem>>) src(%dma_wait3A_1145 : memref<128xi32, #tpu.memory_space<hbm>>) dst(%arg12 : memref<128xi32, #tpu.memory_space<vmem>>)
    %dma_start3A_1146 = arith.constant 0 : i32
    %dma_start3A_1147 = arith.constant 0 : i32
    %dma_start3A_1148 = tpu.memref_slice %arg2[%dma_start3A_1146, %dma_start3A_1147] : memref<10000x128xf32, #tpu.memory_space<hbm>> -> memref<10000x128xf32, #tpu.memory_space<hbm>>
    tpu.enqueue_indirect_dma source(%dma_start3A_1148 : memref<10000x128xf32, #tpu.memory_space<hbm>>) target(%arg18 : memref<128x128xf32, #tpu.memory_space<vmem>>) offsets(%arg12 : memref<128xi32, #tpu.memory_space<vmem>>) semaphore(%arg36 : memref<!tpu.dma_semaphore, #tpu.memory_space<semaphore_mem>>)
    %dma_wait3A_1149 = arith.constant 0 : i32
    %dma_wait3A_1150 = arith.constant 0 : i32
    %dma_wait3A_1151 = tpu.memref_slice %arg2[%dma_wait3A_1149, %dma_wait3A_1150] : memref<10000x128xf32, #tpu.memory_space<hbm>> -> memref<10000x128xf32, #tpu.memory_space<hbm>>
    tpu.wait_indirect_dma semaphore(%arg37 : memref<!tpu.dma_semaphore, #tpu.memory_space<semaphore_mem>>) src(%dma_wait3A_1151 : memref<10000x128xf32, #tpu.memory_space<hbm>>) dst(%arg19 : memref<128x128xf32, #tpu.memory_space<vmem>>)
    %dma_wait3A_1152 = tpu.memref_slice %arg4[%add3A_1029] : memref<320000xi32, #tpu.memory_space<hbm>> -> memref<128xi32, #tpu.memory_space<hbm>>
    %dma_wait3A_1153 = tpu.memref_slice %arg4[%add3A_1029] : memref<320000xi32, #tpu.memory_space<hbm>> -> memref<128xi32, #tpu.memory_space<hbm>>
    tpu.wait_dma2 semaphore(%arg31 : memref<!tpu.dma_semaphore, #tpu.memory_space<semaphore_mem>>) src(%dma_wait3A_1153 : memref<128xi32, #tpu.memory_space<hbm>>) dst(%arg9 : memref<128xi32, #tpu.memory_space<vmem>>)
    %dma_start3A_1154 = arith.constant 0 : i32
    %dma_start3A_1155 = arith.constant 0 : i32
    %dma_start3A_1156 = tpu.memref_slice %arg23[%dma_start3A_1154, %dma_start3A_1155] : memref<10000x128xf32, #tpu.memory_space<vmem_shared>> -> memref<10000x128xf32, #tpu.memory_space<vmem_shared>>
    tpu.enqueue_indirect_dma source(%arg19 : memref<128x128xf32, #tpu.memory_space<vmem>>) target(%dma_start3A_1156 : memref<10000x128xf32, #tpu.memory_space<vmem_shared>>) offsets(%arg9 : memref<128xi32, #tpu.memory_space<vmem>>) semaphore(%arg40 : memref<!tpu.dma_semaphore, #tpu.memory_space<semaphore_mem>>) {add = true}
    %dma_wait3A_1157 = arith.constant 0 : i32
    %dma_wait3A_1158 = arith.constant 0 : i32
    %dma_wait3A_1159 = tpu.memref_slice %arg23[%dma_wait3A_1157, %dma_wait3A_1158] : memref<10000x128xf32, #tpu.memory_space<vmem_shared>> -> memref<10000x128xf32, #tpu.memory_space<vmem_shared>>
    tpu.wait_indirect_dma semaphore(%arg40 : memref<!tpu.dma_semaphore, #tpu.memory_space<semaphore_mem>>) src(%arg19 : memref<128x128xf32, #tpu.memory_space<vmem>>) dst(%dma_wait3A_1159 : memref<10000x128xf32, #tpu.memory_space<vmem_shared>>)
    %add3A_1160 = arith.constant 7040 : i32
    %add3A_1161 = arith.addi %mul3A_21, %add3A_1160 : i32
    %dma_start3A_1162 = tpu.memref_slice %arg3[%add3A_1161] : memref<320000xi32, #tpu.memory_space<hbm>> -> memref<128xi32, #tpu.memory_space<hbm>>
    %dma_start3A_1163 = tpu.memref_slice %arg3[%add3A_1161] : memref<320000xi32, #tpu.memory_space<hbm>> -> memref<128xi32, #tpu.memory_space<hbm>>
    tpu.enqueue_dma source(%dma_start3A_1163 : memref<128xi32, #tpu.memory_space<hbm>>) target(%arg8 : memref<128xi32, #tpu.memory_space<vmem>>) target_semaphore(%arg25 : memref<!tpu.dma_semaphore, #tpu.memory_space<semaphore_mem>>)
    %dma_start3A_1164 = tpu.memref_slice %arg4[%add3A_1161] : memref<320000xi32, #tpu.memory_space<hbm>> -> memref<128xi32, #tpu.memory_space<hbm>>
    %dma_start3A_1165 = tpu.memref_slice %arg4[%add3A_1161] : memref<320000xi32, #tpu.memory_space<hbm>> -> memref<128xi32, #tpu.memory_space<hbm>>
    tpu.enqueue_dma source(%dma_start3A_1165 : memref<128xi32, #tpu.memory_space<hbm>>) target(%arg9 : memref<128xi32, #tpu.memory_space<vmem>>) target_semaphore(%arg31 : memref<!tpu.dma_semaphore, #tpu.memory_space<semaphore_mem>>)
    %dma_wait3A_1166 = tpu.memref_slice %arg3[%add3A_1095] : memref<320000xi32, #tpu.memory_space<hbm>> -> memref<128xi32, #tpu.memory_space<hbm>>
    %dma_wait3A_1167 = tpu.memref_slice %arg3[%add3A_1095] : memref<320000xi32, #tpu.memory_space<hbm>> -> memref<128xi32, #tpu.memory_space<hbm>>
    tpu.wait_dma2 semaphore(%arg28 : memref<!tpu.dma_semaphore, #tpu.memory_space<semaphore_mem>>) src(%dma_wait3A_1167 : memref<128xi32, #tpu.memory_space<hbm>>) dst(%arg14 : memref<128xi32, #tpu.memory_space<vmem>>)
    %dma_start3A_1168 = arith.constant 0 : i32
    %dma_start3A_1169 = arith.constant 0 : i32
    %dma_start3A_1170 = tpu.memref_slice %arg2[%dma_start3A_1168, %dma_start3A_1169] : memref<10000x128xf32, #tpu.memory_space<hbm>> -> memref<10000x128xf32, #tpu.memory_space<hbm>>
    tpu.enqueue_indirect_dma source(%dma_start3A_1170 : memref<10000x128xf32, #tpu.memory_space<hbm>>) target(%arg19 : memref<128x128xf32, #tpu.memory_space<vmem>>) offsets(%arg14 : memref<128xi32, #tpu.memory_space<vmem>>) semaphore(%arg37 : memref<!tpu.dma_semaphore, #tpu.memory_space<semaphore_mem>>)
    %dma_wait3A_1171 = arith.constant 0 : i32
    %dma_wait3A_1172 = arith.constant 0 : i32
    %dma_wait3A_1173 = tpu.memref_slice %arg2[%dma_wait3A_1171, %dma_wait3A_1172] : memref<10000x128xf32, #tpu.memory_space<hbm>> -> memref<10000x128xf32, #tpu.memory_space<hbm>>
    tpu.wait_indirect_dma semaphore(%arg38 : memref<!tpu.dma_semaphore, #tpu.memory_space<semaphore_mem>>) src(%dma_wait3A_1173 : memref<10000x128xf32, #tpu.memory_space<hbm>>) dst(%arg20 : memref<128x128xf32, #tpu.memory_space<vmem>>)
    %dma_wait3A_1174 = tpu.memref_slice %arg4[%add3A_1051] : memref<320000xi32, #tpu.memory_space<hbm>> -> memref<128xi32, #tpu.memory_space<hbm>>
    %dma_wait3A_1175 = tpu.memref_slice %arg4[%add3A_1051] : memref<320000xi32, #tpu.memory_space<hbm>> -> memref<128xi32, #tpu.memory_space<hbm>>
    tpu.wait_dma2 semaphore(%arg32 : memref<!tpu.dma_semaphore, #tpu.memory_space<semaphore_mem>>) src(%dma_wait3A_1175 : memref<128xi32, #tpu.memory_space<hbm>>) dst(%arg11 : memref<128xi32, #tpu.memory_space<vmem>>)
    %dma_start3A_1176 = arith.constant 0 : i32
    %dma_start3A_1177 = arith.constant 0 : i32
    %dma_start3A_1178 = tpu.memref_slice %arg23[%dma_start3A_1176, %dma_start3A_1177] : memref<10000x128xf32, #tpu.memory_space<vmem_shared>> -> memref<10000x128xf32, #tpu.memory_space<vmem_shared>>
    tpu.enqueue_indirect_dma source(%arg20 : memref<128x128xf32, #tpu.memory_space<vmem>>) target(%dma_start3A_1178 : memref<10000x128xf32, #tpu.memory_space<vmem_shared>>) offsets(%arg11 : memref<128xi32, #tpu.memory_space<vmem>>) semaphore(%arg41 : memref<!tpu.dma_semaphore, #tpu.memory_space<semaphore_mem>>) {add = true}
    %dma_wait3A_1179 = arith.constant 0 : i32
    %dma_wait3A_1180 = arith.constant 0 : i32
    %dma_wait3A_1181 = tpu.memref_slice %arg23[%dma_wait3A_1179, %dma_wait3A_1180] : memref<10000x128xf32, #tpu.memory_space<vmem_shared>> -> memref<10000x128xf32, #tpu.memory_space<vmem_shared>>
    tpu.wait_indirect_dma semaphore(%arg41 : memref<!tpu.dma_semaphore, #tpu.memory_space<semaphore_mem>>) src(%arg20 : memref<128x128xf32, #tpu.memory_space<vmem>>) dst(%dma_wait3A_1181 : memref<10000x128xf32, #tpu.memory_space<vmem_shared>>)
    %add3A_1182 = arith.constant 7168 : i32
    %add3A_1183 = arith.addi %mul3A_21, %add3A_1182 : i32
    %dma_start3A_1184 = tpu.memref_slice %arg3[%add3A_1183] : memref<320000xi32, #tpu.memory_space<hbm>> -> memref<128xi32, #tpu.memory_space<hbm>>
    %dma_start3A_1185 = tpu.memref_slice %arg3[%add3A_1183] : memref<320000xi32, #tpu.memory_space<hbm>> -> memref<128xi32, #tpu.memory_space<hbm>>
    tpu.enqueue_dma source(%dma_start3A_1185 : memref<128xi32, #tpu.memory_space<hbm>>) target(%arg10 : memref<128xi32, #tpu.memory_space<vmem>>) target_semaphore(%arg26 : memref<!tpu.dma_semaphore, #tpu.memory_space<semaphore_mem>>)
    %dma_start3A_1186 = tpu.memref_slice %arg4[%add3A_1183] : memref<320000xi32, #tpu.memory_space<hbm>> -> memref<128xi32, #tpu.memory_space<hbm>>
    %dma_start3A_1187 = tpu.memref_slice %arg4[%add3A_1183] : memref<320000xi32, #tpu.memory_space<hbm>> -> memref<128xi32, #tpu.memory_space<hbm>>
    tpu.enqueue_dma source(%dma_start3A_1187 : memref<128xi32, #tpu.memory_space<hbm>>) target(%arg11 : memref<128xi32, #tpu.memory_space<vmem>>) target_semaphore(%arg32 : memref<!tpu.dma_semaphore, #tpu.memory_space<semaphore_mem>>)
    %dma_wait3A_1188 = tpu.memref_slice %arg3[%add3A_1117] : memref<320000xi32, #tpu.memory_space<hbm>> -> memref<128xi32, #tpu.memory_space<hbm>>
    %dma_wait3A_1189 = tpu.memref_slice %arg3[%add3A_1117] : memref<320000xi32, #tpu.memory_space<hbm>> -> memref<128xi32, #tpu.memory_space<hbm>>
    tpu.wait_dma2 semaphore(%arg29 : memref<!tpu.dma_semaphore, #tpu.memory_space<semaphore_mem>>) src(%dma_wait3A_1189 : memref<128xi32, #tpu.memory_space<hbm>>) dst(%arg16 : memref<128xi32, #tpu.memory_space<vmem>>)
    %dma_start3A_1190 = arith.constant 0 : i32
    %dma_start3A_1191 = arith.constant 0 : i32
    %dma_start3A_1192 = tpu.memref_slice %arg2[%dma_start3A_1190, %dma_start3A_1191] : memref<10000x128xf32, #tpu.memory_space<hbm>> -> memref<10000x128xf32, #tpu.memory_space<hbm>>
    tpu.enqueue_indirect_dma source(%dma_start3A_1192 : memref<10000x128xf32, #tpu.memory_space<hbm>>) target(%arg20 : memref<128x128xf32, #tpu.memory_space<vmem>>) offsets(%arg16 : memref<128xi32, #tpu.memory_space<vmem>>) semaphore(%arg38 : memref<!tpu.dma_semaphore, #tpu.memory_space<semaphore_mem>>)
    %dma_wait3A_1193 = arith.constant 0 : i32
    %dma_wait3A_1194 = arith.constant 0 : i32
    %dma_wait3A_1195 = tpu.memref_slice %arg2[%dma_wait3A_1193, %dma_wait3A_1194] : memref<10000x128xf32, #tpu.memory_space<hbm>> -> memref<10000x128xf32, #tpu.memory_space<hbm>>
    tpu.wait_indirect_dma semaphore(%arg36 : memref<!tpu.dma_semaphore, #tpu.memory_space<semaphore_mem>>) src(%dma_wait3A_1195 : memref<10000x128xf32, #tpu.memory_space<hbm>>) dst(%arg18 : memref<128x128xf32, #tpu.memory_space<vmem>>)
    %dma_wait3A_1196 = tpu.memref_slice %arg4[%add3A_1073] : memref<320000xi32, #tpu.memory_space<hbm>> -> memref<128xi32, #tpu.memory_space<hbm>>
    %dma_wait3A_1197 = tpu.memref_slice %arg4[%add3A_1073] : memref<320000xi32, #tpu.memory_space<hbm>> -> memref<128xi32, #tpu.memory_space<hbm>>
    tpu.wait_dma2 semaphore(%arg33 : memref<!tpu.dma_semaphore, #tpu.memory_space<semaphore_mem>>) src(%dma_wait3A_1197 : memref<128xi32, #tpu.memory_space<hbm>>) dst(%arg13 : memref<128xi32, #tpu.memory_space<vmem>>)
    %dma_start3A_1198 = arith.constant 0 : i32
    %dma_start3A_1199 = arith.constant 0 : i32
    %dma_start3A_1200 = tpu.memref_slice %arg23[%dma_start3A_1198, %dma_start3A_1199] : memref<10000x128xf32, #tpu.memory_space<vmem_shared>> -> memref<10000x128xf32, #tpu.memory_space<vmem_shared>>
    tpu.enqueue_indirect_dma source(%arg18 : memref<128x128xf32, #tpu.memory_space<vmem>>) target(%dma_start3A_1200 : memref<10000x128xf32, #tpu.memory_space<vmem_shared>>) offsets(%arg13 : memref<128xi32, #tpu.memory_space<vmem>>) semaphore(%arg39 : memref<!tpu.dma_semaphore, #tpu.memory_space<semaphore_mem>>) {add = true}
    %dma_wait3A_1201 = arith.constant 0 : i32
    %dma_wait3A_1202 = arith.constant 0 : i32
    %dma_wait3A_1203 = tpu.memref_slice %arg23[%dma_wait3A_1201, %dma_wait3A_1202] : memref<10000x128xf32, #tpu.memory_space<vmem_shared>> -> memref<10000x128xf32, #tpu.memory_space<vmem_shared>>
    tpu.wait_indirect_dma semaphore(%arg39 : memref<!tpu.dma_semaphore, #tpu.memory_space<semaphore_mem>>) src(%arg18 : memref<128x128xf32, #tpu.memory_space<vmem>>) dst(%dma_wait3A_1203 : memref<10000x128xf32, #tpu.memory_space<vmem_shared>>)
    %add3A_1204 = arith.constant 7296 : i32
    %add3A_1205 = arith.addi %mul3A_21, %add3A_1204 : i32
    %dma_start3A_1206 = tpu.memref_slice %arg3[%add3A_1205] : memref<320000xi32, #tpu.memory_space<hbm>> -> memref<128xi32, #tpu.memory_space<hbm>>
    %dma_start3A_1207 = tpu.memref_slice %arg3[%add3A_1205] : memref<320000xi32, #tpu.memory_space<hbm>> -> memref<128xi32, #tpu.memory_space<hbm>>
    tpu.enqueue_dma source(%dma_start3A_1207 : memref<128xi32, #tpu.memory_space<hbm>>) target(%arg12 : memref<128xi32, #tpu.memory_space<vmem>>) target_semaphore(%arg27 : memref<!tpu.dma_semaphore, #tpu.memory_space<semaphore_mem>>)
    %dma_start3A_1208 = tpu.memref_slice %arg4[%add3A_1205] : memref<320000xi32, #tpu.memory_space<hbm>> -> memref<128xi32, #tpu.memory_space<hbm>>
    %dma_start3A_1209 = tpu.memref_slice %arg4[%add3A_1205] : memref<320000xi32, #tpu.memory_space<hbm>> -> memref<128xi32, #tpu.memory_space<hbm>>
    tpu.enqueue_dma source(%dma_start3A_1209 : memref<128xi32, #tpu.memory_space<hbm>>) target(%arg13 : memref<128xi32, #tpu.memory_space<vmem>>) target_semaphore(%arg33 : memref<!tpu.dma_semaphore, #tpu.memory_space<semaphore_mem>>)
    %dma_wait3A_1210 = tpu.memref_slice %arg3[%add3A_1139] : memref<320000xi32, #tpu.memory_space<hbm>> -> memref<128xi32, #tpu.memory_space<hbm>>
    %dma_wait3A_1211 = tpu.memref_slice %arg3[%add3A_1139] : memref<320000xi32, #tpu.memory_space<hbm>> -> memref<128xi32, #tpu.memory_space<hbm>>
    tpu.wait_dma2 semaphore(%arg24 : memref<!tpu.dma_semaphore, #tpu.memory_space<semaphore_mem>>) src(%dma_wait3A_1211 : memref<128xi32, #tpu.memory_space<hbm>>) dst(%arg6 : memref<128xi32, #tpu.memory_space<vmem>>)
    %dma_start3A_1212 = arith.constant 0 : i32
    %dma_start3A_1213 = arith.constant 0 : i32
    %dma_start3A_1214 = tpu.memref_slice %arg2[%dma_start3A_1212, %dma_start3A_1213] : memref<10000x128xf32, #tpu.memory_space<hbm>> -> memref<10000x128xf32, #tpu.memory_space<hbm>>
    tpu.enqueue_indirect_dma source(%dma_start3A_1214 : memref<10000x128xf32, #tpu.memory_space<hbm>>) target(%arg18 : memref<128x128xf32, #tpu.memory_space<vmem>>) offsets(%arg6 : memref<128xi32, #tpu.memory_space<vmem>>) semaphore(%arg36 : memref<!tpu.dma_semaphore, #tpu.memory_space<semaphore_mem>>)
    %dma_wait3A_1215 = arith.constant 0 : i32
    %dma_wait3A_1216 = arith.constant 0 : i32
    %dma_wait3A_1217 = tpu.memref_slice %arg2[%dma_wait3A_1215, %dma_wait3A_1216] : memref<10000x128xf32, #tpu.memory_space<hbm>> -> memref<10000x128xf32, #tpu.memory_space<hbm>>
    tpu.wait_indirect_dma semaphore(%arg37 : memref<!tpu.dma_semaphore, #tpu.memory_space<semaphore_mem>>) src(%dma_wait3A_1217 : memref<10000x128xf32, #tpu.memory_space<hbm>>) dst(%arg19 : memref<128x128xf32, #tpu.memory_space<vmem>>)
    %dma_wait3A_1218 = tpu.memref_slice %arg4[%add3A_1095] : memref<320000xi32, #tpu.memory_space<hbm>> -> memref<128xi32, #tpu.memory_space<hbm>>
    %dma_wait3A_1219 = tpu.memref_slice %arg4[%add3A_1095] : memref<320000xi32, #tpu.memory_space<hbm>> -> memref<128xi32, #tpu.memory_space<hbm>>
    tpu.wait_dma2 semaphore(%arg34 : memref<!tpu.dma_semaphore, #tpu.memory_space<semaphore_mem>>) src(%dma_wait3A_1219 : memref<128xi32, #tpu.memory_space<hbm>>) dst(%arg15 : memref<128xi32, #tpu.memory_space<vmem>>)
    %dma_start3A_1220 = arith.constant 0 : i32
    %dma_start3A_1221 = arith.constant 0 : i32
    %dma_start3A_1222 = tpu.memref_slice %arg23[%dma_start3A_1220, %dma_start3A_1221] : memref<10000x128xf32, #tpu.memory_space<vmem_shared>> -> memref<10000x128xf32, #tpu.memory_space<vmem_shared>>
    tpu.enqueue_indirect_dma source(%arg19 : memref<128x128xf32, #tpu.memory_space<vmem>>) target(%dma_start3A_1222 : memref<10000x128xf32, #tpu.memory_space<vmem_shared>>) offsets(%arg15 : memref<128xi32, #tpu.memory_space<vmem>>) semaphore(%arg40 : memref<!tpu.dma_semaphore, #tpu.memory_space<semaphore_mem>>) {add = true}
    %dma_wait3A_1223 = arith.constant 0 : i32
    %dma_wait3A_1224 = arith.constant 0 : i32
    %dma_wait3A_1225 = tpu.memref_slice %arg23[%dma_wait3A_1223, %dma_wait3A_1224] : memref<10000x128xf32, #tpu.memory_space<vmem_shared>> -> memref<10000x128xf32, #tpu.memory_space<vmem_shared>>
    tpu.wait_indirect_dma semaphore(%arg40 : memref<!tpu.dma_semaphore, #tpu.memory_space<semaphore_mem>>) src(%arg19 : memref<128x128xf32, #tpu.memory_space<vmem>>) dst(%dma_wait3A_1225 : memref<10000x128xf32, #tpu.memory_space<vmem_shared>>)
    %add3A_1226 = arith.constant 7424 : i32
    %add3A_1227 = arith.addi %mul3A_21, %add3A_1226 : i32
    %dma_start3A_1228 = tpu.memref_slice %arg3[%add3A_1227] : memref<320000xi32, #tpu.memory_space<hbm>> -> memref<128xi32, #tpu.memory_space<hbm>>
    %dma_start3A_1229 = tpu.memref_slice %arg3[%add3A_1227] : memref<320000xi32, #tpu.memory_space<hbm>> -> memref<128xi32, #tpu.memory_space<hbm>>
    tpu.enqueue_dma source(%dma_start3A_1229 : memref<128xi32, #tpu.memory_space<hbm>>) target(%arg14 : memref<128xi32, #tpu.memory_space<vmem>>) target_semaphore(%arg28 : memref<!tpu.dma_semaphore, #tpu.memory_space<semaphore_mem>>)
    %dma_start3A_1230 = tpu.memref_slice %arg4[%add3A_1227] : memref<320000xi32, #tpu.memory_space<hbm>> -> memref<128xi32, #tpu.memory_space<hbm>>
    %dma_start3A_1231 = tpu.memref_slice %arg4[%add3A_1227] : memref<320000xi32, #tpu.memory_space<hbm>> -> memref<128xi32, #tpu.memory_space<hbm>>
    tpu.enqueue_dma source(%dma_start3A_1231 : memref<128xi32, #tpu.memory_space<hbm>>) target(%arg15 : memref<128xi32, #tpu.memory_space<vmem>>) target_semaphore(%arg34 : memref<!tpu.dma_semaphore, #tpu.memory_space<semaphore_mem>>)
    %dma_wait3A_1232 = tpu.memref_slice %arg3[%add3A_1161] : memref<320000xi32, #tpu.memory_space<hbm>> -> memref<128xi32, #tpu.memory_space<hbm>>
    %dma_wait3A_1233 = tpu.memref_slice %arg3[%add3A_1161] : memref<320000xi32, #tpu.memory_space<hbm>> -> memref<128xi32, #tpu.memory_space<hbm>>
    tpu.wait_dma2 semaphore(%arg25 : memref<!tpu.dma_semaphore, #tpu.memory_space<semaphore_mem>>) src(%dma_wait3A_1233 : memref<128xi32, #tpu.memory_space<hbm>>) dst(%arg8 : memref<128xi32, #tpu.memory_space<vmem>>)
    %dma_start3A_1234 = arith.constant 0 : i32
    %dma_start3A_1235 = arith.constant 0 : i32
    %dma_start3A_1236 = tpu.memref_slice %arg2[%dma_start3A_1234, %dma_start3A_1235] : memref<10000x128xf32, #tpu.memory_space<hbm>> -> memref<10000x128xf32, #tpu.memory_space<hbm>>
    tpu.enqueue_indirect_dma source(%dma_start3A_1236 : memref<10000x128xf32, #tpu.memory_space<hbm>>) target(%arg19 : memref<128x128xf32, #tpu.memory_space<vmem>>) offsets(%arg8 : memref<128xi32, #tpu.memory_space<vmem>>) semaphore(%arg37 : memref<!tpu.dma_semaphore, #tpu.memory_space<semaphore_mem>>)
    %dma_wait3A_1237 = arith.constant 0 : i32
    %dma_wait3A_1238 = arith.constant 0 : i32
    %dma_wait3A_1239 = tpu.memref_slice %arg2[%dma_wait3A_1237, %dma_wait3A_1238] : memref<10000x128xf32, #tpu.memory_space<hbm>> -> memref<10000x128xf32, #tpu.memory_space<hbm>>
    tpu.wait_indirect_dma semaphore(%arg38 : memref<!tpu.dma_semaphore, #tpu.memory_space<semaphore_mem>>) src(%dma_wait3A_1239 : memref<10000x128xf32, #tpu.memory_space<hbm>>) dst(%arg20 : memref<128x128xf32, #tpu.memory_space<vmem>>)
    %dma_wait3A_1240 = tpu.memref_slice %arg4[%add3A_1117] : memref<320000xi32, #tpu.memory_space<hbm>> -> memref<128xi32, #tpu.memory_space<hbm>>
    %dma_wait3A_1241 = tpu.memref_slice %arg4[%add3A_1117] : memref<320000xi32, #tpu.memory_space<hbm>> -> memref<128xi32, #tpu.memory_space<hbm>>
    tpu.wait_dma2 semaphore(%arg35 : memref<!tpu.dma_semaphore, #tpu.memory_space<semaphore_mem>>) src(%dma_wait3A_1241 : memref<128xi32, #tpu.memory_space<hbm>>) dst(%arg17 : memref<128xi32, #tpu.memory_space<vmem>>)
    %dma_start3A_1242 = arith.constant 0 : i32
    %dma_start3A_1243 = arith.constant 0 : i32
    %dma_start3A_1244 = tpu.memref_slice %arg23[%dma_start3A_1242, %dma_start3A_1243] : memref<10000x128xf32, #tpu.memory_space<vmem_shared>> -> memref<10000x128xf32, #tpu.memory_space<vmem_shared>>
    tpu.enqueue_indirect_dma source(%arg20 : memref<128x128xf32, #tpu.memory_space<vmem>>) target(%dma_start3A_1244 : memref<10000x128xf32, #tpu.memory_space<vmem_shared>>) offsets(%arg17 : memref<128xi32, #tpu.memory_space<vmem>>) semaphore(%arg41 : memref<!tpu.dma_semaphore, #tpu.memory_space<semaphore_mem>>) {add = true}
    %dma_wait3A_1245 = arith.constant 0 : i32
    %dma_wait3A_1246 = arith.constant 0 : i32
    %dma_wait3A_1247 = tpu.memref_slice %arg23[%dma_wait3A_1245, %dma_wait3A_1246] : memref<10000x128xf32, #tpu.memory_space<vmem_shared>> -> memref<10000x128xf32, #tpu.memory_space<vmem_shared>>
    tpu.wait_indirect_dma semaphore(%arg41 : memref<!tpu.dma_semaphore, #tpu.memory_space<semaphore_mem>>) src(%arg20 : memref<128x128xf32, #tpu.memory_space<vmem>>) dst(%dma_wait3A_1247 : memref<10000x128xf32, #tpu.memory_space<vmem_shared>>)
    %add3A_1248 = arith.constant 7552 : i32
    %add3A_1249 = arith.addi %mul3A_21, %add3A_1248 : i32
    %dma_start3A_1250 = tpu.memref_slice %arg3[%add3A_1249] : memref<320000xi32, #tpu.memory_space<hbm>> -> memref<128xi32, #tpu.memory_space<hbm>>
    %dma_start3A_1251 = tpu.memref_slice %arg3[%add3A_1249] : memref<320000xi32, #tpu.memory_space<hbm>> -> memref<128xi32, #tpu.memory_space<hbm>>
    tpu.enqueue_dma source(%dma_start3A_1251 : memref<128xi32, #tpu.memory_space<hbm>>) target(%arg16 : memref<128xi32, #tpu.memory_space<vmem>>) target_semaphore(%arg29 : memref<!tpu.dma_semaphore, #tpu.memory_space<semaphore_mem>>)
    %dma_start3A_1252 = tpu.memref_slice %arg4[%add3A_1249] : memref<320000xi32, #tpu.memory_space<hbm>> -> memref<128xi32, #tpu.memory_space<hbm>>
    %dma_start3A_1253 = tpu.memref_slice %arg4[%add3A_1249] : memref<320000xi32, #tpu.memory_space<hbm>> -> memref<128xi32, #tpu.memory_space<hbm>>
    tpu.enqueue_dma source(%dma_start3A_1253 : memref<128xi32, #tpu.memory_space<hbm>>) target(%arg17 : memref<128xi32, #tpu.memory_space<vmem>>) target_semaphore(%arg35 : memref<!tpu.dma_semaphore, #tpu.memory_space<semaphore_mem>>)
    %dma_wait3A_1254 = tpu.memref_slice %arg3[%add3A_1183] : memref<320000xi32, #tpu.memory_space<hbm>> -> memref<128xi32, #tpu.memory_space<hbm>>
    %dma_wait3A_1255 = tpu.memref_slice %arg3[%add3A_1183] : memref<320000xi32, #tpu.memory_space<hbm>> -> memref<128xi32, #tpu.memory_space<hbm>>
    tpu.wait_dma2 semaphore(%arg26 : memref<!tpu.dma_semaphore, #tpu.memory_space<semaphore_mem>>) src(%dma_wait3A_1255 : memref<128xi32, #tpu.memory_space<hbm>>) dst(%arg10 : memref<128xi32, #tpu.memory_space<vmem>>)
    %dma_start3A_1256 = arith.constant 0 : i32
    %dma_start3A_1257 = arith.constant 0 : i32
    %dma_start3A_1258 = tpu.memref_slice %arg2[%dma_start3A_1256, %dma_start3A_1257] : memref<10000x128xf32, #tpu.memory_space<hbm>> -> memref<10000x128xf32, #tpu.memory_space<hbm>>
    tpu.enqueue_indirect_dma source(%dma_start3A_1258 : memref<10000x128xf32, #tpu.memory_space<hbm>>) target(%arg20 : memref<128x128xf32, #tpu.memory_space<vmem>>) offsets(%arg10 : memref<128xi32, #tpu.memory_space<vmem>>) semaphore(%arg38 : memref<!tpu.dma_semaphore, #tpu.memory_space<semaphore_mem>>)
    %dma_wait3A_1259 = arith.constant 0 : i32
    %dma_wait3A_1260 = arith.constant 0 : i32
    %dma_wait3A_1261 = tpu.memref_slice %arg2[%dma_wait3A_1259, %dma_wait3A_1260] : memref<10000x128xf32, #tpu.memory_space<hbm>> -> memref<10000x128xf32, #tpu.memory_space<hbm>>
    tpu.wait_indirect_dma semaphore(%arg36 : memref<!tpu.dma_semaphore, #tpu.memory_space<semaphore_mem>>) src(%dma_wait3A_1261 : memref<10000x128xf32, #tpu.memory_space<hbm>>) dst(%arg18 : memref<128x128xf32, #tpu.memory_space<vmem>>)
    %dma_wait3A_1262 = tpu.memref_slice %arg4[%add3A_1139] : memref<320000xi32, #tpu.memory_space<hbm>> -> memref<128xi32, #tpu.memory_space<hbm>>
    %dma_wait3A_1263 = tpu.memref_slice %arg4[%add3A_1139] : memref<320000xi32, #tpu.memory_space<hbm>> -> memref<128xi32, #tpu.memory_space<hbm>>
    tpu.wait_dma2 semaphore(%arg30 : memref<!tpu.dma_semaphore, #tpu.memory_space<semaphore_mem>>) src(%dma_wait3A_1263 : memref<128xi32, #tpu.memory_space<hbm>>) dst(%arg7 : memref<128xi32, #tpu.memory_space<vmem>>)
    %dma_start3A_1264 = arith.constant 0 : i32
    %dma_start3A_1265 = arith.constant 0 : i32
    %dma_start3A_1266 = tpu.memref_slice %arg23[%dma_start3A_1264, %dma_start3A_1265] : memref<10000x128xf32, #tpu.memory_space<vmem_shared>> -> memref<10000x128xf32, #tpu.memory_space<vmem_shared>>
    tpu.enqueue_indirect_dma source(%arg18 : memref<128x128xf32, #tpu.memory_space<vmem>>) target(%dma_start3A_1266 : memref<10000x128xf32, #tpu.memory_space<vmem_shared>>) offsets(%arg7 : memref<128xi32, #tpu.memory_space<vmem>>) semaphore(%arg39 : memref<!tpu.dma_semaphore, #tpu.memory_space<semaphore_mem>>) {add = true}
    %dma_wait3A_1267 = arith.constant 0 : i32
    %dma_wait3A_1268 = arith.constant 0 : i32
    %dma_wait3A_1269 = tpu.memref_slice %arg23[%dma_wait3A_1267, %dma_wait3A_1268] : memref<10000x128xf32, #tpu.memory_space<vmem_shared>> -> memref<10000x128xf32, #tpu.memory_space<vmem_shared>>
    tpu.wait_indirect_dma semaphore(%arg39 : memref<!tpu.dma_semaphore, #tpu.memory_space<semaphore_mem>>) src(%arg18 : memref<128x128xf32, #tpu.memory_space<vmem>>) dst(%dma_wait3A_1269 : memref<10000x128xf32, #tpu.memory_space<vmem_shared>>)
    %add3A_1270 = arith.constant 7680 : i32
    %add3A_1271 = arith.addi %mul3A_21, %add3A_1270 : i32
    %dma_start3A_1272 = tpu.memref_slice %arg3[%add3A_1271] : memref<320000xi32, #tpu.memory_space<hbm>> -> memref<128xi32, #tpu.memory_space<hbm>>
    %dma_start3A_1273 = tpu.memref_slice %arg3[%add3A_1271] : memref<320000xi32, #tpu.memory_space<hbm>> -> memref<128xi32, #tpu.memory_space<hbm>>
    tpu.enqueue_dma source(%dma_start3A_1273 : memref<128xi32, #tpu.memory_space<hbm>>) target(%arg6 : memref<128xi32, #tpu.memory_space<vmem>>) target_semaphore(%arg24 : memref<!tpu.dma_semaphore, #tpu.memory_space<semaphore_mem>>)
    %dma_start3A_1274 = tpu.memref_slice %arg4[%add3A_1271] : memref<320000xi32, #tpu.memory_space<hbm>> -> memref<128xi32, #tpu.memory_space<hbm>>
    %dma_start3A_1275 = tpu.memref_slice %arg4[%add3A_1271] : memref<320000xi32, #tpu.memory_space<hbm>> -> memref<128xi32, #tpu.memory_space<hbm>>
    tpu.enqueue_dma source(%dma_start3A_1275 : memref<128xi32, #tpu.memory_space<hbm>>) target(%arg7 : memref<128xi32, #tpu.memory_space<vmem>>) target_semaphore(%arg30 : memref<!tpu.dma_semaphore, #tpu.memory_space<semaphore_mem>>)
    %dma_wait3A_1276 = tpu.memref_slice %arg3[%add3A_1205] : memref<320000xi32, #tpu.memory_space<hbm>> -> memref<128xi32, #tpu.memory_space<hbm>>
    %dma_wait3A_1277 = tpu.memref_slice %arg3[%add3A_1205] : memref<320000xi32, #tpu.memory_space<hbm>> -> memref<128xi32, #tpu.memory_space<hbm>>
    tpu.wait_dma2 semaphore(%arg27 : memref<!tpu.dma_semaphore, #tpu.memory_space<semaphore_mem>>) src(%dma_wait3A_1277 : memref<128xi32, #tpu.memory_space<hbm>>) dst(%arg12 : memref<128xi32, #tpu.memory_space<vmem>>)
    %dma_start3A_1278 = arith.constant 0 : i32
    %dma_start3A_1279 = arith.constant 0 : i32
    %dma_start3A_1280 = tpu.memref_slice %arg2[%dma_start3A_1278, %dma_start3A_1279] : memref<10000x128xf32, #tpu.memory_space<hbm>> -> memref<10000x128xf32, #tpu.memory_space<hbm>>
    tpu.enqueue_indirect_dma source(%dma_start3A_1280 : memref<10000x128xf32, #tpu.memory_space<hbm>>) target(%arg18 : memref<128x128xf32, #tpu.memory_space<vmem>>) offsets(%arg12 : memref<128xi32, #tpu.memory_space<vmem>>) semaphore(%arg36 : memref<!tpu.dma_semaphore, #tpu.memory_space<semaphore_mem>>)
    %dma_wait3A_1281 = arith.constant 0 : i32
    %dma_wait3A_1282 = arith.constant 0 : i32
    %dma_wait3A_1283 = tpu.memref_slice %arg2[%dma_wait3A_1281, %dma_wait3A_1282] : memref<10000x128xf32, #tpu.memory_space<hbm>> -> memref<10000x128xf32, #tpu.memory_space<hbm>>
    tpu.wait_indirect_dma semaphore(%arg37 : memref<!tpu.dma_semaphore, #tpu.memory_space<semaphore_mem>>) src(%dma_wait3A_1283 : memref<10000x128xf32, #tpu.memory_space<hbm>>) dst(%arg19 : memref<128x128xf32, #tpu.memory_space<vmem>>)
    %dma_wait3A_1284 = tpu.memref_slice %arg4[%add3A_1161] : memref<320000xi32, #tpu.memory_space<hbm>> -> memref<128xi32, #tpu.memory_space<hbm>>
    %dma_wait3A_1285 = tpu.memref_slice %arg4[%add3A_1161] : memref<320000xi32, #tpu.memory_space<hbm>> -> memref<128xi32, #tpu.memory_space<hbm>>
    tpu.wait_dma2 semaphore(%arg31 : memref<!tpu.dma_semaphore, #tpu.memory_space<semaphore_mem>>) src(%dma_wait3A_1285 : memref<128xi32, #tpu.memory_space<hbm>>) dst(%arg9 : memref<128xi32, #tpu.memory_space<vmem>>)
    %dma_start3A_1286 = arith.constant 0 : i32
    %dma_start3A_1287 = arith.constant 0 : i32
    %dma_start3A_1288 = tpu.memref_slice %arg23[%dma_start3A_1286, %dma_start3A_1287] : memref<10000x128xf32, #tpu.memory_space<vmem_shared>> -> memref<10000x128xf32, #tpu.memory_space<vmem_shared>>
    tpu.enqueue_indirect_dma source(%arg19 : memref<128x128xf32, #tpu.memory_space<vmem>>) target(%dma_start3A_1288 : memref<10000x128xf32, #tpu.memory_space<vmem_shared>>) offsets(%arg9 : memref<128xi32, #tpu.memory_space<vmem>>) semaphore(%arg40 : memref<!tpu.dma_semaphore, #tpu.memory_space<semaphore_mem>>) {add = true}
    %dma_wait3A_1289 = arith.constant 0 : i32
    %dma_wait3A_1290 = arith.constant 0 : i32
    %dma_wait3A_1291 = tpu.memref_slice %arg23[%dma_wait3A_1289, %dma_wait3A_1290] : memref<10000x128xf32, #tpu.memory_space<vmem_shared>> -> memref<10000x128xf32, #tpu.memory_space<vmem_shared>>
    tpu.wait_indirect_dma semaphore(%arg40 : memref<!tpu.dma_semaphore, #tpu.memory_space<semaphore_mem>>) src(%arg19 : memref<128x128xf32, #tpu.memory_space<vmem>>) dst(%dma_wait3A_1291 : memref<10000x128xf32, #tpu.memory_space<vmem_shared>>)
    %add3A_1292 = arith.constant 7808 : i32
    %add3A_1293 = arith.addi %mul3A_21, %add3A_1292 : i32
    %dma_start3A_1294 = tpu.memref_slice %arg3[%add3A_1293] : memref<320000xi32, #tpu.memory_space<hbm>> -> memref<128xi32, #tpu.memory_space<hbm>>
    %dma_start3A_1295 = tpu.memref_slice %arg3[%add3A_1293] : memref<320000xi32, #tpu.memory_space<hbm>> -> memref<128xi32, #tpu.memory_space<hbm>>
    tpu.enqueue_dma source(%dma_start3A_1295 : memref<128xi32, #tpu.memory_space<hbm>>) target(%arg8 : memref<128xi32, #tpu.memory_space<vmem>>) target_semaphore(%arg25 : memref<!tpu.dma_semaphore, #tpu.memory_space<semaphore_mem>>)
    %dma_start3A_1296 = tpu.memref_slice %arg4[%add3A_1293] : memref<320000xi32, #tpu.memory_space<hbm>> -> memref<128xi32, #tpu.memory_space<hbm>>
    %dma_start3A_1297 = tpu.memref_slice %arg4[%add3A_1293] : memref<320000xi32, #tpu.memory_space<hbm>> -> memref<128xi32, #tpu.memory_space<hbm>>
    tpu.enqueue_dma source(%dma_start3A_1297 : memref<128xi32, #tpu.memory_space<hbm>>) target(%arg9 : memref<128xi32, #tpu.memory_space<vmem>>) target_semaphore(%arg31 : memref<!tpu.dma_semaphore, #tpu.memory_space<semaphore_mem>>)
    %dma_wait3A_1298 = tpu.memref_slice %arg3[%add3A_1227] : memref<320000xi32, #tpu.memory_space<hbm>> -> memref<128xi32, #tpu.memory_space<hbm>>
    %dma_wait3A_1299 = tpu.memref_slice %arg3[%add3A_1227] : memref<320000xi32, #tpu.memory_space<hbm>> -> memref<128xi32, #tpu.memory_space<hbm>>
    tpu.wait_dma2 semaphore(%arg28 : memref<!tpu.dma_semaphore, #tpu.memory_space<semaphore_mem>>) src(%dma_wait3A_1299 : memref<128xi32, #tpu.memory_space<hbm>>) dst(%arg14 : memref<128xi32, #tpu.memory_space<vmem>>)
    %dma_start3A_1300 = arith.constant 0 : i32
    %dma_start3A_1301 = arith.constant 0 : i32
    %dma_start3A_1302 = tpu.memref_slice %arg2[%dma_start3A_1300, %dma_start3A_1301] : memref<10000x128xf32, #tpu.memory_space<hbm>> -> memref<10000x128xf32, #tpu.memory_space<hbm>>
    tpu.enqueue_indirect_dma source(%dma_start3A_1302 : memref<10000x128xf32, #tpu.memory_space<hbm>>) target(%arg19 : memref<128x128xf32, #tpu.memory_space<vmem>>) offsets(%arg14 : memref<128xi32, #tpu.memory_space<vmem>>) semaphore(%arg37 : memref<!tpu.dma_semaphore, #tpu.memory_space<semaphore_mem>>)
    %dma_wait3A_1303 = arith.constant 0 : i32
    %dma_wait3A_1304 = arith.constant 0 : i32
    %dma_wait3A_1305 = tpu.memref_slice %arg2[%dma_wait3A_1303, %dma_wait3A_1304] : memref<10000x128xf32, #tpu.memory_space<hbm>> -> memref<10000x128xf32, #tpu.memory_space<hbm>>
    tpu.wait_indirect_dma semaphore(%arg38 : memref<!tpu.dma_semaphore, #tpu.memory_space<semaphore_mem>>) src(%dma_wait3A_1305 : memref<10000x128xf32, #tpu.memory_space<hbm>>) dst(%arg20 : memref<128x128xf32, #tpu.memory_space<vmem>>)
    %dma_wait3A_1306 = tpu.memref_slice %arg4[%add3A_1183] : memref<320000xi32, #tpu.memory_space<hbm>> -> memref<128xi32, #tpu.memory_space<hbm>>
    %dma_wait3A_1307 = tpu.memref_slice %arg4[%add3A_1183] : memref<320000xi32, #tpu.memory_space<hbm>> -> memref<128xi32, #tpu.memory_space<hbm>>
    tpu.wait_dma2 semaphore(%arg32 : memref<!tpu.dma_semaphore, #tpu.memory_space<semaphore_mem>>) src(%dma_wait3A_1307 : memref<128xi32, #tpu.memory_space<hbm>>) dst(%arg11 : memref<128xi32, #tpu.memory_space<vmem>>)
    %dma_start3A_1308 = arith.constant 0 : i32
    %dma_start3A_1309 = arith.constant 0 : i32
    %dma_start3A_1310 = tpu.memref_slice %arg23[%dma_start3A_1308, %dma_start3A_1309] : memref<10000x128xf32, #tpu.memory_space<vmem_shared>> -> memref<10000x128xf32, #tpu.memory_space<vmem_shared>>
    tpu.enqueue_indirect_dma source(%arg20 : memref<128x128xf32, #tpu.memory_space<vmem>>) target(%dma_start3A_1310 : memref<10000x128xf32, #tpu.memory_space<vmem_shared>>) offsets(%arg11 : memref<128xi32, #tpu.memory_space<vmem>>) semaphore(%arg41 : memref<!tpu.dma_semaphore, #tpu.memory_space<semaphore_mem>>) {add = true}
    %dma_wait3A_1311 = arith.constant 0 : i32
    %dma_wait3A_1312 = arith.constant 0 : i32
    %dma_wait3A_1313 = tpu.memref_slice %arg23[%dma_wait3A_1311, %dma_wait3A_1312] : memref<10000x128xf32, #tpu.memory_space<vmem_shared>> -> memref<10000x128xf32, #tpu.memory_space<vmem_shared>>
    tpu.wait_indirect_dma semaphore(%arg41 : memref<!tpu.dma_semaphore, #tpu.memory_space<semaphore_mem>>) src(%arg20 : memref<128x128xf32, #tpu.memory_space<vmem>>) dst(%dma_wait3A_1313 : memref<10000x128xf32, #tpu.memory_space<vmem_shared>>)
    %add3A_1314 = arith.constant 7936 : i32
    %add3A_1315 = arith.addi %mul3A_21, %add3A_1314 : i32
    %dma_start3A_1316 = tpu.memref_slice %arg3[%add3A_1315] : memref<320000xi32, #tpu.memory_space<hbm>> -> memref<128xi32, #tpu.memory_space<hbm>>
    %dma_start3A_1317 = tpu.memref_slice %arg3[%add3A_1315] : memref<320000xi32, #tpu.memory_space<hbm>> -> memref<128xi32, #tpu.memory_space<hbm>>
    tpu.enqueue_dma source(%dma_start3A_1317 : memref<128xi32, #tpu.memory_space<hbm>>) target(%arg10 : memref<128xi32, #tpu.memory_space<vmem>>) target_semaphore(%arg26 : memref<!tpu.dma_semaphore, #tpu.memory_space<semaphore_mem>>)
    %dma_start3A_1318 = tpu.memref_slice %arg4[%add3A_1315] : memref<320000xi32, #tpu.memory_space<hbm>> -> memref<128xi32, #tpu.memory_space<hbm>>
    %dma_start3A_1319 = tpu.memref_slice %arg4[%add3A_1315] : memref<320000xi32, #tpu.memory_space<hbm>> -> memref<128xi32, #tpu.memory_space<hbm>>
    tpu.enqueue_dma source(%dma_start3A_1319 : memref<128xi32, #tpu.memory_space<hbm>>) target(%arg11 : memref<128xi32, #tpu.memory_space<vmem>>) target_semaphore(%arg32 : memref<!tpu.dma_semaphore, #tpu.memory_space<semaphore_mem>>)
    %dma_wait3A_1320 = tpu.memref_slice %arg3[%add3A_1249] : memref<320000xi32, #tpu.memory_space<hbm>> -> memref<128xi32, #tpu.memory_space<hbm>>
    %dma_wait3A_1321 = tpu.memref_slice %arg3[%add3A_1249] : memref<320000xi32, #tpu.memory_space<hbm>> -> memref<128xi32, #tpu.memory_space<hbm>>
    tpu.wait_dma2 semaphore(%arg29 : memref<!tpu.dma_semaphore, #tpu.memory_space<semaphore_mem>>) src(%dma_wait3A_1321 : memref<128xi32, #tpu.memory_space<hbm>>) dst(%arg16 : memref<128xi32, #tpu.memory_space<vmem>>)
    %dma_start3A_1322 = arith.constant 0 : i32
    %dma_start3A_1323 = arith.constant 0 : i32
    %dma_start3A_1324 = tpu.memref_slice %arg2[%dma_start3A_1322, %dma_start3A_1323] : memref<10000x128xf32, #tpu.memory_space<hbm>> -> memref<10000x128xf32, #tpu.memory_space<hbm>>
    tpu.enqueue_indirect_dma source(%dma_start3A_1324 : memref<10000x128xf32, #tpu.memory_space<hbm>>) target(%arg20 : memref<128x128xf32, #tpu.memory_space<vmem>>) offsets(%arg16 : memref<128xi32, #tpu.memory_space<vmem>>) semaphore(%arg38 : memref<!tpu.dma_semaphore, #tpu.memory_space<semaphore_mem>>)
    %dma_wait3A_1325 = arith.constant 0 : i32
    %dma_wait3A_1326 = arith.constant 0 : i32
    %dma_wait3A_1327 = tpu.memref_slice %arg2[%dma_wait3A_1325, %dma_wait3A_1326] : memref<10000x128xf32, #tpu.memory_space<hbm>> -> memref<10000x128xf32, #tpu.memory_space<hbm>>
    tpu.wait_indirect_dma semaphore(%arg36 : memref<!tpu.dma_semaphore, #tpu.memory_space<semaphore_mem>>) src(%dma_wait3A_1327 : memref<10000x128xf32, #tpu.memory_space<hbm>>) dst(%arg18 : memref<128x128xf32, #tpu.memory_space<vmem>>)
    %dma_wait3A_1328 = tpu.memref_slice %arg4[%add3A_1205] : memref<320000xi32, #tpu.memory_space<hbm>> -> memref<128xi32, #tpu.memory_space<hbm>>
    %dma_wait3A_1329 = tpu.memref_slice %arg4[%add3A_1205] : memref<320000xi32, #tpu.memory_space<hbm>> -> memref<128xi32, #tpu.memory_space<hbm>>
    tpu.wait_dma2 semaphore(%arg33 : memref<!tpu.dma_semaphore, #tpu.memory_space<semaphore_mem>>) src(%dma_wait3A_1329 : memref<128xi32, #tpu.memory_space<hbm>>) dst(%arg13 : memref<128xi32, #tpu.memory_space<vmem>>)
    %dma_start3A_1330 = arith.constant 0 : i32
    %dma_start3A_1331 = arith.constant 0 : i32
    %dma_start3A_1332 = tpu.memref_slice %arg23[%dma_start3A_1330, %dma_start3A_1331] : memref<10000x128xf32, #tpu.memory_space<vmem_shared>> -> memref<10000x128xf32, #tpu.memory_space<vmem_shared>>
    tpu.enqueue_indirect_dma source(%arg18 : memref<128x128xf32, #tpu.memory_space<vmem>>) target(%dma_start3A_1332 : memref<10000x128xf32, #tpu.memory_space<vmem_shared>>) offsets(%arg13 : memref<128xi32, #tpu.memory_space<vmem>>) semaphore(%arg39 : memref<!tpu.dma_semaphore, #tpu.memory_space<semaphore_mem>>) {add = true}
    %dma_wait3A_1333 = arith.constant 0 : i32
    %dma_wait3A_1334 = arith.constant 0 : i32
    %dma_wait3A_1335 = tpu.memref_slice %arg23[%dma_wait3A_1333, %dma_wait3A_1334] : memref<10000x128xf32, #tpu.memory_space<vmem_shared>> -> memref<10000x128xf32, #tpu.memory_space<vmem_shared>>
    tpu.wait_indirect_dma semaphore(%arg39 : memref<!tpu.dma_semaphore, #tpu.memory_space<semaphore_mem>>) src(%arg18 : memref<128x128xf32, #tpu.memory_space<vmem>>) dst(%dma_wait3A_1335 : memref<10000x128xf32, #tpu.memory_space<vmem_shared>>)
    %add3A_1336 = arith.constant 8064 : i32
    %add3A_1337 = arith.addi %mul3A_21, %add3A_1336 : i32
    %dma_start3A_1338 = tpu.memref_slice %arg3[%add3A_1337] : memref<320000xi32, #tpu.memory_space<hbm>> -> memref<128xi32, #tpu.memory_space<hbm>>
    %dma_start3A_1339 = tpu.memref_slice %arg3[%add3A_1337] : memref<320000xi32, #tpu.memory_space<hbm>> -> memref<128xi32, #tpu.memory_space<hbm>>
    tpu.enqueue_dma source(%dma_start3A_1339 : memref<128xi32, #tpu.memory_space<hbm>>) target(%arg12 : memref<128xi32, #tpu.memory_space<vmem>>) target_semaphore(%arg27 : memref<!tpu.dma_semaphore, #tpu.memory_space<semaphore_mem>>)
    %dma_start3A_1340 = tpu.memref_slice %arg4[%add3A_1337] : memref<320000xi32, #tpu.memory_space<hbm>> -> memref<128xi32, #tpu.memory_space<hbm>>
    %dma_start3A_1341 = tpu.memref_slice %arg4[%add3A_1337] : memref<320000xi32, #tpu.memory_space<hbm>> -> memref<128xi32, #tpu.memory_space<hbm>>
    tpu.enqueue_dma source(%dma_start3A_1341 : memref<128xi32, #tpu.memory_space<hbm>>) target(%arg13 : memref<128xi32, #tpu.memory_space<vmem>>) target_semaphore(%arg33 : memref<!tpu.dma_semaphore, #tpu.memory_space<semaphore_mem>>)
    %dma_wait3A_1342 = tpu.memref_slice %arg3[%add3A_1271] : memref<320000xi32, #tpu.memory_space<hbm>> -> memref<128xi32, #tpu.memory_space<hbm>>
    %dma_wait3A_1343 = tpu.memref_slice %arg3[%add3A_1271] : memref<320000xi32, #tpu.memory_space<hbm>> -> memref<128xi32, #tpu.memory_space<hbm>>
    tpu.wait_dma2 semaphore(%arg24 : memref<!tpu.dma_semaphore, #tpu.memory_space<semaphore_mem>>) src(%dma_wait3A_1343 : memref<128xi32, #tpu.memory_space<hbm>>) dst(%arg6 : memref<128xi32, #tpu.memory_space<vmem>>)
    %dma_start3A_1344 = arith.constant 0 : i32
    %dma_start3A_1345 = arith.constant 0 : i32
    %dma_start3A_1346 = tpu.memref_slice %arg2[%dma_start3A_1344, %dma_start3A_1345] : memref<10000x128xf32, #tpu.memory_space<hbm>> -> memref<10000x128xf32, #tpu.memory_space<hbm>>
    tpu.enqueue_indirect_dma source(%dma_start3A_1346 : memref<10000x128xf32, #tpu.memory_space<hbm>>) target(%arg18 : memref<128x128xf32, #tpu.memory_space<vmem>>) offsets(%arg6 : memref<128xi32, #tpu.memory_space<vmem>>) semaphore(%arg36 : memref<!tpu.dma_semaphore, #tpu.memory_space<semaphore_mem>>)
    %dma_wait3A_1347 = arith.constant 0 : i32
    %dma_wait3A_1348 = arith.constant 0 : i32
    %dma_wait3A_1349 = tpu.memref_slice %arg2[%dma_wait3A_1347, %dma_wait3A_1348] : memref<10000x128xf32, #tpu.memory_space<hbm>> -> memref<10000x128xf32, #tpu.memory_space<hbm>>
    tpu.wait_indirect_dma semaphore(%arg37 : memref<!tpu.dma_semaphore, #tpu.memory_space<semaphore_mem>>) src(%dma_wait3A_1349 : memref<10000x128xf32, #tpu.memory_space<hbm>>) dst(%arg19 : memref<128x128xf32, #tpu.memory_space<vmem>>)
    %dma_wait3A_1350 = tpu.memref_slice %arg4[%add3A_1227] : memref<320000xi32, #tpu.memory_space<hbm>> -> memref<128xi32, #tpu.memory_space<hbm>>
    %dma_wait3A_1351 = tpu.memref_slice %arg4[%add3A_1227] : memref<320000xi32, #tpu.memory_space<hbm>> -> memref<128xi32, #tpu.memory_space<hbm>>
    tpu.wait_dma2 semaphore(%arg34 : memref<!tpu.dma_semaphore, #tpu.memory_space<semaphore_mem>>) src(%dma_wait3A_1351 : memref<128xi32, #tpu.memory_space<hbm>>) dst(%arg15 : memref<128xi32, #tpu.memory_space<vmem>>)
    %dma_start3A_1352 = arith.constant 0 : i32
    %dma_start3A_1353 = arith.constant 0 : i32
    %dma_start3A_1354 = tpu.memref_slice %arg23[%dma_start3A_1352, %dma_start3A_1353] : memref<10000x128xf32, #tpu.memory_space<vmem_shared>> -> memref<10000x128xf32, #tpu.memory_space<vmem_shared>>
    tpu.enqueue_indirect_dma source(%arg19 : memref<128x128xf32, #tpu.memory_space<vmem>>) target(%dma_start3A_1354 : memref<10000x128xf32, #tpu.memory_space<vmem_shared>>) offsets(%arg15 : memref<128xi32, #tpu.memory_space<vmem>>) semaphore(%arg40 : memref<!tpu.dma_semaphore, #tpu.memory_space<semaphore_mem>>) {add = true}
    %dma_wait3A_1355 = arith.constant 0 : i32
    %dma_wait3A_1356 = arith.constant 0 : i32
    %dma_wait3A_1357 = tpu.memref_slice %arg23[%dma_wait3A_1355, %dma_wait3A_1356] : memref<10000x128xf32, #tpu.memory_space<vmem_shared>> -> memref<10000x128xf32, #tpu.memory_space<vmem_shared>>
    tpu.wait_indirect_dma semaphore(%arg40 : memref<!tpu.dma_semaphore, #tpu.memory_space<semaphore_mem>>) src(%arg19 : memref<128x128xf32, #tpu.memory_space<vmem>>) dst(%dma_wait3A_1357 : memref<10000x128xf32, #tpu.memory_space<vmem_shared>>)
    %add3A_1358 = arith.constant 8192 : i32
    %add3A_1359 = arith.addi %mul3A_21, %add3A_1358 : i32
    %dma_start3A_1360 = tpu.memref_slice %arg3[%add3A_1359] : memref<320000xi32, #tpu.memory_space<hbm>> -> memref<128xi32, #tpu.memory_space<hbm>>
    %dma_start3A_1361 = tpu.memref_slice %arg3[%add3A_1359] : memref<320000xi32, #tpu.memory_space<hbm>> -> memref<128xi32, #tpu.memory_space<hbm>>
    tpu.enqueue_dma source(%dma_start3A_1361 : memref<128xi32, #tpu.memory_space<hbm>>) target(%arg14 : memref<128xi32, #tpu.memory_space<vmem>>) target_semaphore(%arg28 : memref<!tpu.dma_semaphore, #tpu.memory_space<semaphore_mem>>)
    %dma_start3A_1362 = tpu.memref_slice %arg4[%add3A_1359] : memref<320000xi32, #tpu.memory_space<hbm>> -> memref<128xi32, #tpu.memory_space<hbm>>
    %dma_start3A_1363 = tpu.memref_slice %arg4[%add3A_1359] : memref<320000xi32, #tpu.memory_space<hbm>> -> memref<128xi32, #tpu.memory_space<hbm>>
    tpu.enqueue_dma source(%dma_start3A_1363 : memref<128xi32, #tpu.memory_space<hbm>>) target(%arg15 : memref<128xi32, #tpu.memory_space<vmem>>) target_semaphore(%arg34 : memref<!tpu.dma_semaphore, #tpu.memory_space<semaphore_mem>>)
    %dma_wait3A_1364 = tpu.memref_slice %arg3[%add3A_1293] : memref<320000xi32, #tpu.memory_space<hbm>> -> memref<128xi32, #tpu.memory_space<hbm>>
    %dma_wait3A_1365 = tpu.memref_slice %arg3[%add3A_1293] : memref<320000xi32, #tpu.memory_space<hbm>> -> memref<128xi32, #tpu.memory_space<hbm>>
    tpu.wait_dma2 semaphore(%arg25 : memref<!tpu.dma_semaphore, #tpu.memory_space<semaphore_mem>>) src(%dma_wait3A_1365 : memref<128xi32, #tpu.memory_space<hbm>>) dst(%arg8 : memref<128xi32, #tpu.memory_space<vmem>>)
    %dma_start3A_1366 = arith.constant 0 : i32
    %dma_start3A_1367 = arith.constant 0 : i32
    %dma_start3A_1368 = tpu.memref_slice %arg2[%dma_start3A_1366, %dma_start3A_1367] : memref<10000x128xf32, #tpu.memory_space<hbm>> -> memref<10000x128xf32, #tpu.memory_space<hbm>>
    tpu.enqueue_indirect_dma source(%dma_start3A_1368 : memref<10000x128xf32, #tpu.memory_space<hbm>>) target(%arg19 : memref<128x128xf32, #tpu.memory_space<vmem>>) offsets(%arg8 : memref<128xi32, #tpu.memory_space<vmem>>) semaphore(%arg37 : memref<!tpu.dma_semaphore, #tpu.memory_space<semaphore_mem>>)
    %dma_wait3A_1369 = arith.constant 0 : i32
    %dma_wait3A_1370 = arith.constant 0 : i32
    %dma_wait3A_1371 = tpu.memref_slice %arg2[%dma_wait3A_1369, %dma_wait3A_1370] : memref<10000x128xf32, #tpu.memory_space<hbm>> -> memref<10000x128xf32, #tpu.memory_space<hbm>>
    tpu.wait_indirect_dma semaphore(%arg38 : memref<!tpu.dma_semaphore, #tpu.memory_space<semaphore_mem>>) src(%dma_wait3A_1371 : memref<10000x128xf32, #tpu.memory_space<hbm>>) dst(%arg20 : memref<128x128xf32, #tpu.memory_space<vmem>>)
    %dma_wait3A_1372 = tpu.memref_slice %arg4[%add3A_1249] : memref<320000xi32, #tpu.memory_space<hbm>> -> memref<128xi32, #tpu.memory_space<hbm>>
    %dma_wait3A_1373 = tpu.memref_slice %arg4[%add3A_1249] : memref<320000xi32, #tpu.memory_space<hbm>> -> memref<128xi32, #tpu.memory_space<hbm>>
    tpu.wait_dma2 semaphore(%arg35 : memref<!tpu.dma_semaphore, #tpu.memory_space<semaphore_mem>>) src(%dma_wait3A_1373 : memref<128xi32, #tpu.memory_space<hbm>>) dst(%arg17 : memref<128xi32, #tpu.memory_space<vmem>>)
    %dma_start3A_1374 = arith.constant 0 : i32
    %dma_start3A_1375 = arith.constant 0 : i32
    %dma_start3A_1376 = tpu.memref_slice %arg23[%dma_start3A_1374, %dma_start3A_1375] : memref<10000x128xf32, #tpu.memory_space<vmem_shared>> -> memref<10000x128xf32, #tpu.memory_space<vmem_shared>>
    tpu.enqueue_indirect_dma source(%arg20 : memref<128x128xf32, #tpu.memory_space<vmem>>) target(%dma_start3A_1376 : memref<10000x128xf32, #tpu.memory_space<vmem_shared>>) offsets(%arg17 : memref<128xi32, #tpu.memory_space<vmem>>) semaphore(%arg41 : memref<!tpu.dma_semaphore, #tpu.memory_space<semaphore_mem>>) {add = true}
    %dma_wait3A_1377 = arith.constant 0 : i32
    %dma_wait3A_1378 = arith.constant 0 : i32
    %dma_wait3A_1379 = tpu.memref_slice %arg23[%dma_wait3A_1377, %dma_wait3A_1378] : memref<10000x128xf32, #tpu.memory_space<vmem_shared>> -> memref<10000x128xf32, #tpu.memory_space<vmem_shared>>
    tpu.wait_indirect_dma semaphore(%arg41 : memref<!tpu.dma_semaphore, #tpu.memory_space<semaphore_mem>>) src(%arg20 : memref<128x128xf32, #tpu.memory_space<vmem>>) dst(%dma_wait3A_1379 : memref<10000x128xf32, #tpu.memory_space<vmem_shared>>)
    %add3A_1380 = arith.constant 8320 : i32
    %add3A_1381 = arith.addi %mul3A_21, %add3A_1380 : i32
    %dma_start3A_1382 = tpu.memref_slice %arg3[%add3A_1381] : memref<320000xi32, #tpu.memory_space<hbm>> -> memref<128xi32, #tpu.memory_space<hbm>>
    %dma_start3A_1383 = tpu.memref_slice %arg3[%add3A_1381] : memref<320000xi32, #tpu.memory_space<hbm>> -> memref<128xi32, #tpu.memory_space<hbm>>
    tpu.enqueue_dma source(%dma_start3A_1383 : memref<128xi32, #tpu.memory_space<hbm>>) target(%arg16 : memref<128xi32, #tpu.memory_space<vmem>>) target_semaphore(%arg29 : memref<!tpu.dma_semaphore, #tpu.memory_space<semaphore_mem>>)
    %dma_start3A_1384 = tpu.memref_slice %arg4[%add3A_1381] : memref<320000xi32, #tpu.memory_space<hbm>> -> memref<128xi32, #tpu.memory_space<hbm>>
    %dma_start3A_1385 = tpu.memref_slice %arg4[%add3A_1381] : memref<320000xi32, #tpu.memory_space<hbm>> -> memref<128xi32, #tpu.memory_space<hbm>>
    tpu.enqueue_dma source(%dma_start3A_1385 : memref<128xi32, #tpu.memory_space<hbm>>) target(%arg17 : memref<128xi32, #tpu.memory_space<vmem>>) target_semaphore(%arg35 : memref<!tpu.dma_semaphore, #tpu.memory_space<semaphore_mem>>)
    %dma_wait3A_1386 = tpu.memref_slice %arg3[%add3A_1315] : memref<320000xi32, #tpu.memory_space<hbm>> -> memref<128xi32, #tpu.memory_space<hbm>>
    %dma_wait3A_1387 = tpu.memref_slice %arg3[%add3A_1315] : memref<320000xi32, #tpu.memory_space<hbm>> -> memref<128xi32, #tpu.memory_space<hbm>>
    tpu.wait_dma2 semaphore(%arg26 : memref<!tpu.dma_semaphore, #tpu.memory_space<semaphore_mem>>) src(%dma_wait3A_1387 : memref<128xi32, #tpu.memory_space<hbm>>) dst(%arg10 : memref<128xi32, #tpu.memory_space<vmem>>)
    %dma_start3A_1388 = arith.constant 0 : i32
    %dma_start3A_1389 = arith.constant 0 : i32
    %dma_start3A_1390 = tpu.memref_slice %arg2[%dma_start3A_1388, %dma_start3A_1389] : memref<10000x128xf32, #tpu.memory_space<hbm>> -> memref<10000x128xf32, #tpu.memory_space<hbm>>
    tpu.enqueue_indirect_dma source(%dma_start3A_1390 : memref<10000x128xf32, #tpu.memory_space<hbm>>) target(%arg20 : memref<128x128xf32, #tpu.memory_space<vmem>>) offsets(%arg10 : memref<128xi32, #tpu.memory_space<vmem>>) semaphore(%arg38 : memref<!tpu.dma_semaphore, #tpu.memory_space<semaphore_mem>>)
    %dma_wait3A_1391 = arith.constant 0 : i32
    %dma_wait3A_1392 = arith.constant 0 : i32
    %dma_wait3A_1393 = tpu.memref_slice %arg2[%dma_wait3A_1391, %dma_wait3A_1392] : memref<10000x128xf32, #tpu.memory_space<hbm>> -> memref<10000x128xf32, #tpu.memory_space<hbm>>
    tpu.wait_indirect_dma semaphore(%arg36 : memref<!tpu.dma_semaphore, #tpu.memory_space<semaphore_mem>>) src(%dma_wait3A_1393 : memref<10000x128xf32, #tpu.memory_space<hbm>>) dst(%arg18 : memref<128x128xf32, #tpu.memory_space<vmem>>)
    %dma_wait3A_1394 = tpu.memref_slice %arg4[%add3A_1271] : memref<320000xi32, #tpu.memory_space<hbm>> -> memref<128xi32, #tpu.memory_space<hbm>>
    %dma_wait3A_1395 = tpu.memref_slice %arg4[%add3A_1271] : memref<320000xi32, #tpu.memory_space<hbm>> -> memref<128xi32, #tpu.memory_space<hbm>>
    tpu.wait_dma2 semaphore(%arg30 : memref<!tpu.dma_semaphore, #tpu.memory_space<semaphore_mem>>) src(%dma_wait3A_1395 : memref<128xi32, #tpu.memory_space<hbm>>) dst(%arg7 : memref<128xi32, #tpu.memory_space<vmem>>)
    %dma_start3A_1396 = arith.constant 0 : i32
    %dma_start3A_1397 = arith.constant 0 : i32
    %dma_start3A_1398 = tpu.memref_slice %arg23[%dma_start3A_1396, %dma_start3A_1397] : memref<10000x128xf32, #tpu.memory_space<vmem_shared>> -> memref<10000x128xf32, #tpu.memory_space<vmem_shared>>
    tpu.enqueue_indirect_dma source(%arg18 : memref<128x128xf32, #tpu.memory_space<vmem>>) target(%dma_start3A_1398 : memref<10000x128xf32, #tpu.memory_space<vmem_shared>>) offsets(%arg7 : memref<128xi32, #tpu.memory_space<vmem>>) semaphore(%arg39 : memref<!tpu.dma_semaphore, #tpu.memory_space<semaphore_mem>>) {add = true}
    %dma_wait3A_1399 = arith.constant 0 : i32
    %dma_wait3A_1400 = arith.constant 0 : i32
    %dma_wait3A_1401 = tpu.memref_slice %arg23[%dma_wait3A_1399, %dma_wait3A_1400] : memref<10000x128xf32, #tpu.memory_space<vmem_shared>> -> memref<10000x128xf32, #tpu.memory_space<vmem_shared>>
    tpu.wait_indirect_dma semaphore(%arg39 : memref<!tpu.dma_semaphore, #tpu.memory_space<semaphore_mem>>) src(%arg18 : memref<128x128xf32, #tpu.memory_space<vmem>>) dst(%dma_wait3A_1401 : memref<10000x128xf32, #tpu.memory_space<vmem_shared>>)
    %add3A_1402 = arith.constant 8448 : i32
    %add3A_1403 = arith.addi %mul3A_21, %add3A_1402 : i32
    %dma_start3A_1404 = tpu.memref_slice %arg3[%add3A_1403] : memref<320000xi32, #tpu.memory_space<hbm>> -> memref<128xi32, #tpu.memory_space<hbm>>
    %dma_start3A_1405 = tpu.memref_slice %arg3[%add3A_1403] : memref<320000xi32, #tpu.memory_space<hbm>> -> memref<128xi32, #tpu.memory_space<hbm>>
    tpu.enqueue_dma source(%dma_start3A_1405 : memref<128xi32, #tpu.memory_space<hbm>>) target(%arg6 : memref<128xi32, #tpu.memory_space<vmem>>) target_semaphore(%arg24 : memref<!tpu.dma_semaphore, #tpu.memory_space<semaphore_mem>>)
    %dma_start3A_1406 = tpu.memref_slice %arg4[%add3A_1403] : memref<320000xi32, #tpu.memory_space<hbm>> -> memref<128xi32, #tpu.memory_space<hbm>>
    %dma_start3A_1407 = tpu.memref_slice %arg4[%add3A_1403] : memref<320000xi32, #tpu.memory_space<hbm>> -> memref<128xi32, #tpu.memory_space<hbm>>
    tpu.enqueue_dma source(%dma_start3A_1407 : memref<128xi32, #tpu.memory_space<hbm>>) target(%arg7 : memref<128xi32, #tpu.memory_space<vmem>>) target_semaphore(%arg30 : memref<!tpu.dma_semaphore, #tpu.memory_space<semaphore_mem>>)
    %dma_wait3A_1408 = tpu.memref_slice %arg3[%add3A_1337] : memref<320000xi32, #tpu.memory_space<hbm>> -> memref<128xi32, #tpu.memory_space<hbm>>
    %dma_wait3A_1409 = tpu.memref_slice %arg3[%add3A_1337] : memref<320000xi32, #tpu.memory_space<hbm>> -> memref<128xi32, #tpu.memory_space<hbm>>
    tpu.wait_dma2 semaphore(%arg27 : memref<!tpu.dma_semaphore, #tpu.memory_space<semaphore_mem>>) src(%dma_wait3A_1409 : memref<128xi32, #tpu.memory_space<hbm>>) dst(%arg12 : memref<128xi32, #tpu.memory_space<vmem>>)
    %dma_start3A_1410 = arith.constant 0 : i32
    %dma_start3A_1411 = arith.constant 0 : i32
    %dma_start3A_1412 = tpu.memref_slice %arg2[%dma_start3A_1410, %dma_start3A_1411] : memref<10000x128xf32, #tpu.memory_space<hbm>> -> memref<10000x128xf32, #tpu.memory_space<hbm>>
    tpu.enqueue_indirect_dma source(%dma_start3A_1412 : memref<10000x128xf32, #tpu.memory_space<hbm>>) target(%arg18 : memref<128x128xf32, #tpu.memory_space<vmem>>) offsets(%arg12 : memref<128xi32, #tpu.memory_space<vmem>>) semaphore(%arg36 : memref<!tpu.dma_semaphore, #tpu.memory_space<semaphore_mem>>)
    %dma_wait3A_1413 = arith.constant 0 : i32
    %dma_wait3A_1414 = arith.constant 0 : i32
    %dma_wait3A_1415 = tpu.memref_slice %arg2[%dma_wait3A_1413, %dma_wait3A_1414] : memref<10000x128xf32, #tpu.memory_space<hbm>> -> memref<10000x128xf32, #tpu.memory_space<hbm>>
    tpu.wait_indirect_dma semaphore(%arg37 : memref<!tpu.dma_semaphore, #tpu.memory_space<semaphore_mem>>) src(%dma_wait3A_1415 : memref<10000x128xf32, #tpu.memory_space<hbm>>) dst(%arg19 : memref<128x128xf32, #tpu.memory_space<vmem>>)
    %dma_wait3A_1416 = tpu.memref_slice %arg4[%add3A_1293] : memref<320000xi32, #tpu.memory_space<hbm>> -> memref<128xi32, #tpu.memory_space<hbm>>
    %dma_wait3A_1417 = tpu.memref_slice %arg4[%add3A_1293] : memref<320000xi32, #tpu.memory_space<hbm>> -> memref<128xi32, #tpu.memory_space<hbm>>
    tpu.wait_dma2 semaphore(%arg31 : memref<!tpu.dma_semaphore, #tpu.memory_space<semaphore_mem>>) src(%dma_wait3A_1417 : memref<128xi32, #tpu.memory_space<hbm>>) dst(%arg9 : memref<128xi32, #tpu.memory_space<vmem>>)
    %dma_start3A_1418 = arith.constant 0 : i32
    %dma_start3A_1419 = arith.constant 0 : i32
    %dma_start3A_1420 = tpu.memref_slice %arg23[%dma_start3A_1418, %dma_start3A_1419] : memref<10000x128xf32, #tpu.memory_space<vmem_shared>> -> memref<10000x128xf32, #tpu.memory_space<vmem_shared>>
    tpu.enqueue_indirect_dma source(%arg19 : memref<128x128xf32, #tpu.memory_space<vmem>>) target(%dma_start3A_1420 : memref<10000x128xf32, #tpu.memory_space<vmem_shared>>) offsets(%arg9 : memref<128xi32, #tpu.memory_space<vmem>>) semaphore(%arg40 : memref<!tpu.dma_semaphore, #tpu.memory_space<semaphore_mem>>) {add = true}
    %dma_wait3A_1421 = arith.constant 0 : i32
    %dma_wait3A_1422 = arith.constant 0 : i32
    %dma_wait3A_1423 = tpu.memref_slice %arg23[%dma_wait3A_1421, %dma_wait3A_1422] : memref<10000x128xf32, #tpu.memory_space<vmem_shared>> -> memref<10000x128xf32, #tpu.memory_space<vmem_shared>>
    tpu.wait_indirect_dma semaphore(%arg40 : memref<!tpu.dma_semaphore, #tpu.memory_space<semaphore_mem>>) src(%arg19 : memref<128x128xf32, #tpu.memory_space<vmem>>) dst(%dma_wait3A_1423 : memref<10000x128xf32, #tpu.memory_space<vmem_shared>>)
    %add3A_1424 = arith.constant 8576 : i32
    %add3A_1425 = arith.addi %mul3A_21, %add3A_1424 : i32
    %dma_start3A_1426 = tpu.memref_slice %arg3[%add3A_1425] : memref<320000xi32, #tpu.memory_space<hbm>> -> memref<128xi32, #tpu.memory_space<hbm>>
    %dma_start3A_1427 = tpu.memref_slice %arg3[%add3A_1425] : memref<320000xi32, #tpu.memory_space<hbm>> -> memref<128xi32, #tpu.memory_space<hbm>>
    tpu.enqueue_dma source(%dma_start3A_1427 : memref<128xi32, #tpu.memory_space<hbm>>) target(%arg8 : memref<128xi32, #tpu.memory_space<vmem>>) target_semaphore(%arg25 : memref<!tpu.dma_semaphore, #tpu.memory_space<semaphore_mem>>)
    %dma_start3A_1428 = tpu.memref_slice %arg4[%add3A_1425] : memref<320000xi32, #tpu.memory_space<hbm>> -> memref<128xi32, #tpu.memory_space<hbm>>
    %dma_start3A_1429 = tpu.memref_slice %arg4[%add3A_1425] : memref<320000xi32, #tpu.memory_space<hbm>> -> memref<128xi32, #tpu.memory_space<hbm>>
    tpu.enqueue_dma source(%dma_start3A_1429 : memref<128xi32, #tpu.memory_space<hbm>>) target(%arg9 : memref<128xi32, #tpu.memory_space<vmem>>) target_semaphore(%arg31 : memref<!tpu.dma_semaphore, #tpu.memory_space<semaphore_mem>>)
    %dma_wait3A_1430 = tpu.memref_slice %arg3[%add3A_1359] : memref<320000xi32, #tpu.memory_space<hbm>> -> memref<128xi32, #tpu.memory_space<hbm>>
    %dma_wait3A_1431 = tpu.memref_slice %arg3[%add3A_1359] : memref<320000xi32, #tpu.memory_space<hbm>> -> memref<128xi32, #tpu.memory_space<hbm>>
    tpu.wait_dma2 semaphore(%arg28 : memref<!tpu.dma_semaphore, #tpu.memory_space<semaphore_mem>>) src(%dma_wait3A_1431 : memref<128xi32, #tpu.memory_space<hbm>>) dst(%arg14 : memref<128xi32, #tpu.memory_space<vmem>>)
    %dma_start3A_1432 = arith.constant 0 : i32
    %dma_start3A_1433 = arith.constant 0 : i32
    %dma_start3A_1434 = tpu.memref_slice %arg2[%dma_start3A_1432, %dma_start3A_1433] : memref<10000x128xf32, #tpu.memory_space<hbm>> -> memref<10000x128xf32, #tpu.memory_space<hbm>>
    tpu.enqueue_indirect_dma source(%dma_start3A_1434 : memref<10000x128xf32, #tpu.memory_space<hbm>>) target(%arg19 : memref<128x128xf32, #tpu.memory_space<vmem>>) offsets(%arg14 : memref<128xi32, #tpu.memory_space<vmem>>) semaphore(%arg37 : memref<!tpu.dma_semaphore, #tpu.memory_space<semaphore_mem>>)
    %dma_wait3A_1435 = arith.constant 0 : i32
    %dma_wait3A_1436 = arith.constant 0 : i32
    %dma_wait3A_1437 = tpu.memref_slice %arg2[%dma_wait3A_1435, %dma_wait3A_1436] : memref<10000x128xf32, #tpu.memory_space<hbm>> -> memref<10000x128xf32, #tpu.memory_space<hbm>>
    tpu.wait_indirect_dma semaphore(%arg38 : memref<!tpu.dma_semaphore, #tpu.memory_space<semaphore_mem>>) src(%dma_wait3A_1437 : memref<10000x128xf32, #tpu.memory_space<hbm>>) dst(%arg20 : memref<128x128xf32, #tpu.memory_space<vmem>>)
    %dma_wait3A_1438 = tpu.memref_slice %arg4[%add3A_1315] : memref<320000xi32, #tpu.memory_space<hbm>> -> memref<128xi32, #tpu.memory_space<hbm>>
    %dma_wait3A_1439 = tpu.memref_slice %arg4[%add3A_1315] : memref<320000xi32, #tpu.memory_space<hbm>> -> memref<128xi32, #tpu.memory_space<hbm>>
    tpu.wait_dma2 semaphore(%arg32 : memref<!tpu.dma_semaphore, #tpu.memory_space<semaphore_mem>>) src(%dma_wait3A_1439 : memref<128xi32, #tpu.memory_space<hbm>>) dst(%arg11 : memref<128xi32, #tpu.memory_space<vmem>>)
    %dma_start3A_1440 = arith.constant 0 : i32
    %dma_start3A_1441 = arith.constant 0 : i32
    %dma_start3A_1442 = tpu.memref_slice %arg23[%dma_start3A_1440, %dma_start3A_1441] : memref<10000x128xf32, #tpu.memory_space<vmem_shared>> -> memref<10000x128xf32, #tpu.memory_space<vmem_shared>>
    tpu.enqueue_indirect_dma source(%arg20 : memref<128x128xf32, #tpu.memory_space<vmem>>) target(%dma_start3A_1442 : memref<10000x128xf32, #tpu.memory_space<vmem_shared>>) offsets(%arg11 : memref<128xi32, #tpu.memory_space<vmem>>) semaphore(%arg41 : memref<!tpu.dma_semaphore, #tpu.memory_space<semaphore_mem>>) {add = true}
    %dma_wait3A_1443 = arith.constant 0 : i32
    %dma_wait3A_1444 = arith.constant 0 : i32
    %dma_wait3A_1445 = tpu.memref_slice %arg23[%dma_wait3A_1443, %dma_wait3A_1444] : memref<10000x128xf32, #tpu.memory_space<vmem_shared>> -> memref<10000x128xf32, #tpu.memory_space<vmem_shared>>
    tpu.wait_indirect_dma semaphore(%arg41 : memref<!tpu.dma_semaphore, #tpu.memory_space<semaphore_mem>>) src(%arg20 : memref<128x128xf32, #tpu.memory_space<vmem>>) dst(%dma_wait3A_1445 : memref<10000x128xf32, #tpu.memory_space<vmem_shared>>)
    %add3A_1446 = arith.constant 8704 : i32
    %add3A_1447 = arith.addi %mul3A_21, %add3A_1446 : i32
    %dma_start3A_1448 = tpu.memref_slice %arg3[%add3A_1447] : memref<320000xi32, #tpu.memory_space<hbm>> -> memref<128xi32, #tpu.memory_space<hbm>>
    %dma_start3A_1449 = tpu.memref_slice %arg3[%add3A_1447] : memref<320000xi32, #tpu.memory_space<hbm>> -> memref<128xi32, #tpu.memory_space<hbm>>
    tpu.enqueue_dma source(%dma_start3A_1449 : memref<128xi32, #tpu.memory_space<hbm>>) target(%arg10 : memref<128xi32, #tpu.memory_space<vmem>>) target_semaphore(%arg26 : memref<!tpu.dma_semaphore, #tpu.memory_space<semaphore_mem>>)
    %dma_start3A_1450 = tpu.memref_slice %arg4[%add3A_1447] : memref<320000xi32, #tpu.memory_space<hbm>> -> memref<128xi32, #tpu.memory_space<hbm>>
    %dma_start3A_1451 = tpu.memref_slice %arg4[%add3A_1447] : memref<320000xi32, #tpu.memory_space<hbm>> -> memref<128xi32, #tpu.memory_space<hbm>>
    tpu.enqueue_dma source(%dma_start3A_1451 : memref<128xi32, #tpu.memory_space<hbm>>) target(%arg11 : memref<128xi32, #tpu.memory_space<vmem>>) target_semaphore(%arg32 : memref<!tpu.dma_semaphore, #tpu.memory_space<semaphore_mem>>)
    %dma_wait3A_1452 = tpu.memref_slice %arg3[%add3A_1381] : memref<320000xi32, #tpu.memory_space<hbm>> -> memref<128xi32, #tpu.memory_space<hbm>>
    %dma_wait3A_1453 = tpu.memref_slice %arg3[%add3A_1381] : memref<320000xi32, #tpu.memory_space<hbm>> -> memref<128xi32, #tpu.memory_space<hbm>>
    tpu.wait_dma2 semaphore(%arg29 : memref<!tpu.dma_semaphore, #tpu.memory_space<semaphore_mem>>) src(%dma_wait3A_1453 : memref<128xi32, #tpu.memory_space<hbm>>) dst(%arg16 : memref<128xi32, #tpu.memory_space<vmem>>)
    %dma_start3A_1454 = arith.constant 0 : i32
    %dma_start3A_1455 = arith.constant 0 : i32
    %dma_start3A_1456 = tpu.memref_slice %arg2[%dma_start3A_1454, %dma_start3A_1455] : memref<10000x128xf32, #tpu.memory_space<hbm>> -> memref<10000x128xf32, #tpu.memory_space<hbm>>
    tpu.enqueue_indirect_dma source(%dma_start3A_1456 : memref<10000x128xf32, #tpu.memory_space<hbm>>) target(%arg20 : memref<128x128xf32, #tpu.memory_space<vmem>>) offsets(%arg16 : memref<128xi32, #tpu.memory_space<vmem>>) semaphore(%arg38 : memref<!tpu.dma_semaphore, #tpu.memory_space<semaphore_mem>>)
    %dma_wait3A_1457 = arith.constant 0 : i32
    %dma_wait3A_1458 = arith.constant 0 : i32
    %dma_wait3A_1459 = tpu.memref_slice %arg2[%dma_wait3A_1457, %dma_wait3A_1458] : memref<10000x128xf32, #tpu.memory_space<hbm>> -> memref<10000x128xf32, #tpu.memory_space<hbm>>
    tpu.wait_indirect_dma semaphore(%arg36 : memref<!tpu.dma_semaphore, #tpu.memory_space<semaphore_mem>>) src(%dma_wait3A_1459 : memref<10000x128xf32, #tpu.memory_space<hbm>>) dst(%arg18 : memref<128x128xf32, #tpu.memory_space<vmem>>)
    %dma_wait3A_1460 = tpu.memref_slice %arg4[%add3A_1337] : memref<320000xi32, #tpu.memory_space<hbm>> -> memref<128xi32, #tpu.memory_space<hbm>>
    %dma_wait3A_1461 = tpu.memref_slice %arg4[%add3A_1337] : memref<320000xi32, #tpu.memory_space<hbm>> -> memref<128xi32, #tpu.memory_space<hbm>>
    tpu.wait_dma2 semaphore(%arg33 : memref<!tpu.dma_semaphore, #tpu.memory_space<semaphore_mem>>) src(%dma_wait3A_1461 : memref<128xi32, #tpu.memory_space<hbm>>) dst(%arg13 : memref<128xi32, #tpu.memory_space<vmem>>)
    %dma_start3A_1462 = arith.constant 0 : i32
    %dma_start3A_1463 = arith.constant 0 : i32
    %dma_start3A_1464 = tpu.memref_slice %arg23[%dma_start3A_1462, %dma_start3A_1463] : memref<10000x128xf32, #tpu.memory_space<vmem_shared>> -> memref<10000x128xf32, #tpu.memory_space<vmem_shared>>
    tpu.enqueue_indirect_dma source(%arg18 : memref<128x128xf32, #tpu.memory_space<vmem>>) target(%dma_start3A_1464 : memref<10000x128xf32, #tpu.memory_space<vmem_shared>>) offsets(%arg13 : memref<128xi32, #tpu.memory_space<vmem>>) semaphore(%arg39 : memref<!tpu.dma_semaphore, #tpu.memory_space<semaphore_mem>>) {add = true}
    %dma_wait3A_1465 = arith.constant 0 : i32
    %dma_wait3A_1466 = arith.constant 0 : i32
    %dma_wait3A_1467 = tpu.memref_slice %arg23[%dma_wait3A_1465, %dma_wait3A_1466] : memref<10000x128xf32, #tpu.memory_space<vmem_shared>> -> memref<10000x128xf32, #tpu.memory_space<vmem_shared>>
    tpu.wait_indirect_dma semaphore(%arg39 : memref<!tpu.dma_semaphore, #tpu.memory_space<semaphore_mem>>) src(%arg18 : memref<128x128xf32, #tpu.memory_space<vmem>>) dst(%dma_wait3A_1467 : memref<10000x128xf32, #tpu.memory_space<vmem_shared>>)
    %add3A_1468 = arith.constant 8832 : i32
    %add3A_1469 = arith.addi %mul3A_21, %add3A_1468 : i32
    %dma_start3A_1470 = tpu.memref_slice %arg3[%add3A_1469] : memref<320000xi32, #tpu.memory_space<hbm>> -> memref<128xi32, #tpu.memory_space<hbm>>
    %dma_start3A_1471 = tpu.memref_slice %arg3[%add3A_1469] : memref<320000xi32, #tpu.memory_space<hbm>> -> memref<128xi32, #tpu.memory_space<hbm>>
    tpu.enqueue_dma source(%dma_start3A_1471 : memref<128xi32, #tpu.memory_space<hbm>>) target(%arg12 : memref<128xi32, #tpu.memory_space<vmem>>) target_semaphore(%arg27 : memref<!tpu.dma_semaphore, #tpu.memory_space<semaphore_mem>>)
    %dma_start3A_1472 = tpu.memref_slice %arg4[%add3A_1469] : memref<320000xi32, #tpu.memory_space<hbm>> -> memref<128xi32, #tpu.memory_space<hbm>>
    %dma_start3A_1473 = tpu.memref_slice %arg4[%add3A_1469] : memref<320000xi32, #tpu.memory_space<hbm>> -> memref<128xi32, #tpu.memory_space<hbm>>
    tpu.enqueue_dma source(%dma_start3A_1473 : memref<128xi32, #tpu.memory_space<hbm>>) target(%arg13 : memref<128xi32, #tpu.memory_space<vmem>>) target_semaphore(%arg33 : memref<!tpu.dma_semaphore, #tpu.memory_space<semaphore_mem>>)
    %dma_wait3A_1474 = tpu.memref_slice %arg3[%add3A_1403] : memref<320000xi32, #tpu.memory_space<hbm>> -> memref<128xi32, #tpu.memory_space<hbm>>
    %dma_wait3A_1475 = tpu.memref_slice %arg3[%add3A_1403] : memref<320000xi32, #tpu.memory_space<hbm>> -> memref<128xi32, #tpu.memory_space<hbm>>
    tpu.wait_dma2 semaphore(%arg24 : memref<!tpu.dma_semaphore, #tpu.memory_space<semaphore_mem>>) src(%dma_wait3A_1475 : memref<128xi32, #tpu.memory_space<hbm>>) dst(%arg6 : memref<128xi32, #tpu.memory_space<vmem>>)
    %dma_start3A_1476 = arith.constant 0 : i32
    %dma_start3A_1477 = arith.constant 0 : i32
    %dma_start3A_1478 = tpu.memref_slice %arg2[%dma_start3A_1476, %dma_start3A_1477] : memref<10000x128xf32, #tpu.memory_space<hbm>> -> memref<10000x128xf32, #tpu.memory_space<hbm>>
    tpu.enqueue_indirect_dma source(%dma_start3A_1478 : memref<10000x128xf32, #tpu.memory_space<hbm>>) target(%arg18 : memref<128x128xf32, #tpu.memory_space<vmem>>) offsets(%arg6 : memref<128xi32, #tpu.memory_space<vmem>>) semaphore(%arg36 : memref<!tpu.dma_semaphore, #tpu.memory_space<semaphore_mem>>)
    %dma_wait3A_1479 = arith.constant 0 : i32
    %dma_wait3A_1480 = arith.constant 0 : i32
    %dma_wait3A_1481 = tpu.memref_slice %arg2[%dma_wait3A_1479, %dma_wait3A_1480] : memref<10000x128xf32, #tpu.memory_space<hbm>> -> memref<10000x128xf32, #tpu.memory_space<hbm>>
    tpu.wait_indirect_dma semaphore(%arg37 : memref<!tpu.dma_semaphore, #tpu.memory_space<semaphore_mem>>) src(%dma_wait3A_1481 : memref<10000x128xf32, #tpu.memory_space<hbm>>) dst(%arg19 : memref<128x128xf32, #tpu.memory_space<vmem>>)
    %dma_wait3A_1482 = tpu.memref_slice %arg4[%add3A_1359] : memref<320000xi32, #tpu.memory_space<hbm>> -> memref<128xi32, #tpu.memory_space<hbm>>
    %dma_wait3A_1483 = tpu.memref_slice %arg4[%add3A_1359] : memref<320000xi32, #tpu.memory_space<hbm>> -> memref<128xi32, #tpu.memory_space<hbm>>
    tpu.wait_dma2 semaphore(%arg34 : memref<!tpu.dma_semaphore, #tpu.memory_space<semaphore_mem>>) src(%dma_wait3A_1483 : memref<128xi32, #tpu.memory_space<hbm>>) dst(%arg15 : memref<128xi32, #tpu.memory_space<vmem>>)
    %dma_start3A_1484 = arith.constant 0 : i32
    %dma_start3A_1485 = arith.constant 0 : i32
    %dma_start3A_1486 = tpu.memref_slice %arg23[%dma_start3A_1484, %dma_start3A_1485] : memref<10000x128xf32, #tpu.memory_space<vmem_shared>> -> memref<10000x128xf32, #tpu.memory_space<vmem_shared>>
    tpu.enqueue_indirect_dma source(%arg19 : memref<128x128xf32, #tpu.memory_space<vmem>>) target(%dma_start3A_1486 : memref<10000x128xf32, #tpu.memory_space<vmem_shared>>) offsets(%arg15 : memref<128xi32, #tpu.memory_space<vmem>>) semaphore(%arg40 : memref<!tpu.dma_semaphore, #tpu.memory_space<semaphore_mem>>) {add = true}
    %dma_wait3A_1487 = arith.constant 0 : i32
    %dma_wait3A_1488 = arith.constant 0 : i32
    %dma_wait3A_1489 = tpu.memref_slice %arg23[%dma_wait3A_1487, %dma_wait3A_1488] : memref<10000x128xf32, #tpu.memory_space<vmem_shared>> -> memref<10000x128xf32, #tpu.memory_space<vmem_shared>>
    tpu.wait_indirect_dma semaphore(%arg40 : memref<!tpu.dma_semaphore, #tpu.memory_space<semaphore_mem>>) src(%arg19 : memref<128x128xf32, #tpu.memory_space<vmem>>) dst(%dma_wait3A_1489 : memref<10000x128xf32, #tpu.memory_space<vmem_shared>>)
    %add3A_1490 = arith.constant 8960 : i32
    %add3A_1491 = arith.addi %mul3A_21, %add3A_1490 : i32
    %dma_start3A_1492 = tpu.memref_slice %arg3[%add3A_1491] : memref<320000xi32, #tpu.memory_space<hbm>> -> memref<128xi32, #tpu.memory_space<hbm>>
    %dma_start3A_1493 = tpu.memref_slice %arg3[%add3A_1491] : memref<320000xi32, #tpu.memory_space<hbm>> -> memref<128xi32, #tpu.memory_space<hbm>>
    tpu.enqueue_dma source(%dma_start3A_1493 : memref<128xi32, #tpu.memory_space<hbm>>) target(%arg14 : memref<128xi32, #tpu.memory_space<vmem>>) target_semaphore(%arg28 : memref<!tpu.dma_semaphore, #tpu.memory_space<semaphore_mem>>)
    %dma_start3A_1494 = tpu.memref_slice %arg4[%add3A_1491] : memref<320000xi32, #tpu.memory_space<hbm>> -> memref<128xi32, #tpu.memory_space<hbm>>
    %dma_start3A_1495 = tpu.memref_slice %arg4[%add3A_1491] : memref<320000xi32, #tpu.memory_space<hbm>> -> memref<128xi32, #tpu.memory_space<hbm>>
    tpu.enqueue_dma source(%dma_start3A_1495 : memref<128xi32, #tpu.memory_space<hbm>>) target(%arg15 : memref<128xi32, #tpu.memory_space<vmem>>) target_semaphore(%arg34 : memref<!tpu.dma_semaphore, #tpu.memory_space<semaphore_mem>>)
    %dma_wait3A_1496 = tpu.memref_slice %arg3[%add3A_1425] : memref<320000xi32, #tpu.memory_space<hbm>> -> memref<128xi32, #tpu.memory_space<hbm>>
    %dma_wait3A_1497 = tpu.memref_slice %arg3[%add3A_1425] : memref<320000xi32, #tpu.memory_space<hbm>> -> memref<128xi32, #tpu.memory_space<hbm>>
    tpu.wait_dma2 semaphore(%arg25 : memref<!tpu.dma_semaphore, #tpu.memory_space<semaphore_mem>>) src(%dma_wait3A_1497 : memref<128xi32, #tpu.memory_space<hbm>>) dst(%arg8 : memref<128xi32, #tpu.memory_space<vmem>>)
    %dma_start3A_1498 = arith.constant 0 : i32
    %dma_start3A_1499 = arith.constant 0 : i32
    %dma_start3A_1500 = tpu.memref_slice %arg2[%dma_start3A_1498, %dma_start3A_1499] : memref<10000x128xf32, #tpu.memory_space<hbm>> -> memref<10000x128xf32, #tpu.memory_space<hbm>>
    tpu.enqueue_indirect_dma source(%dma_start3A_1500 : memref<10000x128xf32, #tpu.memory_space<hbm>>) target(%arg19 : memref<128x128xf32, #tpu.memory_space<vmem>>) offsets(%arg8 : memref<128xi32, #tpu.memory_space<vmem>>) semaphore(%arg37 : memref<!tpu.dma_semaphore, #tpu.memory_space<semaphore_mem>>)
    %dma_wait3A_1501 = arith.constant 0 : i32
    %dma_wait3A_1502 = arith.constant 0 : i32
    %dma_wait3A_1503 = tpu.memref_slice %arg2[%dma_wait3A_1501, %dma_wait3A_1502] : memref<10000x128xf32, #tpu.memory_space<hbm>> -> memref<10000x128xf32, #tpu.memory_space<hbm>>
    tpu.wait_indirect_dma semaphore(%arg38 : memref<!tpu.dma_semaphore, #tpu.memory_space<semaphore_mem>>) src(%dma_wait3A_1503 : memref<10000x128xf32, #tpu.memory_space<hbm>>) dst(%arg20 : memref<128x128xf32, #tpu.memory_space<vmem>>)
    %dma_wait3A_1504 = tpu.memref_slice %arg4[%add3A_1381] : memref<320000xi32, #tpu.memory_space<hbm>> -> memref<128xi32, #tpu.memory_space<hbm>>
    %dma_wait3A_1505 = tpu.memref_slice %arg4[%add3A_1381] : memref<320000xi32, #tpu.memory_space<hbm>> -> memref<128xi32, #tpu.memory_space<hbm>>
    tpu.wait_dma2 semaphore(%arg35 : memref<!tpu.dma_semaphore, #tpu.memory_space<semaphore_mem>>) src(%dma_wait3A_1505 : memref<128xi32, #tpu.memory_space<hbm>>) dst(%arg17 : memref<128xi32, #tpu.memory_space<vmem>>)
    %dma_start3A_1506 = arith.constant 0 : i32
    %dma_start3A_1507 = arith.constant 0 : i32
    %dma_start3A_1508 = tpu.memref_slice %arg23[%dma_start3A_1506, %dma_start3A_1507] : memref<10000x128xf32, #tpu.memory_space<vmem_shared>> -> memref<10000x128xf32, #tpu.memory_space<vmem_shared>>
    tpu.enqueue_indirect_dma source(%arg20 : memref<128x128xf32, #tpu.memory_space<vmem>>) target(%dma_start3A_1508 : memref<10000x128xf32, #tpu.memory_space<vmem_shared>>) offsets(%arg17 : memref<128xi32, #tpu.memory_space<vmem>>) semaphore(%arg41 : memref<!tpu.dma_semaphore, #tpu.memory_space<semaphore_mem>>) {add = true}
    %dma_wait3A_1509 = arith.constant 0 : i32
    %dma_wait3A_1510 = arith.constant 0 : i32
    %dma_wait3A_1511 = tpu.memref_slice %arg23[%dma_wait3A_1509, %dma_wait3A_1510] : memref<10000x128xf32, #tpu.memory_space<vmem_shared>> -> memref<10000x128xf32, #tpu.memory_space<vmem_shared>>
    tpu.wait_indirect_dma semaphore(%arg41 : memref<!tpu.dma_semaphore, #tpu.memory_space<semaphore_mem>>) src(%arg20 : memref<128x128xf32, #tpu.memory_space<vmem>>) dst(%dma_wait3A_1511 : memref<10000x128xf32, #tpu.memory_space<vmem_shared>>)
    %add3A_1512 = arith.constant 9088 : i32
    %add3A_1513 = arith.addi %mul3A_21, %add3A_1512 : i32
    %dma_start3A_1514 = tpu.memref_slice %arg3[%add3A_1513] : memref<320000xi32, #tpu.memory_space<hbm>> -> memref<128xi32, #tpu.memory_space<hbm>>
    %dma_start3A_1515 = tpu.memref_slice %arg3[%add3A_1513] : memref<320000xi32, #tpu.memory_space<hbm>> -> memref<128xi32, #tpu.memory_space<hbm>>
    tpu.enqueue_dma source(%dma_start3A_1515 : memref<128xi32, #tpu.memory_space<hbm>>) target(%arg16 : memref<128xi32, #tpu.memory_space<vmem>>) target_semaphore(%arg29 : memref<!tpu.dma_semaphore, #tpu.memory_space<semaphore_mem>>)
    %dma_start3A_1516 = tpu.memref_slice %arg4[%add3A_1513] : memref<320000xi32, #tpu.memory_space<hbm>> -> memref<128xi32, #tpu.memory_space<hbm>>
    %dma_start3A_1517 = tpu.memref_slice %arg4[%add3A_1513] : memref<320000xi32, #tpu.memory_space<hbm>> -> memref<128xi32, #tpu.memory_space<hbm>>
    tpu.enqueue_dma source(%dma_start3A_1517 : memref<128xi32, #tpu.memory_space<hbm>>) target(%arg17 : memref<128xi32, #tpu.memory_space<vmem>>) target_semaphore(%arg35 : memref<!tpu.dma_semaphore, #tpu.memory_space<semaphore_mem>>)
    %dma_wait3A_1518 = tpu.memref_slice %arg3[%add3A_1447] : memref<320000xi32, #tpu.memory_space<hbm>> -> memref<128xi32, #tpu.memory_space<hbm>>
    %dma_wait3A_1519 = tpu.memref_slice %arg3[%add3A_1447] : memref<320000xi32, #tpu.memory_space<hbm>> -> memref<128xi32, #tpu.memory_space<hbm>>
    tpu.wait_dma2 semaphore(%arg26 : memref<!tpu.dma_semaphore, #tpu.memory_space<semaphore_mem>>) src(%dma_wait3A_1519 : memref<128xi32, #tpu.memory_space<hbm>>) dst(%arg10 : memref<128xi32, #tpu.memory_space<vmem>>)
    %dma_start3A_1520 = arith.constant 0 : i32
    %dma_start3A_1521 = arith.constant 0 : i32
    %dma_start3A_1522 = tpu.memref_slice %arg2[%dma_start3A_1520, %dma_start3A_1521] : memref<10000x128xf32, #tpu.memory_space<hbm>> -> memref<10000x128xf32, #tpu.memory_space<hbm>>
    tpu.enqueue_indirect_dma source(%dma_start3A_1522 : memref<10000x128xf32, #tpu.memory_space<hbm>>) target(%arg20 : memref<128x128xf32, #tpu.memory_space<vmem>>) offsets(%arg10 : memref<128xi32, #tpu.memory_space<vmem>>) semaphore(%arg38 : memref<!tpu.dma_semaphore, #tpu.memory_space<semaphore_mem>>)
    %dma_wait3A_1523 = arith.constant 0 : i32
    %dma_wait3A_1524 = arith.constant 0 : i32
    %dma_wait3A_1525 = tpu.memref_slice %arg2[%dma_wait3A_1523, %dma_wait3A_1524] : memref<10000x128xf32, #tpu.memory_space<hbm>> -> memref<10000x128xf32, #tpu.memory_space<hbm>>
    tpu.wait_indirect_dma semaphore(%arg36 : memref<!tpu.dma_semaphore, #tpu.memory_space<semaphore_mem>>) src(%dma_wait3A_1525 : memref<10000x128xf32, #tpu.memory_space<hbm>>) dst(%arg18 : memref<128x128xf32, #tpu.memory_space<vmem>>)
    %dma_wait3A_1526 = tpu.memref_slice %arg4[%add3A_1403] : memref<320000xi32, #tpu.memory_space<hbm>> -> memref<128xi32, #tpu.memory_space<hbm>>
    %dma_wait3A_1527 = tpu.memref_slice %arg4[%add3A_1403] : memref<320000xi32, #tpu.memory_space<hbm>> -> memref<128xi32, #tpu.memory_space<hbm>>
    tpu.wait_dma2 semaphore(%arg30 : memref<!tpu.dma_semaphore, #tpu.memory_space<semaphore_mem>>) src(%dma_wait3A_1527 : memref<128xi32, #tpu.memory_space<hbm>>) dst(%arg7 : memref<128xi32, #tpu.memory_space<vmem>>)
    %dma_start3A_1528 = arith.constant 0 : i32
    %dma_start3A_1529 = arith.constant 0 : i32
    %dma_start3A_1530 = tpu.memref_slice %arg23[%dma_start3A_1528, %dma_start3A_1529] : memref<10000x128xf32, #tpu.memory_space<vmem_shared>> -> memref<10000x128xf32, #tpu.memory_space<vmem_shared>>
    tpu.enqueue_indirect_dma source(%arg18 : memref<128x128xf32, #tpu.memory_space<vmem>>) target(%dma_start3A_1530 : memref<10000x128xf32, #tpu.memory_space<vmem_shared>>) offsets(%arg7 : memref<128xi32, #tpu.memory_space<vmem>>) semaphore(%arg39 : memref<!tpu.dma_semaphore, #tpu.memory_space<semaphore_mem>>) {add = true}
    %dma_wait3A_1531 = arith.constant 0 : i32
    %dma_wait3A_1532 = arith.constant 0 : i32
    %dma_wait3A_1533 = tpu.memref_slice %arg23[%dma_wait3A_1531, %dma_wait3A_1532] : memref<10000x128xf32, #tpu.memory_space<vmem_shared>> -> memref<10000x128xf32, #tpu.memory_space<vmem_shared>>
    tpu.wait_indirect_dma semaphore(%arg39 : memref<!tpu.dma_semaphore, #tpu.memory_space<semaphore_mem>>) src(%arg18 : memref<128x128xf32, #tpu.memory_space<vmem>>) dst(%dma_wait3A_1533 : memref<10000x128xf32, #tpu.memory_space<vmem_shared>>)
    %add3A_1534 = arith.constant 9216 : i32
    %add3A_1535 = arith.addi %mul3A_21, %add3A_1534 : i32
    %dma_start3A_1536 = tpu.memref_slice %arg3[%add3A_1535] : memref<320000xi32, #tpu.memory_space<hbm>> -> memref<128xi32, #tpu.memory_space<hbm>>
    %dma_start3A_1537 = tpu.memref_slice %arg3[%add3A_1535] : memref<320000xi32, #tpu.memory_space<hbm>> -> memref<128xi32, #tpu.memory_space<hbm>>
    tpu.enqueue_dma source(%dma_start3A_1537 : memref<128xi32, #tpu.memory_space<hbm>>) target(%arg6 : memref<128xi32, #tpu.memory_space<vmem>>) target_semaphore(%arg24 : memref<!tpu.dma_semaphore, #tpu.memory_space<semaphore_mem>>)
    %dma_start3A_1538 = tpu.memref_slice %arg4[%add3A_1535] : memref<320000xi32, #tpu.memory_space<hbm>> -> memref<128xi32, #tpu.memory_space<hbm>>
    %dma_start3A_1539 = tpu.memref_slice %arg4[%add3A_1535] : memref<320000xi32, #tpu.memory_space<hbm>> -> memref<128xi32, #tpu.memory_space<hbm>>
    tpu.enqueue_dma source(%dma_start3A_1539 : memref<128xi32, #tpu.memory_space<hbm>>) target(%arg7 : memref<128xi32, #tpu.memory_space<vmem>>) target_semaphore(%arg30 : memref<!tpu.dma_semaphore, #tpu.memory_space<semaphore_mem>>)
    %dma_wait3A_1540 = tpu.memref_slice %arg3[%add3A_1469] : memref<320000xi32, #tpu.memory_space<hbm>> -> memref<128xi32, #tpu.memory_space<hbm>>
    %dma_wait3A_1541 = tpu.memref_slice %arg3[%add3A_1469] : memref<320000xi32, #tpu.memory_space<hbm>> -> memref<128xi32, #tpu.memory_space<hbm>>
    tpu.wait_dma2 semaphore(%arg27 : memref<!tpu.dma_semaphore, #tpu.memory_space<semaphore_mem>>) src(%dma_wait3A_1541 : memref<128xi32, #tpu.memory_space<hbm>>) dst(%arg12 : memref<128xi32, #tpu.memory_space<vmem>>)
    %dma_start3A_1542 = arith.constant 0 : i32
    %dma_start3A_1543 = arith.constant 0 : i32
    %dma_start3A_1544 = tpu.memref_slice %arg2[%dma_start3A_1542, %dma_start3A_1543] : memref<10000x128xf32, #tpu.memory_space<hbm>> -> memref<10000x128xf32, #tpu.memory_space<hbm>>
    tpu.enqueue_indirect_dma source(%dma_start3A_1544 : memref<10000x128xf32, #tpu.memory_space<hbm>>) target(%arg18 : memref<128x128xf32, #tpu.memory_space<vmem>>) offsets(%arg12 : memref<128xi32, #tpu.memory_space<vmem>>) semaphore(%arg36 : memref<!tpu.dma_semaphore, #tpu.memory_space<semaphore_mem>>)
    %dma_wait3A_1545 = arith.constant 0 : i32
    %dma_wait3A_1546 = arith.constant 0 : i32
    %dma_wait3A_1547 = tpu.memref_slice %arg2[%dma_wait3A_1545, %dma_wait3A_1546] : memref<10000x128xf32, #tpu.memory_space<hbm>> -> memref<10000x128xf32, #tpu.memory_space<hbm>>
    tpu.wait_indirect_dma semaphore(%arg37 : memref<!tpu.dma_semaphore, #tpu.memory_space<semaphore_mem>>) src(%dma_wait3A_1547 : memref<10000x128xf32, #tpu.memory_space<hbm>>) dst(%arg19 : memref<128x128xf32, #tpu.memory_space<vmem>>)
    %dma_wait3A_1548 = tpu.memref_slice %arg4[%add3A_1425] : memref<320000xi32, #tpu.memory_space<hbm>> -> memref<128xi32, #tpu.memory_space<hbm>>
    %dma_wait3A_1549 = tpu.memref_slice %arg4[%add3A_1425] : memref<320000xi32, #tpu.memory_space<hbm>> -> memref<128xi32, #tpu.memory_space<hbm>>
    tpu.wait_dma2 semaphore(%arg31 : memref<!tpu.dma_semaphore, #tpu.memory_space<semaphore_mem>>) src(%dma_wait3A_1549 : memref<128xi32, #tpu.memory_space<hbm>>) dst(%arg9 : memref<128xi32, #tpu.memory_space<vmem>>)
    %dma_start3A_1550 = arith.constant 0 : i32
    %dma_start3A_1551 = arith.constant 0 : i32
    %dma_start3A_1552 = tpu.memref_slice %arg23[%dma_start3A_1550, %dma_start3A_1551] : memref<10000x128xf32, #tpu.memory_space<vmem_shared>> -> memref<10000x128xf32, #tpu.memory_space<vmem_shared>>
    tpu.enqueue_indirect_dma source(%arg19 : memref<128x128xf32, #tpu.memory_space<vmem>>) target(%dma_start3A_1552 : memref<10000x128xf32, #tpu.memory_space<vmem_shared>>) offsets(%arg9 : memref<128xi32, #tpu.memory_space<vmem>>) semaphore(%arg40 : memref<!tpu.dma_semaphore, #tpu.memory_space<semaphore_mem>>) {add = true}
    %dma_wait3A_1553 = arith.constant 0 : i32
    %dma_wait3A_1554 = arith.constant 0 : i32
    %dma_wait3A_1555 = tpu.memref_slice %arg23[%dma_wait3A_1553, %dma_wait3A_1554] : memref<10000x128xf32, #tpu.memory_space<vmem_shared>> -> memref<10000x128xf32, #tpu.memory_space<vmem_shared>>
    tpu.wait_indirect_dma semaphore(%arg40 : memref<!tpu.dma_semaphore, #tpu.memory_space<semaphore_mem>>) src(%arg19 : memref<128x128xf32, #tpu.memory_space<vmem>>) dst(%dma_wait3A_1555 : memref<10000x128xf32, #tpu.memory_space<vmem_shared>>)
    %add3A_1556 = arith.constant 9344 : i32
    %add3A_1557 = arith.addi %mul3A_21, %add3A_1556 : i32
    %dma_start3A_1558 = tpu.memref_slice %arg3[%add3A_1557] : memref<320000xi32, #tpu.memory_space<hbm>> -> memref<128xi32, #tpu.memory_space<hbm>>
    %dma_start3A_1559 = tpu.memref_slice %arg3[%add3A_1557] : memref<320000xi32, #tpu.memory_space<hbm>> -> memref<128xi32, #tpu.memory_space<hbm>>
    tpu.enqueue_dma source(%dma_start3A_1559 : memref<128xi32, #tpu.memory_space<hbm>>) target(%arg8 : memref<128xi32, #tpu.memory_space<vmem>>) target_semaphore(%arg25 : memref<!tpu.dma_semaphore, #tpu.memory_space<semaphore_mem>>)
    %dma_start3A_1560 = tpu.memref_slice %arg4[%add3A_1557] : memref<320000xi32, #tpu.memory_space<hbm>> -> memref<128xi32, #tpu.memory_space<hbm>>
    %dma_start3A_1561 = tpu.memref_slice %arg4[%add3A_1557] : memref<320000xi32, #tpu.memory_space<hbm>> -> memref<128xi32, #tpu.memory_space<hbm>>
    tpu.enqueue_dma source(%dma_start3A_1561 : memref<128xi32, #tpu.memory_space<hbm>>) target(%arg9 : memref<128xi32, #tpu.memory_space<vmem>>) target_semaphore(%arg31 : memref<!tpu.dma_semaphore, #tpu.memory_space<semaphore_mem>>)
    %dma_wait3A_1562 = tpu.memref_slice %arg3[%add3A_1491] : memref<320000xi32, #tpu.memory_space<hbm>> -> memref<128xi32, #tpu.memory_space<hbm>>
    %dma_wait3A_1563 = tpu.memref_slice %arg3[%add3A_1491] : memref<320000xi32, #tpu.memory_space<hbm>> -> memref<128xi32, #tpu.memory_space<hbm>>
    tpu.wait_dma2 semaphore(%arg28 : memref<!tpu.dma_semaphore, #tpu.memory_space<semaphore_mem>>) src(%dma_wait3A_1563 : memref<128xi32, #tpu.memory_space<hbm>>) dst(%arg14 : memref<128xi32, #tpu.memory_space<vmem>>)
    %dma_start3A_1564 = arith.constant 0 : i32
    %dma_start3A_1565 = arith.constant 0 : i32
    %dma_start3A_1566 = tpu.memref_slice %arg2[%dma_start3A_1564, %dma_start3A_1565] : memref<10000x128xf32, #tpu.memory_space<hbm>> -> memref<10000x128xf32, #tpu.memory_space<hbm>>
    tpu.enqueue_indirect_dma source(%dma_start3A_1566 : memref<10000x128xf32, #tpu.memory_space<hbm>>) target(%arg19 : memref<128x128xf32, #tpu.memory_space<vmem>>) offsets(%arg14 : memref<128xi32, #tpu.memory_space<vmem>>) semaphore(%arg37 : memref<!tpu.dma_semaphore, #tpu.memory_space<semaphore_mem>>)
    %dma_wait3A_1567 = arith.constant 0 : i32
    %dma_wait3A_1568 = arith.constant 0 : i32
    %dma_wait3A_1569 = tpu.memref_slice %arg2[%dma_wait3A_1567, %dma_wait3A_1568] : memref<10000x128xf32, #tpu.memory_space<hbm>> -> memref<10000x128xf32, #tpu.memory_space<hbm>>
    tpu.wait_indirect_dma semaphore(%arg38 : memref<!tpu.dma_semaphore, #tpu.memory_space<semaphore_mem>>) src(%dma_wait3A_1569 : memref<10000x128xf32, #tpu.memory_space<hbm>>) dst(%arg20 : memref<128x128xf32, #tpu.memory_space<vmem>>)
    %dma_wait3A_1570 = tpu.memref_slice %arg4[%add3A_1447] : memref<320000xi32, #tpu.memory_space<hbm>> -> memref<128xi32, #tpu.memory_space<hbm>>
    %dma_wait3A_1571 = tpu.memref_slice %arg4[%add3A_1447] : memref<320000xi32, #tpu.memory_space<hbm>> -> memref<128xi32, #tpu.memory_space<hbm>>
    tpu.wait_dma2 semaphore(%arg32 : memref<!tpu.dma_semaphore, #tpu.memory_space<semaphore_mem>>) src(%dma_wait3A_1571 : memref<128xi32, #tpu.memory_space<hbm>>) dst(%arg11 : memref<128xi32, #tpu.memory_space<vmem>>)
    %dma_start3A_1572 = arith.constant 0 : i32
    %dma_start3A_1573 = arith.constant 0 : i32
    %dma_start3A_1574 = tpu.memref_slice %arg23[%dma_start3A_1572, %dma_start3A_1573] : memref<10000x128xf32, #tpu.memory_space<vmem_shared>> -> memref<10000x128xf32, #tpu.memory_space<vmem_shared>>
    tpu.enqueue_indirect_dma source(%arg20 : memref<128x128xf32, #tpu.memory_space<vmem>>) target(%dma_start3A_1574 : memref<10000x128xf32, #tpu.memory_space<vmem_shared>>) offsets(%arg11 : memref<128xi32, #tpu.memory_space<vmem>>) semaphore(%arg41 : memref<!tpu.dma_semaphore, #tpu.memory_space<semaphore_mem>>) {add = true}
    %dma_wait3A_1575 = arith.constant 0 : i32
    %dma_wait3A_1576 = arith.constant 0 : i32
    %dma_wait3A_1577 = tpu.memref_slice %arg23[%dma_wait3A_1575, %dma_wait3A_1576] : memref<10000x128xf32, #tpu.memory_space<vmem_shared>> -> memref<10000x128xf32, #tpu.memory_space<vmem_shared>>
    tpu.wait_indirect_dma semaphore(%arg41 : memref<!tpu.dma_semaphore, #tpu.memory_space<semaphore_mem>>) src(%arg20 : memref<128x128xf32, #tpu.memory_space<vmem>>) dst(%dma_wait3A_1577 : memref<10000x128xf32, #tpu.memory_space<vmem_shared>>)
    %add3A_1578 = arith.constant 9472 : i32
    %add3A_1579 = arith.addi %mul3A_21, %add3A_1578 : i32
    %dma_start3A_1580 = tpu.memref_slice %arg3[%add3A_1579] : memref<320000xi32, #tpu.memory_space<hbm>> -> memref<128xi32, #tpu.memory_space<hbm>>
    %dma_start3A_1581 = tpu.memref_slice %arg3[%add3A_1579] : memref<320000xi32, #tpu.memory_space<hbm>> -> memref<128xi32, #tpu.memory_space<hbm>>
    tpu.enqueue_dma source(%dma_start3A_1581 : memref<128xi32, #tpu.memory_space<hbm>>) target(%arg10 : memref<128xi32, #tpu.memory_space<vmem>>) target_semaphore(%arg26 : memref<!tpu.dma_semaphore, #tpu.memory_space<semaphore_mem>>)
    %dma_start3A_1582 = tpu.memref_slice %arg4[%add3A_1579] : memref<320000xi32, #tpu.memory_space<hbm>> -> memref<128xi32, #tpu.memory_space<hbm>>
    %dma_start3A_1583 = tpu.memref_slice %arg4[%add3A_1579] : memref<320000xi32, #tpu.memory_space<hbm>> -> memref<128xi32, #tpu.memory_space<hbm>>
    tpu.enqueue_dma source(%dma_start3A_1583 : memref<128xi32, #tpu.memory_space<hbm>>) target(%arg11 : memref<128xi32, #tpu.memory_space<vmem>>) target_semaphore(%arg32 : memref<!tpu.dma_semaphore, #tpu.memory_space<semaphore_mem>>)
    %dma_wait3A_1584 = tpu.memref_slice %arg3[%add3A_1513] : memref<320000xi32, #tpu.memory_space<hbm>> -> memref<128xi32, #tpu.memory_space<hbm>>
    %dma_wait3A_1585 = tpu.memref_slice %arg3[%add3A_1513] : memref<320000xi32, #tpu.memory_space<hbm>> -> memref<128xi32, #tpu.memory_space<hbm>>
    tpu.wait_dma2 semaphore(%arg29 : memref<!tpu.dma_semaphore, #tpu.memory_space<semaphore_mem>>) src(%dma_wait3A_1585 : memref<128xi32, #tpu.memory_space<hbm>>) dst(%arg16 : memref<128xi32, #tpu.memory_space<vmem>>)
    %dma_start3A_1586 = arith.constant 0 : i32
    %dma_start3A_1587 = arith.constant 0 : i32
    %dma_start3A_1588 = tpu.memref_slice %arg2[%dma_start3A_1586, %dma_start3A_1587] : memref<10000x128xf32, #tpu.memory_space<hbm>> -> memref<10000x128xf32, #tpu.memory_space<hbm>>
    tpu.enqueue_indirect_dma source(%dma_start3A_1588 : memref<10000x128xf32, #tpu.memory_space<hbm>>) target(%arg20 : memref<128x128xf32, #tpu.memory_space<vmem>>) offsets(%arg16 : memref<128xi32, #tpu.memory_space<vmem>>) semaphore(%arg38 : memref<!tpu.dma_semaphore, #tpu.memory_space<semaphore_mem>>)
    %dma_wait3A_1589 = arith.constant 0 : i32
    %dma_wait3A_1590 = arith.constant 0 : i32
    %dma_wait3A_1591 = tpu.memref_slice %arg2[%dma_wait3A_1589, %dma_wait3A_1590] : memref<10000x128xf32, #tpu.memory_space<hbm>> -> memref<10000x128xf32, #tpu.memory_space<hbm>>
    tpu.wait_indirect_dma semaphore(%arg36 : memref<!tpu.dma_semaphore, #tpu.memory_space<semaphore_mem>>) src(%dma_wait3A_1591 : memref<10000x128xf32, #tpu.memory_space<hbm>>) dst(%arg18 : memref<128x128xf32, #tpu.memory_space<vmem>>)
    %dma_wait3A_1592 = tpu.memref_slice %arg4[%add3A_1469] : memref<320000xi32, #tpu.memory_space<hbm>> -> memref<128xi32, #tpu.memory_space<hbm>>
    %dma_wait3A_1593 = tpu.memref_slice %arg4[%add3A_1469] : memref<320000xi32, #tpu.memory_space<hbm>> -> memref<128xi32, #tpu.memory_space<hbm>>
    tpu.wait_dma2 semaphore(%arg33 : memref<!tpu.dma_semaphore, #tpu.memory_space<semaphore_mem>>) src(%dma_wait3A_1593 : memref<128xi32, #tpu.memory_space<hbm>>) dst(%arg13 : memref<128xi32, #tpu.memory_space<vmem>>)
    %dma_start3A_1594 = arith.constant 0 : i32
    %dma_start3A_1595 = arith.constant 0 : i32
    %dma_start3A_1596 = tpu.memref_slice %arg23[%dma_start3A_1594, %dma_start3A_1595] : memref<10000x128xf32, #tpu.memory_space<vmem_shared>> -> memref<10000x128xf32, #tpu.memory_space<vmem_shared>>
    tpu.enqueue_indirect_dma source(%arg18 : memref<128x128xf32, #tpu.memory_space<vmem>>) target(%dma_start3A_1596 : memref<10000x128xf32, #tpu.memory_space<vmem_shared>>) offsets(%arg13 : memref<128xi32, #tpu.memory_space<vmem>>) semaphore(%arg39 : memref<!tpu.dma_semaphore, #tpu.memory_space<semaphore_mem>>) {add = true}
    %dma_wait3A_1597 = arith.constant 0 : i32
    %dma_wait3A_1598 = arith.constant 0 : i32
    %dma_wait3A_1599 = tpu.memref_slice %arg23[%dma_wait3A_1597, %dma_wait3A_1598] : memref<10000x128xf32, #tpu.memory_space<vmem_shared>> -> memref<10000x128xf32, #tpu.memory_space<vmem_shared>>
    tpu.wait_indirect_dma semaphore(%arg39 : memref<!tpu.dma_semaphore, #tpu.memory_space<semaphore_mem>>) src(%arg18 : memref<128x128xf32, #tpu.memory_space<vmem>>) dst(%dma_wait3A_1599 : memref<10000x128xf32, #tpu.memory_space<vmem_shared>>)
    %add3A_1600 = arith.constant 9600 : i32
    %add3A_1601 = arith.addi %mul3A_21, %add3A_1600 : i32
    %dma_start3A_1602 = tpu.memref_slice %arg3[%add3A_1601] : memref<320000xi32, #tpu.memory_space<hbm>> -> memref<128xi32, #tpu.memory_space<hbm>>
    %dma_start3A_1603 = tpu.memref_slice %arg3[%add3A_1601] : memref<320000xi32, #tpu.memory_space<hbm>> -> memref<128xi32, #tpu.memory_space<hbm>>
    tpu.enqueue_dma source(%dma_start3A_1603 : memref<128xi32, #tpu.memory_space<hbm>>) target(%arg12 : memref<128xi32, #tpu.memory_space<vmem>>) target_semaphore(%arg27 : memref<!tpu.dma_semaphore, #tpu.memory_space<semaphore_mem>>)
    %dma_start3A_1604 = tpu.memref_slice %arg4[%add3A_1601] : memref<320000xi32, #tpu.memory_space<hbm>> -> memref<128xi32, #tpu.memory_space<hbm>>
    %dma_start3A_1605 = tpu.memref_slice %arg4[%add3A_1601] : memref<320000xi32, #tpu.memory_space<hbm>> -> memref<128xi32, #tpu.memory_space<hbm>>
    tpu.enqueue_dma source(%dma_start3A_1605 : memref<128xi32, #tpu.memory_space<hbm>>) target(%arg13 : memref<128xi32, #tpu.memory_space<vmem>>) target_semaphore(%arg33 : memref<!tpu.dma_semaphore, #tpu.memory_space<semaphore_mem>>)
    %dma_wait3A_1606 = tpu.memref_slice %arg3[%add3A_1535] : memref<320000xi32, #tpu.memory_space<hbm>> -> memref<128xi32, #tpu.memory_space<hbm>>
    %dma_wait3A_1607 = tpu.memref_slice %arg3[%add3A_1535] : memref<320000xi32, #tpu.memory_space<hbm>> -> memref<128xi32, #tpu.memory_space<hbm>>
    tpu.wait_dma2 semaphore(%arg24 : memref<!tpu.dma_semaphore, #tpu.memory_space<semaphore_mem>>) src(%dma_wait3A_1607 : memref<128xi32, #tpu.memory_space<hbm>>) dst(%arg6 : memref<128xi32, #tpu.memory_space<vmem>>)
    %dma_start3A_1608 = arith.constant 0 : i32
    %dma_start3A_1609 = arith.constant 0 : i32
    %dma_start3A_1610 = tpu.memref_slice %arg2[%dma_start3A_1608, %dma_start3A_1609] : memref<10000x128xf32, #tpu.memory_space<hbm>> -> memref<10000x128xf32, #tpu.memory_space<hbm>>
    tpu.enqueue_indirect_dma source(%dma_start3A_1610 : memref<10000x128xf32, #tpu.memory_space<hbm>>) target(%arg18 : memref<128x128xf32, #tpu.memory_space<vmem>>) offsets(%arg6 : memref<128xi32, #tpu.memory_space<vmem>>) semaphore(%arg36 : memref<!tpu.dma_semaphore, #tpu.memory_space<semaphore_mem>>)
    %dma_wait3A_1611 = arith.constant 0 : i32
    %dma_wait3A_1612 = arith.constant 0 : i32
    %dma_wait3A_1613 = tpu.memref_slice %arg2[%dma_wait3A_1611, %dma_wait3A_1612] : memref<10000x128xf32, #tpu.memory_space<hbm>> -> memref<10000x128xf32, #tpu.memory_space<hbm>>
    tpu.wait_indirect_dma semaphore(%arg37 : memref<!tpu.dma_semaphore, #tpu.memory_space<semaphore_mem>>) src(%dma_wait3A_1613 : memref<10000x128xf32, #tpu.memory_space<hbm>>) dst(%arg19 : memref<128x128xf32, #tpu.memory_space<vmem>>)
    %dma_wait3A_1614 = tpu.memref_slice %arg4[%add3A_1491] : memref<320000xi32, #tpu.memory_space<hbm>> -> memref<128xi32, #tpu.memory_space<hbm>>
    %dma_wait3A_1615 = tpu.memref_slice %arg4[%add3A_1491] : memref<320000xi32, #tpu.memory_space<hbm>> -> memref<128xi32, #tpu.memory_space<hbm>>
    tpu.wait_dma2 semaphore(%arg34 : memref<!tpu.dma_semaphore, #tpu.memory_space<semaphore_mem>>) src(%dma_wait3A_1615 : memref<128xi32, #tpu.memory_space<hbm>>) dst(%arg15 : memref<128xi32, #tpu.memory_space<vmem>>)
    %dma_start3A_1616 = arith.constant 0 : i32
    %dma_start3A_1617 = arith.constant 0 : i32
    %dma_start3A_1618 = tpu.memref_slice %arg23[%dma_start3A_1616, %dma_start3A_1617] : memref<10000x128xf32, #tpu.memory_space<vmem_shared>> -> memref<10000x128xf32, #tpu.memory_space<vmem_shared>>
    tpu.enqueue_indirect_dma source(%arg19 : memref<128x128xf32, #tpu.memory_space<vmem>>) target(%dma_start3A_1618 : memref<10000x128xf32, #tpu.memory_space<vmem_shared>>) offsets(%arg15 : memref<128xi32, #tpu.memory_space<vmem>>) semaphore(%arg40 : memref<!tpu.dma_semaphore, #tpu.memory_space<semaphore_mem>>) {add = true}
    %dma_wait3A_1619 = arith.constant 0 : i32
    %dma_wait3A_1620 = arith.constant 0 : i32
    %dma_wait3A_1621 = tpu.memref_slice %arg23[%dma_wait3A_1619, %dma_wait3A_1620] : memref<10000x128xf32, #tpu.memory_space<vmem_shared>> -> memref<10000x128xf32, #tpu.memory_space<vmem_shared>>
    tpu.wait_indirect_dma semaphore(%arg40 : memref<!tpu.dma_semaphore, #tpu.memory_space<semaphore_mem>>) src(%arg19 : memref<128x128xf32, #tpu.memory_space<vmem>>) dst(%dma_wait3A_1621 : memref<10000x128xf32, #tpu.memory_space<vmem_shared>>)
    %add3A_1622 = arith.constant 9728 : i32
    %add3A_1623 = arith.addi %mul3A_21, %add3A_1622 : i32
    %dma_start3A_1624 = tpu.memref_slice %arg3[%add3A_1623] : memref<320000xi32, #tpu.memory_space<hbm>> -> memref<128xi32, #tpu.memory_space<hbm>>
    %dma_start3A_1625 = tpu.memref_slice %arg3[%add3A_1623] : memref<320000xi32, #tpu.memory_space<hbm>> -> memref<128xi32, #tpu.memory_space<hbm>>
    tpu.enqueue_dma source(%dma_start3A_1625 : memref<128xi32, #tpu.memory_space<hbm>>) target(%arg14 : memref<128xi32, #tpu.memory_space<vmem>>) target_semaphore(%arg28 : memref<!tpu.dma_semaphore, #tpu.memory_space<semaphore_mem>>)
    %dma_start3A_1626 = tpu.memref_slice %arg4[%add3A_1623] : memref<320000xi32, #tpu.memory_space<hbm>> -> memref<128xi32, #tpu.memory_space<hbm>>
    %dma_start3A_1627 = tpu.memref_slice %arg4[%add3A_1623] : memref<320000xi32, #tpu.memory_space<hbm>> -> memref<128xi32, #tpu.memory_space<hbm>>
    tpu.enqueue_dma source(%dma_start3A_1627 : memref<128xi32, #tpu.memory_space<hbm>>) target(%arg15 : memref<128xi32, #tpu.memory_space<vmem>>) target_semaphore(%arg34 : memref<!tpu.dma_semaphore, #tpu.memory_space<semaphore_mem>>)
    %dma_wait3A_1628 = tpu.memref_slice %arg3[%add3A_1557] : memref<320000xi32, #tpu.memory_space<hbm>> -> memref<128xi32, #tpu.memory_space<hbm>>
    %dma_wait3A_1629 = tpu.memref_slice %arg3[%add3A_1557] : memref<320000xi32, #tpu.memory_space<hbm>> -> memref<128xi32, #tpu.memory_space<hbm>>
    tpu.wait_dma2 semaphore(%arg25 : memref<!tpu.dma_semaphore, #tpu.memory_space<semaphore_mem>>) src(%dma_wait3A_1629 : memref<128xi32, #tpu.memory_space<hbm>>) dst(%arg8 : memref<128xi32, #tpu.memory_space<vmem>>)
    %dma_start3A_1630 = arith.constant 0 : i32
    %dma_start3A_1631 = arith.constant 0 : i32
    %dma_start3A_1632 = tpu.memref_slice %arg2[%dma_start3A_1630, %dma_start3A_1631] : memref<10000x128xf32, #tpu.memory_space<hbm>> -> memref<10000x128xf32, #tpu.memory_space<hbm>>
    tpu.enqueue_indirect_dma source(%dma_start3A_1632 : memref<10000x128xf32, #tpu.memory_space<hbm>>) target(%arg19 : memref<128x128xf32, #tpu.memory_space<vmem>>) offsets(%arg8 : memref<128xi32, #tpu.memory_space<vmem>>) semaphore(%arg37 : memref<!tpu.dma_semaphore, #tpu.memory_space<semaphore_mem>>)
    %dma_wait3A_1633 = arith.constant 0 : i32
    %dma_wait3A_1634 = arith.constant 0 : i32
    %dma_wait3A_1635 = tpu.memref_slice %arg2[%dma_wait3A_1633, %dma_wait3A_1634] : memref<10000x128xf32, #tpu.memory_space<hbm>> -> memref<10000x128xf32, #tpu.memory_space<hbm>>
    tpu.wait_indirect_dma semaphore(%arg38 : memref<!tpu.dma_semaphore, #tpu.memory_space<semaphore_mem>>) src(%dma_wait3A_1635 : memref<10000x128xf32, #tpu.memory_space<hbm>>) dst(%arg20 : memref<128x128xf32, #tpu.memory_space<vmem>>)
    %dma_wait3A_1636 = tpu.memref_slice %arg4[%add3A_1513] : memref<320000xi32, #tpu.memory_space<hbm>> -> memref<128xi32, #tpu.memory_space<hbm>>
    %dma_wait3A_1637 = tpu.memref_slice %arg4[%add3A_1513] : memref<320000xi32, #tpu.memory_space<hbm>> -> memref<128xi32, #tpu.memory_space<hbm>>
    tpu.wait_dma2 semaphore(%arg35 : memref<!tpu.dma_semaphore, #tpu.memory_space<semaphore_mem>>) src(%dma_wait3A_1637 : memref<128xi32, #tpu.memory_space<hbm>>) dst(%arg17 : memref<128xi32, #tpu.memory_space<vmem>>)
    %dma_start3A_1638 = arith.constant 0 : i32
    %dma_start3A_1639 = arith.constant 0 : i32
    %dma_start3A_1640 = tpu.memref_slice %arg23[%dma_start3A_1638, %dma_start3A_1639] : memref<10000x128xf32, #tpu.memory_space<vmem_shared>> -> memref<10000x128xf32, #tpu.memory_space<vmem_shared>>
    tpu.enqueue_indirect_dma source(%arg20 : memref<128x128xf32, #tpu.memory_space<vmem>>) target(%dma_start3A_1640 : memref<10000x128xf32, #tpu.memory_space<vmem_shared>>) offsets(%arg17 : memref<128xi32, #tpu.memory_space<vmem>>) semaphore(%arg41 : memref<!tpu.dma_semaphore, #tpu.memory_space<semaphore_mem>>) {add = true}
    %dma_wait3A_1641 = arith.constant 0 : i32
    %dma_wait3A_1642 = arith.constant 0 : i32
    %dma_wait3A_1643 = tpu.memref_slice %arg23[%dma_wait3A_1641, %dma_wait3A_1642] : memref<10000x128xf32, #tpu.memory_space<vmem_shared>> -> memref<10000x128xf32, #tpu.memory_space<vmem_shared>>
    tpu.wait_indirect_dma semaphore(%arg41 : memref<!tpu.dma_semaphore, #tpu.memory_space<semaphore_mem>>) src(%arg20 : memref<128x128xf32, #tpu.memory_space<vmem>>) dst(%dma_wait3A_1643 : memref<10000x128xf32, #tpu.memory_space<vmem_shared>>)
    %add3A_1644 = arith.constant 9856 : i32
    %add3A_1645 = arith.addi %mul3A_21, %add3A_1644 : i32
    %dma_start3A_1646 = tpu.memref_slice %arg3[%add3A_1645] : memref<320000xi32, #tpu.memory_space<hbm>> -> memref<128xi32, #tpu.memory_space<hbm>>
    %dma_start3A_1647 = tpu.memref_slice %arg3[%add3A_1645] : memref<320000xi32, #tpu.memory_space<hbm>> -> memref<128xi32, #tpu.memory_space<hbm>>
    tpu.enqueue_dma source(%dma_start3A_1647 : memref<128xi32, #tpu.memory_space<hbm>>) target(%arg16 : memref<128xi32, #tpu.memory_space<vmem>>) target_semaphore(%arg29 : memref<!tpu.dma_semaphore, #tpu.memory_space<semaphore_mem>>)
    %dma_start3A_1648 = tpu.memref_slice %arg4[%add3A_1645] : memref<320000xi32, #tpu.memory_space<hbm>> -> memref<128xi32, #tpu.memory_space<hbm>>
    %dma_start3A_1649 = tpu.memref_slice %arg4[%add3A_1645] : memref<320000xi32, #tpu.memory_space<hbm>> -> memref<128xi32, #tpu.memory_space<hbm>>
    tpu.enqueue_dma source(%dma_start3A_1649 : memref<128xi32, #tpu.memory_space<hbm>>) target(%arg17 : memref<128xi32, #tpu.memory_space<vmem>>) target_semaphore(%arg35 : memref<!tpu.dma_semaphore, #tpu.memory_space<semaphore_mem>>)
    %dma_wait3A_1650 = tpu.memref_slice %arg3[%add3A_1579] : memref<320000xi32, #tpu.memory_space<hbm>> -> memref<128xi32, #tpu.memory_space<hbm>>
    %dma_wait3A_1651 = tpu.memref_slice %arg3[%add3A_1579] : memref<320000xi32, #tpu.memory_space<hbm>> -> memref<128xi32, #tpu.memory_space<hbm>>
    tpu.wait_dma2 semaphore(%arg26 : memref<!tpu.dma_semaphore, #tpu.memory_space<semaphore_mem>>) src(%dma_wait3A_1651 : memref<128xi32, #tpu.memory_space<hbm>>) dst(%arg10 : memref<128xi32, #tpu.memory_space<vmem>>)
    %dma_start3A_1652 = arith.constant 0 : i32
    %dma_start3A_1653 = arith.constant 0 : i32
    %dma_start3A_1654 = tpu.memref_slice %arg2[%dma_start3A_1652, %dma_start3A_1653] : memref<10000x128xf32, #tpu.memory_space<hbm>> -> memref<10000x128xf32, #tpu.memory_space<hbm>>
    tpu.enqueue_indirect_dma source(%dma_start3A_1654 : memref<10000x128xf32, #tpu.memory_space<hbm>>) target(%arg20 : memref<128x128xf32, #tpu.memory_space<vmem>>) offsets(%arg10 : memref<128xi32, #tpu.memory_space<vmem>>) semaphore(%arg38 : memref<!tpu.dma_semaphore, #tpu.memory_space<semaphore_mem>>)
    %dma_wait3A_1655 = arith.constant 0 : i32
    %dma_wait3A_1656 = arith.constant 0 : i32
    %dma_wait3A_1657 = tpu.memref_slice %arg2[%dma_wait3A_1655, %dma_wait3A_1656] : memref<10000x128xf32, #tpu.memory_space<hbm>> -> memref<10000x128xf32, #tpu.memory_space<hbm>>
    tpu.wait_indirect_dma semaphore(%arg36 : memref<!tpu.dma_semaphore, #tpu.memory_space<semaphore_mem>>) src(%dma_wait3A_1657 : memref<10000x128xf32, #tpu.memory_space<hbm>>) dst(%arg18 : memref<128x128xf32, #tpu.memory_space<vmem>>)
    %dma_wait3A_1658 = tpu.memref_slice %arg4[%add3A_1535] : memref<320000xi32, #tpu.memory_space<hbm>> -> memref<128xi32, #tpu.memory_space<hbm>>
    %dma_wait3A_1659 = tpu.memref_slice %arg4[%add3A_1535] : memref<320000xi32, #tpu.memory_space<hbm>> -> memref<128xi32, #tpu.memory_space<hbm>>
    tpu.wait_dma2 semaphore(%arg30 : memref<!tpu.dma_semaphore, #tpu.memory_space<semaphore_mem>>) src(%dma_wait3A_1659 : memref<128xi32, #tpu.memory_space<hbm>>) dst(%arg7 : memref<128xi32, #tpu.memory_space<vmem>>)
    %dma_start3A_1660 = arith.constant 0 : i32
    %dma_start3A_1661 = arith.constant 0 : i32
    %dma_start3A_1662 = tpu.memref_slice %arg23[%dma_start3A_1660, %dma_start3A_1661] : memref<10000x128xf32, #tpu.memory_space<vmem_shared>> -> memref<10000x128xf32, #tpu.memory_space<vmem_shared>>
    tpu.enqueue_indirect_dma source(%arg18 : memref<128x128xf32, #tpu.memory_space<vmem>>) target(%dma_start3A_1662 : memref<10000x128xf32, #tpu.memory_space<vmem_shared>>) offsets(%arg7 : memref<128xi32, #tpu.memory_space<vmem>>) semaphore(%arg39 : memref<!tpu.dma_semaphore, #tpu.memory_space<semaphore_mem>>) {add = true}
    %dma_wait3A_1663 = arith.constant 0 : i32
    %dma_wait3A_1664 = arith.constant 0 : i32
    %dma_wait3A_1665 = tpu.memref_slice %arg23[%dma_wait3A_1663, %dma_wait3A_1664] : memref<10000x128xf32, #tpu.memory_space<vmem_shared>> -> memref<10000x128xf32, #tpu.memory_space<vmem_shared>>
    tpu.wait_indirect_dma semaphore(%arg39 : memref<!tpu.dma_semaphore, #tpu.memory_space<semaphore_mem>>) src(%arg18 : memref<128x128xf32, #tpu.memory_space<vmem>>) dst(%dma_wait3A_1665 : memref<10000x128xf32, #tpu.memory_space<vmem_shared>>)
    %dma_wait3A_1666 = tpu.memref_slice %arg3[%add3A_1601] : memref<320000xi32, #tpu.memory_space<hbm>> -> memref<128xi32, #tpu.memory_space<hbm>>
    %dma_wait3A_1667 = tpu.memref_slice %arg3[%add3A_1601] : memref<320000xi32, #tpu.memory_space<hbm>> -> memref<128xi32, #tpu.memory_space<hbm>>
    tpu.wait_dma2 semaphore(%arg27 : memref<!tpu.dma_semaphore, #tpu.memory_space<semaphore_mem>>) src(%dma_wait3A_1667 : memref<128xi32, #tpu.memory_space<hbm>>) dst(%arg12 : memref<128xi32, #tpu.memory_space<vmem>>)
    %dma_start3A_1668 = arith.constant 0 : i32
    %dma_start3A_1669 = arith.constant 0 : i32
    %dma_start3A_1670 = tpu.memref_slice %arg2[%dma_start3A_1668, %dma_start3A_1669] : memref<10000x128xf32, #tpu.memory_space<hbm>> -> memref<10000x128xf32, #tpu.memory_space<hbm>>
    tpu.enqueue_indirect_dma source(%dma_start3A_1670 : memref<10000x128xf32, #tpu.memory_space<hbm>>) target(%arg18 : memref<128x128xf32, #tpu.memory_space<vmem>>) offsets(%arg12 : memref<128xi32, #tpu.memory_space<vmem>>) semaphore(%arg36 : memref<!tpu.dma_semaphore, #tpu.memory_space<semaphore_mem>>)
    %dma_wait3A_1671 = arith.constant 0 : i32
    %dma_wait3A_1672 = arith.constant 0 : i32
    %dma_wait3A_1673 = tpu.memref_slice %arg2[%dma_wait3A_1671, %dma_wait3A_1672] : memref<10000x128xf32, #tpu.memory_space<hbm>> -> memref<10000x128xf32, #tpu.memory_space<hbm>>
    tpu.wait_indirect_dma semaphore(%arg37 : memref<!tpu.dma_semaphore, #tpu.memory_space<semaphore_mem>>) src(%dma_wait3A_1673 : memref<10000x128xf32, #tpu.memory_space<hbm>>) dst(%arg19 : memref<128x128xf32, #tpu.memory_space<vmem>>)
    %dma_wait3A_1674 = tpu.memref_slice %arg4[%add3A_1557] : memref<320000xi32, #tpu.memory_space<hbm>> -> memref<128xi32, #tpu.memory_space<hbm>>
    %dma_wait3A_1675 = tpu.memref_slice %arg4[%add3A_1557] : memref<320000xi32, #tpu.memory_space<hbm>> -> memref<128xi32, #tpu.memory_space<hbm>>
    tpu.wait_dma2 semaphore(%arg31 : memref<!tpu.dma_semaphore, #tpu.memory_space<semaphore_mem>>) src(%dma_wait3A_1675 : memref<128xi32, #tpu.memory_space<hbm>>) dst(%arg9 : memref<128xi32, #tpu.memory_space<vmem>>)
    %dma_start3A_1676 = arith.constant 0 : i32
    %dma_start3A_1677 = arith.constant 0 : i32
    %dma_start3A_1678 = tpu.memref_slice %arg23[%dma_start3A_1676, %dma_start3A_1677] : memref<10000x128xf32, #tpu.memory_space<vmem_shared>> -> memref<10000x128xf32, #tpu.memory_space<vmem_shared>>
    tpu.enqueue_indirect_dma source(%arg19 : memref<128x128xf32, #tpu.memory_space<vmem>>) target(%dma_start3A_1678 : memref<10000x128xf32, #tpu.memory_space<vmem_shared>>) offsets(%arg9 : memref<128xi32, #tpu.memory_space<vmem>>) semaphore(%arg40 : memref<!tpu.dma_semaphore, #tpu.memory_space<semaphore_mem>>) {add = true}
    %dma_wait3A_1679 = arith.constant 0 : i32
    %dma_wait3A_1680 = arith.constant 0 : i32
    %dma_wait3A_1681 = tpu.memref_slice %arg23[%dma_wait3A_1679, %dma_wait3A_1680] : memref<10000x128xf32, #tpu.memory_space<vmem_shared>> -> memref<10000x128xf32, #tpu.memory_space<vmem_shared>>
    tpu.wait_indirect_dma semaphore(%arg40 : memref<!tpu.dma_semaphore, #tpu.memory_space<semaphore_mem>>) src(%arg19 : memref<128x128xf32, #tpu.memory_space<vmem>>) dst(%dma_wait3A_1681 : memref<10000x128xf32, #tpu.memory_space<vmem_shared>>)
    %dma_wait3A_1682 = tpu.memref_slice %arg3[%add3A_1623] : memref<320000xi32, #tpu.memory_space<hbm>> -> memref<128xi32, #tpu.memory_space<hbm>>
    %dma_wait3A_1683 = tpu.memref_slice %arg3[%add3A_1623] : memref<320000xi32, #tpu.memory_space<hbm>> -> memref<128xi32, #tpu.memory_space<hbm>>
    tpu.wait_dma2 semaphore(%arg28 : memref<!tpu.dma_semaphore, #tpu.memory_space<semaphore_mem>>) src(%dma_wait3A_1683 : memref<128xi32, #tpu.memory_space<hbm>>) dst(%arg14 : memref<128xi32, #tpu.memory_space<vmem>>)
    %dma_start3A_1684 = arith.constant 0 : i32
    %dma_start3A_1685 = arith.constant 0 : i32
    %dma_start3A_1686 = tpu.memref_slice %arg2[%dma_start3A_1684, %dma_start3A_1685] : memref<10000x128xf32, #tpu.memory_space<hbm>> -> memref<10000x128xf32, #tpu.memory_space<hbm>>
    tpu.enqueue_indirect_dma source(%dma_start3A_1686 : memref<10000x128xf32, #tpu.memory_space<hbm>>) target(%arg19 : memref<128x128xf32, #tpu.memory_space<vmem>>) offsets(%arg14 : memref<128xi32, #tpu.memory_space<vmem>>) semaphore(%arg37 : memref<!tpu.dma_semaphore, #tpu.memory_space<semaphore_mem>>)
    %dma_wait3A_1687 = arith.constant 0 : i32
    %dma_wait3A_1688 = arith.constant 0 : i32
    %dma_wait3A_1689 = tpu.memref_slice %arg2[%dma_wait3A_1687, %dma_wait3A_1688] : memref<10000x128xf32, #tpu.memory_space<hbm>> -> memref<10000x128xf32, #tpu.memory_space<hbm>>
    tpu.wait_indirect_dma semaphore(%arg38 : memref<!tpu.dma_semaphore, #tpu.memory_space<semaphore_mem>>) src(%dma_wait3A_1689 : memref<10000x128xf32, #tpu.memory_space<hbm>>) dst(%arg20 : memref<128x128xf32, #tpu.memory_space<vmem>>)
    %dma_wait3A_1690 = tpu.memref_slice %arg4[%add3A_1579] : memref<320000xi32, #tpu.memory_space<hbm>> -> memref<128xi32, #tpu.memory_space<hbm>>
    %dma_wait3A_1691 = tpu.memref_slice %arg4[%add3A_1579] : memref<320000xi32, #tpu.memory_space<hbm>> -> memref<128xi32, #tpu.memory_space<hbm>>
    tpu.wait_dma2 semaphore(%arg32 : memref<!tpu.dma_semaphore, #tpu.memory_space<semaphore_mem>>) src(%dma_wait3A_1691 : memref<128xi32, #tpu.memory_space<hbm>>) dst(%arg11 : memref<128xi32, #tpu.memory_space<vmem>>)
    %dma_start3A_1692 = arith.constant 0 : i32
    %dma_start3A_1693 = arith.constant 0 : i32
    %dma_start3A_1694 = tpu.memref_slice %arg23[%dma_start3A_1692, %dma_start3A_1693] : memref<10000x128xf32, #tpu.memory_space<vmem_shared>> -> memref<10000x128xf32, #tpu.memory_space<vmem_shared>>
    tpu.enqueue_indirect_dma source(%arg20 : memref<128x128xf32, #tpu.memory_space<vmem>>) target(%dma_start3A_1694 : memref<10000x128xf32, #tpu.memory_space<vmem_shared>>) offsets(%arg11 : memref<128xi32, #tpu.memory_space<vmem>>) semaphore(%arg41 : memref<!tpu.dma_semaphore, #tpu.memory_space<semaphore_mem>>) {add = true}
    %dma_wait3A_1695 = arith.constant 0 : i32
    %dma_wait3A_1696 = arith.constant 0 : i32
    %dma_wait3A_1697 = tpu.memref_slice %arg23[%dma_wait3A_1695, %dma_wait3A_1696] : memref<10000x128xf32, #tpu.memory_space<vmem_shared>> -> memref<10000x128xf32, #tpu.memory_space<vmem_shared>>
    tpu.wait_indirect_dma semaphore(%arg41 : memref<!tpu.dma_semaphore, #tpu.memory_space<semaphore_mem>>) src(%arg20 : memref<128x128xf32, #tpu.memory_space<vmem>>) dst(%dma_wait3A_1697 : memref<10000x128xf32, #tpu.memory_space<vmem_shared>>)
    %dma_wait3A_1698 = tpu.memref_slice %arg3[%add3A_1645] : memref<320000xi32, #tpu.memory_space<hbm>> -> memref<128xi32, #tpu.memory_space<hbm>>
    %dma_wait3A_1699 = tpu.memref_slice %arg3[%add3A_1645] : memref<320000xi32, #tpu.memory_space<hbm>> -> memref<128xi32, #tpu.memory_space<hbm>>
    tpu.wait_dma2 semaphore(%arg29 : memref<!tpu.dma_semaphore, #tpu.memory_space<semaphore_mem>>) src(%dma_wait3A_1699 : memref<128xi32, #tpu.memory_space<hbm>>) dst(%arg16 : memref<128xi32, #tpu.memory_space<vmem>>)
    %dma_start3A_1700 = arith.constant 0 : i32
    %dma_start3A_1701 = arith.constant 0 : i32
    %dma_start3A_1702 = tpu.memref_slice %arg2[%dma_start3A_1700, %dma_start3A_1701] : memref<10000x128xf32, #tpu.memory_space<hbm>> -> memref<10000x128xf32, #tpu.memory_space<hbm>>
    tpu.enqueue_indirect_dma source(%dma_start3A_1702 : memref<10000x128xf32, #tpu.memory_space<hbm>>) target(%arg20 : memref<128x128xf32, #tpu.memory_space<vmem>>) offsets(%arg16 : memref<128xi32, #tpu.memory_space<vmem>>) semaphore(%arg38 : memref<!tpu.dma_semaphore, #tpu.memory_space<semaphore_mem>>)
    %dma_wait3A_1703 = arith.constant 0 : i32
    %dma_wait3A_1704 = arith.constant 0 : i32
    %dma_wait3A_1705 = tpu.memref_slice %arg2[%dma_wait3A_1703, %dma_wait3A_1704] : memref<10000x128xf32, #tpu.memory_space<hbm>> -> memref<10000x128xf32, #tpu.memory_space<hbm>>
    tpu.wait_indirect_dma semaphore(%arg36 : memref<!tpu.dma_semaphore, #tpu.memory_space<semaphore_mem>>) src(%dma_wait3A_1705 : memref<10000x128xf32, #tpu.memory_space<hbm>>) dst(%arg18 : memref<128x128xf32, #tpu.memory_space<vmem>>)
    %dma_wait3A_1706 = tpu.memref_slice %arg4[%add3A_1601] : memref<320000xi32, #tpu.memory_space<hbm>> -> memref<128xi32, #tpu.memory_space<hbm>>
    %dma_wait3A_1707 = tpu.memref_slice %arg4[%add3A_1601] : memref<320000xi32, #tpu.memory_space<hbm>> -> memref<128xi32, #tpu.memory_space<hbm>>
    tpu.wait_dma2 semaphore(%arg33 : memref<!tpu.dma_semaphore, #tpu.memory_space<semaphore_mem>>) src(%dma_wait3A_1707 : memref<128xi32, #tpu.memory_space<hbm>>) dst(%arg13 : memref<128xi32, #tpu.memory_space<vmem>>)
    %dma_start3A_1708 = arith.constant 0 : i32
    %dma_start3A_1709 = arith.constant 0 : i32
    %dma_start3A_1710 = tpu.memref_slice %arg23[%dma_start3A_1708, %dma_start3A_1709] : memref<10000x128xf32, #tpu.memory_space<vmem_shared>> -> memref<10000x128xf32, #tpu.memory_space<vmem_shared>>
    tpu.enqueue_indirect_dma source(%arg18 : memref<128x128xf32, #tpu.memory_space<vmem>>) target(%dma_start3A_1710 : memref<10000x128xf32, #tpu.memory_space<vmem_shared>>) offsets(%arg13 : memref<128xi32, #tpu.memory_space<vmem>>) semaphore(%arg39 : memref<!tpu.dma_semaphore, #tpu.memory_space<semaphore_mem>>) {add = true}
    %dma_wait3A_1711 = arith.constant 0 : i32
    %dma_wait3A_1712 = arith.constant 0 : i32
    %dma_wait3A_1713 = tpu.memref_slice %arg2[%dma_wait3A_1711, %dma_wait3A_1712] : memref<10000x128xf32, #tpu.memory_space<hbm>> -> memref<10000x128xf32, #tpu.memory_space<hbm>>
    tpu.wait_indirect_dma semaphore(%arg37 : memref<!tpu.dma_semaphore, #tpu.memory_space<semaphore_mem>>) src(%dma_wait3A_1713 : memref<10000x128xf32, #tpu.memory_space<hbm>>) dst(%arg19 : memref<128x128xf32, #tpu.memory_space<vmem>>)
    %dma_wait3A_1714 = tpu.memref_slice %arg4[%add3A_1623] : memref<320000xi32, #tpu.memory_space<hbm>> -> memref<128xi32, #tpu.memory_space<hbm>>
    %dma_wait3A_1715 = tpu.memref_slice %arg4[%add3A_1623] : memref<320000xi32, #tpu.memory_space<hbm>> -> memref<128xi32, #tpu.memory_space<hbm>>
    tpu.wait_dma2 semaphore(%arg34 : memref<!tpu.dma_semaphore, #tpu.memory_space<semaphore_mem>>) src(%dma_wait3A_1715 : memref<128xi32, #tpu.memory_space<hbm>>) dst(%arg15 : memref<128xi32, #tpu.memory_space<vmem>>)
    %dma_start3A_1716 = arith.constant 0 : i32
    %dma_start3A_1717 = arith.constant 0 : i32
    %dma_start3A_1718 = tpu.memref_slice %arg23[%dma_start3A_1716, %dma_start3A_1717] : memref<10000x128xf32, #tpu.memory_space<vmem_shared>> -> memref<10000x128xf32, #tpu.memory_space<vmem_shared>>
    tpu.enqueue_indirect_dma source(%arg19 : memref<128x128xf32, #tpu.memory_space<vmem>>) target(%dma_start3A_1718 : memref<10000x128xf32, #tpu.memory_space<vmem_shared>>) offsets(%arg15 : memref<128xi32, #tpu.memory_space<vmem>>) semaphore(%arg40 : memref<!tpu.dma_semaphore, #tpu.memory_space<semaphore_mem>>) {add = true}
    %dma_wait3A_1719 = arith.constant 0 : i32
    %dma_wait3A_1720 = arith.constant 0 : i32
    %dma_wait3A_1721 = tpu.memref_slice %arg2[%dma_wait3A_1719, %dma_wait3A_1720] : memref<10000x128xf32, #tpu.memory_space<hbm>> -> memref<10000x128xf32, #tpu.memory_space<hbm>>
    tpu.wait_indirect_dma semaphore(%arg38 : memref<!tpu.dma_semaphore, #tpu.memory_space<semaphore_mem>>) src(%dma_wait3A_1721 : memref<10000x128xf32, #tpu.memory_space<hbm>>) dst(%arg20 : memref<128x128xf32, #tpu.memory_space<vmem>>)
    %dma_wait3A_1722 = tpu.memref_slice %arg4[%add3A_1645] : memref<320000xi32, #tpu.memory_space<hbm>> -> memref<128xi32, #tpu.memory_space<hbm>>
    %dma_wait3A_1723 = tpu.memref_slice %arg4[%add3A_1645] : memref<320000xi32, #tpu.memory_space<hbm>> -> memref<128xi32, #tpu.memory_space<hbm>>
    tpu.wait_dma2 semaphore(%arg35 : memref<!tpu.dma_semaphore, #tpu.memory_space<semaphore_mem>>) src(%dma_wait3A_1723 : memref<128xi32, #tpu.memory_space<hbm>>) dst(%arg17 : memref<128xi32, #tpu.memory_space<vmem>>)
    %dma_start3A_1724 = arith.constant 0 : i32
    %dma_start3A_1725 = arith.constant 0 : i32
    %dma_start3A_1726 = tpu.memref_slice %arg23[%dma_start3A_1724, %dma_start3A_1725] : memref<10000x128xf32, #tpu.memory_space<vmem_shared>> -> memref<10000x128xf32, #tpu.memory_space<vmem_shared>>
    tpu.enqueue_indirect_dma source(%arg20 : memref<128x128xf32, #tpu.memory_space<vmem>>) target(%dma_start3A_1726 : memref<10000x128xf32, #tpu.memory_space<vmem_shared>>) offsets(%arg17 : memref<128xi32, #tpu.memory_space<vmem>>) semaphore(%arg41 : memref<!tpu.dma_semaphore, #tpu.memory_space<semaphore_mem>>) {add = true}
    %dma_wait3A_1727 = arith.constant 0 : i32
    %dma_wait3A_1728 = arith.constant 0 : i32
    %dma_wait3A_1729 = tpu.memref_slice %arg23[%dma_wait3A_1727, %dma_wait3A_1728] : memref<10000x128xf32, #tpu.memory_space<vmem_shared>> -> memref<10000x128xf32, #tpu.memory_space<vmem_shared>>
    tpu.wait_indirect_dma semaphore(%arg39 : memref<!tpu.dma_semaphore, #tpu.memory_space<semaphore_mem>>) src(%arg18 : memref<128x128xf32, #tpu.memory_space<vmem>>) dst(%dma_wait3A_1729 : memref<10000x128xf32, #tpu.memory_space<vmem_shared>>)
    %dma_wait3A_1730 = arith.constant 0 : i32
    %dma_wait3A_1731 = arith.constant 0 : i32
    %dma_wait3A_1732 = tpu.memref_slice %arg23[%dma_wait3A_1730, %dma_wait3A_1731] : memref<10000x128xf32, #tpu.memory_space<vmem_shared>> -> memref<10000x128xf32, #tpu.memory_space<vmem_shared>>
    tpu.wait_indirect_dma semaphore(%arg40 : memref<!tpu.dma_semaphore, #tpu.memory_space<semaphore_mem>>) src(%arg19 : memref<128x128xf32, #tpu.memory_space<vmem>>) dst(%dma_wait3A_1732 : memref<10000x128xf32, #tpu.memory_space<vmem_shared>>)
    %dma_wait3A_1733 = arith.constant 0 : i32
    %dma_wait3A_1734 = arith.constant 0 : i32
    %dma_wait3A_1735 = tpu.memref_slice %arg23[%dma_wait3A_1733, %dma_wait3A_1734] : memref<10000x128xf32, #tpu.memory_space<vmem_shared>> -> memref<10000x128xf32, #tpu.memory_space<vmem_shared>>
    tpu.wait_indirect_dma semaphore(%arg41 : memref<!tpu.dma_semaphore, #tpu.memory_space<semaphore_mem>>) src(%arg20 : memref<128x128xf32, #tpu.memory_space<vmem>>) dst(%dma_wait3A_1735 : memref<10000x128xf32, #tpu.memory_space<vmem_shared>>)
    %add3A_1736 = arith.constant 9984 : i32
    %add3A_1737 = arith.addi %mul3A_21, %add3A_1736 : i32
    "tpu.region"() ({
      %run_scoped3A = tpu.sem_alloc : memref<!tpu.dma_semaphore, #tpu.memory_space<semaphore_mem>>
      %dma_start3A_1756 = tpu.memref_slice %arg3[%add3A_1737] : memref<320000xi32, #tpu.memory_space<hbm>> -> memref<16xi32, #tpu.memory_space<hbm>>
      %dma_start3A_1757 = tpu.memref_slice %arg3[%add3A_1737] : memref<320000xi32, #tpu.memory_space<hbm>> -> memref<16xi32, #tpu.memory_space<hbm>>
      tpu.enqueue_dma source(%dma_start3A_1757 : memref<16xi32, #tpu.memory_space<hbm>>) target(%arg21 : memref<16xi32, #tpu.memory_space<vmem>>) target_semaphore(%run_scoped3A : memref<!tpu.dma_semaphore, #tpu.memory_space<semaphore_mem>>)
      %dma_wait3A_1758 = tpu.memref_slice %arg3[%add3A_1737] : memref<320000xi32, #tpu.memory_space<hbm>> -> memref<16xi32, #tpu.memory_space<hbm>>
      %dma_wait3A_1759 = tpu.memref_slice %arg3[%add3A_1737] : memref<320000xi32, #tpu.memory_space<hbm>> -> memref<16xi32, #tpu.memory_space<hbm>>
      tpu.wait_dma2 semaphore(%run_scoped3A : memref<!tpu.dma_semaphore, #tpu.memory_space<semaphore_mem>>) src(%dma_wait3A_1759 : memref<16xi32, #tpu.memory_space<hbm>>) dst(%arg21 : memref<16xi32, #tpu.memory_space<vmem>>)
      tpu.yield
    }) : () -> ()
    "tpu.region"() ({
      %run_scoped3A = tpu.sem_alloc : memref<!tpu.dma_semaphore, #tpu.memory_space<semaphore_mem>>
      %dma_start3A_1756 = tpu.memref_slice %arg4[%add3A_1737] : memref<320000xi32, #tpu.memory_space<hbm>> -> memref<16xi32, #tpu.memory_space<hbm>>
      %dma_start3A_1757 = tpu.memref_slice %arg4[%add3A_1737] : memref<320000xi32, #tpu.memory_space<hbm>> -> memref<16xi32, #tpu.memory_space<hbm>>
      tpu.enqueue_dma source(%dma_start3A_1757 : memref<16xi32, #tpu.memory_space<hbm>>) target(%arg22 : memref<16xi32, #tpu.memory_space<vmem>>) target_semaphore(%run_scoped3A : memref<!tpu.dma_semaphore, #tpu.memory_space<semaphore_mem>>)
      %dma_wait3A_1758 = tpu.memref_slice %arg4[%add3A_1737] : memref<320000xi32, #tpu.memory_space<hbm>> -> memref<16xi32, #tpu.memory_space<hbm>>
      %dma_wait3A_1759 = tpu.memref_slice %arg4[%add3A_1737] : memref<320000xi32, #tpu.memory_space<hbm>> -> memref<16xi32, #tpu.memory_space<hbm>>
      tpu.wait_dma2 semaphore(%run_scoped3A : memref<!tpu.dma_semaphore, #tpu.memory_space<semaphore_mem>>) src(%dma_wait3A_1759 : memref<16xi32, #tpu.memory_space<hbm>>) dst(%arg22 : memref<16xi32, #tpu.memory_space<vmem>>)
      tpu.yield
    }) : () -> ()
    %dma_start3A_1738 = arith.constant 0 : i32
    %dma_start3A_1739 = arith.constant 0 : i32
    %dma_start3A_1740 = tpu.memref_slice %arg18[%dma_start3A_1738, %dma_start3A_1739] : memref<128x128xf32, #tpu.memory_space<vmem>> -> memref<16x128xf32, #tpu.memory_space<vmem>>
    %dma_start3A_1741 = arith.constant 0 : i32
    %dma_start3A_1742 = arith.constant 0 : i32
    %dma_start3A_1743 = tpu.memref_slice %arg2[%dma_start3A_1741, %dma_start3A_1742] : memref<10000x128xf32, #tpu.memory_space<hbm>> -> memref<10000x128xf32, #tpu.memory_space<hbm>>
    tpu.enqueue_indirect_dma source(%dma_start3A_1743 : memref<10000x128xf32, #tpu.memory_space<hbm>>) target(%dma_start3A_1740 : memref<16x128xf32, #tpu.memory_space<vmem>>) offsets(%arg21 : memref<16xi32, #tpu.memory_space<vmem>>) semaphore(%arg36 : memref<!tpu.dma_semaphore, #tpu.memory_space<semaphore_mem>>)
    %dma_wait3A_1744 = arith.constant 0 : i32
    %dma_wait3A_1745 = arith.constant 0 : i32
    %dma_wait3A_1746 = tpu.memref_slice %arg18[%dma_wait3A_1744, %dma_wait3A_1745] : memref<128x128xf32, #tpu.memory_space<vmem>> -> memref<16x128xf32, #tpu.memory_space<vmem>>
    %dma_wait3A_1747 = arith.constant 0 : i32
    %dma_wait3A_1748 = arith.constant 0 : i32
    %dma_wait3A_1749 = tpu.memref_slice %arg2[%dma_wait3A_1747, %dma_wait3A_1748] : memref<10000x128xf32, #tpu.memory_space<hbm>> -> memref<10000x128xf32, #tpu.memory_space<hbm>>
    tpu.wait_indirect_dma semaphore(%arg36 : memref<!tpu.dma_semaphore, #tpu.memory_space<semaphore_mem>>) src(%dma_wait3A_1749 : memref<10000x128xf32, #tpu.memory_space<hbm>>) dst(%dma_wait3A_1746 : memref<16x128xf32, #tpu.memory_space<vmem>>)
    "tpu.region"() ({
      %run_scoped3A = tpu.sem_alloc : memref<!tpu.dma_semaphore, #tpu.memory_space<semaphore_mem>>
      %dma_start3A_1756 = arith.constant 0 : i32
      %dma_start3A_1757 = arith.constant 0 : i32
      %dma_start3A_1758 = tpu.memref_slice %arg18[%dma_start3A_1756, %dma_start3A_1757] : memref<128x128xf32, #tpu.memory_space<vmem>> -> memref<16x128xf32, #tpu.memory_space<vmem>>
      %dma_start3A_1759 = arith.constant 0 : i32
      %dma_start3A_1760 = arith.constant 0 : i32
      %dma_start3A_1761 = tpu.memref_slice %arg23[%dma_start3A_1759, %dma_start3A_1760] : memref<10000x128xf32, #tpu.memory_space<vmem_shared>> -> memref<10000x128xf32, #tpu.memory_space<vmem_shared>>
      tpu.enqueue_indirect_dma source(%dma_start3A_1758 : memref<16x128xf32, #tpu.memory_space<vmem>>) target(%dma_start3A_1761 : memref<10000x128xf32, #tpu.memory_space<vmem_shared>>) offsets(%arg22 : memref<16xi32, #tpu.memory_space<vmem>>) semaphore(%run_scoped3A : memref<!tpu.dma_semaphore, #tpu.memory_space<semaphore_mem>>) {add = true}
      %dma_wait3A_1762 = arith.constant 0 : i32
      %dma_wait3A_1763 = arith.constant 0 : i32
      %dma_wait3A_1764 = tpu.memref_slice %arg18[%dma_wait3A_1762, %dma_wait3A_1763] : memref<128x128xf32, #tpu.memory_space<vmem>> -> memref<16x128xf32, #tpu.memory_space<vmem>>
      %dma_wait3A_1765 = arith.constant 0 : i32
      %dma_wait3A_1766 = arith.constant 0 : i32
      %dma_wait3A_1767 = tpu.memref_slice %arg23[%dma_wait3A_1765, %dma_wait3A_1766] : memref<10000x128xf32, #tpu.memory_space<vmem_shared>> -> memref<10000x128xf32, #tpu.memory_space<vmem_shared>>
      tpu.wait_indirect_dma semaphore(%run_scoped3A : memref<!tpu.dma_semaphore, #tpu.memory_space<semaphore_mem>>) src(%dma_wait3A_1764 : memref<16x128xf32, #tpu.memory_space<vmem>>) dst(%dma_wait3A_1767 : memref<10000x128xf32, #tpu.memory_space<vmem_shared>>)
      tpu.yield
    }) : () -> ()
    %barrier3A_1750 = arith.constant 0 : index
    tpu.barrier barrier_id(%barrier3A_1750)
    "tpu.region"() ({
      %run_scoped3A = tpu.sem_alloc : memref<!tpu.dma_semaphore, #tpu.memory_space<semaphore_mem>>
      %dma_start3A_1756 = arith.constant 0 : i32
      %dma_start3A_1757 = tpu.memref_slice %arg5[%arg0, %mul3A_5, %dma_start3A_1756] : memref<2x10000x128xf32, #tpu.memory_space<hbm>> -> memref<1x624x128xf32, #tpu.memory_space<hbm>>
      %dma_start3A_1758 = tpu.memref_squeeze %dma_start3A_1757 : memref<1x624x128xf32, #tpu.memory_space<hbm>> -> memref<624x128xf32, #tpu.memory_space<hbm>>
      %dma_start3A_1759 = arith.constant 0 : i32
      %dma_start3A_1760 = tpu.memref_slice %arg23[%mul3A_5, %dma_start3A_1759] : memref<10000x128xf32, #tpu.memory_space<vmem_shared>> -> memref<624x128xf32, #tpu.memory_space<vmem_shared>>
      tpu.enqueue_dma source(%dma_start3A_1760 : memref<624x128xf32, #tpu.memory_space<vmem_shared>>) target(%dma_start3A_1758 : memref<624x128xf32, #tpu.memory_space<hbm>>) target_semaphore(%run_scoped3A : memref<!tpu.dma_semaphore, #tpu.memory_space<semaphore_mem>>)
      %dma_wait3A_1761 = arith.constant 0 : i32
      %dma_wait3A_1762 = tpu.memref_slice %arg5[%arg0, %mul3A_5, %dma_wait3A_1761] : memref<2x10000x128xf32, #tpu.memory_space<hbm>> -> memref<1x624x128xf32, #tpu.memory_space<hbm>>
      %dma_wait3A_1763 = tpu.memref_squeeze %dma_wait3A_1762 : memref<1x624x128xf32, #tpu.memory_space<hbm>> -> memref<624x128xf32, #tpu.memory_space<hbm>>
      %dma_wait3A_1764 = arith.constant 0 : i32
      %dma_wait3A_1765 = tpu.memref_slice %arg23[%mul3A_5, %dma_wait3A_1764] : memref<10000x128xf32, #tpu.memory_space<vmem_shared>> -> memref<624x128xf32, #tpu.memory_space<vmem_shared>>
      tpu.wait_dma2 semaphore(%run_scoped3A : memref<!tpu.dma_semaphore, #tpu.memory_space<semaphore_mem>>) src(%dma_wait3A_1765 : memref<624x128xf32, #tpu.memory_space<vmem_shared>>) dst(%dma_wait3A_1763 : memref<624x128xf32, #tpu.memory_space<hbm>>)
      tpu.yield
    }) : () -> ()
    %eq3A_1751 = arith.constant 15 : i32
    %eq3A_1752 = arith.cmpi eq, %arg1, %eq3A_1751 : i32
    %convert_element_type3A_1753 = arith.extui %eq3A_1752 : i1 to i32
    %cond3A_1754 = arith.constant 0 : i32
    %cond3A_1755 = arith.cmpi ne, %convert_element_type3A_1753, %cond3A_1754 : i32
    scf.if %cond3A_1755 {
      "tpu.region"() ({
        %run_scoped3A = tpu.sem_alloc : memref<!tpu.dma_semaphore, #tpu.memory_space<semaphore_mem>>
        %dma_start3A_1756 = arith.constant 9984 : i32
        %dma_start3A_1757 = arith.constant 0 : i32
        %dma_start3A_1758 = tpu.memref_slice %arg5[%arg0, %dma_start3A_1756, %dma_start3A_1757] : memref<2x10000x128xf32, #tpu.memory_space<hbm>> -> memref<1x16x128xf32, #tpu.memory_space<hbm>>
        %dma_start3A_1759 = tpu.memref_squeeze %dma_start3A_1758 : memref<1x16x128xf32, #tpu.memory_space<hbm>> -> memref<16x128xf32, #tpu.memory_space<hbm>>
        %dma_start3A_1760 = arith.constant 9984 : i32
        %dma_start3A_1761 = arith.constant 0 : i32
        %dma_start3A_1762 = tpu.memref_slice %arg23[%dma_start3A_1760, %dma_start3A_1761] : memref<10000x128xf32, #tpu.memory_space<vmem_shared>> -> memref<16x128xf32, #tpu.memory_space<vmem_shared>>
        tpu.enqueue_dma source(%dma_start3A_1762 : memref<16x128xf32, #tpu.memory_space<vmem_shared>>) target(%dma_start3A_1759 : memref<16x128xf32, #tpu.memory_space<hbm>>) target_semaphore(%run_scoped3A : memref<!tpu.dma_semaphore, #tpu.memory_space<semaphore_mem>>)
        %dma_wait3A_1763 = arith.constant 9984 : i32
        %dma_wait3A_1764 = arith.constant 0 : i32
        %dma_wait3A_1765 = tpu.memref_slice %arg5[%arg0, %dma_wait3A_1763, %dma_wait3A_1764] : memref<2x10000x128xf32, #tpu.memory_space<hbm>> -> memref<1x16x128xf32, #tpu.memory_space<hbm>>
        %dma_wait3A_1766 = tpu.memref_squeeze %dma_wait3A_1765 : memref<1x16x128xf32, #tpu.memory_space<hbm>> -> memref<16x128xf32, #tpu.memory_space<hbm>>
        %dma_wait3A_1767 = arith.constant 9984 : i32
        %dma_wait3A_1768 = arith.constant 0 : i32
        %dma_wait3A_1769 = tpu.memref_slice %arg23[%dma_wait3A_1767, %dma_wait3A_1768] : memref<10000x128xf32, #tpu.memory_space<vmem_shared>> -> memref<16x128xf32, #tpu.memory_space<vmem_shared>>
        tpu.wait_dma2 semaphore(%run_scoped3A : memref<!tpu.dma_semaphore, #tpu.memory_space<semaphore_mem>>) src(%dma_wait3A_1769 : memref<16x128xf32, #tpu.memory_space<vmem_shared>>) dst(%dma_wait3A_1766 : memref<16x128xf32, #tpu.memory_space<hbm>>)
        tpu.yield
      }) : () -> ()
    } else {
    }
    return
  }
}

module attributes {stable_mosaic.version = 14 : i64} {
  func.func @_mm_body(%arg0: i32, %arg1: memref<1000x128xf32, #tpu.memory_space<vmem>>, %arg2: memref<128x128xf32, #tpu.memory_space<vmem>>, %arg3: memref<1000x128xf32, #tpu.memory_space<vmem>>) attributes {dimension_semantics = [#tpu.dimension_semantics<arbitrary>], iteration_bounds = array<i64: 10>, scalar_prefetch = 0 : i64, scratch_operands = 0 : i64, tpu.core_type = #tpu.core_type<tc>, window_params = [{transform_indices = @transform_0, window_bounds = array<i64: 1000, 128>}, {pipeline_mode = #tpu.pipeline_mode<synchronous>, transform_indices = @transform_1, window_bounds = array<i64: 128, 128>}, {transform_indices = @transform_2, window_bounds = array<i64: 1000, 128>}]} {
    %get3A = arith.constant 0 : index
    %get3A_0 = arith.constant 0 : index
    %get3A_1 = vector.load %arg1[%get3A, %get3A_0] : memref<1000x128xf32, #tpu.memory_space<vmem>>, vector<1000x128xf32>
    %get3A_2 = arith.constant 0 : index
    %get3A_3 = arith.constant 0 : index
    %get3A_4 = vector.load %arg2[%get3A_2, %get3A_3] : memref<128x128xf32, #tpu.memory_space<vmem>>, vector<128x128xf32>
    %dot_general3A = arith.constant dense<0.000000e+00> : vector<1000x128xf32>
    %dot_general3A_5 = tpu.matmul %get3A_1, %get3A_4, %dot_general3A {dimension_numbers = #tpu.dot_dimension_numbers<[1], [0], [0], [1], [0, 0, 1, 1], [], []>, transpose_lhs_hint = false} : vector<1000x128xf32>, vector<128x128xf32>, vector<1000x128xf32> -> vector<1000x128xf32>
    %swap3A = arith.constant 0 : index
    %swap3A_6 = arith.constant 0 : index
    %swap3A_7 = vector.load %arg3[%swap3A, %swap3A_6] : memref<1000x128xf32, #tpu.memory_space<vmem>>, vector<1000x128xf32>
    tpu.vector_store %arg3[%swap3A, %swap3A_6], %dot_general3A_5 {strides = array<i32>} : memref<1000x128xf32, #tpu.memory_space<vmem>>, vector<1000x128xf32>,
    return
  }
  func.func @transform_0(%arg0: i32) -> (i32, i32) {
    %c0_i32 = arith.constant 0 : i32
    %c0_i32_0 = arith.constant 0 : i32
    return %arg0, %c0_i32 : i32, i32
  }
  func.func @transform_1(%arg0: i32) -> (i32, i32) {
    %c0_i32 = arith.constant 0 : i32
    %c0_i32_0 = arith.constant 0 : i32
    %c0_i32_1 = arith.constant 0 : i32
    return %c0_i32, %c0_i32_0 : i32, i32
  }
  func.func @transform_2(%arg0: i32) -> (i32, i32) {
    %c0_i32 = arith.constant 0 : i32
    %c0_i32_0 = arith.constant 0 : i32
    return %arg0, %c0_i32 : i32, i32
  }
}

module attributes {stable_mosaic.version = 14 : i64} {
  func.func @_combine_body(%arg0: i32, %arg1: memref<2x1000x128xf32, #tpu.memory_space<vmem>>, %arg2: memref<1x128xf32, #tpu.memory_space<vmem>>, %arg3: memref<1000x128xf32, #tpu.memory_space<vmem>>) attributes {dimension_semantics = [#tpu.dimension_semantics<arbitrary>], iteration_bounds = array<i64: 10>, scalar_prefetch = 0 : i64, scratch_operands = 0 : i64, tpu.core_type = #tpu.core_type<tc>, window_params = [{transform_indices = @transform_0, window_bounds = array<i64: 2, 1000, 128>}, {pipeline_mode = #tpu.pipeline_mode<synchronous>, transform_indices = @transform_1, window_bounds = array<i64: 1, 128>}, {transform_indices = @transform_2, window_bounds = array<i64: 1000, 128>}]} {
    %get3A = arith.constant 0 : index
    %get3A_0 = arith.constant 0 : index
    %get3A_1 = arith.constant 0 : index
    %get3A_2 = vector.load %arg1[%get3A, %get3A_0, %get3A_1] : memref<2x1000x128xf32, #tpu.memory_space<vmem>>, vector<1x1000x128xf32>
    %get3A_3 = vector.shape_cast %get3A_2 : vector<1x1000x128xf32> to vector<1000x128xf32>
    %get3A_4 = arith.constant 1 : index
    %get3A_5 = arith.constant 0 : index
    %get3A_6 = arith.constant 0 : index
    %get3A_7 = vector.load %arg1[%get3A_4, %get3A_5, %get3A_6] : memref<2x1000x128xf32, #tpu.memory_space<vmem>>, vector<1x1000x128xf32>
    %get3A_8 = vector.shape_cast %get3A_7 : vector<1x1000x128xf32> to vector<1000x128xf32>
    %add3A = arith.addf %get3A_3, %get3A_8 : vector<1000x128xf32>
    %get3A_9 = arith.constant 0 : index
    %get3A_10 = arith.constant 0 : index
    %get3A_11 = vector.load %arg2[%get3A_9, %get3A_10] : memref<1x128xf32, #tpu.memory_space<vmem>>, vector<1x128xf32>
    %add3A_12 = vector.broadcast %get3A_11 : vector<1x128xf32> to vector<1000x128xf32>
    %add3A_13 = arith.addf %add3A, %add3A_12 : vector<1000x128xf32>
    %swap3A = arith.constant 0 : index
    %swap3A_14 = arith.constant 0 : index
    %swap3A_15 = vector.load %arg3[%swap3A, %swap3A_14] : memref<1000x128xf32, #tpu.memory_space<vmem>>, vector<1000x128xf32>
    tpu.vector_store %arg3[%swap3A, %swap3A_14], %add3A_13 {strides = array<i32>} : memref<1000x128xf32, #tpu.memory_space<vmem>>, vector<1000x128xf32>,
    return
  }
  func.func @transform_0(%arg0: i32) -> (i32, i32, i32) {
    %c0_i32 = arith.constant 0 : i32
    %c0_i32_0 = arith.constant 0 : i32
    %c0_i32_1 = arith.constant 0 : i32
    return %c0_i32, %arg0, %c0_i32_0 : i32, i32, i32
  }
  func.func @transform_1(%arg0: i32) -> (i32, i32) {
    %c0_i32 = arith.constant 0 : i32
    %c0_i32_0 = arith.constant 0 : i32
    %c0_i32_1 = arith.constant 0 : i32
    return %c0_i32, %c0_i32_0 : i32, i32
  }
  func.func @transform_2(%arg0: i32) -> (i32, i32) {
    %c0_i32 = arith.constant 0 : i32
    %c0_i32_0 = arith.constant 0 : i32
    return %arg0, %c0_i32 : i32, i32
  }
}

</mosaic_0001>

<sc_bundles>
// kernel: kernel.5.cloned.1.call-start
scs
__scs_entry_jumppad:
0x0: {  	(pc) =	sbr.rel $0x88, $3  }
0x1: {  	(tag) =	ssettag $0x0;
	lr =	simm.s32 $0x1  }
0x2: {  	[smem:$0x3F9D] =	sst lr;
	_ =	strace $0xD0000000  }
0x3: {  	_ = 	snop  }
0x4: {  	_ = 	snop  }
0x5: {  	_ = 	snop  }
0x6: {  	_ = 	snop  }
0x7: {  	_ = 	snop  }
__scs_overlays_trampoline_lowered:
0x8: {  	[smem:$0x3FAC] =	sst s0  }
0x9: {  	[smem:$0x3FAD] =	sst s1  }
0xa: {  	[smem:$0x3FAE] =	sst s2  }
0xb: {  	[smem:$0x3FAF] =	sst s3  }
0xc: {  	[smem:$0x3FB0] =	sst s4  }
0xd: {  	[smem:$0x3FB1] =	sst s5  }
0xe: {  	[smem:$0x3FB2] =	sst s6  }
0xf: {  	[smem:$0x3FB3] =	sst s7  }
0x10: {  	[smem:$0x3FB4] =	sst s8  }
0x11: {  	[smem:$0x3FB5] =	sst s9;
	s0 =	simm.s32 @!p0 $0x0  }
0x12: {  	s1 =	sld [smem:$0x3F9B];
	s0 =	simm.s32 @p0 $0x1  }
0x13: {  	[smem:$0x3FB6] =	sst s0;
	s0 =	simm.s32 @!p1 $0x0  }
0x14: {  	s2 =	sld [smem:$0x3F9A];
	s0 =	simm.s32 @p1 $0x1  }
0x15: {  	[smem:$0x3FB7] =	sst s0;
	s0 =	simm.s32 @!p2 $0x0  }
0x16: {  	s3 =	sld [smem:$0x3FDB];
	s0 =	simm.s32 @p2 $0x1  }
0x17: {  	s4 =	simm.s32 $0x1BF5;
	[smem:$0x3FB9] =	sst s0  }
0x18: {  	s0 =	sld [smem:$0x3F9C];
	_ =	swait.ge [sflag:s4], $0x0  }
0x19: {  	s7 =	sld [smem:$0x3F9D]  }
0x1a: {  	s8 =	sadd.s32 $0xFFFFE003, lr  }
0x1b: {  	s9 =	sadd.s32 $0xFFFFFEF7, lr;
	s5 =	simm.s32 $0xFFFFFFFF;
	p2 =	slt.u32 s8, $0xFFFFF086  }
0x1c: {  	p1 =	slt.u32 s9, $0xF7A;
	s5 =	simm.s32 @!p2 $0x0  }
0x1d: {  	s5 =	simm.s32 @p1 $0x1;
	p0 =	seq.s32 s7, s2  }
0x1e: {  	s7 =	smul.u32 @!p0 $0xF7A, s2;
	p2 =	seq.s32 @!p0 s5, $0x0  }
0x1f: {  	s9 =	smul.u32 $0xF7A, s1;
	s8 =	simm.s32 @!p0 $0x1BF5;
	p2 =	por !p2, p0  }
0x20: {  	[sflag:s8] =	ssyncset.s32 @!p0 $0xFFFFF086;
	s6 =	sadd.s32 @!p0 s3, s7;
	s7 =	simm.s32 @!p0 $0x108  }
0x21: {  	s3 =	sadd.s32 s3, s9;
	s6 =	sadd.s32 @!p0 $0x88, s6;
	s7 =	simm.s32 @p2 $0x1082  }
0x22: {  	[simem:s7], [sflag:s8] =	dma.local @!p0 [hbm:s6], $0xF7A  }
0x23: {  	s9 =	sor.u32 $0xD0000000, s2;
	s6 =	simm.s32 $0x108;
	_ =	swait.ge @!p0 [sflag:s8], $0x0  }
0x24: {  	s3 =	sadd.s32 $0x88, s3;
	s6 =	simm.s32 @!p1 $0x1082;
	[sflag:s4] =	ssyncset.s32 $0xFFFFF086  }
0x25: {  	[simem:s6], [sflag:s4] =	dma.local [hbm:s3], $0xF7A  }
0x26: {  	[smem:$0x3F9D] =	sst s1;
	(tag) =	ssettag s2;
	_ =	strace s9  }
0x27: {  	s1 =	sld [smem:$0x3FAD]  }
0x28: {  	s2 =	sld [smem:$0x3FAE]  }
0x29: {  	s4 =	sld [smem:$0x3FB0]  }
0x2a: {  	p0 =	seq.s32 s5, $0x0;
	s5 =	sld [smem:$0x3FB1]  }
0x2b: {  	s6 =	sld [smem:$0x3FB2]  }
0x2c: {  	s7 =	sld [smem:$0x3FB3]  }
0x2d: {  	s3 =	simm.s32 $0x108;
	s8 =	sld [smem:$0x3FB4]  }
0x2e: {  	s3 =	simm.s32 @!p0 $0x1082;
	s9 =	sld [smem:$0x3FB5]  }
0x2f: {  	lr =	sadd.s32 s0, s3;
	s0 =	sld [smem:$0x3FAC]  }
0x30: {  	s3 =	sld [smem:$0x3FAF]  }
0x31: {  	[smem:$0x3FB8] =	sst s10  }
0x32: {  	s10 =	sld [smem:$0x3FB6];
	_ =	sdelay $0x3  }
0x33: {  	p0 =	seq.s32 s10, $0x1;
	s10 =	sld [smem:$0x3FB8];
	_ =	sdelay $0x3  }
0x34: {  	[smem:$0x3FB8] =	sst s10  }
0x35: {  	s10 =	sld [smem:$0x3FB7];
	_ =	sdelay $0x3  }
0x36: {  	p1 =	seq.s32 s10, $0x1;
	s10 =	sld [smem:$0x3FB8];
	_ =	sdelay $0x3  }
0x37: {  	[smem:$0x3FB8] =	sst s10  }
0x38: {  	s10 =	sld [smem:$0x3FB9]  }
0x39: {  	_ = 	snop;
	(pc) =	sbr.ind lr, $3  }
0x3a: {  	_ = 	snop  }
0x3b: {  	_ = 	snop  }
0x3c: {  	p2 =	seq.s32 s10, $0x1;
	s10 =	sld [smem:$0x3FB8]  }
0x3d: {  	_ =	shalt  }
0x3e: {  	_ =	shalt  }
0x3f: {  	_ =	shalt  }
0x40: {  	_ =	shalt  }
0x41: {  	_ =	shalt  }
0x42: {  	_ =	shalt  }
0x43: {  	_ =	shalt  }
0x44: {  	_ =	shalt  }
0x45: {  	_ =	shalt  }
0x46: {  	_ =	shalt  }
0x47: {  	_ =	shalt  }
0x48: {  	_ =	shalt  }
0x49: {  	_ =	shalt  }
0x4a: {  	_ =	shalt  }
0x4b: {  	_ =	shalt  }
0x4c: {  	_ =	shalt  }
0x4d: {  	_ =	shalt  }
0x4e: {  	_ =	shalt  }
0x4f: {  	_ =	shalt  }
0x50: {  	_ =	shalt  }
0x51: {  	_ =	shalt  }
0x52: {  	_ =	shalt  }
0x53: {  	_ =	shalt  }
0x54: {  	_ =	shalt  }
0x55: {  	_ =	shalt  }
0x56: {  	_ =	shalt  }
0x57: {  	_ =	shalt  }
0x58: {  	_ =	shalt  }
0x59: {  	_ =	shalt  }
0x5a: {  	_ =	shalt  }
0x5b: {  	_ =	shalt  }
0x5c: {  	_ =	shalt  }
0x5d: {  	_ =	shalt  }
0x5e: {  	_ =	shalt  }
0x5f: {  	_ =	shalt  }
0x60: {  	_ =	shalt  }
0x61: {  	_ =	shalt  }
0x62: {  	_ =	shalt  }
0x63: {  	_ =	shalt  }
0x64: {  	_ =	shalt  }
0x65: {  	_ =	shalt  }
0x66: {  	_ =	shalt  }
0x67: {  	_ =	shalt  }
0x68: {  	_ =	shalt  }
0x69: {  	_ =	shalt  }
0x6a: {  	_ =	shalt  }
0x6b: {  	_ =	shalt  }
0x6c: {  	_ =	shalt  }
0x6d: {  	_ =	shalt  }
0x6e: {  	_ =	shalt  }
0x6f: {  	_ =	shalt  }
0x70: {  	_ =	shalt  }
0x71: {  	_ =	shalt  }
0x72: {  	_ =	shalt  }
0x73: {  	_ =	shalt  }
0x74: {  	_ =	shalt  }
0x75: {  	_ =	shalt  }
0x76: {  	_ =	shalt  }
0x77: {  	_ =	shalt  }
0x78: {  	_ =	shalt  }
0x79: {  	_ =	shalt  }
0x7a: {  	_ =	shalt  }
0x7b: {  	_ =	shalt  }
0x7c: {  	_ =	shalt  }
0x7d: {  	_ =	shalt  }
0x7e: {  	_ =	shalt  }
0x7f: {  	_ =	shalt  }
0x80: {  	_ =	shalt  }
0x81: {  	_ =	shalt  }
0x82: {  	_ =	shalt  }
0x83: {  	_ =	shalt  }
0x84: {  	_ =	shalt  }
0x85: {  	_ =	shalt  }
0x86: {  	_ =	shalt  }
0x87: {  	_ =	shalt  }
.Lfunc_end0:
.L_simem_size_0:
called_computation_lowered:
.L_overlay_start_0:
0x88: {  	s2 =	sld [smem:$0x3FD9]  }
0x89: {  	s3 =	sld [smem:$0x3FFE];
	_ =	sdelay $0x1  }
0x8a: {  	s1 =	srdreg.scid  }
0x8b: {  	s0 =	sand.u32 $0x1, s1  }
0x8c: {  	s17 =	sshll.u32 s0, $0xA;
	s2 =	sadd.s32 s3, s2  }
0x8d: {  	s2 =	sadd.s32 s2, s17  }
0x8e: {  	[smem:$0x3FC4] =	sst s2  }
0x8f: {  	_ = 	snop  }
0x90: {  	s2 =	sld [smem:$0x3FD0];
	(tm) =	ssettm $0x1  }
0x91: {  	s18 =	sld [smem:$0x3FFB];
	_ =	sdelay $0x3  }
0x92: {  	_ =	strace s18  }
0x93: {  	s3 =	sld [smem:$0x3FFC];
	_ =	sdelay $0x3  }
0x94: {  	_ =	strace s3  }
0x95: {  	s3 =	sld [smem:$0x3FFD];
	_ =	sdelay $0x3  }
0x96: {  	_ =	strace s3  }
0x97: {  	_ =	strace $0x8FFFFFFF  }
0x98: {  	s19 =	sld [smem:$0x3FDB];
	_ =	sdelay $0x1  }
0x99: {  	s4 =	simm.s32 $_scs_section_size  }
0x9a: {  	s5 =	simm.s32 $_size__tile_overlayer_lowered;
	s6 =	simm.s32 $_tile_overlayer_lowered  }
0x9b: {  	s22 =	simm.s32 $0x1BFF;
	s21 =	sshll.u32 s6, $0x1;
	s3 =	sadd.s32 s4, s19  }
0x9c: {  	s7 =	simm.s32 $0x0;
	s20 =	sshll.u32 s5, $0x1;
	s5 =	sadd.s32 s21, s3  }
0x9d: {  	[timem:s7], [sflag:s22] =	dma.local [hbm:s5], s20  }
0x9e: {  	_ =	swait.ge [sflag:s22], s20  }
0x9f: {  	s4 =	ssub.s32 $0x0, s20;
	[sflag:s22] =	ssyncset.done $0x0  }
0xa0: {  	[sflag:s22] =	ssyncadd.s32 s4;
	_ =	sdelay $0x1  }
0xa1: {  	s23 =	simm.s32 $0x1B8B  }
0xa2: {  	_ =	swait.ge [sflag:s23], $0x1  }
0xa3: {  	[sflag:s23] =	ssyncset.done $0x0  }
0xa4: {  	s25 =	simm.s32 $0x1B8E;
	s24 =	sld [smem:$0x3FFE];
	[sflag:s23] =	ssyncadd.s32 $0xFFFFFFFF  }
0xa5: {  	s26 =	simm.s32 $execute0_lowered;
	[smem:$0x3FD2] =	sst s25  }
0xa6: {  	s5 =	sshll.u32 s26, $0x1;
	_ =	strace $0x80000046;
	[dreg:$0x1] =	wrdreg $0xFFFFFFFF  }
0xa7: {  	s28 =	simm.s32 $_size_execute0_lowered;
	s3 =	sadd.s32 s3, s5;
	[dreg:$0x0] =	wrdreg $0x0  }
0xa8: {  	s5 =	sshll.u32 s28, $0x1;
	[dreg:$0x2] =	wrdreg s3  }
0xa9: {  	[dreg:$0x3] =	wrdreg s5  }
0xaa: {  	[dreg:$0x4] =	wrdreg $0xC0  }
0xab: {  	_ =	task [dreg:s7], $0x5FFFF  }
0xac: {  	[dreg:$0x1] =	wrdreg $0xFFFFFFFF  }
0xad: {  	[dreg:$0x0] =	wrdreg $0x60  }
0xae: {  	[dreg:$0x2] =	wrdreg s2  }
0xaf: {  	[dreg:$0x3] =	wrdreg s24  }
0xb0: {  	[dreg:$0x4] =	wrdreg $0xC7000  }
0xb1: {  	[dreg:$0x5] =	wrdreg $0x9  }
0xb2: {  	_ =	task.clear_ibuf [dreg:s7], $0x6FFFF;
	_ =	strace $0x90000046  }
0xb3: {  	s29 =	simm.s32 $0x9;
	_ =	strace $0x80000048  }
0xb4: {  	_ =	swait.ge [sflag:s29], $0x1  }
0xb5: {  	[sflag:s29] =	ssyncadd.s32 $0xFFFFFFFF  }
0xb6: {  	_ =	strace $0x90000048  }
0xb7: {  	_ =	sfence  }
0xb8: {  	s30 =	sld [smem:$0x0];
	_ =	sdelay $0x2  }
0xb9: {  	s31 =	sshll.u32 s1, $0xD;
	s1 =	sshrl.u32 s1, $0x2  }
0xba: {  	s3 =	sand.u32 $0x4000, s31;
	s1 =	sadd.s32 s1, s30  }
0xbb: {  	s0 =	sor.u32 s3, s0;
	s1 =	sshll.u32 s1, $0x11  }
0xbc: {  	s0 =	sor.u32 s1, s0  }
0xbd: {  	s0 =	sadd.s32 $0x8F2B, s0  }
0xbe: {  	[sflag:s0] =	ssyncadd.remote.s32 $0x1  }
0xbf: {  	_ =	sfence.sel $0xFFFF  }
0xc0: {  	[dreg:$0x0] =	wrdreg $0xFFFFFFFF;
	(pc) =	sbr.abs _section_cstart, $3  }
0xc1: {  	[dreg:$0x1] =	wrdreg $0xFFFFFFFF  }
0xc2: {  	_ =	task.clear_ibuf [dreg:s7], $0x2FFFF;
	_ =	strace $0x9FFFFFFF  }
0xc3: {  	(tm) =	ssettm $0x7FFFFFFF  }
tec
execute0_lowered:
.L_overlay_start_1:
0x0: {  	(tag) =	ssettag $0x1  }
0x1: {  	s0 =	srdreg.scid  }
0x2: {  	s2 =	sand.u32 $0x1, s0  }
0x3: {  	s8 =	stileid.u32;
	s0 =	sshll.u32 s2, $0x4  }
0x4: {  	s0 =	sor.u32 s8, s0  }
0x5: {  	s0 =	smul.u32 $0x2710, s0;
	_ =	sdelay $0x1  }
0x6: {  	s1 =	rddreg [dreg:$0x1];
	s5 =	sshrl.u32 s0, $0x3  }
0x7: {  	s3 =	sadd.s32 $0xA400, s1;
	s6 =	ssub.s32 $0x2, s2;
	s7 =	sadd.s32 $0x10, s5  }
0x8: {  	s4 =	sadd.s32 $0x600, s1;
	s16 =	sshrl.u32 s6, $0x1;
	s17 =	sadd.s32 s3, s7  }
0x9: {  	s18 =	sadd.s32 $0x20, s5;
	s7 =	sadd.s32 s4, s7;
	[dreg:$0x4] =	wrdreg s17  }
0xa: {  	s0 =	ssub.s32 s6, s16;
	s19 =	sadd.s32 s3, s18;
	[dreg:$0x5] =	wrdreg s7  }
0xb: {  	s20 =	sadd.s32 $0x30, s5;
	s6 =	sadd.s32 s4, s18;
	[dreg:$0x6] =	wrdreg s19  }
0xc: {  	s22 =	sadd.s32 $0x40, s5;
	s21 =	sadd.s32 s3, s20;
	[dreg:$0x7] =	wrdreg s6  }
0xd: {  	s24 =	sadd.s32 $0x50, s5;
	s23 =	sadd.s32 s3, s22;
	[dreg:$0x8] =	wrdreg s21  }
0xe: {  	s26 =	sadd.s32 $0x60, s5;
	s25 =	sadd.s32 s3, s24;
	[dreg:$0xa] =	wrdreg s23  }
0xf: {  	s29 =	sadd.s32 $0x70, s5;
	s28 =	sadd.s32 s3, s26;
	[dreg:$0xc] =	wrdreg s25  }
0x10: {  	s31 =	sadd.s32 $0x80, s5;
	s30 =	sadd.s32 s3, s29;
	[dreg:$0xe] =	wrdreg s28  }
0x11: {  	s10 =	sadd.s32 $0x90, s5;
	s9 =	sadd.s32 s3, s31;
	[dreg:$0x10] =	wrdreg s30  }
0x12: {  	s12 =	sadd.s32 $0xA0, s5;
	s11 =	sadd.s32 s3, s10;
	[dreg:$0x12] =	wrdreg s9  }
0x13: {  	s14 =	sadd.s32 $0xB0, s5;
	s13 =	sadd.s32 s3, s12;
	[dreg:$0x14] =	wrdreg s11  }
0x14: {  	s15 =	sadd.s32 s3, s14;
	[dreg:$0x16] =	wrdreg s13  }
0x15: {  	s7 =	sadd.s32 s4, s20;
	[dreg:$0x18] =	wrdreg s15  }
0x16: {  	s16 =	sadd.s32 $0xC0, s5;
	s6 =	sadd.s32 s4, s22;
	[dreg:$0x9] =	wrdreg s7  }
0x17: {  	s18 =	sadd.s32 $0xD0, s5;
	s17 =	sadd.s32 s3, s16;
	[dreg:$0xb] =	wrdreg s6  }
0x18: {  	s19 =	sadd.s32 s3, s18;
	[dreg:$0x1a] =	wrdreg s17  }
0x19: {  	s7 =	sadd.s32 s4, s24;
	[dreg:$0x1c] =	wrdreg s19  }
0x1a: {  	s20 =	sadd.s32 $0xE0, s5;
	s6 =	sadd.s32 s4, s26;
	[dreg:$0xd] =	wrdreg s7  }
0x1b: {  	s22 =	sadd.s32 $0xF0, s5;
	s21 =	sadd.s32 s3, s20;
	[dreg:$0xf] =	wrdreg s6  }
0x1c: {  	s23 =	sadd.s32 s3, s22;
	[dreg:$0x1e] =	wrdreg s21  }
0x1d: {  	s7 =	sadd.s32 s4, s29;
	[smem:$0x773] =	sst s23  }
0x1e: {  	s24 =	sadd.s32 $0x100, s5;
	s6 =	sadd.s32 s4, s31;
	[dreg:$0x11] =	wrdreg s7  }
0x1f: {  	s26 =	sadd.s32 $0x110, s5;
	s25 =	sadd.s32 s3, s24;
	[dreg:$0x13] =	wrdreg s6  }
0x20: {  	s28 =	sadd.s32 s3, s26;
	[smem:$0x775] =	sst s25  }
0x21: {  	s7 =	sadd.s32 s4, s10;
	[smem:$0x777] =	sst s28  }
0x22: {  	s29 =	sadd.s32 $0x120, s5;
	s6 =	sadd.s32 s4, s12;
	[dreg:$0x15] =	wrdreg s7  }
0x23: {  	s31 =	sadd.s32 $0x130, s5;
	s30 =	sadd.s32 s3, s29;
	[dreg:$0x17] =	wrdreg s6  }
0x24: {  	s9 =	sadd.s32 s3, s31;
	[smem:$0x779] =	sst s30  }
0x25: {  	s7 =	sadd.s32 s4, s14;
	[smem:$0x77B] =	sst s9  }
0x26: {  	s10 =	sadd.s32 $0x140, s5;
	s6 =	sadd.s32 s4, s16;
	[dreg:$0x19] =	wrdreg s7  }
0x27: {  	s12 =	sadd.s32 $0x150, s5;
	s11 =	sadd.s32 s3, s10;
	[dreg:$0x1b] =	wrdreg s6  }
0x28: {  	s13 =	sadd.s32 s3, s12;
	[smem:$0x77D] =	sst s11  }
0x29: {  	s7 =	sadd.s32 s4, s18;
	[smem:$0x77F] =	sst s13  }
0x2a: {  	s14 =	sadd.s32 $0x160, s5;
	s6 =	sadd.s32 s4, s20;
	[dreg:$0x1d] =	wrdreg s7  }
0x2b: {  	s16 =	sadd.s32 $0x170, s5;
	s15 =	sadd.s32 s3, s14;
	[dreg:$0x1f] =	wrdreg s6  }
0x2c: {  	s17 =	sadd.s32 s3, s16;
	[smem:$0x781] =	sst s15  }
0x2d: {  	s7 =	sadd.s32 s4, s22;
	[smem:$0x783] =	sst s17  }
0x2e: {  	s18 =	sadd.s32 $0x180, s5;
	s6 =	sadd.s32 s4, s24;
	[smem:$0x774] =	sst s7  }
0x2f: {  	s20 =	sadd.s32 $0x190, s5;
	s19 =	sadd.s32 s3, s18;
	[smem:$0x776] =	sst s6  }
0x30: {  	s21 =	sadd.s32 s3, s20;
	[smem:$0x785] =	sst s19  }
0x31: {  	s7 =	sadd.s32 s4, s26;
	[smem:$0x787] =	sst s21  }
0x32: {  	s22 =	sadd.s32 $0x1A0, s5;
	s6 =	sadd.s32 s4, s29;
	[smem:$0x778] =	sst s7  }
0x33: {  	s24 =	sadd.s32 $0x1B0, s5;
	s23 =	sadd.s32 s3, s22;
	[smem:$0x77A] =	sst s6  }
0x34: {  	s25 =	sadd.s32 s3, s24;
	[smem:$0x789] =	sst s23  }
0x35: {  	s7 =	sadd.s32 s4, s31;
	[smem:$0x78B] =	sst s25  }
0x36: {  	s26 =	sadd.s32 $0x1C0, s5;
	s6 =	sadd.s32 s4, s10;
	[smem:$0x77C] =	sst s7  }
0x37: {  	s29 =	sadd.s32 $0x1D0, s5;
	s28 =	sadd.s32 s3, s26;
	[smem:$0x77E] =	sst s6  }
0x38: {  	s30 =	sadd.s32 s3, s29;
	[smem:$0x78D] =	sst s28  }
0x39: {  	s7 =	sadd.s32 s4, s12;
	[smem:$0x78F] =	sst s30  }
0x3a: {  	s31 =	sadd.s32 $0x1E0, s5;
	s6 =	sadd.s32 s4, s14;
	[smem:$0x780] =	sst s7  }
0x3b: {  	s10 =	sadd.s32 $0x1F0, s5;
	s9 =	sadd.s32 s3, s31;
	[smem:$0x782] =	sst s6  }
0x3c: {  	s11 =	sadd.s32 s3, s10;
	[smem:$0x791] =	sst s9  }
0x3d: {  	s7 =	sadd.s32 s4, s16;
	[smem:$0x793] =	sst s11  }
0x3e: {  	s12 =	sadd.s32 $0x200, s5;
	s6 =	sadd.s32 s4, s18;
	[smem:$0x784] =	sst s7  }
0x3f: {  	s14 =	sadd.s32 $0x210, s5;
	s13 =	sadd.s32 s3, s12;
	[smem:$0x786] =	sst s6  }
0x40: {  	s15 =	sadd.s32 s3, s14;
	[smem:$0x795] =	sst s13  }
0x41: {  	s7 =	sadd.s32 s4, s20;
	[smem:$0x797] =	sst s15  }
0x42: {  	s16 =	sadd.s32 $0x220, s5;
	s6 =	sadd.s32 s4, s22;
	[smem:$0x788] =	sst s7  }
0x43: {  	s18 =	sadd.s32 $0x230, s5;
	s17 =	sadd.s32 s3, s16;
	[smem:$0x78A] =	sst s6  }
0x44: {  	s19 =	sadd.s32 s3, s18;
	[smem:$0x799] =	sst s17  }
0x45: {  	s7 =	sadd.s32 s4, s24;
	[smem:$0x79B] =	sst s19  }
0x46: {  	s20 =	sadd.s32 $0x240, s5;
	s6 =	sadd.s32 s4, s26;
	[smem:$0x78C] =	sst s7  }
0x47: {  	s22 =	sadd.s32 $0x250, s5;
	s21 =	sadd.s32 s3, s20;
	[smem:$0x78E] =	sst s6  }
0x48: {  	s23 =	sadd.s32 s3, s22;
	[smem:$0x79D] =	sst s21  }
0x49: {  	s7 =	sadd.s32 s4, s29;
	[smem:$0x79F] =	sst s23  }
0x4a: {  	s24 =	sadd.s32 $0x260, s5;
	s6 =	sadd.s32 s4, s31;
	[smem:$0x790] =	sst s7  }
0x4b: {  	s26 =	sadd.s32 $0x270, s5;
	s25 =	sadd.s32 s3, s24;
	[smem:$0x792] =	sst s6  }
0x4c: {  	s28 =	sadd.s32 s3, s26;
	[smem:$0x7A1] =	sst s25  }
0x4d: {  	s7 =	sadd.s32 s4, s10;
	[smem:$0x7A3] =	sst s28  }
0x4e: {  	s29 =	sadd.s32 $0x280, s5;
	s6 =	sadd.s32 s4, s12;
	[smem:$0x794] =	sst s7  }
0x4f: {  	s31 =	sadd.s32 $0x290, s5;
	s30 =	sadd.s32 s3, s29;
	[smem:$0x796] =	sst s6  }
0x50: {  	s9 =	sadd.s32 s3, s31;
	[smem:$0x7A5] =	sst s30  }
0x51: {  	s7 =	sadd.s32 s4, s14;
	[smem:$0x7A7] =	sst s9  }
0x52: {  	s10 =	sadd.s32 $0x2A0, s5;
	s6 =	sadd.s32 s4, s16;
	[smem:$0x798] =	sst s7  }
0x53: {  	s12 =	sadd.s32 $0x2B0, s5;
	s11 =	sadd.s32 s3, s10;
	[smem:$0x79A] =	sst s6  }
0x54: {  	s13 =	sadd.s32 s3, s12;
	[smem:$0x7A9] =	sst s11  }
0x55: {  	s7 =	sadd.s32 s4, s18;
	[smem:$0x7AB] =	sst s13  }
0x56: {  	s14 =	sadd.s32 $0x2C0, s5;
	s6 =	sadd.s32 s4, s20;
	[smem:$0x79C] =	sst s7  }
0x57: {  	s16 =	sadd.s32 $0x2D0, s5;
	s15 =	sadd.s32 s3, s14;
	[smem:$0x79E] =	sst s6  }
0x58: {  	s17 =	sadd.s32 s3, s16;
	[smem:$0x7AD] =	sst s15  }
0x59: {  	s7 =	sadd.s32 s4, s22;
	[smem:$0x7AF] =	sst s17  }
0x5a: {  	s18 =	sadd.s32 $0x2E0, s5;
	s6 =	sadd.s32 s4, s24;
	[smem:$0x7A0] =	sst s7  }
0x5b: {  	s20 =	sadd.s32 $0x2F0, s5;
	s19 =	sadd.s32 s3, s18;
	[smem:$0x7A2] =	sst s6  }
0x5c: {  	s21 =	sadd.s32 s3, s20;
	[smem:$0x7B1] =	sst s19  }
0x5d: {  	s7 =	sadd.s32 s4, s26;
	[smem:$0x7B3] =	sst s21  }
0x5e: {  	s22 =	sadd.s32 $0x300, s5;
	s6 =	sadd.s32 s4, s29;
	[smem:$0x7A4] =	sst s7  }
0x5f: {  	s24 =	sadd.s32 $0x310, s5;
	s23 =	sadd.s32 s3, s22;
	[smem:$0x7A6] =	sst s6  }
0x60: {  	s25 =	sadd.s32 s3, s24;
	[smem:$0x7B5] =	sst s23  }
0x61: {  	s7 =	sadd.s32 s4, s31;
	[smem:$0x7B7] =	sst s25  }
0x62: {  	s26 =	sadd.s32 $0x320, s5;
	s6 =	sadd.s32 s4, s10;
	[smem:$0x7A8] =	sst s7  }
0x63: {  	s29 =	sadd.s32 $0x330, s5;
	s28 =	sadd.s32 s3, s26;
	[smem:$0x7AA] =	sst s6  }
0x64: {  	s30 =	sadd.s32 s3, s29;
	[smem:$0x7B9] =	sst s28  }
0x65: {  	s7 =	sadd.s32 s4, s12;
	[smem:$0x7BB] =	sst s30  }
0x66: {  	s31 =	sadd.s32 $0x340, s5;
	s6 =	sadd.s32 s4, s14;
	[smem:$0x7AC] =	sst s7  }
0x67: {  	s10 =	sadd.s32 $0x350, s5;
	s9 =	sadd.s32 s3, s31;
	[smem:$0x7AE] =	sst s6  }
0x68: {  	s11 =	sadd.s32 s3, s10;
	[smem:$0x7BD] =	sst s9  }
0x69: {  	s7 =	sadd.s32 s4, s16;
	[smem:$0x7BF] =	sst s11  }
0x6a: {  	s12 =	sadd.s32 $0x360, s5;
	s6 =	sadd.s32 s4, s18;
	[smem:$0x7B0] =	sst s7  }
0x6b: {  	s14 =	sadd.s32 $0x370, s5;
	s13 =	sadd.s32 s3, s12;
	[smem:$0x7B2] =	sst s6  }
0x6c: {  	s15 =	sadd.s32 s3, s14;
	[smem:$0x7C1] =	sst s13  }
0x6d: {  	s7 =	sadd.s32 s4, s20;
	[smem:$0x7C3] =	sst s15  }
0x6e: {  	s16 =	sadd.s32 $0x380, s5;
	s6 =	sadd.s32 s4, s22;
	[smem:$0x7B4] =	sst s7  }
0x6f: {  	s18 =	sadd.s32 $0x390, s5;
	s17 =	sadd.s32 s3, s16;
	[smem:$0x7B6] =	sst s6  }
0x70: {  	s19 =	sadd.s32 s3, s18;
	[smem:$0x7C5] =	sst s17  }
0x71: {  	s7 =	sadd.s32 s4, s24;
	[smem:$0x7C7] =	sst s19  }
0x72: {  	s20 =	sadd.s32 $0x3A0, s5;
	s6 =	sadd.s32 s4, s26;
	[smem:$0x7B8] =	sst s7  }
0x73: {  	s22 =	sadd.s32 $0x3B0, s5;
	s21 =	sadd.s32 s3, s20;
	[smem:$0x7BA] =	sst s6  }
0x74: {  	s23 =	sadd.s32 s3, s22;
	[smem:$0x7C9] =	sst s21  }
0x75: {  	s7 =	sadd.s32 s4, s29;
	[smem:$0x7CB] =	sst s23  }
0x76: {  	s24 =	sadd.s32 $0x3C0, s5;
	s6 =	sadd.s32 s4, s31;
	[smem:$0x7BC] =	sst s7  }
0x77: {  	s26 =	sadd.s32 $0x3D0, s5;
	s25 =	sadd.s32 s3, s24;
	[smem:$0x7BE] =	sst s6  }
0x78: {  	s28 =	sadd.s32 s3, s26;
	[smem:$0x7CD] =	sst s25  }
0x79: {  	s7 =	sadd.s32 s4, s10;
	[smem:$0x7CF] =	sst s28  }
0x7a: {  	s29 =	sadd.s32 $0x3E0, s5;
	s6 =	sadd.s32 s4, s12;
	[smem:$0x7C0] =	sst s7  }
0x7b: {  	s31 =	sadd.s32 $0x3F0, s5;
	s30 =	sadd.s32 s3, s29;
	[smem:$0x7C2] =	sst s6  }
0x7c: {  	s9 =	sadd.s32 s3, s31;
	[smem:$0x7D1] =	sst s30  }
0x7d: {  	s7 =	sadd.s32 s4, s14;
	[smem:$0x7D3] =	sst s9  }
0x7e: {  	s10 =	sadd.s32 $0x400, s5;
	s6 =	sadd.s32 s4, s16;
	[smem:$0x7C4] =	sst s7  }
0x7f: {  	s12 =	sadd.s32 $0x410, s5;
	s11 =	sadd.s32 s3, s10;
	[smem:$0x7C6] =	sst s6  }
0x80: {  	s13 =	sadd.s32 s3, s12;
	[smem:$0x7D5] =	sst s11  }
0x81: {  	s7 =	sadd.s32 s4, s18;
	[smem:$0x7D7] =	sst s13  }
0x82: {  	s14 =	sadd.s32 $0x420, s5;
	s6 =	sadd.s32 s4, s20;
	[smem:$0x7C8] =	sst s7  }
0x83: {  	s16 =	sadd.s32 $0x430, s5;
	s15 =	sadd.s32 s3, s14;
	[smem:$0x7CA] =	sst s6  }
0x84: {  	s17 =	sadd.s32 s3, s16;
	[smem:$0x7D9] =	sst s15  }
0x85: {  	s7 =	sadd.s32 s4, s22;
	[smem:$0x7DB] =	sst s17  }
0x86: {  	s18 =	sadd.s32 $0x440, s5;
	s6 =	sadd.s32 s4, s24;
	[smem:$0x7CC] =	sst s7  }
0x87: {  	s20 =	sadd.s32 $0x450, s5;
	s19 =	sadd.s32 s3, s18;
	[smem:$0x7CE] =	sst s6  }
0x88: {  	s21 =	sadd.s32 s3, s20;
	[smem:$0x7DD] =	sst s19  }
0x89: {  	s17 =	smul.u32 $0x138800, s2;
	s2 =	simm.s32 $0x0;
	[smem:$0x7DF] =	sst s21  }
0x8a: {  	s7 =	sadd.s32 s4, s26;
	[smem:$0x7FF] =	sst s2  }
0x8b: {  	s22 =	sadd.s32 $0x460, s5;
	s6 =	sadd.s32 s4, s29;
	[smem:$0x7D0] =	sst s7  }
0x8c: {  	s24 =	sadd.s32 $0x470, s5;
	s23 =	sadd.s32 s3, s22;
	[smem:$0x7D2] =	sst s6  }
0x8d: {  	s25 =	sadd.s32 s3, s24;
	[smem:$0x7E1] =	sst s23  }
0x8e: {  	s19 =	sadd.s32 s4, s5;
	[smem:$0x7E3] =	sst s25  }
0x8f: {  	s7 =	sadd.s32 s4, s31;
	[smem:$0x7F2] =	sst s19  }
0x90: {  	s26 =	sadd.s32 $0x480, s5;
	s6 =	sadd.s32 s4, s10;
	[smem:$0x7D4] =	sst s7  }
0x91: {  	s29 =	sadd.s32 $0x490, s5;
	s28 =	sadd.s32 s3, s26;
	[smem:$0x7D6] =	sst s6  }
0x92: {  	s30 =	sadd.s32 s3, s29;
	[smem:$0x7E5] =	sst s28  }
0x93: {  	s7 =	sadd.s32 s4, s12;
	[smem:$0x7E7] =	sst s30  }
0x94: {  	s31 =	sadd.s32 $0x4A0, s5;
	s6 =	sadd.s32 s4, s14;
	[smem:$0x7D8] =	sst s7  }
0x95: {  	s10 =	sadd.s32 $0x4B0, s5;
	s9 =	sadd.s32 s3, s31;
	[smem:$0x7DA] =	sst s6  }
0x96: {  	s11 =	sadd.s32 s3, s10;
	[smem:$0x7E9] =	sst s9  }
0x97: {  	s7 =	sadd.s32 s4, s16;
	[smem:$0x7EB] =	sst s11  }
0x98: {  	s12 =	sadd.s32 $0x4C0, s5;
	s6 =	sadd.s32 s4, s18;
	[smem:$0x7DC] =	sst s7  }
0x99: {  	s14 =	sadd.s32 $0x4D0, s5;
	s13 =	sadd.s32 s3, s12;
	[smem:$0x7DE] =	sst s6  }
0x9a: {  	s15 =	sadd.s32 s3, s14;
	[smem:$0x7ED] =	sst s13  }
0x9b: {  	s16 =	sadd.s32 s4, s14;
	[smem:$0x7EF] =	sst s15  }
0x9c: {  	s18 =	sadd.s32 s3, s5;
	[smem:$0x7F0] =	sst s16  }
0x9d: {  	s5 =	sadd.s32 $0x4E0, s5;
	s7 =	sadd.s32 s4, s20;
	[smem:$0x7F1] =	sst s18  }
0x9e: {  	s3 =	sadd.s32 s3, s5;
	s21 =	sadd.s32 s4, s5;
	s5 =	rddreg [dreg:$0x0]  }
0x9f: {  	s6 =	sadd.s32 s4, s22;
	[smem:$0x7E0] =	sst s7  }
0xa0: {  	[smem:$0x7E2] =	sst s6  }
0xa1: {  	s1 =	sadd.s32 $0x14200, s1;
	p0 =	sne.s32 s8, $0xF;
	[smem:$0x7F3] =	sst s3  }
0xa2: {  	s0 =	smax.u32 s0, $0x1;
	s7 =	sadd.s32 s4, s24;
	[smem:$0x7F4] =	sst s21  }
0xa3: {  	s23 =	smul.u32 $0x4E000, s8;
	s6 =	sadd.s32 s4, s26;
	[smem:$0x7E4] =	sst s7  }
0xa4: {  	s19 =	simm.s32 $0x12;
	[smem:$0x7E6] =	sst s6;
	s7 =	sadd.s32 s4, s29  }
0xa5: {  	s20 =	smul.u32 $0x13800, s8;
	s6 =	sadd.s32 s4, s31;
	[smem:$0x7E8] =	sst s7  }
0xa6: {  	s25 =	sshrl.u32 s23, $0x2;
	[smem:$0x7EA] =	sst s6;
	s7 =	sadd.s32 s4, s10  }
0xa7: {  	s22 =	sadd.s32 s20, s17;
	s6 =	sadd.s32 s4, s12;
	[smem:$0x7EC] =	sst s7  }
0xa8: {  	s24 =	sshrl.u32 s17, $0x3;
	s3 =	sshrl.u32 s22, $0x3;
	[smem:$0x7EE] =	sst s6  }
0xa9: {  	s6 =	rddreg [dreg:$0x2];
	s3 =	sadd.s32 s1, s3;
	s1 =	sadd.s32 s1, s24  }
0xaa: {  	s23 =	simm.s32 $0x4600;
	[smem:$0x7F5] =	sst s3;
	s1 =	sadd.s32 $0x27000, s1  }
0xab: {  	s9 =	simm.s32 $0x10;
	_ =	strace $0x80000047;
	[smem:$0x7F6] =	sst s1  }
0xac: {  	s11 =	simm.s32 $0xE;
	s3 =	sadd.s32 s25, s6;
	[smem:$0x7F7] =	sst s0  }
0xad: {  	s16 =	simm.s32 $0x600;
	s31 =	sadd.s32 $0x138000, s6;
	[smem:$0x7FB] =	sst s3  }
0xae: {  	s18 =	simm.s32 $0x80;
	s26 =	sadd.s32 $0x4000, s3;
	[smem:$0x7FD] =	sst s31  }
0xaf: {  	s13 =	simm.s32 $0x11;
	s28 =	sadd.s32 $0x8000, s3;
	[smem:$0x7F8] =	sst s26  }
0xb0: {  	s15 =	simm.s32 $0xF;
	s29 =	sadd.s32 $0xC000, s3;
	[smem:$0x7F9] =	sst s28  }
0xb1: {  	s17 =	simm.s32 $0x0;
	s30 =	sadd.s32 $0x10000, s3;
	[smem:$0x7FA] =	sst s29  }
0xb2: {  	v0 =	vimm.f32 $0.0e+00;
	s4 =	simm.s32 $0xD;
	s3 =	simm.s32 $0x8600;
	[smem:$0x7FC] =	sst s30  }
.LBB2_1:
0xb3: {  	[smem:$0x772] =	sst s17;
	s24 =	simm.s32 $0x0;
	s25 =	simm.s32 $0x200  }
.LBB2_2:
0xb4: {  	p1 =	sne.s32 s25, $0xFE00;
	[tilespmem:s24+$0x670] =	vst v0  }
0xb5: {  	[tilespmem:s24+$0x600] =	vst v0  }
0xb6: {  	[tilespmem:s24+$0x610] =	vst v0  }
.Ltmp0:
0xb7: {  	[tilespmem:s24+$0x620] =	vst v0;
	(pc) =	sbr.rel @p1 .LBB2_2-.Ltmp0, $4  }
0xb8: {  	[tilespmem:s24+$0x630] =	vst v0  }
0xb9: {  	[tilespmem:s24+$0x640] =	vst v0  }
0xba: {  	[tilespmem:s24+$0x650] =	vst v0  }
0xbb: {  	[tilespmem:s24+$0x660] =	vst v0;
	s24 =	sshra.s32 s25, $0x2;
	s25 =	sadd.s32 $0x200, s25  }
0xbc: {  	[tilespmem:s24+$0x670] =	vst v0  }
0xbd: {  	[tilespmem:s24+$0x600] =	vst v0  }
0xbe: {  	[tilespmem:s24+$0x610] =	vst v0  }
0xbf: {  	[tilespmem:s24+$0x620] =	vst v0  }
0xc0: {  	[tilespmem:s24+$0x630] =	vst v0  }
0xc1: {  	[tilespmem:s24+$0x640] =	vst v0;
	s17 =	sld [smem:$0x7FB]  }
0xc2: {  	[tilespmem:s24+$0x650] =	vst v0  }
0xc3: {  	[tilespmem:s24+$0x660] =	vst v0;
	s8 =	simm.s32 $0x13  }
0xc4: {  	[spmem:s17] =	stream.linear.scatter [tilespmem:s16], [sflag:$0x13], $0x4000, $0x38;
	[tilespmem:$0x1FF80] =	vst v63  }
0xc5: {  	_ =	swait.ge [sflag:s8], $0x4000  }
0xc6: {  	s10 =	sld [smem:$0x7F8]  }
0xc7: {  	[sflag:s8] =	ssyncset.done $0x0  }
0xc8: {  	[sflag:s8] =	ssyncadd.s32 $0xFFFFC000  }
0xc9: {  	[spmem:s10] =	stream.linear.scatter [tilespmem:s16], [sflag:$0x13], $0x4000, $0x38;
	[tilespmem:$0x1FF80] =	vst v63  }
0xca: {  	_ =	swait.ge [sflag:s8], $0x4000  }
0xcb: {  	s12 =	sld [smem:$0x7F9]  }
0xcc: {  	[sflag:s8] =	ssyncset.done $0x0  }
0xcd: {  	[sflag:s8] =	ssyncadd.s32 $0xFFFFC000  }
0xce: {  	[spmem:s12] =	stream.linear.scatter [tilespmem:s16], [sflag:$0x13], $0x4000, $0x38;
	[tilespmem:$0x1FF80] =	vst v63  }
0xcf: {  	_ =	swait.ge [sflag:s8], $0x4000  }
0xd0: {  	s14 =	sld [smem:$0x7FA]  }
0xd1: {  	[sflag:s8] =	ssyncset.done $0x0  }
0xd2: {  	[sflag:s8] =	ssyncadd.s32 $0xFFFFC000  }
0xd3: {  	[spmem:s14] =	stream.linear.scatter [tilespmem:s16], [sflag:$0x13], $0x4000, $0x38;
	[tilespmem:$0x1FF80] =	vst v63  }
0xd4: {  	_ =	swait.ge [sflag:s8], $0x4000  }
0xd5: {  	s20 =	sld [smem:$0x7FC]  }
0xd6: {  	[sflag:s8] =	ssyncset.done $0x0  }
0xd7: {  	[sflag:s8] =	ssyncadd.s32 $0xFFFFC000  }
0xd8: {  	[spmem:s20] =	stream.linear.scatter [tilespmem:s16], [sflag:$0x13], $0x3800, $0x38;
	[tilespmem:$0x1FF80] =	vst v63  }
0xd9: {  	_ =	swait.ge [sflag:s8], $0x3800  }
0xda: {  	s17 =	sld [smem:$0x7FD]  }
0xdb: {  	[sflag:s8] =	ssyncset.done $0x0  }
0xdc: {  	s24 =	simm.s32 @!p0 $0x600;
	[sflag:s8] =	ssyncadd.s32 $0xFFFFC800  }
0xdd: {  	[spmem:s17] =	stream.linear.scatter @!p0 [tilespmem:s24], [sflag:$0x13], $0x800, $0x38;
	[tilespmem:$0x1FF80] =	vst v63  }
0xde: {  	s17 =	simm.s32 @!p0 $0x13  }
0xdf: {  	_ =	swait.ge @!p0 [sflag:s17], $0x800  }
0xe0: {  	[sflag:s17] =	ssyncset.done @!p0 $0x0  }
0xe1: {  	[sflag:s17] =	ssyncadd.s32 @!p0 $0xFFFFF800  }
0xe2: {  	[bflag:$0x0] =	sbarrier.arrive $0xFFFF  }
0xe3: {  	s21 =	sld [smem:$0x7F1];
	_ =	sdelay $0x1  }
0xe4: {  	s22 =	sld [smem:$0x7F2]  }
0xe5: {  	[tilespmem:s2], [sflag:$0x1] =	stream.linear.gather [hbm4b:s21+s2], $0x80, $0x38;
	[tilespmem:$0x1FF80] =	vst v63  }
0xe6: {  	_ = 	snop  }
0xe7: {  	[tilespmem:s18], [sflag:$0x7] =	stream.linear.gather [hbm4b:s22+s2], $0x80, $0x38;
	[tilespmem:$0x1FF80] =	vst v63  }
0xe8: {  	s1 =	simm.s32 $0x100;
	s25 =	rddreg [dreg:$0x4]  }
0xe9: {  	[tilespmem:s1], [sflag:$0x2] =	stream.linear.gather [hbm4b:s25+s2], $0x80, $0x38;
	[tilespmem:$0x1FF80] =	vst v63  }
0xea: {  	s8 =	simm.s32 $0x180;
	s26 =	rddreg [dreg:$0x5]  }
0xeb: {  	[tilespmem:s8], [sflag:$0x8] =	stream.linear.gather [hbm4b:s26+s2], $0x80, $0x38;
	[tilespmem:$0x1FF80] =	vst v63  }
0xec: {  	s29 =	simm.s32 $0x200;
	s28 =	rddreg [dreg:$0x6]  }
0xed: {  	[tilespmem:s29], [sflag:$0x3] =	stream.linear.gather [hbm4b:s28+s2], $0x80, $0x38;
	[tilespmem:$0x1FF80] =	vst v63  }
0xee: {  	s30 =	rddreg [dreg:$0x7];
	s29 =	simm.s32 $0x280  }
0xef: {  	[tilespmem:s29], [sflag:$0x9] =	stream.linear.gather [hbm4b:s30+s2], $0x80, $0x38;
	[tilespmem:$0x1FF80] =	vst v63  }
0xf0: {  	s0 =	simm.s32 $0x300;
	s31 =	rddreg [dreg:$0x8]  }
0xf1: {  	[tilespmem:s0], [sflag:$0x4] =	stream.linear.gather [hbm4b:s31+s2], $0x80, $0x38;
	[tilespmem:$0x1FF80] =	vst v63  }
0xf2: {  	s1 =	rddreg [dreg:$0x9];
	s30 =	simm.s32 $0x380  }
0xf3: {  	[tilespmem:s30], [sflag:$0xA] =	stream.linear.gather [hbm4b:s1+s2], $0x80, $0x38;
	[tilespmem:$0x1FF80] =	vst v63  }
0xf4: {  	s17 =	simm.s32 $0x400;
	s12 =	rddreg [dreg:$0xa]  }
0xf5: {  	[tilespmem:s17], [sflag:$0x5] =	stream.linear.gather [hbm4b:s12+s2], $0x80, $0x38;
	[tilespmem:$0x1FF80] =	vst v63  }
0xf6: {  	s20 =	rddreg [dreg:$0xb];
	s25 =	simm.s32 $0x480  }
0xf7: {  	[tilespmem:s25], [sflag:$0xB] =	stream.linear.gather [hbm4b:s20+s2], $0x80, $0x38;
	[tilespmem:$0x1FF80] =	vst v63  }
0xf8: {  	s21 =	rddreg [dreg:$0xc];
	s22 =	simm.s32 $0x500  }
0xf9: {  	[tilespmem:s22], [sflag:$0x6] =	stream.linear.gather [hbm4b:s21+s2], $0x80, $0x38;
	[tilespmem:$0x1FF80] =	vst v63  }
0xfa: {  	s26 =	rddreg [dreg:$0xd];
	s31 =	simm.s32 $0x580  }
0xfb: {  	[tilespmem:s31], [sflag:$0xC] =	stream.linear.gather [hbm4b:s26+s2], $0x80, $0x38;
	[tilespmem:$0x1FF80] =	vst v63  }
0xfc: {  	s31 =	simm.s32 $0x1  }
0xfd: {  	_ =	swait.ge [sflag:s31], $0x80  }
0xfe: {  	[sflag:s31] =	ssyncset.done $0x0  }
0xff: {  	s12 =	simm.s32 $0x2;
	[sflag:s31] =	ssyncadd.s32 $0xFFFFFF80  }
0x100: {  	[tilespmem:s16], [sflag:$0xD] =	stream.indirect.gather [hbm4b:s5+s18], $0x80, s2, s18, $0xb8;
	[tilespmem:$0x1FF80] =	vst v63  }
0x101: {  	_ =	swait.ge [sflag:s12], $0x80  }
0x102: {  	[sflag:s12] =	ssyncset.done $0x0  }
0x103: {  	s7 =	simm.s32 $0x100;
	s1 =	simm.s32 $0x3;
	[sflag:s12] =	ssyncadd.s32 $0xFFFFFF80  }
0x104: {  	[tilespmem:s23], [sflag:$0xE] =	stream.indirect.gather [hbm4b:s5+s18], $0x80, s7, s18, $0xb8;
	[tilespmem:$0x1FF80] =	vst v63  }
0x105: {  	_ =	swait.ge [sflag:s1], $0x80  }
0x106: {  	[sflag:s1] =	ssyncset.done $0x0  }
0x107: {  	s10 =	simm.s32 $0x200;
	[sflag:s1] =	ssyncadd.s32 $0xFFFFFF80  }
0x108: {  	[tilespmem:s3], [sflag:$0xF] =	stream.indirect.gather [hbm4b:s5+s18], $0x80, s10, s18, $0xb8;
	[tilespmem:$0x1FF80] =	vst v63  }
0x109: {  	_ =	swait.ge [sflag:s4], $0x4000  }
0x10a: {  	[sflag:s4] =	ssyncset.done $0x0  }
0x10b: {  	s0 =	simm.s32 $0x7;
	[sflag:s4] =	ssyncadd.s32 $0xFFFFC000  }
0x10c: {  	_ =	swait.ge [sflag:s0], $0x80  }
0x10d: {  	[sflag:s0] =	ssyncset.done $0x0  }
0x10e: {  	[sflag:s0] =	ssyncadd.s32 $0xFFFFFF80  }
0x10f: {  	[spmem:s6] =	stream.indirect.scatter.add.f32 [tilespmem:s16], [sflag:$0x10], $0x80, s18, s18, $0xb8;
	[tilespmem:$0x1FF80] =	vst v63  }
0x110: {  	_ =	swait.ge [sflag:s9], $0x4000  }
0x111: {  	[sflag:s9] =	ssyncset.done $0x0  }
0x112: {  	s0 =	rddreg [dreg:$0xe];
	[sflag:s9] =	ssyncadd.s32 $0xFFFFC000  }
0x113: {  	[tilespmem:s2], [sflag:$0x1] =	stream.linear.gather [hbm4b:s0+s2], $0x80, $0x38;
	[tilespmem:$0x1FF80] =	vst v63  }
0x114: {  	s26 =	simm.s32 $0x4;
	s7 =	rddreg [dreg:$0xf]  }
0x115: {  	[tilespmem:s18], [sflag:$0x7] =	stream.linear.gather [hbm4b:s7+s2], $0x80, $0x38;
	[tilespmem:$0x1FF80] =	vst v63  }
0x116: {  	_ =	swait.ge [sflag:s26], $0x80  }
0x117: {  	[sflag:s26] =	ssyncset.done $0x0  }
0x118: {  	s14 =	simm.s32 $0x300;
	[sflag:s26] =	ssyncadd.s32 $0xFFFFFF80  }
0x119: {  	[tilespmem:s16], [sflag:$0xD] =	stream.indirect.gather [hbm4b:s5+s18], $0x80, s14, s18, $0xb8;
	[tilespmem:$0x1FF80] =	vst v63  }
0x11a: {  	_ =	swait.ge [sflag:s11], $0x4000  }
0x11b: {  	[sflag:s11] =	ssyncset.done $0x0  }
0x11c: {  	s10 =	simm.s32 $0x8;
	[sflag:s11] =	ssyncadd.s32 $0xFFFFC000  }
0x11d: {  	_ =	swait.ge [sflag:s10], $0x80  }
0x11e: {  	[sflag:s10] =	ssyncset.done $0x0  }
0x11f: {  	[sflag:s10] =	ssyncadd.s32 $0xFFFFFF80  }
0x120: {  	[spmem:s6] =	stream.indirect.scatter.add.f32 [tilespmem:s23], [sflag:$0x11], $0x80, s8, s18, $0xb8;
	[tilespmem:$0x1FF80] =	vst v63  }
0x121: {  	_ =	swait.ge [sflag:s13], $0x4000  }
0x122: {  	[sflag:s13] =	ssyncset.done $0x0  }
0x123: {  	s20 =	simm.s32 $0x100;
	s14 =	rddreg [dreg:$0x10];
	[sflag:s13] =	ssyncadd.s32 $0xFFFFC000  }
0x124: {  	[tilespmem:s20], [sflag:$0x2] =	stream.linear.gather [hbm4b:s14+s2], $0x80, $0x38;
	[tilespmem:$0x1FF80] =	vst v63  }
0x125: {  	s21 =	rddreg [dreg:$0x11];
	s14 =	simm.s32 $0x5  }
0x126: {  	[tilespmem:s8], [sflag:$0x8] =	stream.linear.gather [hbm4b:s21+s2], $0x80, $0x38;
	[tilespmem:$0x1FF80] =	vst v63  }
0x127: {  	_ =	swait.ge [sflag:s14], $0x80  }
0x128: {  	[sflag:s14] =	ssyncset.done $0x0  }
0x129: {  	s25 =	simm.s32 $0x400;
	[sflag:s14] =	ssyncadd.s32 $0xFFFFFF80  }
0x12a: {  	[tilespmem:s23], [sflag:$0xE] =	stream.indirect.gather [hbm4b:s5+s18], $0x80, s25, s18, $0xb8;
	[tilespmem:$0x1FF80] =	vst v63  }
0x12b: {  	_ =	swait.ge [sflag:s15], $0x4000  }
0x12c: {  	[sflag:s15] =	ssyncset.done $0x0  }
0x12d: {  	s20 =	simm.s32 $0x9;
	[sflag:s15] =	ssyncadd.s32 $0xFFFFC000  }
0x12e: {  	_ =	swait.ge [sflag:s20], $0x80  }
0x12f: {  	[sflag:s20] =	ssyncset.done $0x0  }
0x130: {  	[sflag:s20] =	ssyncadd.s32 $0xFFFFFF80  }
0x131: {  	[spmem:s6] =	stream.indirect.scatter.add.f32 [tilespmem:s3], [sflag:$0x12], $0x80, s29, s18, $0xb8;
	[tilespmem:$0x1FF80] =	vst v63  }
0x132: {  	_ =	swait.ge [sflag:s19], $0x4000  }
0x133: {  	[sflag:s19] =	ssyncset.done $0x0  }
0x134: {  	s17 =	simm.s32 $0x200;
	s22 =	rddreg [dreg:$0x12];
	[sflag:s19] =	ssyncadd.s32 $0xFFFFC000  }
0x135: {  	[tilespmem:s17], [sflag:$0x3] =	stream.linear.gather [hbm4b:s22+s2], $0x80, $0x38;
	[tilespmem:$0x1FF80] =	vst v63  }
0x136: {  	s0 =	rddreg [dreg:$0x13]  }
0x137: {  	[tilespmem:s29], [sflag:$0x9] =	stream.linear.gather [hbm4b:s0+s2], $0x80, $0x38;
	[tilespmem:$0x1FF80] =	vst v63  }
0x138: {  	s29 =	simm.s32 $0x6  }
0x139: {  	_ =	swait.ge [sflag:s29], $0x80  }
0x13a: {  	[sflag:s29] =	ssyncset.done $0x0  }
0x13b: {  	s28 =	simm.s32 $0x500;
	[sflag:s29] =	ssyncadd.s32 $0xFFFFFF80  }
0x13c: {  	[tilespmem:s3], [sflag:$0xF] =	stream.indirect.gather [hbm4b:s5+s18], $0x80, s28, s18, $0xb8;
	[tilespmem:$0x1FF80] =	vst v63  }
0x13d: {  	_ =	swait.ge [sflag:s4], $0x4000  }
0x13e: {  	[sflag:s4] =	ssyncset.done $0x0  }
0x13f: {  	s10 =	simm.s32 $0xA;
	[sflag:s4] =	ssyncadd.s32 $0xFFFFC000  }
0x140: {  	_ =	swait.ge [sflag:s10], $0x80  }
0x141: {  	[sflag:s10] =	ssyncset.done $0x0  }
0x142: {  	[sflag:s10] =	ssyncadd.s32 $0xFFFFFF80  }
0x143: {  	[spmem:s6] =	stream.indirect.scatter.add.f32 [tilespmem:s16], [sflag:$0x10], $0x80, s30, s18, $0xb8;
	[tilespmem:$0x1FF80] =	vst v63  }
0x144: {  	_ =	swait.ge [sflag:s9], $0x4000  }
0x145: {  	[sflag:s9] =	ssyncset.done $0x0  }
0x146: {  	s7 =	simm.s32 $0x300;
	s8 =	rddreg [dreg:$0x14];
	[sflag:s9] =	ssyncadd.s32 $0xFFFFC000  }
0x147: {  	[tilespmem:s7], [sflag:$0x4] =	stream.linear.gather [hbm4b:s8+s2], $0x80, $0x38;
	[tilespmem:$0x1FF80] =	vst v63  }
0x148: {  	s17 =	rddreg [dreg:$0x15]  }
0x149: {  	[tilespmem:s30], [sflag:$0xA] =	stream.linear.gather [hbm4b:s17+s2], $0x80, $0x38;
	[tilespmem:$0x1FF80] =	vst v63  }
0x14a: {  	_ =	swait.ge [sflag:s31], $0x80  }
0x14b: {  	[sflag:s31] =	ssyncset.done $0x0  }
0x14c: {  	[sflag:s31] =	ssyncadd.s32 $0xFFFFFF80  }
0x14d: {  	[tilespmem:s16], [sflag:$0xD] =	stream.indirect.gather [hbm4b:s5+s18], $0x80, s2, s18, $0xb8;
	[tilespmem:$0x1FF80] =	vst v63  }
0x14e: {  	_ =	swait.ge [sflag:s11], $0x4000  }
0x14f: {  	[sflag:s11] =	ssyncset.done $0x0  }
0x150: {  	s8 =	simm.s32 $0xB;
	[sflag:s11] =	ssyncadd.s32 $0xFFFFC000  }
0x151: {  	_ =	swait.ge [sflag:s8], $0x80  }
0x152: {  	[sflag:s8] =	ssyncset.done $0x0  }
0x153: {  	s21 =	simm.s32 $0x480;
	[sflag:s8] =	ssyncadd.s32 $0xFFFFFF80  }
0x154: {  	[spmem:s6] =	stream.indirect.scatter.add.f32 [tilespmem:s23], [sflag:$0x11], $0x80, s21, s18, $0xb8;
	[tilespmem:$0x1FF80] =	vst v63  }
0x155: {  	_ =	swait.ge [sflag:s13], $0x4000  }
0x156: {  	[sflag:s13] =	ssyncset.done $0x0  }
0x157: {  	s22 =	rddreg [dreg:$0x16];
	[sflag:s13] =	ssyncadd.s32 $0xFFFFC000  }
0x158: {  	[tilespmem:s25], [sflag:$0x5] =	stream.linear.gather [hbm4b:s22+s2], $0x80, $0x38;
	[tilespmem:$0x1FF80] =	vst v63  }
0x159: {  	s28 =	rddreg [dreg:$0x17]  }
0x15a: {  	[tilespmem:s21], [sflag:$0xB] =	stream.linear.gather [hbm4b:s28+s2], $0x80, $0x38;
	[tilespmem:$0x1FF80] =	vst v63  }
0x15b: {  	_ =	swait.ge [sflag:s12], $0x80  }
0x15c: {  	[sflag:s12] =	ssyncset.done $0x0  }
0x15d: {  	s30 =	simm.s32 $0x100;
	[sflag:s12] =	ssyncadd.s32 $0xFFFFFF80  }
0x15e: {  	[tilespmem:s23], [sflag:$0xE] =	stream.indirect.gather [hbm4b:s5+s18], $0x80, s30, s18, $0xb8;
	[tilespmem:$0x1FF80] =	vst v63  }
0x15f: {  	_ =	swait.ge [sflag:s15], $0x4000  }
0x160: {  	[sflag:s15] =	ssyncset.done $0x0  }
0x161: {  	s7 =	simm.s32 $0xC;
	[sflag:s15] =	ssyncadd.s32 $0xFFFFC000  }
0x162: {  	_ =	swait.ge [sflag:s7], $0x80  }
0x163: {  	[sflag:s7] =	ssyncset.done $0x0  }
0x164: {  	s0 =	simm.s32 $0x580;
	[sflag:s7] =	ssyncadd.s32 $0xFFFFFF80  }
0x165: {  	[spmem:s6] =	stream.indirect.scatter.add.f32 [tilespmem:s3], [sflag:$0x12], $0x80, s0, s18, $0xb8;
	[tilespmem:$0x1FF80] =	vst v63  }
0x166: {  	_ =	swait.ge [sflag:s19], $0x4000  }
0x167: {  	[sflag:s19] =	ssyncset.done $0x0  }
0x168: {  	s17 =	simm.s32 $0x500;
	s21 =	rddreg [dreg:$0x18];
	[sflag:s19] =	ssyncadd.s32 $0xFFFFC000  }
0x169: {  	[tilespmem:s17], [sflag:$0x6] =	stream.linear.gather [hbm4b:s21+s2], $0x80, $0x38;
	[tilespmem:$0x1FF80] =	vst v63  }
0x16a: {  	s22 =	rddreg [dreg:$0x19]  }
0x16b: {  	[tilespmem:s0], [sflag:$0xC] =	stream.linear.gather [hbm4b:s22+s2], $0x80, $0x38;
	[tilespmem:$0x1FF80] =	vst v63  }
0x16c: {  	_ =	swait.ge [sflag:s1], $0x80  }
0x16d: {  	[sflag:s1] =	ssyncset.done $0x0  }
0x16e: {  	s28 =	simm.s32 $0x200;
	[sflag:s1] =	ssyncadd.s32 $0xFFFFFF80  }
0x16f: {  	[tilespmem:s3], [sflag:$0xF] =	stream.indirect.gather [hbm4b:s5+s18], $0x80, s28, s18, $0xb8;
	[tilespmem:$0x1FF80] =	vst v63  }
0x170: {  	_ =	swait.ge [sflag:s4], $0x4000  }
0x171: {  	[sflag:s4] =	ssyncset.done $0x0  }
0x172: {  	s25 =	simm.s32 $0x7;
	[sflag:s4] =	ssyncadd.s32 $0xFFFFC000  }
0x173: {  	_ =	swait.ge [sflag:s25], $0x80  }
0x174: {  	[sflag:s25] =	ssyncset.done $0x0  }
0x175: {  	[sflag:s25] =	ssyncadd.s32 $0xFFFFFF80  }
0x176: {  	[spmem:s6] =	stream.indirect.scatter.add.f32 [tilespmem:s16], [sflag:$0x10], $0x80, s18, s18, $0xb8;
	[tilespmem:$0x1FF80] =	vst v63  }
0x177: {  	_ =	swait.ge [sflag:s9], $0x4000  }
0x178: {  	[sflag:s9] =	ssyncset.done $0x0  }
0x179: {  	s1 =	rddreg [dreg:$0x1a];
	[sflag:s9] =	ssyncadd.s32 $0xFFFFC000  }
0x17a: {  	[tilespmem:s2], [sflag:$0x1] =	stream.linear.gather [hbm4b:s1+s2], $0x80, $0x38;
	[tilespmem:$0x1FF80] =	vst v63  }
0x17b: {  	s22 =	rddreg [dreg:$0x1b]  }
0x17c: {  	[tilespmem:s18], [sflag:$0x7] =	stream.linear.gather [hbm4b:s22+s2], $0x80, $0x38;
	[tilespmem:$0x1FF80] =	vst v63  }
0x17d: {  	_ =	swait.ge [sflag:s26], $0x80  }
0x17e: {  	[sflag:s26] =	ssyncset.done $0x0  }
0x17f: {  	s0 =	simm.s32 $0x300;
	[sflag:s26] =	ssyncadd.s32 $0xFFFFFF80  }
0x180: {  	[tilespmem:s16], [sflag:$0xD] =	stream.indirect.gather [hbm4b:s5+s18], $0x80, s0, s18, $0xb8;
	[tilespmem:$0x1FF80] =	vst v63  }
0x181: {  	_ =	swait.ge [sflag:s11], $0x4000  }
0x182: {  	[sflag:s11] =	ssyncset.done $0x0  }
0x183: {  	s25 =	simm.s32 $0x8;
	[sflag:s11] =	ssyncadd.s32 $0xFFFFC000  }
0x184: {  	_ =	swait.ge [sflag:s25], $0x80  }
0x185: {  	[sflag:s25] =	ssyncset.done $0x0  }
0x186: {  	[sflag:s25] =	ssyncadd.s32 $0xFFFFFF80;
	s25 =	simm.s32 $0x180  }
0x187: {  	[spmem:s6] =	stream.indirect.scatter.add.f32 [tilespmem:s23], [sflag:$0x11], $0x80, s25, s18, $0xb8;
	[tilespmem:$0x1FF80] =	vst v63  }
0x188: {  	_ =	swait.ge [sflag:s13], $0x4000  }
0x189: {  	[sflag:s13] =	ssyncset.done $0x0  }
0x18a: {  	s1 =	rddreg [dreg:$0x1c];
	[sflag:s13] =	ssyncadd.s32 $0xFFFFC000  }
0x18b: {  	[tilespmem:s30], [sflag:$0x2] =	stream.linear.gather [hbm4b:s1+s2], $0x80, $0x38;
	[tilespmem:$0x1FF80] =	vst v63  }
0x18c: {  	s1 =	rddreg [dreg:$0x1d]  }
0x18d: {  	[tilespmem:s25], [sflag:$0x8] =	stream.linear.gather [hbm4b:s1+s2], $0x80, $0x38;
	[tilespmem:$0x1FF80] =	vst v63  }
0x18e: {  	_ =	swait.ge [sflag:s14], $0x80  }
0x18f: {  	[sflag:s14] =	ssyncset.done $0x0  }
0x190: {  	s25 =	simm.s32 $0x400;
	[sflag:s14] =	ssyncadd.s32 $0xFFFFFF80  }
0x191: {  	[tilespmem:s23], [sflag:$0xE] =	stream.indirect.gather [hbm4b:s5+s18], $0x80, s25, s18, $0xb8;
	[tilespmem:$0x1FF80] =	vst v63  }
0x192: {  	_ =	swait.ge [sflag:s15], $0x4000  }
0x193: {  	[sflag:s15] =	ssyncset.done $0x0  }
0x194: {  	[sflag:s15] =	ssyncadd.s32 $0xFFFFC000  }
0x195: {  	_ =	swait.ge [sflag:s20], $0x80  }
0x196: {  	[sflag:s20] =	ssyncset.done $0x0  }
0x197: {  	s25 =	simm.s32 $0x280;
	[sflag:s20] =	ssyncadd.s32 $0xFFFFFF80  }
0x198: {  	[spmem:s6] =	stream.indirect.scatter.add.f32 [tilespmem:s3], [sflag:$0x12], $0x80, s25, s18, $0xb8;
	[tilespmem:$0x1FF80] =	vst v63  }
0x199: {  	_ =	swait.ge [sflag:s19], $0x4000  }
0x19a: {  	[sflag:s19] =	ssyncset.done $0x0  }
0x19b: {  	s30 =	rddreg [dreg:$0x1e];
	[sflag:s19] =	ssyncadd.s32 $0xFFFFC000  }
0x19c: {  	[tilespmem:s28], [sflag:$0x3] =	stream.linear.gather [hbm4b:s30+s2], $0x80, $0x38;
	[tilespmem:$0x1FF80] =	vst v63  }
0x19d: {  	s1 =	rddreg [dreg:$0x1f]  }
0x19e: {  	[tilespmem:s25], [sflag:$0x9] =	stream.linear.gather [hbm4b:s1+s2], $0x80, $0x38;
	[tilespmem:$0x1FF80] =	vst v63  }
0x19f: {  	_ =	swait.ge [sflag:s29], $0x80  }
0x1a0: {  	[sflag:s29] =	ssyncset.done $0x0  }
0x1a1: {  	[sflag:s29] =	ssyncadd.s32 $0xFFFFFF80  }
0x1a2: {  	[tilespmem:s3], [sflag:$0xF] =	stream.indirect.gather [hbm4b:s5+s18], $0x80, s17, s18, $0xb8;
	[tilespmem:$0x1FF80] =	vst v63  }
0x1a3: {  	_ =	swait.ge [sflag:s4], $0x4000  }
0x1a4: {  	[sflag:s4] =	ssyncset.done $0x0  }
0x1a5: {  	[sflag:s4] =	ssyncadd.s32 $0xFFFFC000  }
0x1a6: {  	_ =	swait.ge [sflag:s10], $0x80  }
0x1a7: {  	[sflag:s10] =	ssyncset.done $0x0  }
0x1a8: {  	s17 =	simm.s32 $0x380;
	[sflag:s10] =	ssyncadd.s32 $0xFFFFFF80  }
0x1a9: {  	[spmem:s6] =	stream.indirect.scatter.add.f32 [tilespmem:s16], [sflag:$0x10], $0x80, s17, s18, $0xb8;
	[tilespmem:$0x1FF80] =	vst v63  }
0x1aa: {  	_ =	swait.ge [sflag:s9], $0x4000  }
0x1ab: {  	s25 =	sld [smem:$0x773]  }
0x1ac: {  	[sflag:s9] =	ssyncset.done $0x0  }
0x1ad: {  	s28 =	sld [smem:$0x774];
	[sflag:s9] =	ssyncadd.s32 $0xFFFFC000  }
0x1ae: {  	[tilespmem:s0], [sflag:$0x4] =	stream.linear.gather [hbm4b:s25+s2], $0x80, $0x38;
	[tilespmem:$0x1FF80] =	vst v63  }
0x1af: {  	_ = 	snop  }
0x1b0: {  	[tilespmem:s17], [sflag:$0xA] =	stream.linear.gather [hbm4b:s28+s2], $0x80, $0x38;
	[tilespmem:$0x1FF80] =	vst v63  }
0x1b1: {  	_ =	swait.ge [sflag:s31], $0x80  }
0x1b2: {  	[sflag:s31] =	ssyncset.done $0x0  }
0x1b3: {  	[sflag:s31] =	ssyncadd.s32 $0xFFFFFF80  }
0x1b4: {  	[tilespmem:s16], [sflag:$0xD] =	stream.indirect.gather [hbm4b:s5+s18], $0x80, s2, s18, $0xb8;
	[tilespmem:$0x1FF80] =	vst v63  }
0x1b5: {  	_ =	swait.ge [sflag:s11], $0x4000  }
0x1b6: {  	[sflag:s11] =	ssyncset.done $0x0  }
0x1b7: {  	[sflag:s11] =	ssyncadd.s32 $0xFFFFC000  }
0x1b8: {  	_ =	swait.ge [sflag:s8], $0x80  }
0x1b9: {  	[sflag:s8] =	ssyncset.done $0x0  }
0x1ba: {  	s30 =	simm.s32 $0x480;
	[sflag:s8] =	ssyncadd.s32 $0xFFFFFF80  }
0x1bb: {  	[spmem:s6] =	stream.indirect.scatter.add.f32 [tilespmem:s23], [sflag:$0x11], $0x80, s30, s18, $0xb8;
	[tilespmem:$0x1FF80] =	vst v63  }
0x1bc: {  	_ =	swait.ge [sflag:s13], $0x4000  }
0x1bd: {  	s0 =	sld [smem:$0x775]  }
0x1be: {  	[sflag:s13] =	ssyncset.done $0x0  }
0x1bf: {  	s25 =	simm.s32 $0x400;
	s28 =	sld [smem:$0x776];
	[sflag:s13] =	ssyncadd.s32 $0xFFFFC000  }
0x1c0: {  	[tilespmem:s25], [sflag:$0x5] =	stream.linear.gather [hbm4b:s0+s2], $0x80, $0x38;
	[tilespmem:$0x1FF80] =	vst v63  }
0x1c1: {  	_ = 	snop  }
0x1c2: {  	[tilespmem:s30], [sflag:$0xB] =	stream.linear.gather [hbm4b:s28+s2], $0x80, $0x38;
	[tilespmem:$0x1FF80] =	vst v63  }
0x1c3: {  	_ =	swait.ge [sflag:s12], $0x80  }
0x1c4: {  	[sflag:s12] =	ssyncset.done $0x0  }
0x1c5: {  	s0 =	simm.s32 $0x100;
	[sflag:s12] =	ssyncadd.s32 $0xFFFFFF80  }
0x1c6: {  	[tilespmem:s23], [sflag:$0xE] =	stream.indirect.gather [hbm4b:s5+s18], $0x80, s0, s18, $0xb8;
	[tilespmem:$0x1FF80] =	vst v63  }
0x1c7: {  	_ =	swait.ge [sflag:s15], $0x4000  }
0x1c8: {  	[sflag:s15] =	ssyncset.done $0x0  }
0x1c9: {  	[sflag:s15] =	ssyncadd.s32 $0xFFFFC000  }
0x1ca: {  	_ =	swait.ge [sflag:s7], $0x80  }
0x1cb: {  	[sflag:s7] =	ssyncset.done $0x0  }
0x1cc: {  	s17 =	simm.s32 $0x580;
	[sflag:s7] =	ssyncadd.s32 $0xFFFFFF80  }
0x1cd: {  	[spmem:s6] =	stream.indirect.scatter.add.f32 [tilespmem:s3], [sflag:$0x12], $0x80, s17, s18, $0xb8;
	[tilespmem:$0x1FF80] =	vst v63  }
0x1ce: {  	_ =	swait.ge [sflag:s19], $0x4000  }
0x1cf: {  	s30 =	sld [smem:$0x777]  }
0x1d0: {  	[sflag:s19] =	ssyncset.done $0x0  }
0x1d1: {  	s1 =	simm.s32 $0x500;
	s28 =	sld [smem:$0x778];
	[sflag:s19] =	ssyncadd.s32 $0xFFFFC000  }
0x1d2: {  	[tilespmem:s1], [sflag:$0x6] =	stream.linear.gather [hbm4b:s30+s2], $0x80, $0x38;
	[tilespmem:$0x1FF80] =	vst v63  }
0x1d3: {  	s30 =	simm.s32 $0x3  }
0x1d4: {  	[tilespmem:s17], [sflag:$0xC] =	stream.linear.gather [hbm4b:s28+s2], $0x80, $0x38;
	[tilespmem:$0x1FF80] =	vst v63  }
0x1d5: {  	_ =	swait.ge [sflag:s30], $0x80  }
0x1d6: {  	[sflag:s30] =	ssyncset.done $0x0  }
0x1d7: {  	[sflag:s30] =	ssyncadd.s32 $0xFFFFFF80;
	s30 =	simm.s32 $0x200  }
0x1d8: {  	[tilespmem:s3], [sflag:$0xF] =	stream.indirect.gather [hbm4b:s5+s18], $0x80, s30, s18, $0xb8;
	[tilespmem:$0x1FF80] =	vst v63  }
0x1d9: {  	_ =	swait.ge [sflag:s4], $0x4000  }
0x1da: {  	[sflag:s4] =	ssyncset.done $0x0  }
0x1db: {  	s21 =	simm.s32 $0x7;
	[sflag:s4] =	ssyncadd.s32 $0xFFFFC000  }
0x1dc: {  	_ =	swait.ge [sflag:s21], $0x80  }
0x1dd: {  	[sflag:s21] =	ssyncset.done $0x0  }
0x1de: {  	[sflag:s21] =	ssyncadd.s32 $0xFFFFFF80  }
0x1df: {  	[spmem:s6] =	stream.indirect.scatter.add.f32 [tilespmem:s16], [sflag:$0x10], $0x80, s18, s18, $0xb8;
	[tilespmem:$0x1FF80] =	vst v63  }
0x1e0: {  	_ =	swait.ge [sflag:s9], $0x4000  }
0x1e1: {  	s17 =	sld [smem:$0x779]  }
0x1e2: {  	[sflag:s9] =	ssyncset.done $0x0  }
0x1e3: {  	s21 =	sld [smem:$0x77A];
	[sflag:s9] =	ssyncadd.s32 $0xFFFFC000  }
0x1e4: {  	[tilespmem:s2], [sflag:$0x1] =	stream.linear.gather [hbm4b:s17+s2], $0x80, $0x38;
	[tilespmem:$0x1FF80] =	vst v63  }
0x1e5: {  	_ = 	snop  }
0x1e6: {  	[tilespmem:s18], [sflag:$0x7] =	stream.linear.gather [hbm4b:s21+s2], $0x80, $0x38;
	[tilespmem:$0x1FF80] =	vst v63  }
0x1e7: {  	_ =	swait.ge [sflag:s26], $0x80  }
0x1e8: {  	[sflag:s26] =	ssyncset.done $0x0  }
0x1e9: {  	s17 =	simm.s32 $0x300;
	[sflag:s26] =	ssyncadd.s32 $0xFFFFFF80  }
0x1ea: {  	[tilespmem:s16], [sflag:$0xD] =	stream.indirect.gather [hbm4b:s5+s18], $0x80, s17, s18, $0xb8;
	[tilespmem:$0x1FF80] =	vst v63  }
0x1eb: {  	_ =	swait.ge [sflag:s11], $0x4000  }
0x1ec: {  	[sflag:s11] =	ssyncset.done $0x0  }
0x1ed: {  	s22 =	simm.s32 $0x8;
	[sflag:s11] =	ssyncadd.s32 $0xFFFFC000  }
0x1ee: {  	_ =	swait.ge [sflag:s22], $0x80  }
0x1ef: {  	[sflag:s22] =	ssyncset.done $0x0  }
0x1f0: {  	s21 =	simm.s32 $0x180;
	[sflag:s22] =	ssyncadd.s32 $0xFFFFFF80  }
0x1f1: {  	[spmem:s6] =	stream.indirect.scatter.add.f32 [tilespmem:s23], [sflag:$0x11], $0x80, s21, s18, $0xb8;
	[tilespmem:$0x1FF80] =	vst v63  }
0x1f2: {  	_ =	swait.ge [sflag:s13], $0x4000  }
0x1f3: {  	s1 =	sld [smem:$0x77B]  }
0x1f4: {  	[sflag:s13] =	ssyncset.done $0x0  }
0x1f5: {  	[sflag:s13] =	ssyncadd.s32 $0xFFFFC000  }
0x1f6: {  	[tilespmem:s0], [sflag:$0x2] =	stream.linear.gather [hbm4b:s1+s2], $0x80, $0x38;
	[tilespmem:$0x1FF80] =	vst v63  }
0x1f7: {  	s0 =	sld [smem:$0x77C];
	_ =	sdelay $0x2  }
0x1f8: {  	[tilespmem:s21], [sflag:$0x8] =	stream.linear.gather [hbm4b:s0+s2], $0x80, $0x38;
	[tilespmem:$0x1FF80] =	vst v63  }
0x1f9: {  	_ =	swait.ge [sflag:s14], $0x80  }
0x1fa: {  	[sflag:s14] =	ssyncset.done $0x0  }
0x1fb: {  	[sflag:s14] =	ssyncadd.s32 $0xFFFFFF80  }
0x1fc: {  	[tilespmem:s23], [sflag:$0xE] =	stream.indirect.gather [hbm4b:s5+s18], $0x80, s25, s18, $0xb8;
	[tilespmem:$0x1FF80] =	vst v63  }
0x1fd: {  	_ =	swait.ge [sflag:s15], $0x4000  }
0x1fe: {  	[sflag:s15] =	ssyncset.done $0x0  }
0x1ff: {  	[sflag:s15] =	ssyncadd.s32 $0xFFFFC000  }
0x200: {  	_ =	swait.ge [sflag:s20], $0x80  }
0x201: {  	[sflag:s20] =	ssyncset.done $0x0  }
0x202: {  	s21 =	simm.s32 $0x280;
	[sflag:s20] =	ssyncadd.s32 $0xFFFFFF80  }
0x203: {  	[spmem:s6] =	stream.indirect.scatter.add.f32 [tilespmem:s3], [sflag:$0x12], $0x80, s21, s18, $0xb8;
	[tilespmem:$0x1FF80] =	vst v63  }
0x204: {  	_ =	swait.ge [sflag:s19], $0x4000  }
0x205: {  	s1 =	sld [smem:$0x77D]  }
0x206: {  	[sflag:s19] =	ssyncset.done $0x0  }
0x207: {  	s25 =	sld [smem:$0x77E];
	[sflag:s19] =	ssyncadd.s32 $0xFFFFC000  }
0x208: {  	[tilespmem:s30], [sflag:$0x3] =	stream.linear.gather [hbm4b:s1+s2], $0x80, $0x38;
	[tilespmem:$0x1FF80] =	vst v63  }
0x209: {  	_ = 	snop  }
0x20a: {  	[tilespmem:s21], [sflag:$0x9] =	stream.linear.gather [hbm4b:s25+s2], $0x80, $0x38;
	[tilespmem:$0x1FF80] =	vst v63  }
0x20b: {  	_ =	swait.ge [sflag:s29], $0x80  }
0x20c: {  	[sflag:s29] =	ssyncset.done $0x0  }
0x20d: {  	s25 =	simm.s32 $0x500;
	[sflag:s29] =	ssyncadd.s32 $0xFFFFFF80  }
0x20e: {  	[tilespmem:s3], [sflag:$0xF] =	stream.indirect.gather [hbm4b:s5+s18], $0x80, s25, s18, $0xb8;
	[tilespmem:$0x1FF80] =	vst v63  }
0x20f: {  	_ =	swait.ge [sflag:s4], $0x4000  }
0x210: {  	[sflag:s4] =	ssyncset.done $0x0  }
0x211: {  	[sflag:s4] =	ssyncadd.s32 $0xFFFFC000  }
0x212: {  	_ =	swait.ge [sflag:s10], $0x80  }
0x213: {  	[sflag:s10] =	ssyncset.done $0x0  }
0x214: {  	s30 =	simm.s32 $0x380;
	[sflag:s10] =	ssyncadd.s32 $0xFFFFFF80  }
0x215: {  	[spmem:s6] =	stream.indirect.scatter.add.f32 [tilespmem:s16], [sflag:$0x10], $0x80, s30, s18, $0xb8;
	[tilespmem:$0x1FF80] =	vst v63  }
0x216: {  	_ =	swait.ge [sflag:s9], $0x4000  }
0x217: {  	s1 =	sld [smem:$0x77F]  }
0x218: {  	[sflag:s9] =	ssyncset.done $0x0  }
0x219: {  	[sflag:s9] =	ssyncadd.s32 $0xFFFFC000  }
0x21a: {  	[tilespmem:s17], [sflag:$0x4] =	stream.linear.gather [hbm4b:s1+s2], $0x80, $0x38;
	[tilespmem:$0x1FF80] =	vst v63  }
0x21b: {  	s17 =	sld [smem:$0x780];
	_ =	sdelay $0x2  }
0x21c: {  	[tilespmem:s30], [sflag:$0xA] =	stream.linear.gather [hbm4b:s17+s2], $0x80, $0x38;
	[tilespmem:$0x1FF80] =	vst v63  }
0x21d: {  	_ =	swait.ge [sflag:s31], $0x80  }
0x21e: {  	[sflag:s31] =	ssyncset.done $0x0  }
0x21f: {  	[sflag:s31] =	ssyncadd.s32 $0xFFFFFF80  }
0x220: {  	[tilespmem:s16], [sflag:$0xD] =	stream.indirect.gather [hbm4b:s5+s18], $0x80, s2, s18, $0xb8;
	[tilespmem:$0x1FF80] =	vst v63  }
0x221: {  	_ =	swait.ge [sflag:s11], $0x4000  }
0x222: {  	[sflag:s11] =	ssyncset.done $0x0  }
0x223: {  	[sflag:s11] =	ssyncadd.s32 $0xFFFFC000  }
0x224: {  	_ =	swait.ge [sflag:s8], $0x80  }
0x225: {  	[sflag:s8] =	ssyncset.done $0x0  }
0x226: {  	s21 =	simm.s32 $0x480;
	[sflag:s8] =	ssyncadd.s32 $0xFFFFFF80  }
0x227: {  	[spmem:s6] =	stream.indirect.scatter.add.f32 [tilespmem:s23], [sflag:$0x11], $0x80, s21, s18, $0xb8;
	[tilespmem:$0x1FF80] =	vst v63  }
0x228: {  	_ =	swait.ge [sflag:s13], $0x4000  }
0x229: {  	s30 =	sld [smem:$0x781]  }
0x22a: {  	[sflag:s13] =	ssyncset.done $0x0  }
0x22b: {  	s0 =	simm.s32 $0x400;
	s17 =	sld [smem:$0x782];
	[sflag:s13] =	ssyncadd.s32 $0xFFFFC000  }
0x22c: {  	[tilespmem:s0], [sflag:$0x5] =	stream.linear.gather [hbm4b:s30+s2], $0x80, $0x38;
	[tilespmem:$0x1FF80] =	vst v63  }
0x22d: {  	_ = 	snop  }
0x22e: {  	[tilespmem:s21], [sflag:$0xB] =	stream.linear.gather [hbm4b:s17+s2], $0x80, $0x38;
	[tilespmem:$0x1FF80] =	vst v63  }
0x22f: {  	_ =	swait.ge [sflag:s12], $0x80  }
0x230: {  	[sflag:s12] =	ssyncset.done $0x0  }
0x231: {  	s24 =	simm.s32 $0x100;
	[sflag:s12] =	ssyncadd.s32 $0xFFFFFF80  }
0x232: {  	[tilespmem:s23], [sflag:$0xE] =	stream.indirect.gather [hbm4b:s5+s18], $0x80, s24, s18, $0xb8;
	[tilespmem:$0x1FF80] =	vst v63  }
0x233: {  	_ =	swait.ge [sflag:s15], $0x4000  }
0x234: {  	[sflag:s15] =	ssyncset.done $0x0  }
0x235: {  	[sflag:s15] =	ssyncadd.s32 $0xFFFFC000  }
0x236: {  	_ =	swait.ge [sflag:s7], $0x80  }
0x237: {  	[sflag:s7] =	ssyncset.done $0x0  }
0x238: {  	s30 =	simm.s32 $0x580;
	[sflag:s7] =	ssyncadd.s32 $0xFFFFFF80  }
0x239: {  	[spmem:s6] =	stream.indirect.scatter.add.f32 [tilespmem:s3], [sflag:$0x12], $0x80, s30, s18, $0xb8;
	[tilespmem:$0x1FF80] =	vst v63  }
0x23a: {  	_ =	swait.ge [sflag:s19], $0x4000  }
0x23b: {  	s0 =	sld [smem:$0x783]  }
0x23c: {  	[sflag:s19] =	ssyncset.done $0x0  }
0x23d: {  	s17 =	sld [smem:$0x784];
	[sflag:s19] =	ssyncadd.s32 $0xFFFFC000  }
0x23e: {  	[tilespmem:s25], [sflag:$0x6] =	stream.linear.gather [hbm4b:s0+s2], $0x80, $0x38;
	[tilespmem:$0x1FF80] =	vst v63  }
0x23f: {  	s28 =	simm.s32 $0x3  }
0x240: {  	[tilespmem:s30], [sflag:$0xC] =	stream.linear.gather [hbm4b:s17+s2], $0x80, $0x38;
	[tilespmem:$0x1FF80] =	vst v63  }
0x241: {  	_ =	swait.ge [sflag:s28], $0x80  }
0x242: {  	[sflag:s28] =	ssyncset.done $0x0  }
0x243: {  	s21 =	simm.s32 $0x200;
	[sflag:s28] =	ssyncadd.s32 $0xFFFFFF80  }
0x244: {  	[tilespmem:s3], [sflag:$0xF] =	stream.indirect.gather [hbm4b:s5+s18], $0x80, s21, s18, $0xb8;
	[tilespmem:$0x1FF80] =	vst v63  }
0x245: {  	_ =	swait.ge [sflag:s4], $0x4000  }
0x246: {  	[sflag:s4] =	ssyncset.done $0x0  }
0x247: {  	s25 =	simm.s32 $0x7;
	[sflag:s4] =	ssyncadd.s32 $0xFFFFC000  }
0x248: {  	_ =	swait.ge [sflag:s25], $0x80  }
0x249: {  	[sflag:s25] =	ssyncset.done $0x0  }
0x24a: {  	[sflag:s25] =	ssyncadd.s32 $0xFFFFFF80  }
0x24b: {  	[spmem:s6] =	stream.indirect.scatter.add.f32 [tilespmem:s16], [sflag:$0x10], $0x80, s18, s18, $0xb8;
	[tilespmem:$0x1FF80] =	vst v63  }
0x24c: {  	_ =	swait.ge [sflag:s9], $0x4000  }
0x24d: {  	s30 =	sld [smem:$0x785]  }
0x24e: {  	[sflag:s9] =	ssyncset.done $0x0  }
0x24f: {  	s0 =	sld [smem:$0x786];
	[sflag:s9] =	ssyncadd.s32 $0xFFFFC000  }
0x250: {  	[tilespmem:s2], [sflag:$0x1] =	stream.linear.gather [hbm4b:s30+s2], $0x80, $0x38;
	[tilespmem:$0x1FF80] =	vst v63  }
0x251: {  	_ = 	snop  }
0x252: {  	[tilespmem:s18], [sflag:$0x7] =	stream.linear.gather [hbm4b:s0+s2], $0x80, $0x38;
	[tilespmem:$0x1FF80] =	vst v63  }
0x253: {  	_ =	swait.ge [sflag:s26], $0x80  }
0x254: {  	[sflag:s26] =	ssyncset.done $0x0  }
0x255: {  	s1 =	simm.s32 $0x300;
	[sflag:s26] =	ssyncadd.s32 $0xFFFFFF80  }
0x256: {  	[tilespmem:s16], [sflag:$0xD] =	stream.indirect.gather [hbm4b:s5+s18], $0x80, s1, s18, $0xb8;
	[tilespmem:$0x1FF80] =	vst v63  }
0x257: {  	_ =	swait.ge [sflag:s11], $0x4000  }
0x258: {  	[sflag:s11] =	ssyncset.done $0x0  }
0x259: {  	[sflag:s11] =	ssyncadd.s32 $0xFFFFC000  }
0x25a: {  	_ =	swait.ge [sflag:s22], $0x80  }
0x25b: {  	[sflag:s22] =	ssyncset.done $0x0  }
0x25c: {  	s0 =	simm.s32 $0x180;
	[sflag:s22] =	ssyncadd.s32 $0xFFFFFF80  }
0x25d: {  	[spmem:s6] =	stream.indirect.scatter.add.f32 [tilespmem:s23], [sflag:$0x11], $0x80, s0, s18, $0xb8;
	[tilespmem:$0x1FF80] =	vst v63  }
0x25e: {  	_ =	swait.ge [sflag:s13], $0x4000  }
0x25f: {  	s1 =	sld [smem:$0x787]  }
0x260: {  	[sflag:s13] =	ssyncset.done $0x0  }
0x261: {  	s17 =	simm.s32 $0x100;
	[sflag:s13] =	ssyncadd.s32 $0xFFFFC000  }
0x262: {  	[tilespmem:s17], [sflag:$0x2] =	stream.linear.gather [hbm4b:s1+s2], $0x80, $0x38;
	[tilespmem:$0x1FF80] =	vst v63  }
0x263: {  	s1 =	sld [smem:$0x788];
	_ =	sdelay $0x2  }
0x264: {  	[tilespmem:s0], [sflag:$0x8] =	stream.linear.gather [hbm4b:s1+s2], $0x80, $0x38;
	[tilespmem:$0x1FF80] =	vst v63  }
0x265: {  	_ =	swait.ge [sflag:s14], $0x80  }
0x266: {  	[sflag:s14] =	ssyncset.done $0x0  }
0x267: {  	s1 =	simm.s32 $0x400;
	[sflag:s14] =	ssyncadd.s32 $0xFFFFFF80  }
0x268: {  	[tilespmem:s23], [sflag:$0xE] =	stream.indirect.gather [hbm4b:s5+s18], $0x80, s1, s18, $0xb8;
	[tilespmem:$0x1FF80] =	vst v63  }
0x269: {  	_ =	swait.ge [sflag:s15], $0x4000  }
0x26a: {  	[sflag:s15] =	ssyncset.done $0x0  }
0x26b: {  	[sflag:s15] =	ssyncadd.s32 $0xFFFFC000  }
0x26c: {  	_ =	swait.ge [sflag:s20], $0x80  }
0x26d: {  	[sflag:s20] =	ssyncset.done $0x0  }
0x26e: {  	s0 =	simm.s32 $0x280;
	[sflag:s20] =	ssyncadd.s32 $0xFFFFFF80  }
0x26f: {  	[spmem:s6] =	stream.indirect.scatter.add.f32 [tilespmem:s3], [sflag:$0x12], $0x80, s0, s18, $0xb8;
	[tilespmem:$0x1FF80] =	vst v63  }
0x270: {  	_ =	swait.ge [sflag:s19], $0x4000  }
0x271: {  	s24 =	sld [smem:$0x789]  }
0x272: {  	[sflag:s19] =	ssyncset.done $0x0  }
0x273: {  	[sflag:s19] =	ssyncadd.s32 $0xFFFFC000  }
0x274: {  	[tilespmem:s21], [sflag:$0x3] =	stream.linear.gather [hbm4b:s24+s2], $0x80, $0x38;
	[tilespmem:$0x1FF80] =	vst v63  }
0x275: {  	s21 =	sld [smem:$0x78A];
	_ =	sdelay $0x2  }
0x276: {  	[tilespmem:s0], [sflag:$0x9] =	stream.linear.gather [hbm4b:s21+s2], $0x80, $0x38;
	[tilespmem:$0x1FF80] =	vst v63  }
0x277: {  	_ =	swait.ge [sflag:s29], $0x80  }
0x278: {  	[sflag:s29] =	ssyncset.done $0x0  }
0x279: {  	s21 =	simm.s32 $0x500;
	[sflag:s29] =	ssyncadd.s32 $0xFFFFFF80  }
0x27a: {  	[tilespmem:s3], [sflag:$0xF] =	stream.indirect.gather [hbm4b:s5+s18], $0x80, s21, s18, $0xb8;
	[tilespmem:$0x1FF80] =	vst v63  }
0x27b: {  	_ =	swait.ge [sflag:s4], $0x4000  }
0x27c: {  	[sflag:s4] =	ssyncset.done $0x0  }
0x27d: {  	[sflag:s4] =	ssyncadd.s32 $0xFFFFC000  }
0x27e: {  	_ =	swait.ge [sflag:s10], $0x80  }
0x27f: {  	[sflag:s10] =	ssyncset.done $0x0  }
0x280: {  	s0 =	simm.s32 $0x380;
	[sflag:s10] =	ssyncadd.s32 $0xFFFFFF80  }
0x281: {  	[spmem:s6] =	stream.indirect.scatter.add.f32 [tilespmem:s16], [sflag:$0x10], $0x80, s0, s18, $0xb8;
	[tilespmem:$0x1FF80] =	vst v63  }
0x282: {  	_ =	swait.ge [sflag:s9], $0x4000  }
0x283: {  	s24 =	sld [smem:$0x78B]  }
0x284: {  	[sflag:s9] =	ssyncset.done $0x0  }
0x285: {  	s30 =	simm.s32 $0x300;
	[sflag:s9] =	ssyncadd.s32 $0xFFFFC000  }
0x286: {  	[tilespmem:s30], [sflag:$0x4] =	stream.linear.gather [hbm4b:s24+s2], $0x80, $0x38;
	[tilespmem:$0x1FF80] =	vst v63  }
0x287: {  	s24 =	sld [smem:$0x78C];
	_ =	sdelay $0x2  }
0x288: {  	[tilespmem:s0], [sflag:$0xA] =	stream.linear.gather [hbm4b:s24+s2], $0x80, $0x38;
	[tilespmem:$0x1FF80] =	vst v63  }
0x289: {  	_ =	swait.ge [sflag:s31], $0x80  }
0x28a: {  	[sflag:s31] =	ssyncset.done $0x0  }
0x28b: {  	[sflag:s31] =	ssyncadd.s32 $0xFFFFFF80  }
0x28c: {  	[tilespmem:s16], [sflag:$0xD] =	stream.indirect.gather [hbm4b:s5+s18], $0x80, s2, s18, $0xb8;
	[tilespmem:$0x1FF80] =	vst v63  }
0x28d: {  	_ =	swait.ge [sflag:s11], $0x4000  }
0x28e: {  	[sflag:s11] =	ssyncset.done $0x0  }
0x28f: {  	[sflag:s11] =	ssyncadd.s32 $0xFFFFC000  }
0x290: {  	_ =	swait.ge [sflag:s8], $0x80  }
0x291: {  	[sflag:s8] =	ssyncset.done $0x0  }
0x292: {  	s0 =	simm.s32 $0x480;
	[sflag:s8] =	ssyncadd.s32 $0xFFFFFF80  }
0x293: {  	[spmem:s6] =	stream.indirect.scatter.add.f32 [tilespmem:s23], [sflag:$0x11], $0x80, s0, s18, $0xb8;
	[tilespmem:$0x1FF80] =	vst v63  }
0x294: {  	_ =	swait.ge [sflag:s13], $0x4000  }
0x295: {  	s24 =	sld [smem:$0x78D]  }
0x296: {  	[sflag:s13] =	ssyncset.done $0x0  }
0x297: {  	[sflag:s13] =	ssyncadd.s32 $0xFFFFC000  }
0x298: {  	[tilespmem:s1], [sflag:$0x5] =	stream.linear.gather [hbm4b:s24+s2], $0x80, $0x38;
	[tilespmem:$0x1FF80] =	vst v63  }
0x299: {  	s24 =	sld [smem:$0x78E];
	_ =	sdelay $0x2  }
0x29a: {  	[tilespmem:s0], [sflag:$0xB] =	stream.linear.gather [hbm4b:s24+s2], $0x80, $0x38;
	[tilespmem:$0x1FF80] =	vst v63  }
0x29b: {  	_ =	swait.ge [sflag:s12], $0x80  }
0x29c: {  	[sflag:s12] =	ssyncset.done $0x0  }
0x29d: {  	[sflag:s12] =	ssyncadd.s32 $0xFFFFFF80  }
0x29e: {  	[tilespmem:s23], [sflag:$0xE] =	stream.indirect.gather [hbm4b:s5+s18], $0x80, s17, s18, $0xb8;
	[tilespmem:$0x1FF80] =	vst v63  }
0x29f: {  	_ =	swait.ge [sflag:s15], $0x4000  }
0x2a0: {  	[sflag:s15] =	ssyncset.done $0x0  }
0x2a1: {  	[sflag:s15] =	ssyncadd.s32 $0xFFFFC000  }
0x2a2: {  	_ =	swait.ge [sflag:s7], $0x80  }
0x2a3: {  	[sflag:s7] =	ssyncset.done $0x0  }
0x2a4: {  	s0 =	simm.s32 $0x580;
	[sflag:s7] =	ssyncadd.s32 $0xFFFFFF80  }
0x2a5: {  	[spmem:s6] =	stream.indirect.scatter.add.f32 [tilespmem:s3], [sflag:$0x12], $0x80, s0, s18, $0xb8;
	[tilespmem:$0x1FF80] =	vst v63  }
0x2a6: {  	_ =	swait.ge [sflag:s19], $0x4000  }
0x2a7: {  	s24 =	sld [smem:$0x78F]  }
0x2a8: {  	[sflag:s19] =	ssyncset.done $0x0  }
0x2a9: {  	[sflag:s19] =	ssyncadd.s32 $0xFFFFC000  }
0x2aa: {  	[tilespmem:s21], [sflag:$0x6] =	stream.linear.gather [hbm4b:s24+s2], $0x80, $0x38;
	[tilespmem:$0x1FF80] =	vst v63  }
0x2ab: {  	s21 =	sld [smem:$0x790];
	_ =	sdelay $0x2  }
0x2ac: {  	[tilespmem:s0], [sflag:$0xC] =	stream.linear.gather [hbm4b:s21+s2], $0x80, $0x38;
	[tilespmem:$0x1FF80] =	vst v63  }
0x2ad: {  	_ =	swait.ge [sflag:s28], $0x80  }
0x2ae: {  	[sflag:s28] =	ssyncset.done $0x0  }
0x2af: {  	s0 =	simm.s32 $0x200;
	[sflag:s28] =	ssyncadd.s32 $0xFFFFFF80  }
0x2b0: {  	[tilespmem:s3], [sflag:$0xF] =	stream.indirect.gather [hbm4b:s5+s18], $0x80, s0, s18, $0xb8;
	[tilespmem:$0x1FF80] =	vst v63  }
0x2b1: {  	_ =	swait.ge [sflag:s4], $0x4000  }
0x2b2: {  	[sflag:s4] =	ssyncset.done $0x0  }
0x2b3: {  	s25 =	simm.s32 $0x7;
	[sflag:s4] =	ssyncadd.s32 $0xFFFFC000  }
0x2b4: {  	_ =	swait.ge [sflag:s25], $0x80  }
0x2b5: {  	[sflag:s25] =	ssyncset.done $0x0  }
0x2b6: {  	[sflag:s25] =	ssyncadd.s32 $0xFFFFFF80  }
0x2b7: {  	[spmem:s6] =	stream.indirect.scatter.add.f32 [tilespmem:s16], [sflag:$0x10], $0x80, s18, s18, $0xb8;
	[tilespmem:$0x1FF80] =	vst v63  }
0x2b8: {  	_ =	swait.ge [sflag:s9], $0x4000  }
0x2b9: {  	s25 =	sld [smem:$0x791]  }
0x2ba: {  	[sflag:s9] =	ssyncset.done $0x0  }
0x2bb: {  	s21 =	sld [smem:$0x792];
	[sflag:s9] =	ssyncadd.s32 $0xFFFFC000  }
0x2bc: {  	[tilespmem:s2], [sflag:$0x1] =	stream.linear.gather [hbm4b:s25+s2], $0x80, $0x38;
	[tilespmem:$0x1FF80] =	vst v63  }
0x2bd: {  	_ = 	snop  }
0x2be: {  	[tilespmem:s18], [sflag:$0x7] =	stream.linear.gather [hbm4b:s21+s2], $0x80, $0x38;
	[tilespmem:$0x1FF80] =	vst v63  }
0x2bf: {  	_ =	swait.ge [sflag:s26], $0x80  }
0x2c0: {  	[sflag:s26] =	ssyncset.done $0x0  }
0x2c1: {  	s30 =	simm.s32 $0x300;
	[sflag:s26] =	ssyncadd.s32 $0xFFFFFF80  }
0x2c2: {  	[tilespmem:s16], [sflag:$0xD] =	stream.indirect.gather [hbm4b:s5+s18], $0x80, s30, s18, $0xb8;
	[tilespmem:$0x1FF80] =	vst v63  }
0x2c3: {  	_ =	swait.ge [sflag:s11], $0x4000  }
0x2c4: {  	[sflag:s11] =	ssyncset.done $0x0  }
0x2c5: {  	[sflag:s11] =	ssyncadd.s32 $0xFFFFC000  }
0x2c6: {  	_ =	swait.ge [sflag:s22], $0x80  }
0x2c7: {  	[sflag:s22] =	ssyncset.done $0x0  }
0x2c8: {  	s30 =	simm.s32 $0x180;
	[sflag:s22] =	ssyncadd.s32 $0xFFFFFF80  }
0x2c9: {  	[spmem:s6] =	stream.indirect.scatter.add.f32 [tilespmem:s23], [sflag:$0x11], $0x80, s30, s18, $0xb8;
	[tilespmem:$0x1FF80] =	vst v63  }
0x2ca: {  	_ =	swait.ge [sflag:s13], $0x4000  }
0x2cb: {  	s25 =	sld [smem:$0x793]  }
0x2cc: {  	[sflag:s13] =	ssyncset.done $0x0  }
0x2cd: {  	s17 =	simm.s32 $0x100;
	[sflag:s13] =	ssyncadd.s32 $0xFFFFC000  }
0x2ce: {  	[tilespmem:s17], [sflag:$0x2] =	stream.linear.gather [hbm4b:s25+s2], $0x80, $0x38;
	[tilespmem:$0x1FF80] =	vst v63  }
0x2cf: {  	s17 =	sld [smem:$0x794];
	_ =	sdelay $0x2  }
0x2d0: {  	[tilespmem:s30], [sflag:$0x8] =	stream.linear.gather [hbm4b:s17+s2], $0x80, $0x38;
	[tilespmem:$0x1FF80] =	vst v63  }
0x2d1: {  	_ =	swait.ge [sflag:s14], $0x80  }
0x2d2: {  	[sflag:s14] =	ssyncset.done $0x0  }
0x2d3: {  	s1 =	simm.s32 $0x400;
	[sflag:s14] =	ssyncadd.s32 $0xFFFFFF80  }
0x2d4: {  	[tilespmem:s23], [sflag:$0xE] =	stream.indirect.gather [hbm4b:s5+s18], $0x80, s1, s18, $0xb8;
	[tilespmem:$0x1FF80] =	vst v63  }
0x2d5: {  	_ =	swait.ge [sflag:s15], $0x4000  }
0x2d6: {  	[sflag:s15] =	ssyncset.done $0x0  }
0x2d7: {  	[sflag:s15] =	ssyncadd.s32 $0xFFFFC000  }
0x2d8: {  	_ =	swait.ge [sflag:s20], $0x80  }
0x2d9: {  	[sflag:s20] =	ssyncset.done $0x0  }
0x2da: {  	s17 =	simm.s32 $0x280;
	[sflag:s20] =	ssyncadd.s32 $0xFFFFFF80  }
0x2db: {  	[spmem:s6] =	stream.indirect.scatter.add.f32 [tilespmem:s3], [sflag:$0x12], $0x80, s17, s18, $0xb8;
	[tilespmem:$0x1FF80] =	vst v63  }
0x2dc: {  	_ =	swait.ge [sflag:s19], $0x4000  }
0x2dd: {  	s30 =	sld [smem:$0x795]  }
0x2de: {  	[sflag:s19] =	ssyncset.done $0x0  }
0x2df: {  	[sflag:s19] =	ssyncadd.s32 $0xFFFFC000  }
0x2e0: {  	[tilespmem:s0], [sflag:$0x3] =	stream.linear.gather [hbm4b:s30+s2], $0x80, $0x38;
	[tilespmem:$0x1FF80] =	vst v63  }
0x2e1: {  	s0 =	sld [smem:$0x796];
	_ =	sdelay $0x2  }
0x2e2: {  	[tilespmem:s17], [sflag:$0x9] =	stream.linear.gather [hbm4b:s0+s2], $0x80, $0x38;
	[tilespmem:$0x1FF80] =	vst v63  }
0x2e3: {  	_ =	swait.ge [sflag:s29], $0x80  }
0x2e4: {  	[sflag:s29] =	ssyncset.done $0x0  }
0x2e5: {  	s24 =	simm.s32 $0x500;
	[sflag:s29] =	ssyncadd.s32 $0xFFFFFF80  }
0x2e6: {  	[tilespmem:s3], [sflag:$0xF] =	stream.indirect.gather [hbm4b:s5+s18], $0x80, s24, s18, $0xb8;
	[tilespmem:$0x1FF80] =	vst v63  }
0x2e7: {  	_ =	swait.ge [sflag:s4], $0x4000  }
0x2e8: {  	[sflag:s4] =	ssyncset.done $0x0  }
0x2e9: {  	[sflag:s4] =	ssyncadd.s32 $0xFFFFC000  }
0x2ea: {  	_ =	swait.ge [sflag:s10], $0x80  }
0x2eb: {  	[sflag:s10] =	ssyncset.done $0x0  }
0x2ec: {  	s0 =	simm.s32 $0x380;
	[sflag:s10] =	ssyncadd.s32 $0xFFFFFF80  }
0x2ed: {  	[spmem:s6] =	stream.indirect.scatter.add.f32 [tilespmem:s16], [sflag:$0x10], $0x80, s0, s18, $0xb8;
	[tilespmem:$0x1FF80] =	vst v63  }
0x2ee: {  	_ =	swait.ge [sflag:s9], $0x4000  }
0x2ef: {  	s30 =	sld [smem:$0x797]  }
0x2f0: {  	[sflag:s9] =	ssyncset.done $0x0  }
0x2f1: {  	s21 =	simm.s32 $0x300;
	[sflag:s9] =	ssyncadd.s32 $0xFFFFC000  }
0x2f2: {  	[tilespmem:s21], [sflag:$0x4] =	stream.linear.gather [hbm4b:s30+s2], $0x80, $0x38;
	[tilespmem:$0x1FF80] =	vst v63  }
0x2f3: {  	s21 =	sld [smem:$0x798];
	_ =	sdelay $0x2  }
0x2f4: {  	[tilespmem:s0], [sflag:$0xA] =	stream.linear.gather [hbm4b:s21+s2], $0x80, $0x38;
	[tilespmem:$0x1FF80] =	vst v63  }
0x2f5: {  	_ =	swait.ge [sflag:s31], $0x80  }
0x2f6: {  	[sflag:s31] =	ssyncset.done $0x0  }
0x2f7: {  	[sflag:s31] =	ssyncadd.s32 $0xFFFFFF80  }
0x2f8: {  	[tilespmem:s16], [sflag:$0xD] =	stream.indirect.gather [hbm4b:s5+s18], $0x80, s2, s18, $0xb8;
	[tilespmem:$0x1FF80] =	vst v63  }
0x2f9: {  	_ =	swait.ge [sflag:s11], $0x4000  }
0x2fa: {  	[sflag:s11] =	ssyncset.done $0x0  }
0x2fb: {  	[sflag:s11] =	ssyncadd.s32 $0xFFFFC000  }
0x2fc: {  	_ =	swait.ge [sflag:s8], $0x80  }
0x2fd: {  	[sflag:s8] =	ssyncset.done $0x0  }
0x2fe: {  	s0 =	simm.s32 $0x480;
	[sflag:s8] =	ssyncadd.s32 $0xFFFFFF80  }
0x2ff: {  	[spmem:s6] =	stream.indirect.scatter.add.f32 [tilespmem:s23], [sflag:$0x11], $0x80, s0, s18, $0xb8;
	[tilespmem:$0x1FF80] =	vst v63  }
0x300: {  	_ =	swait.ge [sflag:s13], $0x4000  }
0x301: {  	s30 =	sld [smem:$0x799]  }
0x302: {  	[sflag:s13] =	ssyncset.done $0x0  }
0x303: {  	s1 =	simm.s32 $0x400;
	s21 =	sld [smem:$0x79A];
	[sflag:s13] =	ssyncadd.s32 $0xFFFFC000  }
0x304: {  	[tilespmem:s1], [sflag:$0x5] =	stream.linear.gather [hbm4b:s30+s2], $0x80, $0x38;
	[tilespmem:$0x1FF80] =	vst v63  }
0x305: {  	_ = 	snop  }
0x306: {  	[tilespmem:s0], [sflag:$0xB] =	stream.linear.gather [hbm4b:s21+s2], $0x80, $0x38;
	[tilespmem:$0x1FF80] =	vst v63  }
0x307: {  	_ =	swait.ge [sflag:s12], $0x80  }
0x308: {  	[sflag:s12] =	ssyncset.done $0x0  }
0x309: {  	s25 =	simm.s32 $0x100;
	[sflag:s12] =	ssyncadd.s32 $0xFFFFFF80  }
0x30a: {  	[tilespmem:s23], [sflag:$0xE] =	stream.indirect.gather [hbm4b:s5+s18], $0x80, s25, s18, $0xb8;
	[tilespmem:$0x1FF80] =	vst v63  }
0x30b: {  	_ =	swait.ge [sflag:s15], $0x4000  }
0x30c: {  	[sflag:s15] =	ssyncset.done $0x0  }
0x30d: {  	[sflag:s15] =	ssyncadd.s32 $0xFFFFC000  }
0x30e: {  	_ =	swait.ge [sflag:s7], $0x80  }
0x30f: {  	[sflag:s7] =	ssyncset.done $0x0  }
0x310: {  	s0 =	simm.s32 $0x580;
	[sflag:s7] =	ssyncadd.s32 $0xFFFFFF80  }
0x311: {  	[spmem:s6] =	stream.indirect.scatter.add.f32 [tilespmem:s3], [sflag:$0x12], $0x80, s0, s18, $0xb8;
	[tilespmem:$0x1FF80] =	vst v63  }
0x312: {  	_ =	swait.ge [sflag:s19], $0x4000  }
0x313: {  	s25 =	sld [smem:$0x79B]  }
0x314: {  	[sflag:s19] =	ssyncset.done $0x0  }
0x315: {  	s17 =	simm.s32 $0x500;
	s1 =	sld [smem:$0x79C];
	[sflag:s19] =	ssyncadd.s32 $0xFFFFC000  }
0x316: {  	[tilespmem:s17], [sflag:$0x6] =	stream.linear.gather [hbm4b:s25+s2], $0x80, $0x38;
	[tilespmem:$0x1FF80] =	vst v63  }
0x317: {  	_ = 	snop  }
0x318: {  	[tilespmem:s0], [sflag:$0xC] =	stream.linear.gather [hbm4b:s1+s2], $0x80, $0x38;
	[tilespmem:$0x1FF80] =	vst v63  }
0x319: {  	_ =	swait.ge [sflag:s28], $0x80  }
0x31a: {  	[sflag:s28] =	ssyncset.done $0x0  }
0x31b: {  	s17 =	simm.s32 $0x200;
	[sflag:s28] =	ssyncadd.s32 $0xFFFFFF80  }
0x31c: {  	[tilespmem:s3], [sflag:$0xF] =	stream.indirect.gather [hbm4b:s5+s18], $0x80, s17, s18, $0xb8;
	[tilespmem:$0x1FF80] =	vst v63  }
0x31d: {  	_ =	swait.ge [sflag:s4], $0x4000  }
0x31e: {  	[sflag:s4] =	ssyncset.done $0x0  }
0x31f: {  	s24 =	simm.s32 $0x7;
	[sflag:s4] =	ssyncadd.s32 $0xFFFFC000  }
0x320: {  	_ =	swait.ge [sflag:s24], $0x80  }
0x321: {  	[sflag:s24] =	ssyncset.done $0x0  }
0x322: {  	[sflag:s24] =	ssyncadd.s32 $0xFFFFFF80  }
0x323: {  	[spmem:s6] =	stream.indirect.scatter.add.f32 [tilespmem:s16], [sflag:$0x10], $0x80, s18, s18, $0xb8;
	[tilespmem:$0x1FF80] =	vst v63  }
0x324: {  	_ =	swait.ge [sflag:s9], $0x4000  }
0x325: {  	s0 =	sld [smem:$0x79D]  }
0x326: {  	[sflag:s9] =	ssyncset.done $0x0  }
0x327: {  	s1 =	sld [smem:$0x79E];
	[sflag:s9] =	ssyncadd.s32 $0xFFFFC000  }
0x328: {  	[tilespmem:s2], [sflag:$0x1] =	stream.linear.gather [hbm4b:s0+s2], $0x80, $0x38;
	[tilespmem:$0x1FF80] =	vst v63  }
0x329: {  	_ = 	snop  }
0x32a: {  	[tilespmem:s18], [sflag:$0x7] =	stream.linear.gather [hbm4b:s1+s2], $0x80, $0x38;
	[tilespmem:$0x1FF80] =	vst v63  }
0x32b: {  	_ =	swait.ge [sflag:s26], $0x80  }
0x32c: {  	[sflag:s26] =	ssyncset.done $0x0  }
0x32d: {  	s0 =	simm.s32 $0x300;
	[sflag:s26] =	ssyncadd.s32 $0xFFFFFF80  }
0x32e: {  	[tilespmem:s16], [sflag:$0xD] =	stream.indirect.gather [hbm4b:s5+s18], $0x80, s0, s18, $0xb8;
	[tilespmem:$0x1FF80] =	vst v63  }
0x32f: {  	_ =	swait.ge [sflag:s11], $0x4000  }
0x330: {  	[sflag:s11] =	ssyncset.done $0x0  }
0x331: {  	[sflag:s11] =	ssyncadd.s32 $0xFFFFC000  }
0x332: {  	_ =	swait.ge [sflag:s22], $0x80  }
0x333: {  	[sflag:s22] =	ssyncset.done $0x0  }
0x334: {  	s1 =	simm.s32 $0x180;
	[sflag:s22] =	ssyncadd.s32 $0xFFFFFF80  }
0x335: {  	[spmem:s6] =	stream.indirect.scatter.add.f32 [tilespmem:s23], [sflag:$0x11], $0x80, s1, s18, $0xb8;
	[tilespmem:$0x1FF80] =	vst v63  }
0x336: {  	_ =	swait.ge [sflag:s13], $0x4000  }
0x337: {  	s24 =	sld [smem:$0x79F]  }
0x338: {  	[sflag:s13] =	ssyncset.done $0x0  }
0x339: {  	s21 =	simm.s32 $0x100;
	[sflag:s13] =	ssyncadd.s32 $0xFFFFC000  }
0x33a: {  	[tilespmem:s21], [sflag:$0x2] =	stream.linear.gather [hbm4b:s24+s2], $0x80, $0x38;
	[tilespmem:$0x1FF80] =	vst v63  }
0x33b: {  	s21 =	sld [smem:$0x7A0];
	_ =	sdelay $0x2  }
0x33c: {  	[tilespmem:s1], [sflag:$0x8] =	stream.linear.gather [hbm4b:s21+s2], $0x80, $0x38;
	[tilespmem:$0x1FF80] =	vst v63  }
0x33d: {  	_ =	swait.ge [sflag:s14], $0x80  }
0x33e: {  	[sflag:s14] =	ssyncset.done $0x0  }
0x33f: {  	s30 =	simm.s32 $0x400;
	[sflag:s14] =	ssyncadd.s32 $0xFFFFFF80  }
0x340: {  	[tilespmem:s23], [sflag:$0xE] =	stream.indirect.gather [hbm4b:s5+s18], $0x80, s30, s18, $0xb8;
	[tilespmem:$0x1FF80] =	vst v63  }
0x341: {  	_ =	swait.ge [sflag:s15], $0x4000  }
0x342: {  	[sflag:s15] =	ssyncset.done $0x0  }
0x343: {  	[sflag:s15] =	ssyncadd.s32 $0xFFFFC000  }
0x344: {  	_ =	swait.ge [sflag:s20], $0x80  }
0x345: {  	[sflag:s20] =	ssyncset.done $0x0  }
0x346: {  	s1 =	simm.s32 $0x280;
	[sflag:s20] =	ssyncadd.s32 $0xFFFFFF80  }
0x347: {  	[spmem:s6] =	stream.indirect.scatter.add.f32 [tilespmem:s3], [sflag:$0x12], $0x80, s1, s18, $0xb8;
	[tilespmem:$0x1FF80] =	vst v63  }
0x348: {  	_ =	swait.ge [sflag:s19], $0x4000  }
0x349: {  	s30 =	sld [smem:$0x7A1]  }
0x34a: {  	[sflag:s19] =	ssyncset.done $0x0  }
0x34b: {  	s25 =	simm.s32 $0x200;
	[sflag:s19] =	ssyncadd.s32 $0xFFFFC000  }
0x34c: {  	[tilespmem:s25], [sflag:$0x3] =	stream.linear.gather [hbm4b:s30+s2], $0x80, $0x38;
	[tilespmem:$0x1FF80] =	vst v63  }
0x34d: {  	s30 =	sld [smem:$0x7A2];
	_ =	sdelay $0x2  }
0x34e: {  	[tilespmem:s1], [sflag:$0x9] =	stream.linear.gather [hbm4b:s30+s2], $0x80, $0x38;
	[tilespmem:$0x1FF80] =	vst v63  }
0x34f: {  	_ =	swait.ge [sflag:s29], $0x80  }
0x350: {  	[sflag:s29] =	ssyncset.done $0x0  }
0x351: {  	s25 =	simm.s32 $0x500;
	[sflag:s29] =	ssyncadd.s32 $0xFFFFFF80  }
0x352: {  	[tilespmem:s3], [sflag:$0xF] =	stream.indirect.gather [hbm4b:s5+s18], $0x80, s25, s18, $0xb8;
	[tilespmem:$0x1FF80] =	vst v63  }
0x353: {  	_ =	swait.ge [sflag:s4], $0x4000  }
0x354: {  	[sflag:s4] =	ssyncset.done $0x0  }
0x355: {  	[sflag:s4] =	ssyncadd.s32 $0xFFFFC000  }
0x356: {  	_ =	swait.ge [sflag:s10], $0x80  }
0x357: {  	[sflag:s10] =	ssyncset.done $0x0  }
0x358: {  	s1 =	simm.s32 $0x380;
	[sflag:s10] =	ssyncadd.s32 $0xFFFFFF80  }
0x359: {  	[spmem:s6] =	stream.indirect.scatter.add.f32 [tilespmem:s16], [sflag:$0x10], $0x80, s1, s18, $0xb8;
	[tilespmem:$0x1FF80] =	vst v63  }
0x35a: {  	_ =	swait.ge [sflag:s9], $0x4000  }
0x35b: {  	s30 =	sld [smem:$0x7A3]  }
0x35c: {  	[sflag:s9] =	ssyncset.done $0x0  }
0x35d: {  	[sflag:s9] =	ssyncadd.s32 $0xFFFFC000  }
0x35e: {  	[tilespmem:s0], [sflag:$0x4] =	stream.linear.gather [hbm4b:s30+s2], $0x80, $0x38;
	[tilespmem:$0x1FF80] =	vst v63  }
0x35f: {  	s0 =	sld [smem:$0x7A4];
	_ =	sdelay $0x2  }
0x360: {  	[tilespmem:s1], [sflag:$0xA] =	stream.linear.gather [hbm4b:s0+s2], $0x80, $0x38;
	[tilespmem:$0x1FF80] =	vst v63  }
0x361: {  	_ =	swait.ge [sflag:s31], $0x80  }
0x362: {  	[sflag:s31] =	ssyncset.done $0x0  }
0x363: {  	[sflag:s31] =	ssyncadd.s32 $0xFFFFFF80  }
0x364: {  	[tilespmem:s16], [sflag:$0xD] =	stream.indirect.gather [hbm4b:s5+s18], $0x80, s2, s18, $0xb8;
	[tilespmem:$0x1FF80] =	vst v63  }
0x365: {  	_ =	swait.ge [sflag:s11], $0x4000  }
0x366: {  	[sflag:s11] =	ssyncset.done $0x0  }
0x367: {  	[sflag:s11] =	ssyncadd.s32 $0xFFFFC000  }
0x368: {  	_ =	swait.ge [sflag:s8], $0x80  }
0x369: {  	[sflag:s8] =	ssyncset.done $0x0  }
0x36a: {  	s0 =	simm.s32 $0x480;
	[sflag:s8] =	ssyncadd.s32 $0xFFFFFF80  }
0x36b: {  	[spmem:s6] =	stream.indirect.scatter.add.f32 [tilespmem:s23], [sflag:$0x11], $0x80, s0, s18, $0xb8;
	[tilespmem:$0x1FF80] =	vst v63  }
0x36c: {  	_ =	swait.ge [sflag:s13], $0x4000  }
0x36d: {  	s30 =	sld [smem:$0x7A5]  }
0x36e: {  	[sflag:s13] =	ssyncset.done $0x0  }
0x36f: {  	s21 =	simm.s32 $0x400;
	s1 =	sld [smem:$0x7A6];
	[sflag:s13] =	ssyncadd.s32 $0xFFFFC000  }
0x370: {  	[tilespmem:s21], [sflag:$0x5] =	stream.linear.gather [hbm4b:s30+s2], $0x80, $0x38;
	[tilespmem:$0x1FF80] =	vst v63  }
0x371: {  	_ = 	snop  }
0x372: {  	[tilespmem:s0], [sflag:$0xB] =	stream.linear.gather [hbm4b:s1+s2], $0x80, $0x38;
	[tilespmem:$0x1FF80] =	vst v63  }
0x373: {  	_ =	swait.ge [sflag:s12], $0x80  }
0x374: {  	[sflag:s12] =	ssyncset.done $0x0  }
0x375: {  	s1 =	simm.s32 $0x100;
	[sflag:s12] =	ssyncadd.s32 $0xFFFFFF80  }
0x376: {  	[tilespmem:s23], [sflag:$0xE] =	stream.indirect.gather [hbm4b:s5+s18], $0x80, s1, s18, $0xb8;
	[tilespmem:$0x1FF80] =	vst v63  }
0x377: {  	_ =	swait.ge [sflag:s15], $0x4000  }
0x378: {  	[sflag:s15] =	ssyncset.done $0x0  }
0x379: {  	[sflag:s15] =	ssyncadd.s32 $0xFFFFC000  }
0x37a: {  	_ =	swait.ge [sflag:s7], $0x80  }
0x37b: {  	[sflag:s7] =	ssyncset.done $0x0  }
0x37c: {  	s0 =	simm.s32 $0x580;
	[sflag:s7] =	ssyncadd.s32 $0xFFFFFF80  }
0x37d: {  	[spmem:s6] =	stream.indirect.scatter.add.f32 [tilespmem:s3], [sflag:$0x12], $0x80, s0, s18, $0xb8;
	[tilespmem:$0x1FF80] =	vst v63  }
0x37e: {  	_ =	swait.ge [sflag:s19], $0x4000  }
0x37f: {  	s24 =	sld [smem:$0x7A7]  }
0x380: {  	[sflag:s19] =	ssyncset.done $0x0  }
0x381: {  	s25 =	simm.s32 $0x500;
	[sflag:s19] =	ssyncadd.s32 $0xFFFFC000  }
0x382: {  	[tilespmem:s25], [sflag:$0x6] =	stream.linear.gather [hbm4b:s24+s2], $0x80, $0x38;
	[tilespmem:$0x1FF80] =	vst v63  }
0x383: {  	s25 =	sld [smem:$0x7A8];
	_ =	sdelay $0x2  }
0x384: {  	[tilespmem:s0], [sflag:$0xC] =	stream.linear.gather [hbm4b:s25+s2], $0x80, $0x38;
	[tilespmem:$0x1FF80] =	vst v63  }
0x385: {  	_ =	swait.ge [sflag:s28], $0x80  }
0x386: {  	[sflag:s28] =	ssyncset.done $0x0  }
0x387: {  	s0 =	simm.s32 $0x200;
	[sflag:s28] =	ssyncadd.s32 $0xFFFFFF80  }
0x388: {  	[tilespmem:s3], [sflag:$0xF] =	stream.indirect.gather [hbm4b:s5+s18], $0x80, s0, s18, $0xb8;
	[tilespmem:$0x1FF80] =	vst v63  }
0x389: {  	_ =	swait.ge [sflag:s4], $0x4000  }
0x38a: {  	[sflag:s4] =	ssyncset.done $0x0  }
0x38b: {  	s17 =	simm.s32 $0x7;
	[sflag:s4] =	ssyncadd.s32 $0xFFFFC000  }
0x38c: {  	_ =	swait.ge [sflag:s17], $0x80  }
0x38d: {  	[sflag:s17] =	ssyncset.done $0x0  }
0x38e: {  	[sflag:s17] =	ssyncadd.s32 $0xFFFFFF80  }
0x38f: {  	[spmem:s6] =	stream.indirect.scatter.add.f32 [tilespmem:s16], [sflag:$0x10], $0x80, s18, s18, $0xb8;
	[tilespmem:$0x1FF80] =	vst v63  }
0x390: {  	_ =	swait.ge [sflag:s9], $0x4000  }
0x391: {  	s28 =	sld [smem:$0x7A9]  }
0x392: {  	[sflag:s9] =	ssyncset.done $0x0  }
0x393: {  	s17 =	sld [smem:$0x7AA];
	[sflag:s9] =	ssyncadd.s32 $0xFFFFC000  }
0x394: {  	[tilespmem:s2], [sflag:$0x1] =	stream.linear.gather [hbm4b:s28+s2], $0x80, $0x38;
	[tilespmem:$0x1FF80] =	vst v63  }
0x395: {  	_ = 	snop  }
0x396: {  	[tilespmem:s18], [sflag:$0x7] =	stream.linear.gather [hbm4b:s17+s2], $0x80, $0x38;
	[tilespmem:$0x1FF80] =	vst v63  }
0x397: {  	_ =	swait.ge [sflag:s26], $0x80  }
0x398: {  	[sflag:s26] =	ssyncset.done $0x0  }
0x399: {  	s17 =	simm.s32 $0x300;
	[sflag:s26] =	ssyncadd.s32 $0xFFFFFF80  }
0x39a: {  	[tilespmem:s16], [sflag:$0xD] =	stream.indirect.gather [hbm4b:s5+s18], $0x80, s17, s18, $0xb8;
	[tilespmem:$0x1FF80] =	vst v63  }
0x39b: {  	_ =	swait.ge [sflag:s11], $0x4000  }
0x39c: {  	[sflag:s11] =	ssyncset.done $0x0  }
0x39d: {  	[sflag:s11] =	ssyncadd.s32 $0xFFFFC000  }
0x39e: {  	_ =	swait.ge [sflag:s22], $0x80  }
0x39f: {  	[sflag:s22] =	ssyncset.done $0x0  }
0x3a0: {  	[sflag:s22] =	ssyncadd.s32 $0xFFFFFF80;
	s22 =	simm.s32 $0x180  }
0x3a1: {  	[spmem:s6] =	stream.indirect.scatter.add.f32 [tilespmem:s23], [sflag:$0x11], $0x80, s22, s18, $0xb8;
	[tilespmem:$0x1FF80] =	vst v63  }
0x3a2: {  	_ =	swait.ge [sflag:s13], $0x4000  }
0x3a3: {  	s28 =	sld [smem:$0x7AB]  }
0x3a4: {  	[sflag:s13] =	ssyncset.done $0x0  }
0x3a5: {  	[sflag:s13] =	ssyncadd.s32 $0xFFFFC000  }
0x3a6: {  	[tilespmem:s1], [sflag:$0x2] =	stream.linear.gather [hbm4b:s28+s2], $0x80, $0x38;
	[tilespmem:$0x1FF80] =	vst v63  }
0x3a7: {  	s28 =	sld [smem:$0x7AC];
	_ =	sdelay $0x2  }
0x3a8: {  	[tilespmem:s22], [sflag:$0x8] =	stream.linear.gather [hbm4b:s28+s2], $0x80, $0x38;
	[tilespmem:$0x1FF80] =	vst v63  }
0x3a9: {  	_ =	swait.ge [sflag:s14], $0x80  }
0x3aa: {  	[sflag:s14] =	ssyncset.done $0x0  }
0x3ab: {  	s21 =	simm.s32 $0x400;
	[sflag:s14] =	ssyncadd.s32 $0xFFFFFF80  }
0x3ac: {  	[tilespmem:s23], [sflag:$0xE] =	stream.indirect.gather [hbm4b:s5+s18], $0x80, s21, s18, $0xb8;
	[tilespmem:$0x1FF80] =	vst v63  }
0x3ad: {  	_ =	swait.ge [sflag:s15], $0x4000  }
0x3ae: {  	[sflag:s15] =	ssyncset.done $0x0  }
0x3af: {  	[sflag:s15] =	ssyncadd.s32 $0xFFFFC000  }
0x3b0: {  	_ =	swait.ge [sflag:s20], $0x80  }
0x3b1: {  	[sflag:s20] =	ssyncset.done $0x0  }
0x3b2: {  	s28 =	simm.s32 $0x280;
	[sflag:s20] =	ssyncadd.s32 $0xFFFFFF80  }
0x3b3: {  	[spmem:s6] =	stream.indirect.scatter.add.f32 [tilespmem:s3], [sflag:$0x12], $0x80, s28, s18, $0xb8;
	[tilespmem:$0x1FF80] =	vst v63  }
0x3b4: {  	_ =	swait.ge [sflag:s19], $0x4000  }
0x3b5: {  	s22 =	sld [smem:$0x7AD]  }
0x3b6: {  	[sflag:s19] =	ssyncset.done $0x0  }
0x3b7: {  	[sflag:s19] =	ssyncadd.s32 $0xFFFFC000  }
0x3b8: {  	[tilespmem:s0], [sflag:$0x3] =	stream.linear.gather [hbm4b:s22+s2], $0x80, $0x38;
	[tilespmem:$0x1FF80] =	vst v63  }
0x3b9: {  	s0 =	sld [smem:$0x7AE];
	_ =	sdelay $0x2  }
0x3ba: {  	[tilespmem:s28], [sflag:$0x9] =	stream.linear.gather [hbm4b:s0+s2], $0x80, $0x38;
	[tilespmem:$0x1FF80] =	vst v63  }
0x3bb: {  	_ =	swait.ge [sflag:s29], $0x80  }
0x3bc: {  	[sflag:s29] =	ssyncset.done $0x0  }
0x3bd: {  	s0 =	simm.s32 $0x500;
	[sflag:s29] =	ssyncadd.s32 $0xFFFFFF80  }
0x3be: {  	[tilespmem:s3], [sflag:$0xF] =	stream.indirect.gather [hbm4b:s5+s18], $0x80, s0, s18, $0xb8;
	[tilespmem:$0x1FF80] =	vst v63  }
0x3bf: {  	_ =	swait.ge [sflag:s4], $0x4000  }
0x3c0: {  	[sflag:s4] =	ssyncset.done $0x0  }
0x3c1: {  	[sflag:s4] =	ssyncadd.s32 $0xFFFFC000  }
0x3c2: {  	_ =	swait.ge [sflag:s10], $0x80  }
0x3c3: {  	[sflag:s10] =	ssyncset.done $0x0  }
0x3c4: {  	s28 =	simm.s32 $0x380;
	[sflag:s10] =	ssyncadd.s32 $0xFFFFFF80  }
0x3c5: {  	[spmem:s6] =	stream.indirect.scatter.add.f32 [tilespmem:s16], [sflag:$0x10], $0x80, s28, s18, $0xb8;
	[tilespmem:$0x1FF80] =	vst v63  }
0x3c6: {  	_ =	swait.ge [sflag:s9], $0x4000  }
0x3c7: {  	s24 =	sld [smem:$0x7AF]  }
0x3c8: {  	[sflag:s9] =	ssyncset.done $0x0  }
0x3c9: {  	[sflag:s9] =	ssyncadd.s32 $0xFFFFC000  }
0x3ca: {  	[tilespmem:s17], [sflag:$0x4] =	stream.linear.gather [hbm4b:s24+s2], $0x80, $0x38;
	[tilespmem:$0x1FF80] =	vst v63  }
0x3cb: {  	s24 =	sld [smem:$0x7B0];
	_ =	sdelay $0x2  }
0x3cc: {  	[tilespmem:s28], [sflag:$0xA] =	stream.linear.gather [hbm4b:s24+s2], $0x80, $0x38;
	[tilespmem:$0x1FF80] =	vst v63  }
0x3cd: {  	_ =	swait.ge [sflag:s31], $0x80  }
0x3ce: {  	[sflag:s31] =	ssyncset.done $0x0  }
0x3cf: {  	[sflag:s31] =	ssyncadd.s32 $0xFFFFFF80  }
0x3d0: {  	[tilespmem:s16], [sflag:$0xD] =	stream.indirect.gather [hbm4b:s5+s18], $0x80, s2, s18, $0xb8;
	[tilespmem:$0x1FF80] =	vst v63  }
0x3d1: {  	_ =	swait.ge [sflag:s11], $0x4000  }
0x3d2: {  	[sflag:s11] =	ssyncset.done $0x0  }
0x3d3: {  	[sflag:s11] =	ssyncadd.s32 $0xFFFFC000  }
0x3d4: {  	_ =	swait.ge [sflag:s8], $0x80  }
0x3d5: {  	[sflag:s8] =	ssyncset.done $0x0  }
0x3d6: {  	s30 =	simm.s32 $0x480;
	[sflag:s8] =	ssyncadd.s32 $0xFFFFFF80  }
0x3d7: {  	[spmem:s6] =	stream.indirect.scatter.add.f32 [tilespmem:s23], [sflag:$0x11], $0x80, s30, s18, $0xb8;
	[tilespmem:$0x1FF80] =	vst v63  }
0x3d8: {  	_ =	swait.ge [sflag:s13], $0x4000  }
0x3d9: {  	s28 =	sld [smem:$0x7B1]  }
0x3da: {  	[sflag:s13] =	ssyncset.done $0x0  }
0x3db: {  	s21 =	simm.s32 $0x400;
	[sflag:s13] =	ssyncadd.s32 $0xFFFFC000  }
0x3dc: {  	[tilespmem:s21], [sflag:$0x5] =	stream.linear.gather [hbm4b:s28+s2], $0x80, $0x38;
	[tilespmem:$0x1FF80] =	vst v63  }
0x3dd: {  	s28 =	sld [smem:$0x7B2];
	_ =	sdelay $0x2  }
0x3de: {  	[tilespmem:s30], [sflag:$0xB] =	stream.linear.gather [hbm4b:s28+s2], $0x80, $0x38;
	[tilespmem:$0x1FF80] =	vst v63  }
0x3df: {  	_ =	swait.ge [sflag:s12], $0x80  }
0x3e0: {  	[sflag:s12] =	ssyncset.done $0x0  }
0x3e1: {  	s1 =	simm.s32 $0x100;
	[sflag:s12] =	ssyncadd.s32 $0xFFFFFF80  }
0x3e2: {  	[tilespmem:s23], [sflag:$0xE] =	stream.indirect.gather [hbm4b:s5+s18], $0x80, s1, s18, $0xb8;
	[tilespmem:$0x1FF80] =	vst v63  }
0x3e3: {  	_ =	swait.ge [sflag:s15], $0x4000  }
0x3e4: {  	[sflag:s15] =	ssyncset.done $0x0  }
0x3e5: {  	[sflag:s15] =	ssyncadd.s32 $0xFFFFC000  }
0x3e6: {  	_ =	swait.ge [sflag:s7], $0x80  }
0x3e7: {  	[sflag:s7] =	ssyncset.done $0x0  }
0x3e8: {  	s25 =	simm.s32 $0x580;
	[sflag:s7] =	ssyncadd.s32 $0xFFFFFF80  }
0x3e9: {  	[spmem:s6] =	stream.indirect.scatter.add.f32 [tilespmem:s3], [sflag:$0x12], $0x80, s25, s18, $0xb8;
	[tilespmem:$0x1FF80] =	vst v63  }
0x3ea: {  	_ =	swait.ge [sflag:s19], $0x4000  }
0x3eb: {  	s21 =	sld [smem:$0x7B3]  }
0x3ec: {  	[sflag:s19] =	ssyncset.done $0x0  }
0x3ed: {  	[sflag:s19] =	ssyncadd.s32 $0xFFFFC000  }
0x3ee: {  	[tilespmem:s0], [sflag:$0x6] =	stream.linear.gather [hbm4b:s21+s2], $0x80, $0x38;
	[tilespmem:$0x1FF80] =	vst v63  }
0x3ef: {  	s24 =	sld [smem:$0x7B4];
	_ =	sdelay $0x1  }
0x3f0: {  	s28 =	simm.s32 $0x3  }
0x3f1: {  	[tilespmem:s25], [sflag:$0xC] =	stream.linear.gather [hbm4b:s24+s2], $0x80, $0x38;
	[tilespmem:$0x1FF80] =	vst v63  }
0x3f2: {  	_ =	swait.ge [sflag:s28], $0x80  }
0x3f3: {  	[sflag:s28] =	ssyncset.done $0x0  }
0x3f4: {  	s22 =	simm.s32 $0x200;
	[sflag:s28] =	ssyncadd.s32 $0xFFFFFF80  }
0x3f5: {  	[tilespmem:s3], [sflag:$0xF] =	stream.indirect.gather [hbm4b:s5+s18], $0x80, s22, s18, $0xb8;
	[tilespmem:$0x1FF80] =	vst v63  }
0x3f6: {  	_ =	swait.ge [sflag:s4], $0x4000  }
0x3f7: {  	[sflag:s4] =	ssyncset.done $0x0  }
0x3f8: {  	s30 =	simm.s32 $0x7;
	[sflag:s4] =	ssyncadd.s32 $0xFFFFC000  }
0x3f9: {  	_ =	swait.ge [sflag:s30], $0x80  }
0x3fa: {  	[sflag:s30] =	ssyncset.done $0x0  }
0x3fb: {  	[sflag:s30] =	ssyncadd.s32 $0xFFFFFF80  }
0x3fc: {  	[spmem:s6] =	stream.indirect.scatter.add.f32 [tilespmem:s16], [sflag:$0x10], $0x80, s18, s18, $0xb8;
	[tilespmem:$0x1FF80] =	vst v63  }
0x3fd: {  	_ =	swait.ge [sflag:s9], $0x4000  }
0x3fe: {  	s0 =	sld [smem:$0x7B5]  }
0x3ff: {  	[sflag:s9] =	ssyncset.done $0x0  }
0x400: {  	s21 =	sld [smem:$0x7B6];
	[sflag:s9] =	ssyncadd.s32 $0xFFFFC000  }
0x401: {  	[tilespmem:s2], [sflag:$0x1] =	stream.linear.gather [hbm4b:s0+s2], $0x80, $0x38;
	[tilespmem:$0x1FF80] =	vst v63  }
0x402: {  	_ = 	snop  }
0x403: {  	[tilespmem:s18], [sflag:$0x7] =	stream.linear.gather [hbm4b:s21+s2], $0x80, $0x38;
	[tilespmem:$0x1FF80] =	vst v63  }
0x404: {  	_ =	swait.ge [sflag:s26], $0x80  }
0x405: {  	[sflag:s26] =	ssyncset.done $0x0  }
0x406: {  	s17 =	simm.s32 $0x300;
	[sflag:s26] =	ssyncadd.s32 $0xFFFFFF80  }
0x407: {  	[tilespmem:s16], [sflag:$0xD] =	stream.indirect.gather [hbm4b:s5+s18], $0x80, s17, s18, $0xb8;
	[tilespmem:$0x1FF80] =	vst v63  }
0x408: {  	_ =	swait.ge [sflag:s11], $0x4000  }
0x409: {  	[sflag:s11] =	ssyncset.done $0x0  }
0x40a: {  	s24 =	simm.s32 $0x8;
	[sflag:s11] =	ssyncadd.s32 $0xFFFFC000  }
0x40b: {  	_ =	swait.ge [sflag:s24], $0x80  }
0x40c: {  	[sflag:s24] =	ssyncset.done $0x0  }
0x40d: {  	s25 =	simm.s32 $0x180;
	[sflag:s24] =	ssyncadd.s32 $0xFFFFFF80  }
0x40e: {  	[spmem:s6] =	stream.indirect.scatter.add.f32 [tilespmem:s23], [sflag:$0x11], $0x80, s25, s18, $0xb8;
	[tilespmem:$0x1FF80] =	vst v63  }
0x40f: {  	_ =	swait.ge [sflag:s13], $0x4000  }
0x410: {  	s30 =	sld [smem:$0x7B7]  }
0x411: {  	[sflag:s13] =	ssyncset.done $0x0  }
0x412: {  	s0 =	simm.s32 $0x100;
	s21 =	sld [smem:$0x7B8];
	[sflag:s13] =	ssyncadd.s32 $0xFFFFC000  }
0x413: {  	[tilespmem:s0], [sflag:$0x2] =	stream.linear.gather [hbm4b:s30+s2], $0x80, $0x38;
	[tilespmem:$0x1FF80] =	vst v63  }
0x414: {  	_ = 	snop  }
0x415: {  	[tilespmem:s25], [sflag:$0x8] =	stream.linear.gather [hbm4b:s21+s2], $0x80, $0x38;
	[tilespmem:$0x1FF80] =	vst v63  }
0x416: {  	_ =	swait.ge [sflag:s14], $0x80  }
0x417: {  	[sflag:s14] =	ssyncset.done $0x0  }
0x418: {  	s21 =	simm.s32 $0x400;
	[sflag:s14] =	ssyncadd.s32 $0xFFFFFF80  }
0x419: {  	[tilespmem:s23], [sflag:$0xE] =	stream.indirect.gather [hbm4b:s5+s18], $0x80, s21, s18, $0xb8;
	[tilespmem:$0x1FF80] =	vst v63  }
0x41a: {  	_ =	swait.ge [sflag:s15], $0x4000  }
0x41b: {  	[sflag:s15] =	ssyncset.done $0x0  }
0x41c: {  	[sflag:s15] =	ssyncadd.s32 $0xFFFFC000  }
0x41d: {  	_ =	swait.ge [sflag:s20], $0x80  }
0x41e: {  	[sflag:s20] =	ssyncset.done $0x0  }
0x41f: {  	s30 =	simm.s32 $0x280;
	[sflag:s20] =	ssyncadd.s32 $0xFFFFFF80  }
0x420: {  	[spmem:s6] =	stream.indirect.scatter.add.f32 [tilespmem:s3], [sflag:$0x12], $0x80, s30, s18, $0xb8;
	[tilespmem:$0x1FF80] =	vst v63  }
0x421: {  	_ =	swait.ge [sflag:s19], $0x4000  }
0x422: {  	s25 =	sld [smem:$0x7B9]  }
0x423: {  	[sflag:s19] =	ssyncset.done $0x0  }
0x424: {  	s17 =	sld [smem:$0x7BA];
	[sflag:s19] =	ssyncadd.s32 $0xFFFFC000  }
0x425: {  	[tilespmem:s22], [sflag:$0x3] =	stream.linear.gather [hbm4b:s25+s2], $0x80, $0x38;
	[tilespmem:$0x1FF80] =	vst v63  }
0x426: {  	_ = 	snop  }
0x427: {  	[tilespmem:s30], [sflag:$0x9] =	stream.linear.gather [hbm4b:s17+s2], $0x80, $0x38;
	[tilespmem:$0x1FF80] =	vst v63  }
0x428: {  	_ =	swait.ge [sflag:s29], $0x80  }
0x429: {  	[sflag:s29] =	ssyncset.done $0x0  }
0x42a: {  	s1 =	simm.s32 $0x500;
	[sflag:s29] =	ssyncadd.s32 $0xFFFFFF80  }
0x42b: {  	[tilespmem:s3], [sflag:$0xF] =	stream.indirect.gather [hbm4b:s5+s18], $0x80, s1, s18, $0xb8;
	[tilespmem:$0x1FF80] =	vst v63  }
0x42c: {  	_ =	swait.ge [sflag:s4], $0x4000  }
0x42d: {  	[sflag:s4] =	ssyncset.done $0x0  }
0x42e: {  	[sflag:s4] =	ssyncadd.s32 $0xFFFFC000  }
0x42f: {  	_ =	swait.ge [sflag:s10], $0x80  }
0x430: {  	[sflag:s10] =	ssyncset.done $0x0  }
0x431: {  	s25 =	simm.s32 $0x380;
	[sflag:s10] =	ssyncadd.s32 $0xFFFFFF80  }
0x432: {  	[spmem:s6] =	stream.indirect.scatter.add.f32 [tilespmem:s16], [sflag:$0x10], $0x80, s25, s18, $0xb8;
	[tilespmem:$0x1FF80] =	vst v63  }
0x433: {  	_ =	swait.ge [sflag:s9], $0x4000  }
0x434: {  	s22 =	sld [smem:$0x7BB]  }
0x435: {  	[sflag:s9] =	ssyncset.done $0x0  }
0x436: {  	s1 =	simm.s32 $0x300;
	[sflag:s9] =	ssyncadd.s32 $0xFFFFC000  }
0x437: {  	[tilespmem:s1], [sflag:$0x4] =	stream.linear.gather [hbm4b:s22+s2], $0x80, $0x38;
	[tilespmem:$0x1FF80] =	vst v63  }
0x438: {  	s22 =	sld [smem:$0x7BC];
	_ =	sdelay $0x2  }
0x439: {  	[tilespmem:s25], [sflag:$0xA] =	stream.linear.gather [hbm4b:s22+s2], $0x80, $0x38;
	[tilespmem:$0x1FF80] =	vst v63  }
0x43a: {  	_ =	swait.ge [sflag:s31], $0x80  }
0x43b: {  	[sflag:s31] =	ssyncset.done $0x0  }
0x43c: {  	[sflag:s31] =	ssyncadd.s32 $0xFFFFFF80  }
0x43d: {  	[tilespmem:s16], [sflag:$0xD] =	stream.indirect.gather [hbm4b:s5+s18], $0x80, s2, s18, $0xb8;
	[tilespmem:$0x1FF80] =	vst v63  }
0x43e: {  	_ =	swait.ge [sflag:s11], $0x4000  }
0x43f: {  	[sflag:s11] =	ssyncset.done $0x0  }
0x440: {  	[sflag:s11] =	ssyncadd.s32 $0xFFFFC000  }
0x441: {  	_ =	swait.ge [sflag:s8], $0x80  }
0x442: {  	[sflag:s8] =	ssyncset.done $0x0  }
0x443: {  	s22 =	simm.s32 $0x480;
	[sflag:s8] =	ssyncadd.s32 $0xFFFFFF80  }
0x444: {  	[spmem:s6] =	stream.indirect.scatter.add.f32 [tilespmem:s23], [sflag:$0x11], $0x80, s22, s18, $0xb8;
	[tilespmem:$0x1FF80] =	vst v63  }
0x445: {  	_ =	swait.ge [sflag:s13], $0x4000  }
0x446: {  	s24 =	sld [smem:$0x7BD]  }
0x447: {  	[sflag:s13] =	ssyncset.done $0x0  }
0x448: {  	[sflag:s13] =	ssyncadd.s32 $0xFFFFC000  }
0x449: {  	[tilespmem:s21], [sflag:$0x5] =	stream.linear.gather [hbm4b:s24+s2], $0x80, $0x38;
	[tilespmem:$0x1FF80] =	vst v63  }
0x44a: {  	s21 =	sld [smem:$0x7BE];
	_ =	sdelay $0x2  }
0x44b: {  	[tilespmem:s22], [sflag:$0xB] =	stream.linear.gather [hbm4b:s21+s2], $0x80, $0x38;
	[tilespmem:$0x1FF80] =	vst v63  }
0x44c: {  	_ =	swait.ge [sflag:s12], $0x80  }
0x44d: {  	[sflag:s12] =	ssyncset.done $0x0  }
0x44e: {  	[sflag:s12] =	ssyncadd.s32 $0xFFFFFF80  }
0x44f: {  	[tilespmem:s23], [sflag:$0xE] =	stream.indirect.gather [hbm4b:s5+s18], $0x80, s0, s18, $0xb8;
	[tilespmem:$0x1FF80] =	vst v63  }
0x450: {  	_ =	swait.ge [sflag:s15], $0x4000  }
0x451: {  	[sflag:s15] =	ssyncset.done $0x0  }
0x452: {  	[sflag:s15] =	ssyncadd.s32 $0xFFFFC000  }
0x453: {  	_ =	swait.ge [sflag:s7], $0x80  }
0x454: {  	[sflag:s7] =	ssyncset.done $0x0  }
0x455: {  	s0 =	simm.s32 $0x580;
	[sflag:s7] =	ssyncadd.s32 $0xFFFFFF80  }
0x456: {  	[spmem:s6] =	stream.indirect.scatter.add.f32 [tilespmem:s3], [sflag:$0x12], $0x80, s0, s18, $0xb8;
	[tilespmem:$0x1FF80] =	vst v63  }
0x457: {  	_ =	swait.ge [sflag:s19], $0x4000  }
0x458: {  	s22 =	sld [smem:$0x7BF]  }
0x459: {  	[sflag:s19] =	ssyncset.done $0x0  }
0x45a: {  	s17 =	simm.s32 $0x500;
	[sflag:s19] =	ssyncadd.s32 $0xFFFFC000  }
0x45b: {  	[tilespmem:s17], [sflag:$0x6] =	stream.linear.gather [hbm4b:s22+s2], $0x80, $0x38;
	[tilespmem:$0x1FF80] =	vst v63  }
0x45c: {  	s22 =	sld [smem:$0x7C0];
	_ =	sdelay $0x1  }
0x45d: {  	s24 =	simm.s32 $0x3  }
0x45e: {  	[tilespmem:s0], [sflag:$0xC] =	stream.linear.gather [hbm4b:s22+s2], $0x80, $0x38;
	[tilespmem:$0x1FF80] =	vst v63  }
0x45f: {  	_ =	swait.ge [sflag:s24], $0x80  }
0x460: {  	[sflag:s24] =	ssyncset.done $0x0  }
0x461: {  	s0 =	simm.s32 $0x200;
	[sflag:s24] =	ssyncadd.s32 $0xFFFFFF80  }
0x462: {  	[tilespmem:s3], [sflag:$0xF] =	stream.indirect.gather [hbm4b:s5+s18], $0x80, s0, s18, $0xb8;
	[tilespmem:$0x1FF80] =	vst v63  }
0x463: {  	_ =	swait.ge [sflag:s4], $0x4000  }
0x464: {  	[sflag:s4] =	ssyncset.done $0x0  }
0x465: {  	s28 =	simm.s32 $0x7;
	[sflag:s4] =	ssyncadd.s32 $0xFFFFC000  }
0x466: {  	_ =	swait.ge [sflag:s28], $0x80  }
0x467: {  	[sflag:s28] =	ssyncset.done $0x0  }
0x468: {  	[sflag:s28] =	ssyncadd.s32 $0xFFFFFF80  }
0x469: {  	[spmem:s6] =	stream.indirect.scatter.add.f32 [tilespmem:s16], [sflag:$0x10], $0x80, s18, s18, $0xb8;
	[tilespmem:$0x1FF80] =	vst v63  }
0x46a: {  	_ =	swait.ge [sflag:s9], $0x4000  }
0x46b: {  	s28 =	sld [smem:$0x7C1]  }
0x46c: {  	[sflag:s9] =	ssyncset.done $0x0  }
0x46d: {  	s17 =	sld [smem:$0x7C2];
	[sflag:s9] =	ssyncadd.s32 $0xFFFFC000  }
0x46e: {  	[tilespmem:s2], [sflag:$0x1] =	stream.linear.gather [hbm4b:s28+s2], $0x80, $0x38;
	[tilespmem:$0x1FF80] =	vst v63  }
0x46f: {  	_ = 	snop  }
0x470: {  	[tilespmem:s18], [sflag:$0x7] =	stream.linear.gather [hbm4b:s17+s2], $0x80, $0x38;
	[tilespmem:$0x1FF80] =	vst v63  }
0x471: {  	_ =	swait.ge [sflag:s26], $0x80  }
0x472: {  	[sflag:s26] =	ssyncset.done $0x0  }
0x473: {  	[sflag:s26] =	ssyncadd.s32 $0xFFFFFF80  }
0x474: {  	[tilespmem:s16], [sflag:$0xD] =	stream.indirect.gather [hbm4b:s5+s18], $0x80, s1, s18, $0xb8;
	[tilespmem:$0x1FF80] =	vst v63  }
0x475: {  	_ =	swait.ge [sflag:s11], $0x4000  }
0x476: {  	[sflag:s11] =	ssyncset.done $0x0  }
0x477: {  	s24 =	simm.s32 $0x8;
	[sflag:s11] =	ssyncadd.s32 $0xFFFFC000  }
0x478: {  	_ =	swait.ge [sflag:s24], $0x80  }
0x479: {  	[sflag:s24] =	ssyncset.done $0x0  }
0x47a: {  	s17 =	simm.s32 $0x180;
	[sflag:s24] =	ssyncadd.s32 $0xFFFFFF80  }
0x47b: {  	[spmem:s6] =	stream.indirect.scatter.add.f32 [tilespmem:s23], [sflag:$0x11], $0x80, s17, s18, $0xb8;
	[tilespmem:$0x1FF80] =	vst v63  }
0x47c: {  	_ =	swait.ge [sflag:s13], $0x4000  }
0x47d: {  	s28 =	sld [smem:$0x7C3]  }
0x47e: {  	[sflag:s13] =	ssyncset.done $0x0  }
0x47f: {  	s21 =	simm.s32 $0x100;
	[sflag:s13] =	ssyncadd.s32 $0xFFFFC000  }
0x480: {  	[tilespmem:s21], [sflag:$0x2] =	stream.linear.gather [hbm4b:s28+s2], $0x80, $0x38;
	[tilespmem:$0x1FF80] =	vst v63  }
0x481: {  	s28 =	sld [smem:$0x7C4];
	_ =	sdelay $0x2  }
0x482: {  	[tilespmem:s17], [sflag:$0x8] =	stream.linear.gather [hbm4b:s28+s2], $0x80, $0x38;
	[tilespmem:$0x1FF80] =	vst v63  }
0x483: {  	_ =	swait.ge [sflag:s14], $0x80  }
0x484: {  	[sflag:s14] =	ssyncset.done $0x0  }
0x485: {  	s28 =	simm.s32 $0x400;
	[sflag:s14] =	ssyncadd.s32 $0xFFFFFF80  }
0x486: {  	[tilespmem:s23], [sflag:$0xE] =	stream.indirect.gather [hbm4b:s5+s18], $0x80, s28, s18, $0xb8;
	[tilespmem:$0x1FF80] =	vst v63  }
0x487: {  	_ =	swait.ge [sflag:s15], $0x4000  }
0x488: {  	[sflag:s15] =	ssyncset.done $0x0  }
0x489: {  	[sflag:s15] =	ssyncadd.s32 $0xFFFFC000  }
0x48a: {  	_ =	swait.ge [sflag:s20], $0x80  }
0x48b: {  	[sflag:s20] =	ssyncset.done $0x0  }
0x48c: {  	s30 =	simm.s32 $0x280;
	[sflag:s20] =	ssyncadd.s32 $0xFFFFFF80  }
0x48d: {  	[spmem:s6] =	stream.indirect.scatter.add.f32 [tilespmem:s3], [sflag:$0x12], $0x80, s30, s18, $0xb8;
	[tilespmem:$0x1FF80] =	vst v63  }
0x48e: {  	_ =	swait.ge [sflag:s19], $0x4000  }
0x48f: {  	s17 =	sld [smem:$0x7C5]  }
0x490: {  	[sflag:s19] =	ssyncset.done $0x0  }
0x491: {  	[sflag:s19] =	ssyncadd.s32 $0xFFFFC000  }
0x492: {  	[tilespmem:s0], [sflag:$0x3] =	stream.linear.gather [hbm4b:s17+s2], $0x80, $0x38;
	[tilespmem:$0x1FF80] =	vst v63  }
0x493: {  	s0 =	sld [smem:$0x7C6];
	_ =	sdelay $0x2  }
0x494: {  	[tilespmem:s30], [sflag:$0x9] =	stream.linear.gather [hbm4b:s0+s2], $0x80, $0x38;
	[tilespmem:$0x1FF80] =	vst v63  }
0x495: {  	_ =	swait.ge [sflag:s29], $0x80  }
0x496: {  	[sflag:s29] =	ssyncset.done $0x0  }
0x497: {  	s0 =	simm.s32 $0x500;
	[sflag:s29] =	ssyncadd.s32 $0xFFFFFF80  }
0x498: {  	[tilespmem:s3], [sflag:$0xF] =	stream.indirect.gather [hbm4b:s5+s18], $0x80, s0, s18, $0xb8;
	[tilespmem:$0x1FF80] =	vst v63  }
0x499: {  	_ =	swait.ge [sflag:s4], $0x4000  }
0x49a: {  	[sflag:s4] =	ssyncset.done $0x0  }
0x49b: {  	[sflag:s4] =	ssyncadd.s32 $0xFFFFC000  }
0x49c: {  	_ =	swait.ge [sflag:s10], $0x80  }
0x49d: {  	[sflag:s10] =	ssyncset.done $0x0  }
0x49e: {  	s25 =	simm.s32 $0x380;
	[sflag:s10] =	ssyncadd.s32 $0xFFFFFF80  }
0x49f: {  	[spmem:s6] =	stream.indirect.scatter.add.f32 [tilespmem:s16], [sflag:$0x10], $0x80, s25, s18, $0xb8;
	[tilespmem:$0x1FF80] =	vst v63  }
0x4a0: {  	_ =	swait.ge [sflag:s9], $0x4000  }
0x4a1: {  	s30 =	sld [smem:$0x7C7]  }
0x4a2: {  	[sflag:s9] =	ssyncset.done $0x0  }
0x4a3: {  	s1 =	simm.s32 $0x300;
	[sflag:s9] =	ssyncadd.s32 $0xFFFFC000  }
0x4a4: {  	[tilespmem:s1], [sflag:$0x4] =	stream.linear.gather [hbm4b:s30+s2], $0x80, $0x38;
	[tilespmem:$0x1FF80] =	vst v63  }
0x4a5: {  	s1 =	sld [smem:$0x7C8];
	_ =	sdelay $0x2  }
0x4a6: {  	[tilespmem:s25], [sflag:$0xA] =	stream.linear.gather [hbm4b:s1+s2], $0x80, $0x38;
	[tilespmem:$0x1FF80] =	vst v63  }
0x4a7: {  	_ =	swait.ge [sflag:s31], $0x80  }
0x4a8: {  	[sflag:s31] =	ssyncset.done $0x0  }
0x4a9: {  	[sflag:s31] =	ssyncadd.s32 $0xFFFFFF80  }
0x4aa: {  	[tilespmem:s16], [sflag:$0xD] =	stream.indirect.gather [hbm4b:s5+s18], $0x80, s2, s18, $0xb8;
	[tilespmem:$0x1FF80] =	vst v63  }
0x4ab: {  	_ =	swait.ge [sflag:s11], $0x4000  }
0x4ac: {  	[sflag:s11] =	ssyncset.done $0x0  }
0x4ad: {  	[sflag:s11] =	ssyncadd.s32 $0xFFFFC000  }
0x4ae: {  	_ =	swait.ge [sflag:s8], $0x80  }
0x4af: {  	[sflag:s8] =	ssyncset.done $0x0  }
0x4b0: {  	s1 =	simm.s32 $0x480;
	[sflag:s8] =	ssyncadd.s32 $0xFFFFFF80  }
0x4b1: {  	[spmem:s6] =	stream.indirect.scatter.add.f32 [tilespmem:s23], [sflag:$0x11], $0x80, s1, s18, $0xb8;
	[tilespmem:$0x1FF80] =	vst v63  }
0x4b2: {  	_ =	swait.ge [sflag:s13], $0x4000  }
0x4b3: {  	s25 =	sld [smem:$0x7C9]  }
0x4b4: {  	[sflag:s13] =	ssyncset.done $0x0  }
0x4b5: {  	s30 =	sld [smem:$0x7CA];
	[sflag:s13] =	ssyncadd.s32 $0xFFFFC000  }
0x4b6: {  	[tilespmem:s28], [sflag:$0x5] =	stream.linear.gather [hbm4b:s25+s2], $0x80, $0x38;
	[tilespmem:$0x1FF80] =	vst v63  }
0x4b7: {  	_ = 	snop  }
0x4b8: {  	[tilespmem:s1], [sflag:$0xB] =	stream.linear.gather [hbm4b:s30+s2], $0x80, $0x38;
	[tilespmem:$0x1FF80] =	vst v63  }
0x4b9: {  	_ =	swait.ge [sflag:s12], $0x80  }
0x4ba: {  	[sflag:s12] =	ssyncset.done $0x0  }
0x4bb: {  	[sflag:s12] =	ssyncadd.s32 $0xFFFFFF80  }
0x4bc: {  	[tilespmem:s23], [sflag:$0xE] =	stream.indirect.gather [hbm4b:s5+s18], $0x80, s21, s18, $0xb8;
	[tilespmem:$0x1FF80] =	vst v63  }
0x4bd: {  	_ =	swait.ge [sflag:s15], $0x4000  }
0x4be: {  	[sflag:s15] =	ssyncset.done $0x0  }
0x4bf: {  	[sflag:s15] =	ssyncadd.s32 $0xFFFFC000  }
0x4c0: {  	_ =	swait.ge [sflag:s7], $0x80  }
0x4c1: {  	[sflag:s7] =	ssyncset.done $0x0  }
0x4c2: {  	s22 =	simm.s32 $0x580;
	[sflag:s7] =	ssyncadd.s32 $0xFFFFFF80  }
0x4c3: {  	[spmem:s6] =	stream.indirect.scatter.add.f32 [tilespmem:s3], [sflag:$0x12], $0x80, s22, s18, $0xb8;
	[tilespmem:$0x1FF80] =	vst v63  }
0x4c4: {  	_ =	swait.ge [sflag:s19], $0x4000  }
0x4c5: {  	s25 =	sld [smem:$0x7CB]  }
0x4c6: {  	[sflag:s19] =	ssyncset.done $0x0  }
0x4c7: {  	s28 =	sld [smem:$0x7CC];
	[sflag:s19] =	ssyncadd.s32 $0xFFFFC000  }
0x4c8: {  	[tilespmem:s0], [sflag:$0x6] =	stream.linear.gather [hbm4b:s25+s2], $0x80, $0x38;
	[tilespmem:$0x1FF80] =	vst v63  }
0x4c9: {  	s30 =	simm.s32 $0x3  }
0x4ca: {  	[tilespmem:s22], [sflag:$0xC] =	stream.linear.gather [hbm4b:s28+s2], $0x80, $0x38;
	[tilespmem:$0x1FF80] =	vst v63  }
0x4cb: {  	_ =	swait.ge [sflag:s30], $0x80  }
0x4cc: {  	[sflag:s30] =	ssyncset.done $0x0  }
0x4cd: {  	s17 =	simm.s32 $0x200;
	[sflag:s30] =	ssyncadd.s32 $0xFFFFFF80  }
0x4ce: {  	[tilespmem:s3], [sflag:$0xF] =	stream.indirect.gather [hbm4b:s5+s18], $0x80, s17, s18, $0xb8;
	[tilespmem:$0x1FF80] =	vst v63  }
0x4cf: {  	_ =	swait.ge [sflag:s4], $0x4000  }
0x4d0: {  	[sflag:s4] =	ssyncset.done $0x0  }
0x4d1: {  	s1 =	simm.s32 $0x7;
	[sflag:s4] =	ssyncadd.s32 $0xFFFFC000  }
0x4d2: {  	_ =	swait.ge [sflag:s1], $0x80  }
0x4d3: {  	[sflag:s1] =	ssyncset.done $0x0  }
0x4d4: {  	[sflag:s1] =	ssyncadd.s32 $0xFFFFFF80  }
0x4d5: {  	[spmem:s6] =	stream.indirect.scatter.add.f32 [tilespmem:s16], [sflag:$0x10], $0x80, s18, s18, $0xb8;
	[tilespmem:$0x1FF80] =	vst v63  }
0x4d6: {  	_ =	swait.ge [sflag:s9], $0x4000  }
0x4d7: {  	s21 =	sld [smem:$0x7CD]  }
0x4d8: {  	[sflag:s9] =	ssyncset.done $0x0  }
0x4d9: {  	s25 =	sld [smem:$0x7CE];
	[sflag:s9] =	ssyncadd.s32 $0xFFFFC000  }
0x4da: {  	[tilespmem:s2], [sflag:$0x1] =	stream.linear.gather [hbm4b:s21+s2], $0x80, $0x38;
	[tilespmem:$0x1FF80] =	vst v63  }
0x4db: {  	_ = 	snop  }
0x4dc: {  	[tilespmem:s18], [sflag:$0x7] =	stream.linear.gather [hbm4b:s25+s2], $0x80, $0x38;
	[tilespmem:$0x1FF80] =	vst v63  }
0x4dd: {  	_ =	swait.ge [sflag:s26], $0x80  }
0x4de: {  	[sflag:s26] =	ssyncset.done $0x0  }
0x4df: {  	s0 =	simm.s32 $0x300;
	[sflag:s26] =	ssyncadd.s32 $0xFFFFFF80  }
0x4e0: {  	[tilespmem:s16], [sflag:$0xD] =	stream.indirect.gather [hbm4b:s5+s18], $0x80, s0, s18, $0xb8;
	[tilespmem:$0x1FF80] =	vst v63  }
0x4e1: {  	_ =	swait.ge [sflag:s11], $0x4000  }
0x4e2: {  	[sflag:s11] =	ssyncset.done $0x0  }
0x4e3: {  	s28 =	simm.s32 $0x8;
	[sflag:s11] =	ssyncadd.s32 $0xFFFFC000  }
0x4e4: {  	_ =	swait.ge [sflag:s28], $0x80  }
0x4e5: {  	[sflag:s28] =	ssyncset.done $0x0  }
0x4e6: {  	[sflag:s28] =	ssyncadd.s32 $0xFFFFFF80;
	s28 =	simm.s32 $0x180  }
0x4e7: {  	[spmem:s6] =	stream.indirect.scatter.add.f32 [tilespmem:s23], [sflag:$0x11], $0x80, s28, s18, $0xb8;
	[tilespmem:$0x1FF80] =	vst v63  }
0x4e8: {  	_ =	swait.ge [sflag:s13], $0x4000  }
0x4e9: {  	s1 =	sld [smem:$0x7CF]  }
0x4ea: {  	[sflag:s13] =	ssyncset.done $0x0  }
0x4eb: {  	s21 =	simm.s32 $0x100;
	s25 =	sld [smem:$0x7D0];
	[sflag:s13] =	ssyncadd.s32 $0xFFFFC000  }
0x4ec: {  	[tilespmem:s21], [sflag:$0x2] =	stream.linear.gather [hbm4b:s1+s2], $0x80, $0x38;
	[tilespmem:$0x1FF80] =	vst v63  }
0x4ed: {  	_ = 	snop  }
0x4ee: {  	[tilespmem:s28], [sflag:$0x8] =	stream.linear.gather [hbm4b:s25+s2], $0x80, $0x38;
	[tilespmem:$0x1FF80] =	vst v63  }
0x4ef: {  	_ =	swait.ge [sflag:s14], $0x80  }
0x4f0: {  	[sflag:s14] =	ssyncset.done $0x0  }
0x4f1: {  	s28 =	simm.s32 $0x400;
	[sflag:s14] =	ssyncadd.s32 $0xFFFFFF80  }
0x4f2: {  	[tilespmem:s23], [sflag:$0xE] =	stream.indirect.gather [hbm4b:s5+s18], $0x80, s28, s18, $0xb8;
	[tilespmem:$0x1FF80] =	vst v63  }
0x4f3: {  	_ =	swait.ge [sflag:s15], $0x4000  }
0x4f4: {  	[sflag:s15] =	ssyncset.done $0x0  }
0x4f5: {  	[sflag:s15] =	ssyncadd.s32 $0xFFFFC000  }
0x4f6: {  	_ =	swait.ge [sflag:s20], $0x80  }
0x4f7: {  	[sflag:s20] =	ssyncset.done $0x0  }
0x4f8: {  	s25 =	simm.s32 $0x280;
	[sflag:s20] =	ssyncadd.s32 $0xFFFFFF80  }
0x4f9: {  	[spmem:s6] =	stream.indirect.scatter.add.f32 [tilespmem:s3], [sflag:$0x12], $0x80, s25, s18, $0xb8;
	[tilespmem:$0x1FF80] =	vst v63  }
0x4fa: {  	_ =	swait.ge [sflag:s19], $0x4000  }
0x4fb: {  	s1 =	sld [smem:$0x7D1]  }
0x4fc: {  	[sflag:s19] =	ssyncset.done $0x0  }
0x4fd: {  	[sflag:s19] =	ssyncadd.s32 $0xFFFFC000  }
0x4fe: {  	[tilespmem:s17], [sflag:$0x3] =	stream.linear.gather [hbm4b:s1+s2], $0x80, $0x38;
	[tilespmem:$0x1FF80] =	vst v63  }
0x4ff: {  	s17 =	sld [smem:$0x7D2];
	_ =	sdelay $0x2  }
0x500: {  	[tilespmem:s25], [sflag:$0x9] =	stream.linear.gather [hbm4b:s17+s2], $0x80, $0x38;
	[tilespmem:$0x1FF80] =	vst v63  }
0x501: {  	_ =	swait.ge [sflag:s29], $0x80  }
0x502: {  	[sflag:s29] =	ssyncset.done $0x0  }
0x503: {  	s1 =	simm.s32 $0x500;
	[sflag:s29] =	ssyncadd.s32 $0xFFFFFF80  }
0x504: {  	[tilespmem:s3], [sflag:$0xF] =	stream.indirect.gather [hbm4b:s5+s18], $0x80, s1, s18, $0xb8;
	[tilespmem:$0x1FF80] =	vst v63  }
0x505: {  	_ =	swait.ge [sflag:s4], $0x4000  }
0x506: {  	[sflag:s4] =	ssyncset.done $0x0  }
0x507: {  	[sflag:s4] =	ssyncadd.s32 $0xFFFFC000  }
0x508: {  	_ =	swait.ge [sflag:s10], $0x80  }
0x509: {  	[sflag:s10] =	ssyncset.done $0x0  }
0x50a: {  	s17 =	simm.s32 $0x380;
	[sflag:s10] =	ssyncadd.s32 $0xFFFFFF80  }
0x50b: {  	[spmem:s6] =	stream.indirect.scatter.add.f32 [tilespmem:s16], [sflag:$0x10], $0x80, s17, s18, $0xb8;
	[tilespmem:$0x1FF80] =	vst v63  }
0x50c: {  	_ =	swait.ge [sflag:s9], $0x4000  }
0x50d: {  	s24 =	sld [smem:$0x7D3]  }
0x50e: {  	[sflag:s9] =	ssyncset.done $0x0  }
0x50f: {  	[sflag:s9] =	ssyncadd.s32 $0xFFFFC000  }
0x510: {  	[tilespmem:s0], [sflag:$0x4] =	stream.linear.gather [hbm4b:s24+s2], $0x80, $0x38;
	[tilespmem:$0x1FF80] =	vst v63  }
0x511: {  	s0 =	sld [smem:$0x7D4];
	_ =	sdelay $0x2  }
0x512: {  	[tilespmem:s17], [sflag:$0xA] =	stream.linear.gather [hbm4b:s0+s2], $0x80, $0x38;
	[tilespmem:$0x1FF80] =	vst v63  }
0x513: {  	_ =	swait.ge [sflag:s31], $0x80  }
0x514: {  	[sflag:s31] =	ssyncset.done $0x0  }
0x515: {  	[sflag:s31] =	ssyncadd.s32 $0xFFFFFF80  }
0x516: {  	[tilespmem:s16], [sflag:$0xD] =	stream.indirect.gather [hbm4b:s5+s18], $0x80, s2, s18, $0xb8;
	[tilespmem:$0x1FF80] =	vst v63  }
0x517: {  	_ =	swait.ge [sflag:s11], $0x4000  }
0x518: {  	[sflag:s11] =	ssyncset.done $0x0  }
0x519: {  	[sflag:s11] =	ssyncadd.s32 $0xFFFFC000  }
0x51a: {  	_ =	swait.ge [sflag:s8], $0x80  }
0x51b: {  	[sflag:s8] =	ssyncset.done $0x0  }
0x51c: {  	s0 =	simm.s32 $0x480;
	[sflag:s8] =	ssyncadd.s32 $0xFFFFFF80  }
0x51d: {  	[spmem:s6] =	stream.indirect.scatter.add.f32 [tilespmem:s23], [sflag:$0x11], $0x80, s0, s18, $0xb8;
	[tilespmem:$0x1FF80] =	vst v63  }
0x51e: {  	_ =	swait.ge [sflag:s13], $0x4000  }
0x51f: {  	s24 =	sld [smem:$0x7D5]  }
0x520: {  	[sflag:s13] =	ssyncset.done $0x0  }
0x521: {  	[sflag:s13] =	ssyncadd.s32 $0xFFFFC000  }
0x522: {  	[tilespmem:s28], [sflag:$0x5] =	stream.linear.gather [hbm4b:s24+s2], $0x80, $0x38;
	[tilespmem:$0x1FF80] =	vst v63  }
0x523: {  	s28 =	sld [smem:$0x7D6];
	_ =	sdelay $0x2  }
0x524: {  	[tilespmem:s0], [sflag:$0xB] =	stream.linear.gather [hbm4b:s28+s2], $0x80, $0x38;
	[tilespmem:$0x1FF80] =	vst v63  }
0x525: {  	_ =	swait.ge [sflag:s12], $0x80  }
0x526: {  	[sflag:s12] =	ssyncset.done $0x0  }
0x527: {  	[sflag:s12] =	ssyncadd.s32 $0xFFFFFF80  }
0x528: {  	[tilespmem:s23], [sflag:$0xE] =	stream.indirect.gather [hbm4b:s5+s18], $0x80, s21, s18, $0xb8;
	[tilespmem:$0x1FF80] =	vst v63  }
0x529: {  	_ =	swait.ge [sflag:s15], $0x4000  }
0x52a: {  	[sflag:s15] =	ssyncset.done $0x0  }
0x52b: {  	[sflag:s15] =	ssyncadd.s32 $0xFFFFC000  }
0x52c: {  	_ =	swait.ge [sflag:s7], $0x80  }
0x52d: {  	[sflag:s7] =	ssyncset.done $0x0  }
0x52e: {  	s21 =	simm.s32 $0x580;
	[sflag:s7] =	ssyncadd.s32 $0xFFFFFF80  }
0x52f: {  	[spmem:s6] =	stream.indirect.scatter.add.f32 [tilespmem:s3], [sflag:$0x12], $0x80, s21, s18, $0xb8;
	[tilespmem:$0x1FF80] =	vst v63  }
0x530: {  	_ =	swait.ge [sflag:s19], $0x4000  }
0x531: {  	s0 =	sld [smem:$0x7D7]  }
0x532: {  	[sflag:s19] =	ssyncset.done $0x0  }
0x533: {  	[sflag:s19] =	ssyncadd.s32 $0xFFFFC000  }
0x534: {  	[tilespmem:s1], [sflag:$0x6] =	stream.linear.gather [hbm4b:s0+s2], $0x80, $0x38;
	[tilespmem:$0x1FF80] =	vst v63  }
0x535: {  	s1 =	sld [smem:$0x7D8];
	_ =	sdelay $0x1  }
0x536: {  	s22 =	simm.s32 $0x3  }
0x537: {  	[tilespmem:s21], [sflag:$0xC] =	stream.linear.gather [hbm4b:s1+s2], $0x80, $0x38;
	[tilespmem:$0x1FF80] =	vst v63  }
0x538: {  	_ =	swait.ge [sflag:s22], $0x80  }
0x539: {  	[sflag:s22] =	ssyncset.done $0x0  }
0x53a: {  	s1 =	simm.s32 $0x200;
	[sflag:s22] =	ssyncadd.s32 $0xFFFFFF80  }
0x53b: {  	[tilespmem:s3], [sflag:$0xF] =	stream.indirect.gather [hbm4b:s5+s18], $0x80, s1, s18, $0xb8;
	[tilespmem:$0x1FF80] =	vst v63  }
0x53c: {  	_ =	swait.ge [sflag:s4], $0x4000  }
0x53d: {  	[sflag:s4] =	ssyncset.done $0x0  }
0x53e: {  	s30 =	simm.s32 $0x7;
	[sflag:s4] =	ssyncadd.s32 $0xFFFFC000  }
0x53f: {  	_ =	swait.ge [sflag:s30], $0x80  }
0x540: {  	[sflag:s30] =	ssyncset.done $0x0  }
0x541: {  	[sflag:s30] =	ssyncadd.s32 $0xFFFFFF80  }
0x542: {  	[spmem:s6] =	stream.indirect.scatter.add.f32 [tilespmem:s16], [sflag:$0x10], $0x80, s18, s18, $0xb8;
	[tilespmem:$0x1FF80] =	vst v63  }
0x543: {  	_ =	swait.ge [sflag:s9], $0x4000  }
0x544: {  	s0 =	sld [smem:$0x7D9]  }
0x545: {  	[sflag:s9] =	ssyncset.done $0x0  }
0x546: {  	s22 =	sld [smem:$0x7DA];
	[sflag:s9] =	ssyncadd.s32 $0xFFFFC000  }
0x547: {  	[tilespmem:s2], [sflag:$0x1] =	stream.linear.gather [hbm4b:s0+s2], $0x80, $0x38;
	[tilespmem:$0x1FF80] =	vst v63  }
0x548: {  	_ = 	snop  }
0x549: {  	[tilespmem:s18], [sflag:$0x7] =	stream.linear.gather [hbm4b:s22+s2], $0x80, $0x38;
	[tilespmem:$0x1FF80] =	vst v63  }
0x54a: {  	_ =	swait.ge [sflag:s26], $0x80  }
0x54b: {  	[sflag:s26] =	ssyncset.done $0x0  }
0x54c: {  	s30 =	simm.s32 $0x300;
	[sflag:s26] =	ssyncadd.s32 $0xFFFFFF80  }
0x54d: {  	[tilespmem:s16], [sflag:$0xD] =	stream.indirect.gather [hbm4b:s5+s18], $0x80, s30, s18, $0xb8;
	[tilespmem:$0x1FF80] =	vst v63  }
0x54e: {  	_ =	swait.ge [sflag:s11], $0x4000  }
0x54f: {  	[sflag:s11] =	ssyncset.done $0x0  }
0x550: {  	s24 =	simm.s32 $0x8;
	[sflag:s11] =	ssyncadd.s32 $0xFFFFC000  }
0x551: {  	_ =	swait.ge [sflag:s24], $0x80  }
0x552: {  	[sflag:s24] =	ssyncset.done $0x0  }
0x553: {  	s0 =	simm.s32 $0x180;
	[sflag:s24] =	ssyncadd.s32 $0xFFFFFF80  }
0x554: {  	[spmem:s6] =	stream.indirect.scatter.add.f32 [tilespmem:s23], [sflag:$0x11], $0x80, s0, s18, $0xb8;
	[tilespmem:$0x1FF80] =	vst v63  }
0x555: {  	_ =	swait.ge [sflag:s13], $0x4000  }
0x556: {  	s24 =	sld [smem:$0x7DB]  }
0x557: {  	[sflag:s13] =	ssyncset.done $0x0  }
0x558: {  	s22 =	simm.s32 $0x100;
	[sflag:s13] =	ssyncadd.s32 $0xFFFFC000  }
0x559: {  	[tilespmem:s22], [sflag:$0x2] =	stream.linear.gather [hbm4b:s24+s2], $0x80, $0x38;
	[tilespmem:$0x1FF80] =	vst v63  }
0x55a: {  	s24 =	sld [smem:$0x7DC];
	_ =	sdelay $0x2  }
0x55b: {  	[tilespmem:s0], [sflag:$0x8] =	stream.linear.gather [hbm4b:s24+s2], $0x80, $0x38;
	[tilespmem:$0x1FF80] =	vst v63  }
0x55c: {  	_ =	swait.ge [sflag:s14], $0x80  }
0x55d: {  	[sflag:s14] =	ssyncset.done $0x0  }
0x55e: {  	s0 =	simm.s32 $0x400;
	[sflag:s14] =	ssyncadd.s32 $0xFFFFFF80  }
0x55f: {  	[tilespmem:s23], [sflag:$0xE] =	stream.indirect.gather [hbm4b:s5+s18], $0x80, s0, s18, $0xb8;
	[tilespmem:$0x1FF80] =	vst v63  }
0x560: {  	_ =	swait.ge [sflag:s15], $0x4000  }
0x561: {  	[sflag:s15] =	ssyncset.done $0x0  }
0x562: {  	[sflag:s15] =	ssyncadd.s32 $0xFFFFC000  }
0x563: {  	_ =	swait.ge [sflag:s20], $0x80  }
0x564: {  	[sflag:s20] =	ssyncset.done $0x0  }
0x565: {  	s25 =	simm.s32 $0x280;
	[sflag:s20] =	ssyncadd.s32 $0xFFFFFF80  }
0x566: {  	[spmem:s6] =	stream.indirect.scatter.add.f32 [tilespmem:s3], [sflag:$0x12], $0x80, s25, s18, $0xb8;
	[tilespmem:$0x1FF80] =	vst v63  }
0x567: {  	_ =	swait.ge [sflag:s19], $0x4000  }
0x568: {  	s24 =	sld [smem:$0x7DD]  }
0x569: {  	[sflag:s19] =	ssyncset.done $0x0  }
0x56a: {  	[sflag:s19] =	ssyncadd.s32 $0xFFFFC000  }
0x56b: {  	[tilespmem:s1], [sflag:$0x3] =	stream.linear.gather [hbm4b:s24+s2], $0x80, $0x38;
	[tilespmem:$0x1FF80] =	vst v63  }
0x56c: {  	s24 =	sld [smem:$0x7DE];
	_ =	sdelay $0x2  }
0x56d: {  	[tilespmem:s25], [sflag:$0x9] =	stream.linear.gather [hbm4b:s24+s2], $0x80, $0x38;
	[tilespmem:$0x1FF80] =	vst v63  }
0x56e: {  	_ =	swait.ge [sflag:s29], $0x80  }
0x56f: {  	[sflag:s29] =	ssyncset.done $0x0  }
0x570: {  	s25 =	simm.s32 $0x500;
	[sflag:s29] =	ssyncadd.s32 $0xFFFFFF80  }
0x571: {  	[tilespmem:s3], [sflag:$0xF] =	stream.indirect.gather [hbm4b:s5+s18], $0x80, s25, s18, $0xb8;
	[tilespmem:$0x1FF80] =	vst v63  }
0x572: {  	_ =	swait.ge [sflag:s4], $0x4000  }
0x573: {  	[sflag:s4] =	ssyncset.done $0x0  }
0x574: {  	[sflag:s4] =	ssyncadd.s32 $0xFFFFC000  }
0x575: {  	_ =	swait.ge [sflag:s10], $0x80  }
0x576: {  	[sflag:s10] =	ssyncset.done $0x0  }
0x577: {  	s17 =	simm.s32 $0x380;
	[sflag:s10] =	ssyncadd.s32 $0xFFFFFF80  }
0x578: {  	[spmem:s6] =	stream.indirect.scatter.add.f32 [tilespmem:s16], [sflag:$0x10], $0x80, s17, s18, $0xb8;
	[tilespmem:$0x1FF80] =	vst v63  }
0x579: {  	_ =	swait.ge [sflag:s9], $0x4000  }
0x57a: {  	s24 =	sld [smem:$0x7DF]  }
0x57b: {  	[sflag:s9] =	ssyncset.done $0x0  }
0x57c: {  	[sflag:s9] =	ssyncadd.s32 $0xFFFFC000  }
0x57d: {  	[tilespmem:s30], [sflag:$0x4] =	stream.linear.gather [hbm4b:s24+s2], $0x80, $0x38;
	[tilespmem:$0x1FF80] =	vst v63  }
0x57e: {  	s30 =	sld [smem:$0x7E0];
	_ =	sdelay $0x2  }
0x57f: {  	[tilespmem:s17], [sflag:$0xA] =	stream.linear.gather [hbm4b:s30+s2], $0x80, $0x38;
	[tilespmem:$0x1FF80] =	vst v63  }
0x580: {  	_ =	swait.ge [sflag:s31], $0x80  }
0x581: {  	[sflag:s31] =	ssyncset.done $0x0  }
0x582: {  	[sflag:s31] =	ssyncadd.s32 $0xFFFFFF80  }
0x583: {  	[tilespmem:s16], [sflag:$0xD] =	stream.indirect.gather [hbm4b:s5+s18], $0x80, s2, s18, $0xb8;
	[tilespmem:$0x1FF80] =	vst v63  }
0x584: {  	_ =	swait.ge [sflag:s11], $0x4000  }
0x585: {  	[sflag:s11] =	ssyncset.done $0x0  }
0x586: {  	[sflag:s11] =	ssyncadd.s32 $0xFFFFC000  }
0x587: {  	_ =	swait.ge [sflag:s8], $0x80  }
0x588: {  	[sflag:s8] =	ssyncset.done $0x0  }
0x589: {  	s28 =	simm.s32 $0x480;
	[sflag:s8] =	ssyncadd.s32 $0xFFFFFF80  }
0x58a: {  	[spmem:s6] =	stream.indirect.scatter.add.f32 [tilespmem:s23], [sflag:$0x11], $0x80, s28, s18, $0xb8;
	[tilespmem:$0x1FF80] =	vst v63  }
0x58b: {  	_ =	swait.ge [sflag:s13], $0x4000  }
0x58c: {  	s30 =	sld [smem:$0x7E1]  }
0x58d: {  	[sflag:s13] =	ssyncset.done $0x0  }
0x58e: {  	s17 =	sld [smem:$0x7E2];
	[sflag:s13] =	ssyncadd.s32 $0xFFFFC000  }
0x58f: {  	[tilespmem:s0], [sflag:$0x5] =	stream.linear.gather [hbm4b:s30+s2], $0x80, $0x38;
	[tilespmem:$0x1FF80] =	vst v63  }
0x590: {  	_ = 	snop  }
0x591: {  	[tilespmem:s28], [sflag:$0xB] =	stream.linear.gather [hbm4b:s17+s2], $0x80, $0x38;
	[tilespmem:$0x1FF80] =	vst v63  }
0x592: {  	_ =	swait.ge [sflag:s12], $0x80  }
0x593: {  	[sflag:s12] =	ssyncset.done $0x0  }
0x594: {  	[sflag:s12] =	ssyncadd.s32 $0xFFFFFF80  }
0x595: {  	[tilespmem:s23], [sflag:$0xE] =	stream.indirect.gather [hbm4b:s5+s18], $0x80, s22, s18, $0xb8;
	[tilespmem:$0x1FF80] =	vst v63  }
0x596: {  	_ =	swait.ge [sflag:s15], $0x4000  }
0x597: {  	[sflag:s15] =	ssyncset.done $0x0  }
0x598: {  	[sflag:s15] =	ssyncadd.s32 $0xFFFFC000  }
0x599: {  	_ =	swait.ge [sflag:s7], $0x80  }
0x59a: {  	[sflag:s7] =	ssyncset.done $0x0  }
0x59b: {  	s21 =	simm.s32 $0x580;
	[sflag:s7] =	ssyncadd.s32 $0xFFFFFF80  }
0x59c: {  	[spmem:s6] =	stream.indirect.scatter.add.f32 [tilespmem:s3], [sflag:$0x12], $0x80, s21, s18, $0xb8;
	[tilespmem:$0x1FF80] =	vst v63  }
0x59d: {  	_ =	swait.ge [sflag:s19], $0x4000  }
0x59e: {  	s22 =	sld [smem:$0x7E3]  }
0x59f: {  	[sflag:s19] =	ssyncset.done $0x0  }
0x5a0: {  	[sflag:s19] =	ssyncadd.s32 $0xFFFFC000  }
0x5a1: {  	[tilespmem:s25], [sflag:$0x6] =	stream.linear.gather [hbm4b:s22+s2], $0x80, $0x38;
	[tilespmem:$0x1FF80] =	vst v63  }
0x5a2: {  	s25 =	sld [smem:$0x7E4];
	_ =	sdelay $0x1  }
0x5a3: {  	s28 =	simm.s32 $0x3  }
0x5a4: {  	[tilespmem:s21], [sflag:$0xC] =	stream.linear.gather [hbm4b:s25+s2], $0x80, $0x38;
	[tilespmem:$0x1FF80] =	vst v63  }
0x5a5: {  	_ =	swait.ge [sflag:s28], $0x80  }
0x5a6: {  	[sflag:s28] =	ssyncset.done $0x0  }
0x5a7: {  	s1 =	simm.s32 $0x200;
	[sflag:s28] =	ssyncadd.s32 $0xFFFFFF80  }
0x5a8: {  	[tilespmem:s3], [sflag:$0xF] =	stream.indirect.gather [hbm4b:s5+s18], $0x80, s1, s18, $0xb8;
	[tilespmem:$0x1FF80] =	vst v63  }
0x5a9: {  	_ =	swait.ge [sflag:s4], $0x4000  }
0x5aa: {  	[sflag:s4] =	ssyncset.done $0x0  }
0x5ab: {  	s17 =	simm.s32 $0x7;
	[sflag:s4] =	ssyncadd.s32 $0xFFFFC000  }
0x5ac: {  	_ =	swait.ge [sflag:s17], $0x80  }
0x5ad: {  	[sflag:s17] =	ssyncset.done $0x0  }
0x5ae: {  	[sflag:s17] =	ssyncadd.s32 $0xFFFFFF80  }
0x5af: {  	[spmem:s6] =	stream.indirect.scatter.add.f32 [tilespmem:s16], [sflag:$0x10], $0x80, s18, s18, $0xb8;
	[tilespmem:$0x1FF80] =	vst v63  }
0x5b0: {  	_ =	swait.ge [sflag:s9], $0x4000  }
0x5b1: {  	s22 =	sld [smem:$0x7E5]  }
0x5b2: {  	[sflag:s9] =	ssyncset.done $0x0  }
0x5b3: {  	s25 =	sld [smem:$0x7E6];
	[sflag:s9] =	ssyncadd.s32 $0xFFFFC000  }
0x5b4: {  	[tilespmem:s2], [sflag:$0x1] =	stream.linear.gather [hbm4b:s22+s2], $0x80, $0x38;
	[tilespmem:$0x1FF80] =	vst v63  }
0x5b5: {  	_ = 	snop  }
0x5b6: {  	[tilespmem:s18], [sflag:$0x7] =	stream.linear.gather [hbm4b:s25+s2], $0x80, $0x38;
	[tilespmem:$0x1FF80] =	vst v63  }
0x5b7: {  	_ =	swait.ge [sflag:s26], $0x80  }
0x5b8: {  	[sflag:s26] =	ssyncset.done $0x0  }
0x5b9: {  	s0 =	simm.s32 $0x300;
	[sflag:s26] =	ssyncadd.s32 $0xFFFFFF80  }
0x5ba: {  	[tilespmem:s16], [sflag:$0xD] =	stream.indirect.gather [hbm4b:s5+s18], $0x80, s0, s18, $0xb8;
	[tilespmem:$0x1FF80] =	vst v63  }
0x5bb: {  	_ =	swait.ge [sflag:s11], $0x4000  }
0x5bc: {  	[sflag:s11] =	ssyncset.done $0x0  }
0x5bd: {  	s28 =	simm.s32 $0x8;
	[sflag:s11] =	ssyncadd.s32 $0xFFFFC000  }
0x5be: {  	_ =	swait.ge [sflag:s28], $0x80  }
0x5bf: {  	[sflag:s28] =	ssyncset.done $0x0  }
0x5c0: {  	s1 =	simm.s32 $0x180;
	[sflag:s28] =	ssyncadd.s32 $0xFFFFFF80  }
0x5c1: {  	[spmem:s6] =	stream.indirect.scatter.add.f32 [tilespmem:s23], [sflag:$0x11], $0x80, s1, s18, $0xb8;
	[tilespmem:$0x1FF80] =	vst v63  }
0x5c2: {  	_ =	swait.ge [sflag:s13], $0x4000  }
0x5c3: {  	s25 =	sld [smem:$0x7E7]  }
0x5c4: {  	[sflag:s13] =	ssyncset.done $0x0  }
0x5c5: {  	s30 =	simm.s32 $0x100;
	[sflag:s13] =	ssyncadd.s32 $0xFFFFC000  }
0x5c6: {  	[tilespmem:s30], [sflag:$0x2] =	stream.linear.gather [hbm4b:s25+s2], $0x80, $0x38;
	[tilespmem:$0x1FF80] =	vst v63  }
0x5c7: {  	s30 =	sld [smem:$0x7E8];
	_ =	sdelay $0x2  }
0x5c8: {  	[tilespmem:s1], [sflag:$0x8] =	stream.linear.gather [hbm4b:s30+s2], $0x80, $0x38;
	[tilespmem:$0x1FF80] =	vst v63  }
0x5c9: {  	_ =	swait.ge [sflag:s14], $0x80  }
0x5ca: {  	[sflag:s14] =	ssyncset.done $0x0  }
0x5cb: {  	s30 =	simm.s32 $0x400;
	[sflag:s14] =	ssyncadd.s32 $0xFFFFFF80  }
0x5cc: {  	[tilespmem:s23], [sflag:$0xE] =	stream.indirect.gather [hbm4b:s5+s18], $0x80, s30, s18, $0xb8;
	[tilespmem:$0x1FF80] =	vst v63  }
0x5cd: {  	_ =	swait.ge [sflag:s15], $0x4000  }
0x5ce: {  	[sflag:s15] =	ssyncset.done $0x0  }
0x5cf: {  	[sflag:s15] =	ssyncadd.s32 $0xFFFFC000  }
0x5d0: {  	_ =	swait.ge [sflag:s20], $0x80  }
0x5d1: {  	[sflag:s20] =	ssyncset.done $0x0  }
0x5d2: {  	s25 =	simm.s32 $0x280;
	[sflag:s20] =	ssyncadd.s32 $0xFFFFFF80  }
0x5d3: {  	[spmem:s6] =	stream.indirect.scatter.add.f32 [tilespmem:s3], [sflag:$0x12], $0x80, s25, s18, $0xb8;
	[tilespmem:$0x1FF80] =	vst v63  }
0x5d4: {  	_ =	swait.ge [sflag:s19], $0x4000  }
0x5d5: {  	s1 =	sld [smem:$0x7E9]  }
0x5d6: {  	[sflag:s19] =	ssyncset.done $0x0  }
0x5d7: {  	s21 =	simm.s32 $0x200;
	[sflag:s19] =	ssyncadd.s32 $0xFFFFC000  }
0x5d8: {  	[tilespmem:s21], [sflag:$0x3] =	stream.linear.gather [hbm4b:s1+s2], $0x80, $0x38;
	[tilespmem:$0x1FF80] =	vst v63  }
0x5d9: {  	s21 =	sld [smem:$0x7EA];
	_ =	sdelay $0x2  }
0x5da: {  	[tilespmem:s25], [sflag:$0x9] =	stream.linear.gather [hbm4b:s21+s2], $0x80, $0x38;
	[tilespmem:$0x1FF80] =	vst v63  }
0x5db: {  	_ =	swait.ge [sflag:s29], $0x80  }
0x5dc: {  	[sflag:s29] =	ssyncset.done $0x0  }
0x5dd: {  	s1 =	simm.s32 $0x500;
	[sflag:s29] =	ssyncadd.s32 $0xFFFFFF80  }
0x5de: {  	[tilespmem:s3], [sflag:$0xF] =	stream.indirect.gather [hbm4b:s5+s18], $0x80, s1, s18, $0xb8;
	[tilespmem:$0x1FF80] =	vst v63  }
0x5df: {  	_ =	swait.ge [sflag:s4], $0x4000  }
0x5e0: {  	[sflag:s4] =	ssyncset.done $0x0  }
0x5e1: {  	[sflag:s4] =	ssyncadd.s32 $0xFFFFC000  }
0x5e2: {  	_ =	swait.ge [sflag:s10], $0x80  }
0x5e3: {  	[sflag:s10] =	ssyncset.done $0x0  }
0x5e4: {  	s21 =	simm.s32 $0x380;
	[sflag:s10] =	ssyncadd.s32 $0xFFFFFF80  }
0x5e5: {  	[spmem:s6] =	stream.indirect.scatter.add.f32 [tilespmem:s16], [sflag:$0x10], $0x80, s21, s18, $0xb8;
	[tilespmem:$0x1FF80] =	vst v63  }
0x5e6: {  	_ =	swait.ge [sflag:s9], $0x4000  }
0x5e7: {  	s24 =	sld [smem:$0x7EB]  }
0x5e8: {  	[sflag:s9] =	ssyncset.done $0x0  }
0x5e9: {  	[sflag:s9] =	ssyncadd.s32 $0xFFFFC000  }
0x5ea: {  	[tilespmem:s0], [sflag:$0x4] =	stream.linear.gather [hbm4b:s24+s2], $0x80, $0x38;
	[tilespmem:$0x1FF80] =	vst v63  }
0x5eb: {  	s24 =	sld [smem:$0x7EC];
	_ =	sdelay $0x2  }
0x5ec: {  	[tilespmem:s21], [sflag:$0xA] =	stream.linear.gather [hbm4b:s24+s2], $0x80, $0x38;
	[tilespmem:$0x1FF80] =	vst v63  }
0x5ed: {  	_ =	swait.ge [sflag:s31], $0x80  }
0x5ee: {  	[sflag:s31] =	ssyncset.done $0x0  }
0x5ef: {  	[sflag:s31] =	ssyncadd.s32 $0xFFFFFF80  }
0x5f0: {  	[tilespmem:s16], [sflag:$0xD] =	stream.indirect.gather [hbm4b:s5+s18], $0x80, s2, s18, $0xb8;
	[tilespmem:$0x1FF80] =	vst v63  }
0x5f1: {  	_ =	swait.ge [sflag:s11], $0x4000  }
0x5f2: {  	[sflag:s11] =	ssyncset.done $0x0  }
0x5f3: {  	[sflag:s11] =	ssyncadd.s32 $0xFFFFC000  }
0x5f4: {  	_ =	swait.ge [sflag:s8], $0x80  }
0x5f5: {  	[sflag:s8] =	ssyncset.done $0x0  }
0x5f6: {  	s31 =	simm.s32 $0x480;
	[sflag:s8] =	ssyncadd.s32 $0xFFFFFF80  }
0x5f7: {  	[spmem:s6] =	stream.indirect.scatter.add.f32 [tilespmem:s23], [sflag:$0x11], $0x80, s31, s18, $0xb8;
	[tilespmem:$0x1FF80] =	vst v63  }
0x5f8: {  	_ =	swait.ge [sflag:s13], $0x4000  }
0x5f9: {  	s24 =	sld [smem:$0x7ED]  }
0x5fa: {  	[sflag:s13] =	ssyncset.done $0x0  }
0x5fb: {  	[sflag:s13] =	ssyncadd.s32 $0xFFFFC000  }
0x5fc: {  	[tilespmem:s30], [sflag:$0x5] =	stream.linear.gather [hbm4b:s24+s2], $0x80, $0x38;
	[tilespmem:$0x1FF80] =	vst v63  }
0x5fd: {  	s24 =	sld [smem:$0x7EE];
	_ =	sdelay $0x2  }
0x5fe: {  	[tilespmem:s31], [sflag:$0xB] =	stream.linear.gather [hbm4b:s24+s2], $0x80, $0x38;
	[tilespmem:$0x1FF80] =	vst v63  }
0x5ff: {  	_ =	swait.ge [sflag:s12], $0x80  }
0x600: {  	[sflag:s12] =	ssyncset.done $0x0  }
0x601: {  	s24 =	simm.s32 $0x100;
	[sflag:s12] =	ssyncadd.s32 $0xFFFFFF80  }
0x602: {  	[tilespmem:s23], [sflag:$0xE] =	stream.indirect.gather [hbm4b:s5+s18], $0x80, s24, s18, $0xb8;
	[tilespmem:$0x1FF80] =	vst v63  }
0x603: {  	_ =	swait.ge [sflag:s15], $0x4000  }
0x604: {  	[sflag:s15] =	ssyncset.done $0x0  }
0x605: {  	[sflag:s15] =	ssyncadd.s32 $0xFFFFC000  }
0x606: {  	_ =	swait.ge [sflag:s7], $0x80  }
0x607: {  	[sflag:s7] =	ssyncset.done $0x0  }
0x608: {  	s12 =	simm.s32 $0x580;
	[sflag:s7] =	ssyncadd.s32 $0xFFFFFF80  }
0x609: {  	[spmem:s6] =	stream.indirect.scatter.add.f32 [tilespmem:s3], [sflag:$0x12], $0x80, s12, s18, $0xb8;
	[tilespmem:$0x1FF80] =	vst v63  }
0x60a: {  	_ =	swait.ge [sflag:s19], $0x4000  }
0x60b: {  	s24 =	sld [smem:$0x7EF]  }
0x60c: {  	[sflag:s19] =	ssyncset.done $0x0  }
0x60d: {  	[sflag:s19] =	ssyncadd.s32 $0xFFFFC000  }
0x60e: {  	[tilespmem:s1], [sflag:$0x6] =	stream.linear.gather [hbm4b:s24+s2], $0x80, $0x38;
	[tilespmem:$0x1FF80] =	vst v63  }
0x60f: {  	s24 =	sld [smem:$0x7F0];
	_ =	sdelay $0x2  }
0x610: {  	[tilespmem:s12], [sflag:$0xC] =	stream.linear.gather [hbm4b:s24+s2], $0x80, $0x38;
	[tilespmem:$0x1FF80] =	vst v63  }
0x611: {  	s24 =	simm.s32 $0x3  }
0x612: {  	_ =	swait.ge [sflag:s24], $0x80  }
0x613: {  	[sflag:s24] =	ssyncset.done $0x0  }
0x614: {  	s28 =	simm.s32 $0x200;
	[sflag:s24] =	ssyncadd.s32 $0xFFFFFF80  }
0x615: {  	[tilespmem:s3], [sflag:$0xF] =	stream.indirect.gather [hbm4b:s5+s18], $0x80, s28, s18, $0xb8;
	[tilespmem:$0x1FF80] =	vst v63  }
0x616: {  	_ =	swait.ge [sflag:s4], $0x4000  }
0x617: {  	[sflag:s4] =	ssyncset.done $0x0  }
0x618: {  	s17 =	simm.s32 $0x7;
	[sflag:s4] =	ssyncadd.s32 $0xFFFFC000  }
0x619: {  	_ =	swait.ge [sflag:s17], $0x80  }
0x61a: {  	[sflag:s17] =	ssyncset.done $0x0  }
0x61b: {  	[sflag:s17] =	ssyncadd.s32 $0xFFFFFF80  }
0x61c: {  	[spmem:s6] =	stream.indirect.scatter.add.f32 [tilespmem:s16], [sflag:$0x10], $0x80, s18, s18, $0xb8;
	[tilespmem:$0x1FF80] =	vst v63  }
0x61d: {  	_ =	swait.ge [sflag:s9], $0x4000  }
0x61e: {  	[sflag:s9] =	ssyncset.done $0x0  }
0x61f: {  	[sflag:s9] =	ssyncadd.s32 $0xFFFFC000  }
0x620: {  	_ =	swait.ge [sflag:s26], $0x80  }
0x621: {  	[sflag:s26] =	ssyncset.done $0x0  }
0x622: {  	s0 =	simm.s32 $0x300;
	[sflag:s26] =	ssyncadd.s32 $0xFFFFFF80  }
0x623: {  	[tilespmem:s16], [sflag:$0xD] =	stream.indirect.gather [hbm4b:s5+s18], $0x80, s0, s18, $0xb8;
	[tilespmem:$0x1FF80] =	vst v63  }
0x624: {  	_ =	swait.ge [sflag:s11], $0x4000  }
0x625: {  	[sflag:s11] =	ssyncset.done $0x0  }
0x626: {  	s22 =	simm.s32 $0x8;
	[sflag:s11] =	ssyncadd.s32 $0xFFFFC000  }
0x627: {  	_ =	swait.ge [sflag:s22], $0x80  }
0x628: {  	[sflag:s22] =	ssyncset.done $0x0  }
0x629: {  	s28 =	simm.s32 $0x180;
	[sflag:s22] =	ssyncadd.s32 $0xFFFFFF80  }
0x62a: {  	[spmem:s6] =	stream.indirect.scatter.add.f32 [tilespmem:s23], [sflag:$0x11], $0x80, s28, s18, $0xb8;
	[tilespmem:$0x1FF80] =	vst v63  }
0x62b: {  	_ =	swait.ge [sflag:s13], $0x4000  }
0x62c: {  	[sflag:s13] =	ssyncset.done $0x0  }
0x62d: {  	[sflag:s13] =	ssyncadd.s32 $0xFFFFC000  }
0x62e: {  	_ =	swait.ge [sflag:s14], $0x80  }
0x62f: {  	[sflag:s14] =	ssyncset.done $0x0  }
0x630: {  	s30 =	simm.s32 $0x400;
	[sflag:s14] =	ssyncadd.s32 $0xFFFFFF80  }
0x631: {  	[tilespmem:s23], [sflag:$0xE] =	stream.indirect.gather [hbm4b:s5+s18], $0x80, s30, s18, $0xb8;
	[tilespmem:$0x1FF80] =	vst v63  }
0x632: {  	_ =	swait.ge [sflag:s15], $0x4000  }
0x633: {  	[sflag:s15] =	ssyncset.done $0x0  }
0x634: {  	[sflag:s15] =	ssyncadd.s32 $0xFFFFC000  }
0x635: {  	_ =	swait.ge [sflag:s20], $0x80  }
0x636: {  	[sflag:s20] =	ssyncset.done $0x0  }
0x637: {  	s25 =	simm.s32 $0x280;
	[sflag:s20] =	ssyncadd.s32 $0xFFFFFF80  }
0x638: {  	[spmem:s6] =	stream.indirect.scatter.add.f32 [tilespmem:s3], [sflag:$0x12], $0x80, s25, s18, $0xb8;
	[tilespmem:$0x1FF80] =	vst v63  }
0x639: {  	_ =	swait.ge [sflag:s19], $0x4000  }
0x63a: {  	[sflag:s19] =	ssyncset.done $0x0  }
0x63b: {  	[sflag:s19] =	ssyncadd.s32 $0xFFFFC000  }
0x63c: {  	_ =	swait.ge [sflag:s29], $0x80  }
0x63d: {  	[sflag:s29] =	ssyncset.done $0x0  }
0x63e: {  	s1 =	simm.s32 $0x500;
	[sflag:s29] =	ssyncadd.s32 $0xFFFFFF80  }
0x63f: {  	[tilespmem:s3], [sflag:$0xF] =	stream.indirect.gather [hbm4b:s5+s18], $0x80, s1, s18, $0xb8;
	[tilespmem:$0x1FF80] =	vst v63  }
0x640: {  	_ =	swait.ge [sflag:s4], $0x4000  }
0x641: {  	[sflag:s4] =	ssyncset.done $0x0  }
0x642: {  	[sflag:s4] =	ssyncadd.s32 $0xFFFFC000  }
0x643: {  	_ =	swait.ge [sflag:s10], $0x80  }
0x644: {  	[sflag:s10] =	ssyncset.done $0x0  }
0x645: {  	s21 =	simm.s32 $0x380;
	[sflag:s10] =	ssyncadd.s32 $0xFFFFFF80  }
0x646: {  	[spmem:s6] =	stream.indirect.scatter.add.f32 [tilespmem:s16], [sflag:$0x10], $0x80, s21, s18, $0xb8;
	[tilespmem:$0x1FF80] =	vst v63  }
0x647: {  	_ =	swait.ge [sflag:s11], $0x4000  }
0x648: {  	[sflag:s11] =	ssyncset.done $0x0  }
0x649: {  	[sflag:s11] =	ssyncadd.s32 $0xFFFFC000  }
0x64a: {  	_ =	swait.ge [sflag:s8], $0x80  }
0x64b: {  	[sflag:s8] =	ssyncset.done $0x0  }
0x64c: {  	s31 =	simm.s32 $0x480;
	[sflag:s8] =	ssyncadd.s32 $0xFFFFFF80  }
0x64d: {  	[spmem:s6] =	stream.indirect.scatter.add.f32 [tilespmem:s23], [sflag:$0x11], $0x80, s31, s18, $0xb8;
	[tilespmem:$0x1FF80] =	vst v63  }
0x64e: {  	_ =	swait.ge [sflag:s15], $0x4000  }
0x64f: {  	[sflag:s15] =	ssyncset.done $0x0  }
0x650: {  	[sflag:s15] =	ssyncadd.s32 $0xFFFFC000  }
0x651: {  	_ =	swait.ge [sflag:s7], $0x80  }
0x652: {  	[sflag:s7] =	ssyncset.done $0x0  }
0x653: {  	s12 =	simm.s32 $0x580;
	[sflag:s7] =	ssyncadd.s32 $0xFFFFFF80  }
0x654: {  	[spmem:s6] =	stream.indirect.scatter.add.f32 [tilespmem:s3], [sflag:$0x12], $0x80, s12, s18, $0xb8;
	[tilespmem:$0x1FF80] =	vst v63  }
0x655: {  	_ =	swait.ge [sflag:s9], $0x4000  }
0x656: {  	[sflag:s9] =	ssyncset.done $0x0  }
0x657: {  	[sflag:s9] =	ssyncadd.s32 $0xFFFFC000  }
0x658: {  	_ =	swait.ge [sflag:s13], $0x4000  }
0x659: {  	[sflag:s13] =	ssyncset.done $0x0  }
0x65a: {  	[sflag:s13] =	ssyncadd.s32 $0xFFFFC000  }
0x65b: {  	_ =	swait.ge [sflag:s19], $0x4000  }
0x65c: {  	s10 =	sld [smem:$0x7F3]  }
0x65d: {  	[sflag:s19] =	ssyncset.done $0x0  }
0x65e: {  	s14 =	simm.s32 $0x13;
	s12 =	simm.s32 $0xC600;
	[sflag:s19] =	ssyncadd.s32 $0xFFFFC000  }
0x65f: {  	[tilespmem:s12], [sflag:$0x13] =	stream.linear.gather [hbm4b:s10+s2], $0x10, $0x38;
	[tilespmem:$0x1FF80] =	vst v63  }
0x660: {  	_ =	swait.ge [sflag:s14], $0x10  }
0x661: {  	s20 =	sld [smem:$0x7F4]  }
0x662: {  	[sflag:s14] =	ssyncset.done $0x0  }
0x663: {  	s21 =	simm.s32 $0xC680;
	[sflag:s14] =	ssyncadd.s32 $0xFFFFFFF0  }
0x664: {  	[tilespmem:s21], [sflag:$0x13] =	stream.linear.gather [hbm4b:s20+s2], $0x10, $0x38;
	[tilespmem:$0x1FF80] =	vst v63  }
0x665: {  	_ =	swait.ge [sflag:s14], $0x10  }
0x666: {  	[sflag:s14] =	ssyncset.done $0x0  }
0x667: {  	[sflag:s14] =	ssyncadd.s32 $0xFFFFFFF0  }
0x668: {  	[tilespmem:s16], [sflag:$0xD] =	stream.indirect.gather [hbm4b:s5+s9], $0x80, s12, s9, $0xb8;
	[tilespmem:$0x1FF80] =	vst v63  }
0x669: {  	_ =	swait.ge [sflag:s4], $0x800  }
0x66a: {  	[sflag:s4] =	ssyncset.done $0x0  }
0x66b: {  	[sflag:s4] =	ssyncadd.s32 $0xFFFFF800  }
0x66c: {  	[spmem:s6] =	stream.indirect.scatter.add.f32 [tilespmem:s16], [sflag:$0x13], $0x80, s21, s9, $0xb8;
	[tilespmem:$0x1FF80] =	vst v63  }
0x66d: {  	_ =	swait.ge [sflag:s14], $0x800  }
0x66e: {  	[sflag:s14] =	ssyncset.done $0x0  }
0x66f: {  	[sflag:s14] =	ssyncadd.s32 $0xFFFFF800  }
0x670: {  	[bflag:$0x0] =	sbarrier.arrive $0xFFFF  }
0x671: {  	s25 =	sld [smem:$0x7FB]  }
0x672: {  	s22 =	stileid.u32;
	s29 =	sld [smem:$0x7F5]  }
0x673: {  	s24 =	sshll.u32 s22, $0x6  }
0x674: {  	s24 =	sor.u32 $0x1C13, s24;
	s26 =	sshrl.u32 s25, $0x3  }
0x675: {  	[hbm:s29], [sflag:s24] =	dma.local [spmem:s26], $0x2700  }
0x676: {  	_ =	swait.ge [sflag:s14], $0x2700  }
0x677: {  	s17 =	sld [smem:$0x7FD]  }
0x678: {  	s26 =	sld [smem:$0x7F6]  }
0x679: {  	[sflag:s14] =	ssyncset.done $0x0  }
0x67a: {  	[sflag:s14] =	ssyncadd.s32 $0xFFFFD900;
	s25 =	sshrl.u32 @!p0 s17, $0x3  }
0x67b: {  	[hbm:s26], [sflag:s24] =	dma.local @!p0 [spmem:s25], $0x100  }
0x67c: {  	s24 =	simm.s32 @!p0 $0x13  }
0x67d: {  	_ =	swait.ge @!p0 [sflag:s24], $0x100  }
0x67e: {  	s30 =	sld [smem:$0x772]  }
0x67f: {  	s31 =	sld [smem:$0x7F7];
	_ =	sdelay $0x1  }
0x680: {  	s17 =	sadd.s32 $0x1, s30  }
0x681: {  	p1 =	sne.s32 s17, s31  }
.Ltmp1:
0x682: {  	_ = 	snop;
	(pc) =	sbr.rel @p1 .LBB2_1-.Ltmp1, $3  }
0x683: {  	_ =	sdelay $0x1  }
0x684: {  	s25 =	simm.s32 @!p0 $0x13;
	[sflag:s24] =	ssyncset.done @!p0 $0x0  }
0x685: {  	[sflag:s25] =	ssyncadd.s32 @!p0 $0xFFFFFF00  }
0x686: {  	_ =	sfence.sel $0x180000  }
0x687: {  	[bflag:$0x0] =	sbarrier.arrive $0xFFFF  }
0x688: {  	_ =	strace $0x90000047  }
0x689: {  	s0 =	stileid.u32;
	[bflag:$0x2] =	sbarrier.arrive $0xFFFF  }
0x68a: {  	p0 =	sne.s32 s0, $0x0;
	s0 =	rddreg [dreg:$0x3]  }
0x68b: {  	s0 =	sadd.s32 @!p0 $0x100000, s0  }
0x68c: {  	[sflag:s0] =	ssyncadd.tile.s32 @!p0 $0x1;
	_ =	shalt  }
.Lfunc_end2:
_tile_overlayer_lowered:
.L_overlay_start_2:
0x68d: {  	(tag) =	ssettag $0x2  }
0x68e: {  	s0 =	rddreg [dreg:$0x0];
	s2 =	stileid.u32  }
0x68f: {  	s1 =	rddreg [dreg:$0x1];
	p0 =	sne.s32 s2, $0x0  }
0x690: {  	s3 =	rddreg [dreg:$0x2];
	[bflag:$0x3] =	sbarrier.arrive $0xFFFF;
	s2 =	simm.s32 @!p0 $0x1C13  }
0x691: {  	[timem:s3], [sflag:s2] =	dma.local @!p0 [hbm:s0], s1  }
0x692: {  	s0 =	simm.s32 @!p0 $0x13  }
0x693: {  	_ =	swait.ge @!p0 [sflag:s0], s1  }
0x694: {  	s1 =	ssub.s32 @!p0 $0x0, s1;
	[sflag:s0] =	ssyncset.done @!p0 $0x0  }
0x695: {  	[sflag:s0] =	ssyncadd.s32 @!p0 s1  }
0x696: {  	[bflag:$0x3] =	sbarrier.arrive $0xFFFF  }
0x697: {  	_ =	shalt  }

</sc_bundles>
